<compile_context>
chip_gen: v7x
topology: tpu7x:2x2x1
jax: 0.10.2.dev20260603
libtpu: 0.0.44.dev20260713+nightly
codegen_flags: <defaults>
</compile_context>

<pallas_src>
import functools

import jax
import jax.numpy as jnp
from jax import lax
from jax.experimental import pallas as pl
from jax.experimental.pallas import tpu as pltpu
from jax.experimental.pallas import tpu_sc as plsc

_NB = 8
_CP = 64


def _proj_kernel(B, T, E, H, F,
                 vf_ref, twf_ref, Wv_ref, Wtw_ref, Wcw_ref,
                 wi_ref, ptw_ref):
    vf = vf_ref[...]
    vh = lax.dot_general(vf, Wv_ref[...],
                         (((1,), (1,)), ((), ())),
                         preferred_element_type=jnp.float32)
    twf = twf_ref[...].reshape(B * T, E)
    twh = lax.dot_general(twf, Wtw_ref[...],
                          (((1,), (1,)), ((), ())),
                          preferred_element_type=jnp.float32)
    wi_logits = jnp.sum(twh.reshape(B, T, H) * vh[:, None, :], axis=-1)
    m = jnp.max(wi_logits, axis=1, keepdims=True)
    e = jnp.exp(wi_logits - m)
    wi = e / jnp.sum(e, axis=1, keepdims=True)
    wi_ref[...] = wi[:, :, None]
    ptw = lax.dot_general(twh, Wcw_ref[...],
                          (((1,), (0,)), ((), ())),
                          preferred_element_type=jnp.float32)
    ptw_ref[...] = ptw.reshape(B, T, E)


def _sc_si_kernel(B, T, C, E, PER_TILE,
                  cand_hbm, ptw_hbm, si_hbm,
                  ptw_v, buf0, buf1, si_v, sem0, sem1):
    nc = jax.lax.axis_index("c")
    ns = jax.lax.axis_index("s")
    wid = ns * 2 + nc
    EC = E // 16

    zvec = jnp.zeros((16,), jnp.float32)
    for t0 in range(T):
        for j in range(C * 16, 1024, 16):
            si_v[t0, pl.ds(j, 16)] = zvec

    for bi in range(PER_TILE):
        b = wid * PER_TILE + bi
        pltpu.sync_copy(ptw_hbm.at[b], ptw_v)
        pltpu.async_copy(cand_hbm.at[b, 0], buf0, sem0)
        pltpu.async_copy(cand_hbm.at[b, 1], buf1, sem1)

        def t2body(t2, carry):
            for par in range(2):
                t = t2 * 2 + par
                buf = (buf0, buf1)[par]
                sem = (sem0, sem1)[par]
                pltpu.make_async_copy(cand_hbm.at[b, t], buf, sem).wait()
                ptwk = [ptw_v[t, pl.ds(k * 16, 16)] for k in range(EC)]

                def cbody(c, carry2):
                    accs = [buf[c, pl.ds(k * 16, 16)] * ptwk[k]
                            for k in range(4)]
                    for k in range(4, EC):
                        accs[k % 4] = (accs[k % 4]
                                       + buf[c, pl.ds(k * 16, 16)] * ptwk[k])
                    acc = (accs[0] + accs[1]) + (accs[2] + accs[3])
                    col = pl.multiple_of(c * 16, 16)
                    si_v[t, pl.ds(col, 16)] = acc
                    return carry2

                lax.fori_loop(0, C, cbody, 0, unroll=2)

                @pl.when(t < T - 2)
                def _prefetch():
                    pltpu.async_copy(cand_hbm.at[b, t + 2], buf, sem)
            return carry

        lax.fori_loop(0, T // 2, t2body, 0)
        pltpu.sync_copy(si_v, si_hbm.at[b])


def _combine_kernel(B, T, C, L, D,
                    si_ref, wi_ref, ctx_ref, pmask_ref, twp_ref, cwp_ref,
                    asf_ref, pctx_ref, sti_ref):
    NB = _NB
    z = si_ref[...].reshape(NB * T, 1024)
    jgrp = lax.broadcasted_iota(jnp.int32, (1024, C), 0) // 16
    cgrp = lax.broadcasted_iota(jnp.int32, (1024, C), 1)
    gmat = (jgrp == cgrp).astype(jnp.float32)
    si = lax.dot_general(z, gmat, (((1,), (0,)), ((), ())),
                         preferred_element_type=jnp.float32)
    si = si.reshape(NB, T, C)
    m = jnp.max(si, axis=2, keepdims=True)
    e = jnp.exp(si - m)
    sub = e / jnp.sum(e, axis=2, keepdims=True)
    score = wi_ref[...] * sub
    masked = jnp.where(pmask_ref[...] != 0, -jnp.inf, score)

    it = lax.broadcasted_iota(jnp.int32, (NB, T, C), 1)
    ic = lax.broadcasted_iota(jnp.int32, (NB, T, C), 2)
    flat_idx = it * C + ic
    gmax = jnp.max(masked, axis=(1, 2), keepdims=True)
    am = jnp.min(jnp.where(masked == gmax, flat_idx, T * C),
                 axis=(1, 2), keepdims=True)
    ti = am // C
    ci = am - ti * C

    iota_t = lax.broadcasted_iota(jnp.int32, (NB, 1, T), 2)
    tpos = jnp.sum(jnp.where(iota_t == ti, twp_ref[...], 0),
                   axis=(1, 2), keepdims=True)
    cpos = jnp.sum(jnp.where((it == ti) & (ic == ci), cwp_ref[...], 0),
                   axis=(1, 2), keepdims=True)
    valid = (tpos < L - 1) & (cpos < L - 1)

    ctx_g = ctx_ref[...]
    riota = lax.broadcasted_iota(jnp.int32, (NB, L, 1), 1)
    src_row = jnp.sum(jnp.where(riota == cpos, ctx_g, 0.0),
                      axis=1, keepdims=True)
    wmask = (riota == tpos) & valid
    pctx_ref[...] = jnp.where(wmask, src_row, ctx_g)
    asf_ref[...] = masked
    sti_ref[...] = jnp.broadcast_to(ti, (NB, 1, 8))


def kernel(visual_feature, target_word_feature, candidate_word_feature, ctx,
           perturb_mask, target_word_position, candidate_word_position,
           Wv, Wtw, Wcw):
    B, F = visual_feature.shape
    _, T, E = target_word_feature.shape
    C = candidate_word_feature.shape[2]
    _, L, D = ctx.shape
    H = Wv.shape[0]
    NB = _NB
    CP = _CP

    cwf3 = candidate_word_feature.reshape(B, T * C, E)
    pmask3 = perturb_mask.reshape(B, T, C).astype(jnp.int32)
    twp3 = target_word_position.astype(jnp.int32).reshape(B, 1, T)
    cwp = candidate_word_position.astype(jnp.int32)

    wi, ptw = pl.pallas_call(
        functools.partial(_proj_kernel, B, T, E, H, F),
        in_specs=[
            pl.BlockSpec((B, F), lambda: (0, 0)),
            pl.BlockSpec((B, T, E), lambda: (0, 0, 0)),
            pl.BlockSpec((H, F), lambda: (0, 0)),
            pl.BlockSpec((H, E), lambda: (0, 0)),
            pl.BlockSpec((H, E), lambda: (0, 0)),
        ],
        out_specs=[
            pl.BlockSpec((B, T, 1), lambda: (0, 0, 0)),
            pl.BlockSpec((B, T, E), lambda: (0, 0, 0)),
        ],
        out_shape=[
            jax.ShapeDtypeStruct((B, T, 1), jnp.float32),
            jax.ShapeDtypeStruct((B, T, E), jnp.float32),
        ],
    )(visual_feature, target_word_feature, Wv, Wtw, Wcw)

    info = plsc.get_sparse_core_info()
    num_tiles = info.num_cores * info.num_subcores
    per_tile = B // num_tiles
    mesh = plsc.VectorSubcoreMesh(core_axis_name="c", subcore_axis_name="s")
    si64 = pl.kernel(
        functools.partial(_sc_si_kernel, B, T, C, E, per_tile),
        mesh=mesh,
        out_type=jax.ShapeDtypeStruct((B, T, 1024), jnp.float32),
        scratch_types=[
            pltpu.VMEM((T, E), jnp.float32),
            pltpu.VMEM((C, E), jnp.float32),
            pltpu.VMEM((C, E), jnp.float32),
            pltpu.VMEM((T, 1024), jnp.float32),
            pltpu.SemaphoreType.DMA,
            pltpu.SemaphoreType.DMA,
        ],
    )(candidate_word_feature, ptw)

    asf3, pctx, sti3 = pl.pallas_call(
        functools.partial(_combine_kernel, B, T, C, L, D),
        grid=(B // NB,),
        in_specs=[
            pl.BlockSpec((NB, T, 1024), lambda g: (g, 0, 0)),
            pl.BlockSpec((NB, T, 1), lambda g: (g, 0, 0)),
            pl.BlockSpec((NB, L, D), lambda g: (g, 0, 0)),
            pl.BlockSpec((NB, T, C), lambda g: (g, 0, 0)),
            pl.BlockSpec((NB, 1, T), lambda g: (g, 0, 0)),
            pl.BlockSpec((NB, T, C), lambda g: (g, 0, 0)),
        ],
        out_specs=[
            pl.BlockSpec((NB, T, C), lambda g: (g, 0, 0)),
            pl.BlockSpec((NB, L, D), lambda g: (g, 0, 0)),
            pl.BlockSpec((NB, 1, 8), lambda g: (g, 0, 0)),
        ],
        out_shape=[
            jax.ShapeDtypeStruct((B, T, C), jnp.float32),
            jax.ShapeDtypeStruct((B, L, D), jnp.float32),
            jax.ShapeDtypeStruct((B, 1, 8), jnp.int32),
        ],
    )(si64, wi, ctx, pmask3, twp3, cwp)

    return (asf3.reshape(B, T * C), pctx, sti3[:, 0, 0])

# --- scband reference (transcript-rebuilt; emitter-appended) ---
"""Pipeline reference for scband-attacker-40638980554896 (READ-ONLY COPY).

The authoritative reference and input builder live on the scoring server;
editing this copy changes nothing except your own understanding.
"""

import jax, jax.numpy as jnp
import numpy as np

B, T, C = 64, 20, 50
E, H, F = 256, 512, 2048
L, D = 80, 512

def setup_inputs(seed: int = 0):
    key = jax.random.key(seed)
    ks = jax.random.split(key, 10)
    return {
        "visual_feature": jax.random.normal(ks[0], (B, F), dtype=jnp.float32),
        "target_word_feature": jax.random.normal(ks[1], (B, T, E), dtype=jnp.float32),
        "candidate_word_feature": jax.random.normal(ks[2], (B, T, C, E), dtype=jnp.float32),
        "ctx": jax.random.normal(ks[3], (B, L, D), dtype=jnp.float32),
        "perturb_mask": jnp.zeros((B, T * C), dtype=bool),
        "target_word_position": jax.random.randint(ks[4], (B, T), 0, 79),
        "candidate_word_position": jax.random.randint(ks[5], (B, T, C), 0, 79),
        "Wv": jax.random.normal(ks[6], (H, F), dtype=jnp.float32) * 0.02,
        "Wtw": jax.random.normal(ks[7], (H, E), dtype=jnp.float32) * 0.02,
        "Wcw": jax.random.normal(ks[8], (H, E), dtype=jnp.float32) * 0.02,
    }

def reference(visual_feature, target_word_feature, candidate_word_feature, ctx,
              perturb_mask, target_word_position, candidate_word_position,
              Wv, Wtw, Wcw):
    # feedback_attacker == 'argmax' branch (deterministic)
    vh = visual_feature @ Wv.T                      # [B, H] (linear_v, no bias)
    twh = target_word_feature @ Wtw.T               # [B, T, H] (linear_tw)
    # bmm(twh, vh.unsqueeze(1).transpose(1,2)).squeeze(2) -> [B, T]
    word_importance = jnp.einsum('bth,bh->bt', twh, vh)
    word_importance = jax.nn.softmax(word_importance, axis=1)  # nn.Softmax() over dim 1
    cwh = candidate_word_feature @ Wcw.T            # [B, T, C, H] (linear_cw)
    # per-target bmm then softmax over candidates (dim 1 of [B, C])
    substitution_impact = jnp.einsum('btch,bth->btc', cwh, twh)
    substitution_impact = jax.nn.softmax(substitution_impact, axis=2)
    attack_score = word_importance[:, :, None] * substitution_impact  # [B, T, C]
    attack_score_final = attack_score.reshape(B, T * C)
    attack_score_final = jnp.where(perturb_mask, -jnp.inf, attack_score_final)
    a_t_attacker = jnp.argmax(attack_score_final, axis=1)  # [B], detached by argmax
    sub_target_word_ind = a_t_attacker // C
    sub_candidate_word_ind = a_t_attacker % C
    bidx = jnp.arange(B)
    tpos = target_word_position[bidx, sub_target_word_ind]                      # [B]
    cpos = candidate_word_position[bidx, sub_target_word_ind, sub_candidate_word_ind]  # [B]
    valid = (tpos < L - 1) & (cpos < L - 1)
    src_row = ctx[bidx, cpos]                        # gathered candidate rows [B, D]
    cur_row = ctx[bidx, tpos]
    new_row = jnp.where(valid[:, None], src_row, cur_row)
    perturbed_ctx = ctx.at[bidx, tpos].set(new_row)  # scatter-overwrite
    return (attack_score_final, perturbed_ctx, sub_target_word_ind)

if __name__ == "__main__":
    import jax
    _d = setup_inputs()
    print(jax.jit(kernel)(*tuple(_d.values())))

</pallas_src>

<mosaic_0001>
#map = affine_map<(d0, d1) -> (0, 0, 0, 0)>
#map1 = affine_map<(d0, d1) -> (0, 0, 0)>
module attributes {stable_mosaic.version = 14 : i64} {
  func.func @_sc_si_kernel(%arg0: i32, %arg1: i32, %arg2: memref<64x20x50x256xf32, #tpu.memory_space<hbm>>, %arg3: memref<64x20x256xf32, #tpu.memory_space<hbm>>, %arg4: memref<64x20x1024xf32, #tpu.memory_space<hbm>>, %arg5: memref<20x256xf32, #tpu.memory_space<vmem>>, %arg6: memref<50x256xf32, #tpu.memory_space<vmem>>, %arg7: memref<50x256xf32, #tpu.memory_space<vmem>>, %arg8: memref<20x1024xf32, #tpu.memory_space<vmem>>, %arg9: memref<!tpu.dma_semaphore, #tpu.memory_space<semaphore_mem>>, %arg10: memref<!tpu.dma_semaphore, #tpu.memory_space<semaphore_mem>>) attributes {dimension_semantics = [#tpu.dimension_semantics<core_parallel>, #tpu.dimension_semantics<subcore_parallel>], iteration_bounds = array<i64: 2, 16>, scalar_prefetch = 0 : i64, scratch_operands = 6 : i64, tpu.core_type = #tpu.core_type<sc_vector_subcore>, window_params = [{transform_indices = #map}, {transform_indices = #map1}, {transform_indices = #map1}]} {
    %mul3A = arith.constant 2 : i32
    %mul3A_0 = arith.muli %arg1, %mul3A : i32
    %add3A = arith.addi %mul3A_0, %arg0 : i32
    %broadcast_in_dim3A = arith.constant 0.000000e+00 : f32
    %broadcast_in_dim3A_1 = vector.broadcast %broadcast_in_dim3A : f32 to vector<16xf32>
    %swap3A = arith.constant 0 : i32
    %swap3A_2 = arith.index_cast %swap3A : i32 to index
    %swap3A_3 = arith.constant 800 : index
    %swap3A_4 = tpu.vector_load %arg8[%swap3A_2, %swap3A_3] {strides = array<i32>} : memref<20x1024xf32, #tpu.memory_space<vmem>>, vector<1x16xf32>,
    %swap3A_5 = vector.shape_cast %swap3A_4 : vector<1x16xf32> to vector<16xf32>
    %swap3A_6 = vector.shape_cast %broadcast_in_dim3A_1 : vector<16xf32> to vector<1x16xf32>
    tpu.vector_store %arg8[%swap3A_2, %swap3A_3], %swap3A_6 {strides = array<i32>} : memref<20x1024xf32, #tpu.memory_space<vmem>>, vector<1x16xf32>,
    %swap3A_7 = arith.constant 0 : i32
    %swap3A_8 = arith.index_cast %swap3A_7 : i32 to index
    %swap3A_9 = arith.constant 816 : index
    %swap3A_10 = tpu.vector_load %arg8[%swap3A_8, %swap3A_9] {strides = array<i32>} : memref<20x1024xf32, #tpu.memory_space<vmem>>, vector<1x16xf32>,
    %swap3A_11 = vector.shape_cast %swap3A_10 : vector<1x16xf32> to vector<16xf32>
    %swap3A_12 = vector.shape_cast %broadcast_in_dim3A_1 : vector<16xf32> to vector<1x16xf32>
    tpu.vector_store %arg8[%swap3A_8, %swap3A_9], %swap3A_12 {strides = array<i32>} : memref<20x1024xf32, #tpu.memory_space<vmem>>, vector<1x16xf32>,
    %swap3A_13 = arith.constant 0 : i32
    %swap3A_14 = arith.index_cast %swap3A_13 : i32 to index
    %swap3A_15 = arith.constant 832 : index
    %swap3A_16 = tpu.vector_load %arg8[%swap3A_14, %swap3A_15] {strides = array<i32>} : memref<20x1024xf32, #tpu.memory_space<vmem>>, vector<1x16xf32>,
    %swap3A_17 = vector.shape_cast %swap3A_16 : vector<1x16xf32> to vector<16xf32>
    %swap3A_18 = vector.shape_cast %broadcast_in_dim3A_1 : vector<16xf32> to vector<1x16xf32>
    tpu.vector_store %arg8[%swap3A_14, %swap3A_15], %swap3A_18 {strides = array<i32>} : memref<20x1024xf32, #tpu.memory_space<vmem>>, vector<1x16xf32>,
    %swap3A_19 = arith.constant 0 : i32
    %swap3A_20 = arith.index_cast %swap3A_19 : i32 to index
    %swap3A_21 = arith.constant 848 : index
    %swap3A_22 = tpu.vector_load %arg8[%swap3A_20, %swap3A_21] {strides = array<i32>} : memref<20x1024xf32, #tpu.memory_space<vmem>>, vector<1x16xf32>,
    %swap3A_23 = vector.shape_cast %swap3A_22 : vector<1x16xf32> to vector<16xf32>
    %swap3A_24 = vector.shape_cast %broadcast_in_dim3A_1 : vector<16xf32> to vector<1x16xf32>
    tpu.vector_store %arg8[%swap3A_20, %swap3A_21], %swap3A_24 {strides = array<i32>} : memref<20x1024xf32, #tpu.memory_space<vmem>>, vector<1x16xf32>,
    %swap3A_25 = arith.constant 0 : i32
    %swap3A_26 = arith.index_cast %swap3A_25 : i32 to index
    %swap3A_27 = arith.constant 864 : index
    %swap3A_28 = tpu.vector_load %arg8[%swap3A_26, %swap3A_27] {strides = array<i32>} : memref<20x1024xf32, #tpu.memory_space<vmem>>, vector<1x16xf32>,
    %swap3A_29 = vector.shape_cast %swap3A_28 : vector<1x16xf32> to vector<16xf32>
    %swap3A_30 = vector.shape_cast %broadcast_in_dim3A_1 : vector<16xf32> to vector<1x16xf32>
    tpu.vector_store %arg8[%swap3A_26, %swap3A_27], %swap3A_30 {strides = array<i32>} : memref<20x1024xf32, #tpu.memory_space<vmem>>, vector<1x16xf32>,
    %swap3A_31 = arith.constant 0 : i32
    %swap3A_32 = arith.index_cast %swap3A_31 : i32 to index
    %swap3A_33 = arith.constant 880 : index
    %swap3A_34 = tpu.vector_load %arg8[%swap3A_32, %swap3A_33] {strides = array<i32>} : memref<20x1024xf32, #tpu.memory_space<vmem>>, vector<1x16xf32>,
    %swap3A_35 = vector.shape_cast %swap3A_34 : vector<1x16xf32> to vector<16xf32>
    %swap3A_36 = vector.shape_cast %broadcast_in_dim3A_1 : vector<16xf32> to vector<1x16xf32>
    tpu.vector_store %arg8[%swap3A_32, %swap3A_33], %swap3A_36 {strides = array<i32>} : memref<20x1024xf32, #tpu.memory_space<vmem>>, vector<1x16xf32>,
    %swap3A_37 = arith.constant 0 : i32
    %swap3A_38 = arith.index_cast %swap3A_37 : i32 to index
    %swap3A_39 = arith.constant 896 : index
    %swap3A_40 = tpu.vector_load %arg8[%swap3A_38, %swap3A_39] {strides = array<i32>} : memref<20x1024xf32, #tpu.memory_space<vmem>>, vector<1x16xf32>,
    %swap3A_41 = vector.shape_cast %swap3A_40 : vector<1x16xf32> to vector<16xf32>
    %swap3A_42 = vector.shape_cast %broadcast_in_dim3A_1 : vector<16xf32> to vector<1x16xf32>
    tpu.vector_store %arg8[%swap3A_38, %swap3A_39], %swap3A_42 {strides = array<i32>} : memref<20x1024xf32, #tpu.memory_space<vmem>>, vector<1x16xf32>,
    %swap3A_43 = arith.constant 0 : i32
    %swap3A_44 = arith.index_cast %swap3A_43 : i32 to index
    %swap3A_45 = arith.constant 912 : index
    %swap3A_46 = tpu.vector_load %arg8[%swap3A_44, %swap3A_45] {strides = array<i32>} : memref<20x1024xf32, #tpu.memory_space<vmem>>, vector<1x16xf32>,
    %swap3A_47 = vector.shape_cast %swap3A_46 : vector<1x16xf32> to vector<16xf32>
    %swap3A_48 = vector.shape_cast %broadcast_in_dim3A_1 : vector<16xf32> to vector<1x16xf32>
    tpu.vector_store %arg8[%swap3A_44, %swap3A_45], %swap3A_48 {strides = array<i32>} : memref<20x1024xf32, #tpu.memory_space<vmem>>, vector<1x16xf32>,
    %swap3A_49 = arith.constant 0 : i32
    %swap3A_50 = arith.index_cast %swap3A_49 : i32 to index
    %swap3A_51 = arith.constant 928 : index
    %swap3A_52 = tpu.vector_load %arg8[%swap3A_50, %swap3A_51] {strides = array<i32>} : memref<20x1024xf32, #tpu.memory_space<vmem>>, vector<1x16xf32>,
    %swap3A_53 = vector.shape_cast %swap3A_52 : vector<1x16xf32> to vector<16xf32>
    %swap3A_54 = vector.shape_cast %broadcast_in_dim3A_1 : vector<16xf32> to vector<1x16xf32>
    tpu.vector_store %arg8[%swap3A_50, %swap3A_51], %swap3A_54 {strides = array<i32>} : memref<20x1024xf32, #tpu.memory_space<vmem>>, vector<1x16xf32>,
    %swap3A_55 = arith.constant 0 : i32
    %swap3A_56 = arith.index_cast %swap3A_55 : i32 to index
    %swap3A_57 = arith.constant 944 : index
    %swap3A_58 = tpu.vector_load %arg8[%swap3A_56, %swap3A_57] {strides = array<i32>} : memref<20x1024xf32, #tpu.memory_space<vmem>>, vector<1x16xf32>,
    %swap3A_59 = vector.shape_cast %swap3A_58 : vector<1x16xf32> to vector<16xf32>
    %swap3A_60 = vector.shape_cast %broadcast_in_dim3A_1 : vector<16xf32> to vector<1x16xf32>
    tpu.vector_store %arg8[%swap3A_56, %swap3A_57], %swap3A_60 {strides = array<i32>} : memref<20x1024xf32, #tpu.memory_space<vmem>>, vector<1x16xf32>,
    %swap3A_61 = arith.constant 0 : i32
    %swap3A_62 = arith.index_cast %swap3A_61 : i32 to index
    %swap3A_63 = arith.constant 960 : index
    %swap3A_64 = tpu.vector_load %arg8[%swap3A_62, %swap3A_63] {strides = array<i32>} : memref<20x1024xf32, #tpu.memory_space<vmem>>, vector<1x16xf32>,
    %swap3A_65 = vector.shape_cast %swap3A_64 : vector<1x16xf32> to vector<16xf32>
    %swap3A_66 = vector.shape_cast %broadcast_in_dim3A_1 : vector<16xf32> to vector<1x16xf32>
    tpu.vector_store %arg8[%swap3A_62, %swap3A_63], %swap3A_66 {strides = array<i32>} : memref<20x1024xf32, #tpu.memory_space<vmem>>, vector<1x16xf32>,
    %swap3A_67 = arith.constant 0 : i32
    %swap3A_68 = arith.index_cast %swap3A_67 : i32 to index
    %swap3A_69 = arith.constant 976 : index
    %swap3A_70 = tpu.vector_load %arg8[%swap3A_68, %swap3A_69] {strides = array<i32>} : memref<20x1024xf32, #tpu.memory_space<vmem>>, vector<1x16xf32>,
    %swap3A_71 = vector.shape_cast %swap3A_70 : vector<1x16xf32> to vector<16xf32>
    %swap3A_72 = vector.shape_cast %broadcast_in_dim3A_1 : vector<16xf32> to vector<1x16xf32>
    tpu.vector_store %arg8[%swap3A_68, %swap3A_69], %swap3A_72 {strides = array<i32>} : memref<20x1024xf32, #tpu.memory_space<vmem>>, vector<1x16xf32>,
    %swap3A_73 = arith.constant 0 : i32
    %swap3A_74 = arith.index_cast %swap3A_73 : i32 to index
    %swap3A_75 = arith.constant 992 : index
    %swap3A_76 = tpu.vector_load %arg8[%swap3A_74, %swap3A_75] {strides = array<i32>} : memref<20x1024xf32, #tpu.memory_space<vmem>>, vector<1x16xf32>,
    %swap3A_77 = vector.shape_cast %swap3A_76 : vector<1x16xf32> to vector<16xf32>
    %swap3A_78 = vector.shape_cast %broadcast_in_dim3A_1 : vector<16xf32> to vector<1x16xf32>
    tpu.vector_store %arg8[%swap3A_74, %swap3A_75], %swap3A_78 {strides = array<i32>} : memref<20x1024xf32, #tpu.memory_space<vmem>>, vector<1x16xf32>,
    %swap3A_79 = arith.constant 0 : i32
    %swap3A_80 = arith.index_cast %swap3A_79 : i32 to index
    %swap3A_81 = arith.constant 1008 : index
    %swap3A_82 = tpu.vector_load %arg8[%swap3A_80, %swap3A_81] {strides = array<i32>} : memref<20x1024xf32, #tpu.memory_space<vmem>>, vector<1x16xf32>,
    %swap3A_83 = vector.shape_cast %swap3A_82 : vector<1x16xf32> to vector<16xf32>
    %swap3A_84 = vector.shape_cast %broadcast_in_dim3A_1 : vector<16xf32> to vector<1x16xf32>
    tpu.vector_store %arg8[%swap3A_80, %swap3A_81], %swap3A_84 {strides = array<i32>} : memref<20x1024xf32, #tpu.memory_space<vmem>>, vector<1x16xf32>,
    %swap3A_85 = arith.constant 1 : i32
    %swap3A_86 = arith.index_cast %swap3A_85 : i32 to index
    %swap3A_87 = arith.constant 800 : index
    %swap3A_88 = tpu.vector_load %arg8[%swap3A_86, %swap3A_87] {strides = array<i32>} : memref<20x1024xf32, #tpu.memory_space<vmem>>, vector<1x16xf32>,
    %swap3A_89 = vector.shape_cast %swap3A_88 : vector<1x16xf32> to vector<16xf32>
    %swap3A_90 = vector.shape_cast %broadcast_in_dim3A_1 : vector<16xf32> to vector<1x16xf32>
    tpu.vector_store %arg8[%swap3A_86, %swap3A_87], %swap3A_90 {strides = array<i32>} : memref<20x1024xf32, #tpu.memory_space<vmem>>, vector<1x16xf32>,
    %swap3A_91 = arith.constant 1 : i32
    %swap3A_92 = arith.index_cast %swap3A_91 : i32 to index
    %swap3A_93 = arith.constant 816 : index
    %swap3A_94 = tpu.vector_load %arg8[%swap3A_92, %swap3A_93] {strides = array<i32>} : memref<20x1024xf32, #tpu.memory_space<vmem>>, vector<1x16xf32>,
    %swap3A_95 = vector.shape_cast %swap3A_94 : vector<1x16xf32> to vector<16xf32>
    %swap3A_96 = vector.shape_cast %broadcast_in_dim3A_1 : vector<16xf32> to vector<1x16xf32>
    tpu.vector_store %arg8[%swap3A_92, %swap3A_93], %swap3A_96 {strides = array<i32>} : memref<20x1024xf32, #tpu.memory_space<vmem>>, vector<1x16xf32>,
    %swap3A_97 = arith.constant 1 : i32
    %swap3A_98 = arith.index_cast %swap3A_97 : i32 to index
    %swap3A_99 = arith.constant 832 : index
    %swap3A_100 = tpu.vector_load %arg8[%swap3A_98, %swap3A_99] {strides = array<i32>} : memref<20x1024xf32, #tpu.memory_space<vmem>>, vector<1x16xf32>,
    %swap3A_101 = vector.shape_cast %swap3A_100 : vector<1x16xf32> to vector<16xf32>
    %swap3A_102 = vector.shape_cast %broadcast_in_dim3A_1 : vector<16xf32> to vector<1x16xf32>
    tpu.vector_store %arg8[%swap3A_98, %swap3A_99], %swap3A_102 {strides = array<i32>} : memref<20x1024xf32, #tpu.memory_space<vmem>>, vector<1x16xf32>,
    %swap3A_103 = arith.constant 1 : i32
    %swap3A_104 = arith.index_cast %swap3A_103 : i32 to index
    %swap3A_105 = arith.constant 848 : index
    %swap3A_106 = tpu.vector_load %arg8[%swap3A_104, %swap3A_105] {strides = array<i32>} : memref<20x1024xf32, #tpu.memory_space<vmem>>, vector<1x16xf32>,
    %swap3A_107 = vector.shape_cast %swap3A_106 : vector<1x16xf32> to vector<16xf32>
    %swap3A_108 = vector.shape_cast %broadcast_in_dim3A_1 : vector<16xf32> to vector<1x16xf32>
    tpu.vector_store %arg8[%swap3A_104, %swap3A_105], %swap3A_108 {strides = array<i32>} : memref<20x1024xf32, #tpu.memory_space<vmem>>, vector<1x16xf32>,
    %swap3A_109 = arith.constant 1 : i32
    %swap3A_110 = arith.index_cast %swap3A_109 : i32 to index
    %swap3A_111 = arith.constant 864 : index
    %swap3A_112 = tpu.vector_load %arg8[%swap3A_110, %swap3A_111] {strides = array<i32>} : memref<20x1024xf32, #tpu.memory_space<vmem>>, vector<1x16xf32>,
    %swap3A_113 = vector.shape_cast %swap3A_112 : vector<1x16xf32> to vector<16xf32>
    %swap3A_114 = vector.shape_cast %broadcast_in_dim3A_1 : vector<16xf32> to vector<1x16xf32>
    tpu.vector_store %arg8[%swap3A_110, %swap3A_111], %swap3A_114 {strides = array<i32>} : memref<20x1024xf32, #tpu.memory_space<vmem>>, vector<1x16xf32>,
    %swap3A_115 = arith.constant 1 : i32
    %swap3A_116 = arith.index_cast %swap3A_115 : i32 to index
    %swap3A_117 = arith.constant 880 : index
    %swap3A_118 = tpu.vector_load %arg8[%swap3A_116, %swap3A_117] {strides = array<i32>} : memref<20x1024xf32, #tpu.memory_space<vmem>>, vector<1x16xf32>,
    %swap3A_119 = vector.shape_cast %swap3A_118 : vector<1x16xf32> to vector<16xf32>
    %swap3A_120 = vector.shape_cast %broadcast_in_dim3A_1 : vector<16xf32> to vector<1x16xf32>
    tpu.vector_store %arg8[%swap3A_116, %swap3A_117], %swap3A_120 {strides = array<i32>} : memref<20x1024xf32, #tpu.memory_space<vmem>>, vector<1x16xf32>,
    %swap3A_121 = arith.constant 1 : i32
    %swap3A_122 = arith.index_cast %swap3A_121 : i32 to index
    %swap3A_123 = arith.constant 896 : index
    %swap3A_124 = tpu.vector_load %arg8[%swap3A_122, %swap3A_123] {strides = array<i32>} : memref<20x1024xf32, #tpu.memory_space<vmem>>, vector<1x16xf32>,
    %swap3A_125 = vector.shape_cast %swap3A_124 : vector<1x16xf32> to vector<16xf32>
    %swap3A_126 = vector.shape_cast %broadcast_in_dim3A_1 : vector<16xf32> to vector<1x16xf32>
    tpu.vector_store %arg8[%swap3A_122, %swap3A_123], %swap3A_126 {strides = array<i32>} : memref<20x1024xf32, #tpu.memory_space<vmem>>, vector<1x16xf32>,
    %swap3A_127 = arith.constant 1 : i32
    %swap3A_128 = arith.index_cast %swap3A_127 : i32 to index
    %swap3A_129 = arith.constant 912 : index
    %swap3A_130 = tpu.vector_load %arg8[%swap3A_128, %swap3A_129] {strides = array<i32>} : memref<20x1024xf32, #tpu.memory_space<vmem>>, vector<1x16xf32>,
    %swap3A_131 = vector.shape_cast %swap3A_130 : vector<1x16xf32> to vector<16xf32>
    %swap3A_132 = vector.shape_cast %broadcast_in_dim3A_1 : vector<16xf32> to vector<1x16xf32>
    tpu.vector_store %arg8[%swap3A_128, %swap3A_129], %swap3A_132 {strides = array<i32>} : memref<20x1024xf32, #tpu.memory_space<vmem>>, vector<1x16xf32>,
    %swap3A_133 = arith.constant 1 : i32
    %swap3A_134 = arith.index_cast %swap3A_133 : i32 to index
    %swap3A_135 = arith.constant 928 : index
    %swap3A_136 = tpu.vector_load %arg8[%swap3A_134, %swap3A_135] {strides = array<i32>} : memref<20x1024xf32, #tpu.memory_space<vmem>>, vector<1x16xf32>,
    %swap3A_137 = vector.shape_cast %swap3A_136 : vector<1x16xf32> to vector<16xf32>
    %swap3A_138 = vector.shape_cast %broadcast_in_dim3A_1 : vector<16xf32> to vector<1x16xf32>
    tpu.vector_store %arg8[%swap3A_134, %swap3A_135], %swap3A_138 {strides = array<i32>} : memref<20x1024xf32, #tpu.memory_space<vmem>>, vector<1x16xf32>,
    %swap3A_139 = arith.constant 1 : i32
    %swap3A_140 = arith.index_cast %swap3A_139 : i32 to index
    %swap3A_141 = arith.constant 944 : index
    %swap3A_142 = tpu.vector_load %arg8[%swap3A_140, %swap3A_141] {strides = array<i32>} : memref<20x1024xf32, #tpu.memory_space<vmem>>, vector<1x16xf32>,
    %swap3A_143 = vector.shape_cast %swap3A_142 : vector<1x16xf32> to vector<16xf32>
    %swap3A_144 = vector.shape_cast %broadcast_in_dim3A_1 : vector<16xf32> to vector<1x16xf32>
    tpu.vector_store %arg8[%swap3A_140, %swap3A_141], %swap3A_144 {strides = array<i32>} : memref<20x1024xf32, #tpu.memory_space<vmem>>, vector<1x16xf32>,
    %swap3A_145 = arith.constant 1 : i32
    %swap3A_146 = arith.index_cast %swap3A_145 : i32 to index
    %swap3A_147 = arith.constant 960 : index
    %swap3A_148 = tpu.vector_load %arg8[%swap3A_146, %swap3A_147] {strides = array<i32>} : memref<20x1024xf32, #tpu.memory_space<vmem>>, vector<1x16xf32>,
    %swap3A_149 = vector.shape_cast %swap3A_148 : vector<1x16xf32> to vector<16xf32>
    %swap3A_150 = vector.shape_cast %broadcast_in_dim3A_1 : vector<16xf32> to vector<1x16xf32>
    tpu.vector_store %arg8[%swap3A_146, %swap3A_147], %swap3A_150 {strides = array<i32>} : memref<20x1024xf32, #tpu.memory_space<vmem>>, vector<1x16xf32>,
    %swap3A_151 = arith.constant 1 : i32
    %swap3A_152 = arith.index_cast %swap3A_151 : i32 to index
    %swap3A_153 = arith.constant 976 : index
    %swap3A_154 = tpu.vector_load %arg8[%swap3A_152, %swap3A_153] {strides = array<i32>} : memref<20x1024xf32, #tpu.memory_space<vmem>>, vector<1x16xf32>,
    %swap3A_155 = vector.shape_cast %swap3A_154 : vector<1x16xf32> to vector<16xf32>
    %swap3A_156 = vector.shape_cast %broadcast_in_dim3A_1 : vector<16xf32> to vector<1x16xf32>
    tpu.vector_store %arg8[%swap3A_152, %swap3A_153], %swap3A_156 {strides = array<i32>} : memref<20x1024xf32, #tpu.memory_space<vmem>>, vector<1x16xf32>,
    %swap3A_157 = arith.constant 1 : i32
    %swap3A_158 = arith.index_cast %swap3A_157 : i32 to index
    %swap3A_159 = arith.constant 992 : index
    %swap3A_160 = tpu.vector_load %arg8[%swap3A_158, %swap3A_159] {strides = array<i32>} : memref<20x1024xf32, #tpu.memory_space<vmem>>, vector<1x16xf32>,
    %swap3A_161 = vector.shape_cast %swap3A_160 : vector<1x16xf32> to vector<16xf32>
    %swap3A_162 = vector.shape_cast %broadcast_in_dim3A_1 : vector<16xf32> to vector<1x16xf32>
    tpu.vector_store %arg8[%swap3A_158, %swap3A_159], %swap3A_162 {strides = array<i32>} : memref<20x1024xf32, #tpu.memory_space<vmem>>, vector<1x16xf32>,
    %swap3A_163 = arith.constant 1 : i32
    %swap3A_164 = arith.index_cast %swap3A_163 : i32 to index
    %swap3A_165 = arith.constant 1008 : index
    %swap3A_166 = tpu.vector_load %arg8[%swap3A_164, %swap3A_165] {strides = array<i32>} : memref<20x1024xf32, #tpu.memory_space<vmem>>, vector<1x16xf32>,
    %swap3A_167 = vector.shape_cast %swap3A_166 : vector<1x16xf32> to vector<16xf32>
    %swap3A_168 = vector.shape_cast %broadcast_in_dim3A_1 : vector<16xf32> to vector<1x16xf32>
    tpu.vector_store %arg8[%swap3A_164, %swap3A_165], %swap3A_168 {strides = array<i32>} : memref<20x1024xf32, #tpu.memory_space<vmem>>, vector<1x16xf32>,
    %swap3A_169 = arith.constant 2 : i32
    %swap3A_170 = arith.index_cast %swap3A_169 : i32 to index
    %swap3A_171 = arith.constant 800 : index
    %swap3A_172 = tpu.vector_load %arg8[%swap3A_170, %swap3A_171] {strides = array<i32>} : memref<20x1024xf32, #tpu.memory_space<vmem>>, vector<1x16xf32>,
    %swap3A_173 = vector.shape_cast %swap3A_172 : vector<1x16xf32> to vector<16xf32>
    %swap3A_174 = vector.shape_cast %broadcast_in_dim3A_1 : vector<16xf32> to vector<1x16xf32>
    tpu.vector_store %arg8[%swap3A_170, %swap3A_171], %swap3A_174 {strides = array<i32>} : memref<20x1024xf32, #tpu.memory_space<vmem>>, vector<1x16xf32>,
    %swap3A_175 = arith.constant 2 : i32
    %swap3A_176 = arith.index_cast %swap3A_175 : i32 to index
    %swap3A_177 = arith.constant 816 : index
    %swap3A_178 = tpu.vector_load %arg8[%swap3A_176, %swap3A_177] {strides = array<i32>} : memref<20x1024xf32, #tpu.memory_space<vmem>>, vector<1x16xf32>,
    %swap3A_179 = vector.shape_cast %swap3A_178 : vector<1x16xf32> to vector<16xf32>
    %swap3A_180 = vector.shape_cast %broadcast_in_dim3A_1 : vector<16xf32> to vector<1x16xf32>
    tpu.vector_store %arg8[%swap3A_176, %swap3A_177], %swap3A_180 {strides = array<i32>} : memref<20x1024xf32, #tpu.memory_space<vmem>>, vector<1x16xf32>,
    %swap3A_181 = arith.constant 2 : i32
    %swap3A_182 = arith.index_cast %swap3A_181 : i32 to index
    %swap3A_183 = arith.constant 832 : index
    %swap3A_184 = tpu.vector_load %arg8[%swap3A_182, %swap3A_183] {strides = array<i32>} : memref<20x1024xf32, #tpu.memory_space<vmem>>, vector<1x16xf32>,
    %swap3A_185 = vector.shape_cast %swap3A_184 : vector<1x16xf32> to vector<16xf32>
    %swap3A_186 = vector.shape_cast %broadcast_in_dim3A_1 : vector<16xf32> to vector<1x16xf32>
    tpu.vector_store %arg8[%swap3A_182, %swap3A_183], %swap3A_186 {strides = array<i32>} : memref<20x1024xf32, #tpu.memory_space<vmem>>, vector<1x16xf32>,
    %swap3A_187 = arith.constant 2 : i32
    %swap3A_188 = arith.index_cast %swap3A_187 : i32 to index
    %swap3A_189 = arith.constant 848 : index
    %swap3A_190 = tpu.vector_load %arg8[%swap3A_188, %swap3A_189] {strides = array<i32>} : memref<20x1024xf32, #tpu.memory_space<vmem>>, vector<1x16xf32>,
    %swap3A_191 = vector.shape_cast %swap3A_190 : vector<1x16xf32> to vector<16xf32>
    %swap3A_192 = vector.shape_cast %broadcast_in_dim3A_1 : vector<16xf32> to vector<1x16xf32>
    tpu.vector_store %arg8[%swap3A_188, %swap3A_189], %swap3A_192 {strides = array<i32>} : memref<20x1024xf32, #tpu.memory_space<vmem>>, vector<1x16xf32>,
    %swap3A_193 = arith.constant 2 : i32
    %swap3A_194 = arith.index_cast %swap3A_193 : i32 to index
    %swap3A_195 = arith.constant 864 : index
    %swap3A_196 = tpu.vector_load %arg8[%swap3A_194, %swap3A_195] {strides = array<i32>} : memref<20x1024xf32, #tpu.memory_space<vmem>>, vector<1x16xf32>,
    %swap3A_197 = vector.shape_cast %swap3A_196 : vector<1x16xf32> to vector<16xf32>
    %swap3A_198 = vector.shape_cast %broadcast_in_dim3A_1 : vector<16xf32> to vector<1x16xf32>
    tpu.vector_store %arg8[%swap3A_194, %swap3A_195], %swap3A_198 {strides = array<i32>} : memref<20x1024xf32, #tpu.memory_space<vmem>>, vector<1x16xf32>,
    %swap3A_199 = arith.constant 2 : i32
    %swap3A_200 = arith.index_cast %swap3A_199 : i32 to index
    %swap3A_201 = arith.constant 880 : index
    %swap3A_202 = tpu.vector_load %arg8[%swap3A_200, %swap3A_201] {strides = array<i32>} : memref<20x1024xf32, #tpu.memory_space<vmem>>, vector<1x16xf32>,
    %swap3A_203 = vector.shape_cast %swap3A_202 : vector<1x16xf32> to vector<16xf32>
    %swap3A_204 = vector.shape_cast %broadcast_in_dim3A_1 : vector<16xf32> to vector<1x16xf32>
    tpu.vector_store %arg8[%swap3A_200, %swap3A_201], %swap3A_204 {strides = array<i32>} : memref<20x1024xf32, #tpu.memory_space<vmem>>, vector<1x16xf32>,
    %swap3A_205 = arith.constant 2 : i32
    %swap3A_206 = arith.index_cast %swap3A_205 : i32 to index
    %swap3A_207 = arith.constant 896 : index
    %swap3A_208 = tpu.vector_load %arg8[%swap3A_206, %swap3A_207] {strides = array<i32>} : memref<20x1024xf32, #tpu.memory_space<vmem>>, vector<1x16xf32>,
    %swap3A_209 = vector.shape_cast %swap3A_208 : vector<1x16xf32> to vector<16xf32>
    %swap3A_210 = vector.shape_cast %broadcast_in_dim3A_1 : vector<16xf32> to vector<1x16xf32>
    tpu.vector_store %arg8[%swap3A_206, %swap3A_207], %swap3A_210 {strides = array<i32>} : memref<20x1024xf32, #tpu.memory_space<vmem>>, vector<1x16xf32>,
    %swap3A_211 = arith.constant 2 : i32
    %swap3A_212 = arith.index_cast %swap3A_211 : i32 to index
    %swap3A_213 = arith.constant 912 : index
    %swap3A_214 = tpu.vector_load %arg8[%swap3A_212, %swap3A_213] {strides = array<i32>} : memref<20x1024xf32, #tpu.memory_space<vmem>>, vector<1x16xf32>,
    %swap3A_215 = vector.shape_cast %swap3A_214 : vector<1x16xf32> to vector<16xf32>
    %swap3A_216 = vector.shape_cast %broadcast_in_dim3A_1 : vector<16xf32> to vector<1x16xf32>
    tpu.vector_store %arg8[%swap3A_212, %swap3A_213], %swap3A_216 {strides = array<i32>} : memref<20x1024xf32, #tpu.memory_space<vmem>>, vector<1x16xf32>,
    %swap3A_217 = arith.constant 2 : i32
    %swap3A_218 = arith.index_cast %swap3A_217 : i32 to index
    %swap3A_219 = arith.constant 928 : index
    %swap3A_220 = tpu.vector_load %arg8[%swap3A_218, %swap3A_219] {strides = array<i32>} : memref<20x1024xf32, #tpu.memory_space<vmem>>, vector<1x16xf32>,
    %swap3A_221 = vector.shape_cast %swap3A_220 : vector<1x16xf32> to vector<16xf32>
    %swap3A_222 = vector.shape_cast %broadcast_in_dim3A_1 : vector<16xf32> to vector<1x16xf32>
    tpu.vector_store %arg8[%swap3A_218, %swap3A_219], %swap3A_222 {strides = array<i32>} : memref<20x1024xf32, #tpu.memory_space<vmem>>, vector<1x16xf32>,
    %swap3A_223 = arith.constant 2 : i32
    %swap3A_224 = arith.index_cast %swap3A_223 : i32 to index
    %swap3A_225 = arith.constant 944 : index
    %swap3A_226 = tpu.vector_load %arg8[%swap3A_224, %swap3A_225] {strides = array<i32>} : memref<20x1024xf32, #tpu.memory_space<vmem>>, vector<1x16xf32>,
    %swap3A_227 = vector.shape_cast %swap3A_226 : vector<1x16xf32> to vector<16xf32>
    %swap3A_228 = vector.shape_cast %broadcast_in_dim3A_1 : vector<16xf32> to vector<1x16xf32>
    tpu.vector_store %arg8[%swap3A_224, %swap3A_225], %swap3A_228 {strides = array<i32>} : memref<20x1024xf32, #tpu.memory_space<vmem>>, vector<1x16xf32>,
    %swap3A_229 = arith.constant 2 : i32
    %swap3A_230 = arith.index_cast %swap3A_229 : i32 to index
    %swap3A_231 = arith.constant 960 : index
    %swap3A_232 = tpu.vector_load %arg8[%swap3A_230, %swap3A_231] {strides = array<i32>} : memref<20x1024xf32, #tpu.memory_space<vmem>>, vector<1x16xf32>,
    %swap3A_233 = vector.shape_cast %swap3A_232 : vector<1x16xf32> to vector<16xf32>
    %swap3A_234 = vector.shape_cast %broadcast_in_dim3A_1 : vector<16xf32> to vector<1x16xf32>
    tpu.vector_store %arg8[%swap3A_230, %swap3A_231], %swap3A_234 {strides = array<i32>} : memref<20x1024xf32, #tpu.memory_space<vmem>>, vector<1x16xf32>,
    %swap3A_235 = arith.constant 2 : i32
    %swap3A_236 = arith.index_cast %swap3A_235 : i32 to index
    %swap3A_237 = arith.constant 976 : index
    %swap3A_238 = tpu.vector_load %arg8[%swap3A_236, %swap3A_237] {strides = array<i32>} : memref<20x1024xf32, #tpu.memory_space<vmem>>, vector<1x16xf32>,
    %swap3A_239 = vector.shape_cast %swap3A_238 : vector<1x16xf32> to vector<16xf32>
    %swap3A_240 = vector.shape_cast %broadcast_in_dim3A_1 : vector<16xf32> to vector<1x16xf32>
    tpu.vector_store %arg8[%swap3A_236, %swap3A_237], %swap3A_240 {strides = array<i32>} : memref<20x1024xf32, #tpu.memory_space<vmem>>, vector<1x16xf32>,
    %swap3A_241 = arith.constant 2 : i32
    %swap3A_242 = arith.index_cast %swap3A_241 : i32 to index
    %swap3A_243 = arith.constant 992 : index
    %swap3A_244 = tpu.vector_load %arg8[%swap3A_242, %swap3A_243] {strides = array<i32>} : memref<20x1024xf32, #tpu.memory_space<vmem>>, vector<1x16xf32>,
    %swap3A_245 = vector.shape_cast %swap3A_244 : vector<1x16xf32> to vector<16xf32>
    %swap3A_246 = vector.shape_cast %broadcast_in_dim3A_1 : vector<16xf32> to vector<1x16xf32>
    tpu.vector_store %arg8[%swap3A_242, %swap3A_243], %swap3A_246 {strides = array<i32>} : memref<20x1024xf32, #tpu.memory_space<vmem>>, vector<1x16xf32>,
    %swap3A_247 = arith.constant 2 : i32
    %swap3A_248 = arith.index_cast %swap3A_247 : i32 to index
    %swap3A_249 = arith.constant 1008 : index
    %swap3A_250 = tpu.vector_load %arg8[%swap3A_248, %swap3A_249] {strides = array<i32>} : memref<20x1024xf32, #tpu.memory_space<vmem>>, vector<1x16xf32>,
    %swap3A_251 = vector.shape_cast %swap3A_250 : vector<1x16xf32> to vector<16xf32>
    %swap3A_252 = vector.shape_cast %broadcast_in_dim3A_1 : vector<16xf32> to vector<1x16xf32>
    tpu.vector_store %arg8[%swap3A_248, %swap3A_249], %swap3A_252 {strides = array<i32>} : memref<20x1024xf32, #tpu.memory_space<vmem>>, vector<1x16xf32>,
    %swap3A_253 = arith.constant 3 : i32
    %swap3A_254 = arith.index_cast %swap3A_253 : i32 to index
    %swap3A_255 = arith.constant 800 : index
    %swap3A_256 = tpu.vector_load %arg8[%swap3A_254, %swap3A_255] {strides = array<i32>} : memref<20x1024xf32, #tpu.memory_space<vmem>>, vector<1x16xf32>,
    %swap3A_257 = vector.shape_cast %swap3A_256 : vector<1x16xf32> to vector<16xf32>
    %swap3A_258 = vector.shape_cast %broadcast_in_dim3A_1 : vector<16xf32> to vector<1x16xf32>
    tpu.vector_store %arg8[%swap3A_254, %swap3A_255], %swap3A_258 {strides = array<i32>} : memref<20x1024xf32, #tpu.memory_space<vmem>>, vector<1x16xf32>,
    %swap3A_259 = arith.constant 3 : i32
    %swap3A_260 = arith.index_cast %swap3A_259 : i32 to index
    %swap3A_261 = arith.constant 816 : index
    %swap3A_262 = tpu.vector_load %arg8[%swap3A_260, %swap3A_261] {strides = array<i32>} : memref<20x1024xf32, #tpu.memory_space<vmem>>, vector<1x16xf32>,
    %swap3A_263 = vector.shape_cast %swap3A_262 : vector<1x16xf32> to vector<16xf32>
    %swap3A_264 = vector.shape_cast %broadcast_in_dim3A_1 : vector<16xf32> to vector<1x16xf32>
    tpu.vector_store %arg8[%swap3A_260, %swap3A_261], %swap3A_264 {strides = array<i32>} : memref<20x1024xf32, #tpu.memory_space<vmem>>, vector<1x16xf32>,
    %swap3A_265 = arith.constant 3 : i32
    %swap3A_266 = arith.index_cast %swap3A_265 : i32 to index
    %swap3A_267 = arith.constant 832 : index
    %swap3A_268 = tpu.vector_load %arg8[%swap3A_266, %swap3A_267] {strides = array<i32>} : memref<20x1024xf32, #tpu.memory_space<vmem>>, vector<1x16xf32>,
    %swap3A_269 = vector.shape_cast %swap3A_268 : vector<1x16xf32> to vector<16xf32>
    %swap3A_270 = vector.shape_cast %broadcast_in_dim3A_1 : vector<16xf32> to vector<1x16xf32>
    tpu.vector_store %arg8[%swap3A_266, %swap3A_267], %swap3A_270 {strides = array<i32>} : memref<20x1024xf32, #tpu.memory_space<vmem>>, vector<1x16xf32>,
    %swap3A_271 = arith.constant 3 : i32
    %swap3A_272 = arith.index_cast %swap3A_271 : i32 to index
    %swap3A_273 = arith.constant 848 : index
    %swap3A_274 = tpu.vector_load %arg8[%swap3A_272, %swap3A_273] {strides = array<i32>} : memref<20x1024xf32, #tpu.memory_space<vmem>>, vector<1x16xf32>,
    %swap3A_275 = vector.shape_cast %swap3A_274 : vector<1x16xf32> to vector<16xf32>
    %swap3A_276 = vector.shape_cast %broadcast_in_dim3A_1 : vector<16xf32> to vector<1x16xf32>
    tpu.vector_store %arg8[%swap3A_272, %swap3A_273], %swap3A_276 {strides = array<i32>} : memref<20x1024xf32, #tpu.memory_space<vmem>>, vector<1x16xf32>,
    %swap3A_277 = arith.constant 3 : i32
    %swap3A_278 = arith.index_cast %swap3A_277 : i32 to index
    %swap3A_279 = arith.constant 864 : index
    %swap3A_280 = tpu.vector_load %arg8[%swap3A_278, %swap3A_279] {strides = array<i32>} : memref<20x1024xf32, #tpu.memory_space<vmem>>, vector<1x16xf32>,
    %swap3A_281 = vector.shape_cast %swap3A_280 : vector<1x16xf32> to vector<16xf32>
    %swap3A_282 = vector.shape_cast %broadcast_in_dim3A_1 : vector<16xf32> to vector<1x16xf32>
    tpu.vector_store %arg8[%swap3A_278, %swap3A_279], %swap3A_282 {strides = array<i32>} : memref<20x1024xf32, #tpu.memory_space<vmem>>, vector<1x16xf32>,
    %swap3A_283 = arith.constant 3 : i32
    %swap3A_284 = arith.index_cast %swap3A_283 : i32 to index
    %swap3A_285 = arith.constant 880 : index
    %swap3A_286 = tpu.vector_load %arg8[%swap3A_284, %swap3A_285] {strides = array<i32>} : memref<20x1024xf32, #tpu.memory_space<vmem>>, vector<1x16xf32>,
    %swap3A_287 = vector.shape_cast %swap3A_286 : vector<1x16xf32> to vector<16xf32>
    %swap3A_288 = vector.shape_cast %broadcast_in_dim3A_1 : vector<16xf32> to vector<1x16xf32>
    tpu.vector_store %arg8[%swap3A_284, %swap3A_285], %swap3A_288 {strides = array<i32>} : memref<20x1024xf32, #tpu.memory_space<vmem>>, vector<1x16xf32>,
    %swap3A_289 = arith.constant 3 : i32
    %swap3A_290 = arith.index_cast %swap3A_289 : i32 to index
    %swap3A_291 = arith.constant 896 : index
    %swap3A_292 = tpu.vector_load %arg8[%swap3A_290, %swap3A_291] {strides = array<i32>} : memref<20x1024xf32, #tpu.memory_space<vmem>>, vector<1x16xf32>,
    %swap3A_293 = vector.shape_cast %swap3A_292 : vector<1x16xf32> to vector<16xf32>
    %swap3A_294 = vector.shape_cast %broadcast_in_dim3A_1 : vector<16xf32> to vector<1x16xf32>
    tpu.vector_store %arg8[%swap3A_290, %swap3A_291], %swap3A_294 {strides = array<i32>} : memref<20x1024xf32, #tpu.memory_space<vmem>>, vector<1x16xf32>,
    %swap3A_295 = arith.constant 3 : i32
    %swap3A_296 = arith.index_cast %swap3A_295 : i32 to index
    %swap3A_297 = arith.constant 912 : index
    %swap3A_298 = tpu.vector_load %arg8[%swap3A_296, %swap3A_297] {strides = array<i32>} : memref<20x1024xf32, #tpu.memory_space<vmem>>, vector<1x16xf32>,
    %swap3A_299 = vector.shape_cast %swap3A_298 : vector<1x16xf32> to vector<16xf32>
    %swap3A_300 = vector.shape_cast %broadcast_in_dim3A_1 : vector<16xf32> to vector<1x16xf32>
    tpu.vector_store %arg8[%swap3A_296, %swap3A_297], %swap3A_300 {strides = array<i32>} : memref<20x1024xf32, #tpu.memory_space<vmem>>, vector<1x16xf32>,
    %swap3A_301 = arith.constant 3 : i32
    %swap3A_302 = arith.index_cast %swap3A_301 : i32 to index
    %swap3A_303 = arith.constant 928 : index
    %swap3A_304 = tpu.vector_load %arg8[%swap3A_302, %swap3A_303] {strides = array<i32>} : memref<20x1024xf32, #tpu.memory_space<vmem>>, vector<1x16xf32>,
    %swap3A_305 = vector.shape_cast %swap3A_304 : vector<1x16xf32> to vector<16xf32>
    %swap3A_306 = vector.shape_cast %broadcast_in_dim3A_1 : vector<16xf32> to vector<1x16xf32>
    tpu.vector_store %arg8[%swap3A_302, %swap3A_303], %swap3A_306 {strides = array<i32>} : memref<20x1024xf32, #tpu.memory_space<vmem>>, vector<1x16xf32>,
    %swap3A_307 = arith.constant 3 : i32
    %swap3A_308 = arith.index_cast %swap3A_307 : i32 to index
    %swap3A_309 = arith.constant 944 : index
    %swap3A_310 = tpu.vector_load %arg8[%swap3A_308, %swap3A_309] {strides = array<i32>} : memref<20x1024xf32, #tpu.memory_space<vmem>>, vector<1x16xf32>,
    %swap3A_311 = vector.shape_cast %swap3A_310 : vector<1x16xf32> to vector<16xf32>
    %swap3A_312 = vector.shape_cast %broadcast_in_dim3A_1 : vector<16xf32> to vector<1x16xf32>
    tpu.vector_store %arg8[%swap3A_308, %swap3A_309], %swap3A_312 {strides = array<i32>} : memref<20x1024xf32, #tpu.memory_space<vmem>>, vector<1x16xf32>,
    %swap3A_313 = arith.constant 3 : i32
    %swap3A_314 = arith.index_cast %swap3A_313 : i32 to index
    %swap3A_315 = arith.constant 960 : index
    %swap3A_316 = tpu.vector_load %arg8[%swap3A_314, %swap3A_315] {strides = array<i32>} : memref<20x1024xf32, #tpu.memory_space<vmem>>, vector<1x16xf32>,
    %swap3A_317 = vector.shape_cast %swap3A_316 : vector<1x16xf32> to vector<16xf32>
    %swap3A_318 = vector.shape_cast %broadcast_in_dim3A_1 : vector<16xf32> to vector<1x16xf32>
    tpu.vector_store %arg8[%swap3A_314, %swap3A_315], %swap3A_318 {strides = array<i32>} : memref<20x1024xf32, #tpu.memory_space<vmem>>, vector<1x16xf32>,
    %swap3A_319 = arith.constant 3 : i32
    %swap3A_320 = arith.index_cast %swap3A_319 : i32 to index
    %swap3A_321 = arith.constant 976 : index
    %swap3A_322 = tpu.vector_load %arg8[%swap3A_320, %swap3A_321] {strides = array<i32>} : memref<20x1024xf32, #tpu.memory_space<vmem>>, vector<1x16xf32>,
    %swap3A_323 = vector.shape_cast %swap3A_322 : vector<1x16xf32> to vector<16xf32>
    %swap3A_324 = vector.shape_cast %broadcast_in_dim3A_1 : vector<16xf32> to vector<1x16xf32>
    tpu.vector_store %arg8[%swap3A_320, %swap3A_321], %swap3A_324 {strides = array<i32>} : memref<20x1024xf32, #tpu.memory_space<vmem>>, vector<1x16xf32>,
    %swap3A_325 = arith.constant 3 : i32
    %swap3A_326 = arith.index_cast %swap3A_325 : i32 to index
    %swap3A_327 = arith.constant 992 : index
    %swap3A_328 = tpu.vector_load %arg8[%swap3A_326, %swap3A_327] {strides = array<i32>} : memref<20x1024xf32, #tpu.memory_space<vmem>>, vector<1x16xf32>,
    %swap3A_329 = vector.shape_cast %swap3A_328 : vector<1x16xf32> to vector<16xf32>
    %swap3A_330 = vector.shape_cast %broadcast_in_dim3A_1 : vector<16xf32> to vector<1x16xf32>
    tpu.vector_store %arg8[%swap3A_326, %swap3A_327], %swap3A_330 {strides = array<i32>} : memref<20x1024xf32, #tpu.memory_space<vmem>>, vector<1x16xf32>,
    %swap3A_331 = arith.constant 3 : i32
    %swap3A_332 = arith.index_cast %swap3A_331 : i32 to index
    %swap3A_333 = arith.constant 1008 : index
    %swap3A_334 = tpu.vector_load %arg8[%swap3A_332, %swap3A_333] {strides = array<i32>} : memref<20x1024xf32, #tpu.memory_space<vmem>>, vector<1x16xf32>,
    %swap3A_335 = vector.shape_cast %swap3A_334 : vector<1x16xf32> to vector<16xf32>
    %swap3A_336 = vector.shape_cast %broadcast_in_dim3A_1 : vector<16xf32> to vector<1x16xf32>
    tpu.vector_store %arg8[%swap3A_332, %swap3A_333], %swap3A_336 {strides = array<i32>} : memref<20x1024xf32, #tpu.memory_space<vmem>>, vector<1x16xf32>,
    %swap3A_337 = arith.constant 4 : i32
    %swap3A_338 = arith.index_cast %swap3A_337 : i32 to index
    %swap3A_339 = arith.constant 800 : index
    %swap3A_340 = tpu.vector_load %arg8[%swap3A_338, %swap3A_339] {strides = array<i32>} : memref<20x1024xf32, #tpu.memory_space<vmem>>, vector<1x16xf32>,
    %swap3A_341 = vector.shape_cast %swap3A_340 : vector<1x16xf32> to vector<16xf32>
    %swap3A_342 = vector.shape_cast %broadcast_in_dim3A_1 : vector<16xf32> to vector<1x16xf32>
    tpu.vector_store %arg8[%swap3A_338, %swap3A_339], %swap3A_342 {strides = array<i32>} : memref<20x1024xf32, #tpu.memory_space<vmem>>, vector<1x16xf32>,
    %swap3A_343 = arith.constant 4 : i32
    %swap3A_344 = arith.index_cast %swap3A_343 : i32 to index
    %swap3A_345 = arith.constant 816 : index
    %swap3A_346 = tpu.vector_load %arg8[%swap3A_344, %swap3A_345] {strides = array<i32>} : memref<20x1024xf32, #tpu.memory_space<vmem>>, vector<1x16xf32>,
    %swap3A_347 = vector.shape_cast %swap3A_346 : vector<1x16xf32> to vector<16xf32>
    %swap3A_348 = vector.shape_cast %broadcast_in_dim3A_1 : vector<16xf32> to vector<1x16xf32>
    tpu.vector_store %arg8[%swap3A_344, %swap3A_345], %swap3A_348 {strides = array<i32>} : memref<20x1024xf32, #tpu.memory_space<vmem>>, vector<1x16xf32>,
    %swap3A_349 = arith.constant 4 : i32
    %swap3A_350 = arith.index_cast %swap3A_349 : i32 to index
    %swap3A_351 = arith.constant 832 : index
    %swap3A_352 = tpu.vector_load %arg8[%swap3A_350, %swap3A_351] {strides = array<i32>} : memref<20x1024xf32, #tpu.memory_space<vmem>>, vector<1x16xf32>,
    %swap3A_353 = vector.shape_cast %swap3A_352 : vector<1x16xf32> to vector<16xf32>
    %swap3A_354 = vector.shape_cast %broadcast_in_dim3A_1 : vector<16xf32> to vector<1x16xf32>
    tpu.vector_store %arg8[%swap3A_350, %swap3A_351], %swap3A_354 {strides = array<i32>} : memref<20x1024xf32, #tpu.memory_space<vmem>>, vector<1x16xf32>,
    %swap3A_355 = arith.constant 4 : i32
    %swap3A_356 = arith.index_cast %swap3A_355 : i32 to index
    %swap3A_357 = arith.constant 848 : index
    %swap3A_358 = tpu.vector_load %arg8[%swap3A_356, %swap3A_357] {strides = array<i32>} : memref<20x1024xf32, #tpu.memory_space<vmem>>, vector<1x16xf32>,
    %swap3A_359 = vector.shape_cast %swap3A_358 : vector<1x16xf32> to vector<16xf32>
    %swap3A_360 = vector.shape_cast %broadcast_in_dim3A_1 : vector<16xf32> to vector<1x16xf32>
    tpu.vector_store %arg8[%swap3A_356, %swap3A_357], %swap3A_360 {strides = array<i32>} : memref<20x1024xf32, #tpu.memory_space<vmem>>, vector<1x16xf32>,
    %swap3A_361 = arith.constant 4 : i32
    %swap3A_362 = arith.index_cast %swap3A_361 : i32 to index
    %swap3A_363 = arith.constant 864 : index
    %swap3A_364 = tpu.vector_load %arg8[%swap3A_362, %swap3A_363] {strides = array<i32>} : memref<20x1024xf32, #tpu.memory_space<vmem>>, vector<1x16xf32>,
    %swap3A_365 = vector.shape_cast %swap3A_364 : vector<1x16xf32> to vector<16xf32>
    %swap3A_366 = vector.shape_cast %broadcast_in_dim3A_1 : vector<16xf32> to vector<1x16xf32>
    tpu.vector_store %arg8[%swap3A_362, %swap3A_363], %swap3A_366 {strides = array<i32>} : memref<20x1024xf32, #tpu.memory_space<vmem>>, vector<1x16xf32>,
    %swap3A_367 = arith.constant 4 : i32
    %swap3A_368 = arith.index_cast %swap3A_367 : i32 to index
    %swap3A_369 = arith.constant 880 : index
    %swap3A_370 = tpu.vector_load %arg8[%swap3A_368, %swap3A_369] {strides = array<i32>} : memref<20x1024xf32, #tpu.memory_space<vmem>>, vector<1x16xf32>,
    %swap3A_371 = vector.shape_cast %swap3A_370 : vector<1x16xf32> to vector<16xf32>
    %swap3A_372 = vector.shape_cast %broadcast_in_dim3A_1 : vector<16xf32> to vector<1x16xf32>
    tpu.vector_store %arg8[%swap3A_368, %swap3A_369], %swap3A_372 {strides = array<i32>} : memref<20x1024xf32, #tpu.memory_space<vmem>>, vector<1x16xf32>,
    %swap3A_373 = arith.constant 4 : i32
    %swap3A_374 = arith.index_cast %swap3A_373 : i32 to index
    %swap3A_375 = arith.constant 896 : index
    %swap3A_376 = tpu.vector_load %arg8[%swap3A_374, %swap3A_375] {strides = array<i32>} : memref<20x1024xf32, #tpu.memory_space<vmem>>, vector<1x16xf32>,
    %swap3A_377 = vector.shape_cast %swap3A_376 : vector<1x16xf32> to vector<16xf32>
    %swap3A_378 = vector.shape_cast %broadcast_in_dim3A_1 : vector<16xf32> to vector<1x16xf32>
    tpu.vector_store %arg8[%swap3A_374, %swap3A_375], %swap3A_378 {strides = array<i32>} : memref<20x1024xf32, #tpu.memory_space<vmem>>, vector<1x16xf32>,
    %swap3A_379 = arith.constant 4 : i32
    %swap3A_380 = arith.index_cast %swap3A_379 : i32 to index
    %swap3A_381 = arith.constant 912 : index
    %swap3A_382 = tpu.vector_load %arg8[%swap3A_380, %swap3A_381] {strides = array<i32>} : memref<20x1024xf32, #tpu.memory_space<vmem>>, vector<1x16xf32>,
    %swap3A_383 = vector.shape_cast %swap3A_382 : vector<1x16xf32> to vector<16xf32>
    %swap3A_384 = vector.shape_cast %broadcast_in_dim3A_1 : vector<16xf32> to vector<1x16xf32>
    tpu.vector_store %arg8[%swap3A_380, %swap3A_381], %swap3A_384 {strides = array<i32>} : memref<20x1024xf32, #tpu.memory_space<vmem>>, vector<1x16xf32>,
    %swap3A_385 = arith.constant 4 : i32
    %swap3A_386 = arith.index_cast %swap3A_385 : i32 to index
    %swap3A_387 = arith.constant 928 : index
    %swap3A_388 = tpu.vector_load %arg8[%swap3A_386, %swap3A_387] {strides = array<i32>} : memref<20x1024xf32, #tpu.memory_space<vmem>>, vector<1x16xf32>,
    %swap3A_389 = vector.shape_cast %swap3A_388 : vector<1x16xf32> to vector<16xf32>
    %swap3A_390 = vector.shape_cast %broadcast_in_dim3A_1 : vector<16xf32> to vector<1x16xf32>
    tpu.vector_store %arg8[%swap3A_386, %swap3A_387], %swap3A_390 {strides = array<i32>} : memref<20x1024xf32, #tpu.memory_space<vmem>>, vector<1x16xf32>,
    %swap3A_391 = arith.constant 4 : i32
    %swap3A_392 = arith.index_cast %swap3A_391 : i32 to index
    %swap3A_393 = arith.constant 944 : index
    %swap3A_394 = tpu.vector_load %arg8[%swap3A_392, %swap3A_393] {strides = array<i32>} : memref<20x1024xf32, #tpu.memory_space<vmem>>, vector<1x16xf32>,
    %swap3A_395 = vector.shape_cast %swap3A_394 : vector<1x16xf32> to vector<16xf32>
    %swap3A_396 = vector.shape_cast %broadcast_in_dim3A_1 : vector<16xf32> to vector<1x16xf32>
    tpu.vector_store %arg8[%swap3A_392, %swap3A_393], %swap3A_396 {strides = array<i32>} : memref<20x1024xf32, #tpu.memory_space<vmem>>, vector<1x16xf32>,
    %swap3A_397 = arith.constant 4 : i32
    %swap3A_398 = arith.index_cast %swap3A_397 : i32 to index
    %swap3A_399 = arith.constant 960 : index
    %swap3A_400 = tpu.vector_load %arg8[%swap3A_398, %swap3A_399] {strides = array<i32>} : memref<20x1024xf32, #tpu.memory_space<vmem>>, vector<1x16xf32>,
    %swap3A_401 = vector.shape_cast %swap3A_400 : vector<1x16xf32> to vector<16xf32>
    %swap3A_402 = vector.shape_cast %broadcast_in_dim3A_1 : vector<16xf32> to vector<1x16xf32>
    tpu.vector_store %arg8[%swap3A_398, %swap3A_399], %swap3A_402 {strides = array<i32>} : memref<20x1024xf32, #tpu.memory_space<vmem>>, vector<1x16xf32>,
    %swap3A_403 = arith.constant 4 : i32
    %swap3A_404 = arith.index_cast %swap3A_403 : i32 to index
    %swap3A_405 = arith.constant 976 : index
    %swap3A_406 = tpu.vector_load %arg8[%swap3A_404, %swap3A_405] {strides = array<i32>} : memref<20x1024xf32, #tpu.memory_space<vmem>>, vector<1x16xf32>,
    %swap3A_407 = vector.shape_cast %swap3A_406 : vector<1x16xf32> to vector<16xf32>
    %swap3A_408 = vector.shape_cast %broadcast_in_dim3A_1 : vector<16xf32> to vector<1x16xf32>
    tpu.vector_store %arg8[%swap3A_404, %swap3A_405], %swap3A_408 {strides = array<i32>} : memref<20x1024xf32, #tpu.memory_space<vmem>>, vector<1x16xf32>,
    %swap3A_409 = arith.constant 4 : i32
    %swap3A_410 = arith.index_cast %swap3A_409 : i32 to index
    %swap3A_411 = arith.constant 992 : index
    %swap3A_412 = tpu.vector_load %arg8[%swap3A_410, %swap3A_411] {strides = array<i32>} : memref<20x1024xf32, #tpu.memory_space<vmem>>, vector<1x16xf32>,
    %swap3A_413 = vector.shape_cast %swap3A_412 : vector<1x16xf32> to vector<16xf32>
    %swap3A_414 = vector.shape_cast %broadcast_in_dim3A_1 : vector<16xf32> to vector<1x16xf32>
    tpu.vector_store %arg8[%swap3A_410, %swap3A_411], %swap3A_414 {strides = array<i32>} : memref<20x1024xf32, #tpu.memory_space<vmem>>, vector<1x16xf32>,
    %swap3A_415 = arith.constant 4 : i32
    %swap3A_416 = arith.index_cast %swap3A_415 : i32 to index
    %swap3A_417 = arith.constant 1008 : index
    %swap3A_418 = tpu.vector_load %arg8[%swap3A_416, %swap3A_417] {strides = array<i32>} : memref<20x1024xf32, #tpu.memory_space<vmem>>, vector<1x16xf32>,
    %swap3A_419 = vector.shape_cast %swap3A_418 : vector<1x16xf32> to vector<16xf32>
    %swap3A_420 = vector.shape_cast %broadcast_in_dim3A_1 : vector<16xf32> to vector<1x16xf32>
    tpu.vector_store %arg8[%swap3A_416, %swap3A_417], %swap3A_420 {strides = array<i32>} : memref<20x1024xf32, #tpu.memory_space<vmem>>, vector<1x16xf32>,
    %swap3A_421 = arith.constant 5 : i32
    %swap3A_422 = arith.index_cast %swap3A_421 : i32 to index
    %swap3A_423 = arith.constant 800 : index
    %swap3A_424 = tpu.vector_load %arg8[%swap3A_422, %swap3A_423] {strides = array<i32>} : memref<20x1024xf32, #tpu.memory_space<vmem>>, vector<1x16xf32>,
    %swap3A_425 = vector.shape_cast %swap3A_424 : vector<1x16xf32> to vector<16xf32>
    %swap3A_426 = vector.shape_cast %broadcast_in_dim3A_1 : vector<16xf32> to vector<1x16xf32>
    tpu.vector_store %arg8[%swap3A_422, %swap3A_423], %swap3A_426 {strides = array<i32>} : memref<20x1024xf32, #tpu.memory_space<vmem>>, vector<1x16xf32>,
    %swap3A_427 = arith.constant 5 : i32
    %swap3A_428 = arith.index_cast %swap3A_427 : i32 to index
    %swap3A_429 = arith.constant 816 : index
    %swap3A_430 = tpu.vector_load %arg8[%swap3A_428, %swap3A_429] {strides = array<i32>} : memref<20x1024xf32, #tpu.memory_space<vmem>>, vector<1x16xf32>,
    %swap3A_431 = vector.shape_cast %swap3A_430 : vector<1x16xf32> to vector<16xf32>
    %swap3A_432 = vector.shape_cast %broadcast_in_dim3A_1 : vector<16xf32> to vector<1x16xf32>
    tpu.vector_store %arg8[%swap3A_428, %swap3A_429], %swap3A_432 {strides = array<i32>} : memref<20x1024xf32, #tpu.memory_space<vmem>>, vector<1x16xf32>,
    %swap3A_433 = arith.constant 5 : i32
    %swap3A_434 = arith.index_cast %swap3A_433 : i32 to index
    %swap3A_435 = arith.constant 832 : index
    %swap3A_436 = tpu.vector_load %arg8[%swap3A_434, %swap3A_435] {strides = array<i32>} : memref<20x1024xf32, #tpu.memory_space<vmem>>, vector<1x16xf32>,
    %swap3A_437 = vector.shape_cast %swap3A_436 : vector<1x16xf32> to vector<16xf32>
    %swap3A_438 = vector.shape_cast %broadcast_in_dim3A_1 : vector<16xf32> to vector<1x16xf32>
    tpu.vector_store %arg8[%swap3A_434, %swap3A_435], %swap3A_438 {strides = array<i32>} : memref<20x1024xf32, #tpu.memory_space<vmem>>, vector<1x16xf32>,
    %swap3A_439 = arith.constant 5 : i32
    %swap3A_440 = arith.index_cast %swap3A_439 : i32 to index
    %swap3A_441 = arith.constant 848 : index
    %swap3A_442 = tpu.vector_load %arg8[%swap3A_440, %swap3A_441] {strides = array<i32>} : memref<20x1024xf32, #tpu.memory_space<vmem>>, vector<1x16xf32>,
    %swap3A_443 = vector.shape_cast %swap3A_442 : vector<1x16xf32> to vector<16xf32>
    %swap3A_444 = vector.shape_cast %broadcast_in_dim3A_1 : vector<16xf32> to vector<1x16xf32>
    tpu.vector_store %arg8[%swap3A_440, %swap3A_441], %swap3A_444 {strides = array<i32>} : memref<20x1024xf32, #tpu.memory_space<vmem>>, vector<1x16xf32>,
    %swap3A_445 = arith.constant 5 : i32
    %swap3A_446 = arith.index_cast %swap3A_445 : i32 to index
    %swap3A_447 = arith.constant 864 : index
    %swap3A_448 = tpu.vector_load %arg8[%swap3A_446, %swap3A_447] {strides = array<i32>} : memref<20x1024xf32, #tpu.memory_space<vmem>>, vector<1x16xf32>,
    %swap3A_449 = vector.shape_cast %swap3A_448 : vector<1x16xf32> to vector<16xf32>
    %swap3A_450 = vector.shape_cast %broadcast_in_dim3A_1 : vector<16xf32> to vector<1x16xf32>
    tpu.vector_store %arg8[%swap3A_446, %swap3A_447], %swap3A_450 {strides = array<i32>} : memref<20x1024xf32, #tpu.memory_space<vmem>>, vector<1x16xf32>,
    %swap3A_451 = arith.constant 5 : i32
    %swap3A_452 = arith.index_cast %swap3A_451 : i32 to index
    %swap3A_453 = arith.constant 880 : index
    %swap3A_454 = tpu.vector_load %arg8[%swap3A_452, %swap3A_453] {strides = array<i32>} : memref<20x1024xf32, #tpu.memory_space<vmem>>, vector<1x16xf32>,
    %swap3A_455 = vector.shape_cast %swap3A_454 : vector<1x16xf32> to vector<16xf32>
    %swap3A_456 = vector.shape_cast %broadcast_in_dim3A_1 : vector<16xf32> to vector<1x16xf32>
    tpu.vector_store %arg8[%swap3A_452, %swap3A_453], %swap3A_456 {strides = array<i32>} : memref<20x1024xf32, #tpu.memory_space<vmem>>, vector<1x16xf32>,
    %swap3A_457 = arith.constant 5 : i32
    %swap3A_458 = arith.index_cast %swap3A_457 : i32 to index
    %swap3A_459 = arith.constant 896 : index
    %swap3A_460 = tpu.vector_load %arg8[%swap3A_458, %swap3A_459] {strides = array<i32>} : memref<20x1024xf32, #tpu.memory_space<vmem>>, vector<1x16xf32>,
    %swap3A_461 = vector.shape_cast %swap3A_460 : vector<1x16xf32> to vector<16xf32>
    %swap3A_462 = vector.shape_cast %broadcast_in_dim3A_1 : vector<16xf32> to vector<1x16xf32>
    tpu.vector_store %arg8[%swap3A_458, %swap3A_459], %swap3A_462 {strides = array<i32>} : memref<20x1024xf32, #tpu.memory_space<vmem>>, vector<1x16xf32>,
    %swap3A_463 = arith.constant 5 : i32
    %swap3A_464 = arith.index_cast %swap3A_463 : i32 to index
    %swap3A_465 = arith.constant 912 : index
    %swap3A_466 = tpu.vector_load %arg8[%swap3A_464, %swap3A_465] {strides = array<i32>} : memref<20x1024xf32, #tpu.memory_space<vmem>>, vector<1x16xf32>,
    %swap3A_467 = vector.shape_cast %swap3A_466 : vector<1x16xf32> to vector<16xf32>
    %swap3A_468 = vector.shape_cast %broadcast_in_dim3A_1 : vector<16xf32> to vector<1x16xf32>
    tpu.vector_store %arg8[%swap3A_464, %swap3A_465], %swap3A_468 {strides = array<i32>} : memref<20x1024xf32, #tpu.memory_space<vmem>>, vector<1x16xf32>,
    %swap3A_469 = arith.constant 5 : i32
    %swap3A_470 = arith.index_cast %swap3A_469 : i32 to index
    %swap3A_471 = arith.constant 928 : index
    %swap3A_472 = tpu.vector_load %arg8[%swap3A_470, %swap3A_471] {strides = array<i32>} : memref<20x1024xf32, #tpu.memory_space<vmem>>, vector<1x16xf32>,
    %swap3A_473 = vector.shape_cast %swap3A_472 : vector<1x16xf32> to vector<16xf32>
    %swap3A_474 = vector.shape_cast %broadcast_in_dim3A_1 : vector<16xf32> to vector<1x16xf32>
    tpu.vector_store %arg8[%swap3A_470, %swap3A_471], %swap3A_474 {strides = array<i32>} : memref<20x1024xf32, #tpu.memory_space<vmem>>, vector<1x16xf32>,
    %swap3A_475 = arith.constant 5 : i32
    %swap3A_476 = arith.index_cast %swap3A_475 : i32 to index
    %swap3A_477 = arith.constant 944 : index
    %swap3A_478 = tpu.vector_load %arg8[%swap3A_476, %swap3A_477] {strides = array<i32>} : memref<20x1024xf32, #tpu.memory_space<vmem>>, vector<1x16xf32>,
    %swap3A_479 = vector.shape_cast %swap3A_478 : vector<1x16xf32> to vector<16xf32>
    %swap3A_480 = vector.shape_cast %broadcast_in_dim3A_1 : vector<16xf32> to vector<1x16xf32>
    tpu.vector_store %arg8[%swap3A_476, %swap3A_477], %swap3A_480 {strides = array<i32>} : memref<20x1024xf32, #tpu.memory_space<vmem>>, vector<1x16xf32>,
    %swap3A_481 = arith.constant 5 : i32
    %swap3A_482 = arith.index_cast %swap3A_481 : i32 to index
    %swap3A_483 = arith.constant 960 : index
    %swap3A_484 = tpu.vector_load %arg8[%swap3A_482, %swap3A_483] {strides = array<i32>} : memref<20x1024xf32, #tpu.memory_space<vmem>>, vector<1x16xf32>,
    %swap3A_485 = vector.shape_cast %swap3A_484 : vector<1x16xf32> to vector<16xf32>
    %swap3A_486 = vector.shape_cast %broadcast_in_dim3A_1 : vector<16xf32> to vector<1x16xf32>
    tpu.vector_store %arg8[%swap3A_482, %swap3A_483], %swap3A_486 {strides = array<i32>} : memref<20x1024xf32, #tpu.memory_space<vmem>>, vector<1x16xf32>,
    %swap3A_487 = arith.constant 5 : i32
    %swap3A_488 = arith.index_cast %swap3A_487 : i32 to index
    %swap3A_489 = arith.constant 976 : index
    %swap3A_490 = tpu.vector_load %arg8[%swap3A_488, %swap3A_489] {strides = array<i32>} : memref<20x1024xf32, #tpu.memory_space<vmem>>, vector<1x16xf32>,
    %swap3A_491 = vector.shape_cast %swap3A_490 : vector<1x16xf32> to vector<16xf32>
    %swap3A_492 = vector.shape_cast %broadcast_in_dim3A_1 : vector<16xf32> to vector<1x16xf32>
    tpu.vector_store %arg8[%swap3A_488, %swap3A_489], %swap3A_492 {strides = array<i32>} : memref<20x1024xf32, #tpu.memory_space<vmem>>, vector<1x16xf32>,
    %swap3A_493 = arith.constant 5 : i32
    %swap3A_494 = arith.index_cast %swap3A_493 : i32 to index
    %swap3A_495 = arith.constant 992 : index
    %swap3A_496 = tpu.vector_load %arg8[%swap3A_494, %swap3A_495] {strides = array<i32>} : memref<20x1024xf32, #tpu.memory_space<vmem>>, vector<1x16xf32>,
    %swap3A_497 = vector.shape_cast %swap3A_496 : vector<1x16xf32> to vector<16xf32>
    %swap3A_498 = vector.shape_cast %broadcast_in_dim3A_1 : vector<16xf32> to vector<1x16xf32>
    tpu.vector_store %arg8[%swap3A_494, %swap3A_495], %swap3A_498 {strides = array<i32>} : memref<20x1024xf32, #tpu.memory_space<vmem>>, vector<1x16xf32>,
    %swap3A_499 = arith.constant 5 : i32
    %swap3A_500 = arith.index_cast %swap3A_499 : i32 to index
    %swap3A_501 = arith.constant 1008 : index
    %swap3A_502 = tpu.vector_load %arg8[%swap3A_500, %swap3A_501] {strides = array<i32>} : memref<20x1024xf32, #tpu.memory_space<vmem>>, vector<1x16xf32>,
    %swap3A_503 = vector.shape_cast %swap3A_502 : vector<1x16xf32> to vector<16xf32>
    %swap3A_504 = vector.shape_cast %broadcast_in_dim3A_1 : vector<16xf32> to vector<1x16xf32>
    tpu.vector_store %arg8[%swap3A_500, %swap3A_501], %swap3A_504 {strides = array<i32>} : memref<20x1024xf32, #tpu.memory_space<vmem>>, vector<1x16xf32>,
    %swap3A_505 = arith.constant 6 : i32
    %swap3A_506 = arith.index_cast %swap3A_505 : i32 to index
    %swap3A_507 = arith.constant 800 : index
    %swap3A_508 = tpu.vector_load %arg8[%swap3A_506, %swap3A_507] {strides = array<i32>} : memref<20x1024xf32, #tpu.memory_space<vmem>>, vector<1x16xf32>,
    %swap3A_509 = vector.shape_cast %swap3A_508 : vector<1x16xf32> to vector<16xf32>
    %swap3A_510 = vector.shape_cast %broadcast_in_dim3A_1 : vector<16xf32> to vector<1x16xf32>
    tpu.vector_store %arg8[%swap3A_506, %swap3A_507], %swap3A_510 {strides = array<i32>} : memref<20x1024xf32, #tpu.memory_space<vmem>>, vector<1x16xf32>,
    %swap3A_511 = arith.constant 6 : i32
    %swap3A_512 = arith.index_cast %swap3A_511 : i32 to index
    %swap3A_513 = arith.constant 816 : index
    %swap3A_514 = tpu.vector_load %arg8[%swap3A_512, %swap3A_513] {strides = array<i32>} : memref<20x1024xf32, #tpu.memory_space<vmem>>, vector<1x16xf32>,
    %swap3A_515 = vector.shape_cast %swap3A_514 : vector<1x16xf32> to vector<16xf32>
    %swap3A_516 = vector.shape_cast %broadcast_in_dim3A_1 : vector<16xf32> to vector<1x16xf32>
    tpu.vector_store %arg8[%swap3A_512, %swap3A_513], %swap3A_516 {strides = array<i32>} : memref<20x1024xf32, #tpu.memory_space<vmem>>, vector<1x16xf32>,
    %swap3A_517 = arith.constant 6 : i32
    %swap3A_518 = arith.index_cast %swap3A_517 : i32 to index
    %swap3A_519 = arith.constant 832 : index
    %swap3A_520 = tpu.vector_load %arg8[%swap3A_518, %swap3A_519] {strides = array<i32>} : memref<20x1024xf32, #tpu.memory_space<vmem>>, vector<1x16xf32>,
    %swap3A_521 = vector.shape_cast %swap3A_520 : vector<1x16xf32> to vector<16xf32>
    %swap3A_522 = vector.shape_cast %broadcast_in_dim3A_1 : vector<16xf32> to vector<1x16xf32>
    tpu.vector_store %arg8[%swap3A_518, %swap3A_519], %swap3A_522 {strides = array<i32>} : memref<20x1024xf32, #tpu.memory_space<vmem>>, vector<1x16xf32>,
    %swap3A_523 = arith.constant 6 : i32
    %swap3A_524 = arith.index_cast %swap3A_523 : i32 to index
    %swap3A_525 = arith.constant 848 : index
    %swap3A_526 = tpu.vector_load %arg8[%swap3A_524, %swap3A_525] {strides = array<i32>} : memref<20x1024xf32, #tpu.memory_space<vmem>>, vector<1x16xf32>,
    %swap3A_527 = vector.shape_cast %swap3A_526 : vector<1x16xf32> to vector<16xf32>
    %swap3A_528 = vector.shape_cast %broadcast_in_dim3A_1 : vector<16xf32> to vector<1x16xf32>
    tpu.vector_store %arg8[%swap3A_524, %swap3A_525], %swap3A_528 {strides = array<i32>} : memref<20x1024xf32, #tpu.memory_space<vmem>>, vector<1x16xf32>,
    %swap3A_529 = arith.constant 6 : i32
    %swap3A_530 = arith.index_cast %swap3A_529 : i32 to index
    %swap3A_531 = arith.constant 864 : index
    %swap3A_532 = tpu.vector_load %arg8[%swap3A_530, %swap3A_531] {strides = array<i32>} : memref<20x1024xf32, #tpu.memory_space<vmem>>, vector<1x16xf32>,
    %swap3A_533 = vector.shape_cast %swap3A_532 : vector<1x16xf32> to vector<16xf32>
    %swap3A_534 = vector.shape_cast %broadcast_in_dim3A_1 : vector<16xf32> to vector<1x16xf32>
    tpu.vector_store %arg8[%swap3A_530, %swap3A_531], %swap3A_534 {strides = array<i32>} : memref<20x1024xf32, #tpu.memory_space<vmem>>, vector<1x16xf32>,
    %swap3A_535 = arith.constant 6 : i32
    %swap3A_536 = arith.index_cast %swap3A_535 : i32 to index
    %swap3A_537 = arith.constant 880 : index
    %swap3A_538 = tpu.vector_load %arg8[%swap3A_536, %swap3A_537] {strides = array<i32>} : memref<20x1024xf32, #tpu.memory_space<vmem>>, vector<1x16xf32>,
    %swap3A_539 = vector.shape_cast %swap3A_538 : vector<1x16xf32> to vector<16xf32>
    %swap3A_540 = vector.shape_cast %broadcast_in_dim3A_1 : vector<16xf32> to vector<1x16xf32>
    tpu.vector_store %arg8[%swap3A_536, %swap3A_537], %swap3A_540 {strides = array<i32>} : memref<20x1024xf32, #tpu.memory_space<vmem>>, vector<1x16xf32>,
    %swap3A_541 = arith.constant 6 : i32
    %swap3A_542 = arith.index_cast %swap3A_541 : i32 to index
    %swap3A_543 = arith.constant 896 : index
    %swap3A_544 = tpu.vector_load %arg8[%swap3A_542, %swap3A_543] {strides = array<i32>} : memref<20x1024xf32, #tpu.memory_space<vmem>>, vector<1x16xf32>,
    %swap3A_545 = vector.shape_cast %swap3A_544 : vector<1x16xf32> to vector<16xf32>
    %swap3A_546 = vector.shape_cast %broadcast_in_dim3A_1 : vector<16xf32> to vector<1x16xf32>
    tpu.vector_store %arg8[%swap3A_542, %swap3A_543], %swap3A_546 {strides = array<i32>} : memref<20x1024xf32, #tpu.memory_space<vmem>>, vector<1x16xf32>,
    %swap3A_547 = arith.constant 6 : i32
    %swap3A_548 = arith.index_cast %swap3A_547 : i32 to index
    %swap3A_549 = arith.constant 912 : index
    %swap3A_550 = tpu.vector_load %arg8[%swap3A_548, %swap3A_549] {strides = array<i32>} : memref<20x1024xf32, #tpu.memory_space<vmem>>, vector<1x16xf32>,
    %swap3A_551 = vector.shape_cast %swap3A_550 : vector<1x16xf32> to vector<16xf32>
    %swap3A_552 = vector.shape_cast %broadcast_in_dim3A_1 : vector<16xf32> to vector<1x16xf32>
    tpu.vector_store %arg8[%swap3A_548, %swap3A_549], %swap3A_552 {strides = array<i32>} : memref<20x1024xf32, #tpu.memory_space<vmem>>, vector<1x16xf32>,
    %swap3A_553 = arith.constant 6 : i32
    %swap3A_554 = arith.index_cast %swap3A_553 : i32 to index
    %swap3A_555 = arith.constant 928 : index
    %swap3A_556 = tpu.vector_load %arg8[%swap3A_554, %swap3A_555] {strides = array<i32>} : memref<20x1024xf32, #tpu.memory_space<vmem>>, vector<1x16xf32>,
    %swap3A_557 = vector.shape_cast %swap3A_556 : vector<1x16xf32> to vector<16xf32>
    %swap3A_558 = vector.shape_cast %broadcast_in_dim3A_1 : vector<16xf32> to vector<1x16xf32>
    tpu.vector_store %arg8[%swap3A_554, %swap3A_555], %swap3A_558 {strides = array<i32>} : memref<20x1024xf32, #tpu.memory_space<vmem>>, vector<1x16xf32>,
    %swap3A_559 = arith.constant 6 : i32
    %swap3A_560 = arith.index_cast %swap3A_559 : i32 to index
    %swap3A_561 = arith.constant 944 : index
    %swap3A_562 = tpu.vector_load %arg8[%swap3A_560, %swap3A_561] {strides = array<i32>} : memref<20x1024xf32, #tpu.memory_space<vmem>>, vector<1x16xf32>,
    %swap3A_563 = vector.shape_cast %swap3A_562 : vector<1x16xf32> to vector<16xf32>
    %swap3A_564 = vector.shape_cast %broadcast_in_dim3A_1 : vector<16xf32> to vector<1x16xf32>
    tpu.vector_store %arg8[%swap3A_560, %swap3A_561], %swap3A_564 {strides = array<i32>} : memref<20x1024xf32, #tpu.memory_space<vmem>>, vector<1x16xf32>,
    %swap3A_565 = arith.constant 6 : i32
    %swap3A_566 = arith.index_cast %swap3A_565 : i32 to index
    %swap3A_567 = arith.constant 960 : index
    %swap3A_568 = tpu.vector_load %arg8[%swap3A_566, %swap3A_567] {strides = array<i32>} : memref<20x1024xf32, #tpu.memory_space<vmem>>, vector<1x16xf32>,
    %swap3A_569 = vector.shape_cast %swap3A_568 : vector<1x16xf32> to vector<16xf32>
    %swap3A_570 = vector.shape_cast %broadcast_in_dim3A_1 : vector<16xf32> to vector<1x16xf32>
    tpu.vector_store %arg8[%swap3A_566, %swap3A_567], %swap3A_570 {strides = array<i32>} : memref<20x1024xf32, #tpu.memory_space<vmem>>, vector<1x16xf32>,
    %swap3A_571 = arith.constant 6 : i32
    %swap3A_572 = arith.index_cast %swap3A_571 : i32 to index
    %swap3A_573 = arith.constant 976 : index
    %swap3A_574 = tpu.vector_load %arg8[%swap3A_572, %swap3A_573] {strides = array<i32>} : memref<20x1024xf32, #tpu.memory_space<vmem>>, vector<1x16xf32>,
    %swap3A_575 = vector.shape_cast %swap3A_574 : vector<1x16xf32> to vector<16xf32>
    %swap3A_576 = vector.shape_cast %broadcast_in_dim3A_1 : vector<16xf32> to vector<1x16xf32>
    tpu.vector_store %arg8[%swap3A_572, %swap3A_573], %swap3A_576 {strides = array<i32>} : memref<20x1024xf32, #tpu.memory_space<vmem>>, vector<1x16xf32>,
    %swap3A_577 = arith.constant 6 : i32
    %swap3A_578 = arith.index_cast %swap3A_577 : i32 to index
    %swap3A_579 = arith.constant 992 : index
    %swap3A_580 = tpu.vector_load %arg8[%swap3A_578, %swap3A_579] {strides = array<i32>} : memref<20x1024xf32, #tpu.memory_space<vmem>>, vector<1x16xf32>,
    %swap3A_581 = vector.shape_cast %swap3A_580 : vector<1x16xf32> to vector<16xf32>
    %swap3A_582 = vector.shape_cast %broadcast_in_dim3A_1 : vector<16xf32> to vector<1x16xf32>
    tpu.vector_store %arg8[%swap3A_578, %swap3A_579], %swap3A_582 {strides = array<i32>} : memref<20x1024xf32, #tpu.memory_space<vmem>>, vector<1x16xf32>,
    %swap3A_583 = arith.constant 6 : i32
    %swap3A_584 = arith.index_cast %swap3A_583 : i32 to index
    %swap3A_585 = arith.constant 1008 : index
    %swap3A_586 = tpu.vector_load %arg8[%swap3A_584, %swap3A_585] {strides = array<i32>} : memref<20x1024xf32, #tpu.memory_space<vmem>>, vector<1x16xf32>,
    %swap3A_587 = vector.shape_cast %swap3A_586 : vector<1x16xf32> to vector<16xf32>
    %swap3A_588 = vector.shape_cast %broadcast_in_dim3A_1 : vector<16xf32> to vector<1x16xf32>
    tpu.vector_store %arg8[%swap3A_584, %swap3A_585], %swap3A_588 {strides = array<i32>} : memref<20x1024xf32, #tpu.memory_space<vmem>>, vector<1x16xf32>,
    %swap3A_589 = arith.constant 7 : i32
    %swap3A_590 = arith.index_cast %swap3A_589 : i32 to index
    %swap3A_591 = arith.constant 800 : index
    %swap3A_592 = tpu.vector_load %arg8[%swap3A_590, %swap3A_591] {strides = array<i32>} : memref<20x1024xf32, #tpu.memory_space<vmem>>, vector<1x16xf32>,
    %swap3A_593 = vector.shape_cast %swap3A_592 : vector<1x16xf32> to vector<16xf32>
    %swap3A_594 = vector.shape_cast %broadcast_in_dim3A_1 : vector<16xf32> to vector<1x16xf32>
    tpu.vector_store %arg8[%swap3A_590, %swap3A_591], %swap3A_594 {strides = array<i32>} : memref<20x1024xf32, #tpu.memory_space<vmem>>, vector<1x16xf32>,
    %swap3A_595 = arith.constant 7 : i32
    %swap3A_596 = arith.index_cast %swap3A_595 : i32 to index
    %swap3A_597 = arith.constant 816 : index
    %swap3A_598 = tpu.vector_load %arg8[%swap3A_596, %swap3A_597] {strides = array<i32>} : memref<20x1024xf32, #tpu.memory_space<vmem>>, vector<1x16xf32>,
    %swap3A_599 = vector.shape_cast %swap3A_598 : vector<1x16xf32> to vector<16xf32>
    %swap3A_600 = vector.shape_cast %broadcast_in_dim3A_1 : vector<16xf32> to vector<1x16xf32>
    tpu.vector_store %arg8[%swap3A_596, %swap3A_597], %swap3A_600 {strides = array<i32>} : memref<20x1024xf32, #tpu.memory_space<vmem>>, vector<1x16xf32>,
    %swap3A_601 = arith.constant 7 : i32
    %swap3A_602 = arith.index_cast %swap3A_601 : i32 to index
    %swap3A_603 = arith.constant 832 : index
    %swap3A_604 = tpu.vector_load %arg8[%swap3A_602, %swap3A_603] {strides = array<i32>} : memref<20x1024xf32, #tpu.memory_space<vmem>>, vector<1x16xf32>,
    %swap3A_605 = vector.shape_cast %swap3A_604 : vector<1x16xf32> to vector<16xf32>
    %swap3A_606 = vector.shape_cast %broadcast_in_dim3A_1 : vector<16xf32> to vector<1x16xf32>
    tpu.vector_store %arg8[%swap3A_602, %swap3A_603], %swap3A_606 {strides = array<i32>} : memref<20x1024xf32, #tpu.memory_space<vmem>>, vector<1x16xf32>,
    %swap3A_607 = arith.constant 7 : i32
    %swap3A_608 = arith.index_cast %swap3A_607 : i32 to index
    %swap3A_609 = arith.constant 848 : index
    %swap3A_610 = tpu.vector_load %arg8[%swap3A_608, %swap3A_609] {strides = array<i32>} : memref<20x1024xf32, #tpu.memory_space<vmem>>, vector<1x16xf32>,
    %swap3A_611 = vector.shape_cast %swap3A_610 : vector<1x16xf32> to vector<16xf32>
    %swap3A_612 = vector.shape_cast %broadcast_in_dim3A_1 : vector<16xf32> to vector<1x16xf32>
    tpu.vector_store %arg8[%swap3A_608, %swap3A_609], %swap3A_612 {strides = array<i32>} : memref<20x1024xf32, #tpu.memory_space<vmem>>, vector<1x16xf32>,
    %swap3A_613 = arith.constant 7 : i32
    %swap3A_614 = arith.index_cast %swap3A_613 : i32 to index
    %swap3A_615 = arith.constant 864 : index
    %swap3A_616 = tpu.vector_load %arg8[%swap3A_614, %swap3A_615] {strides = array<i32>} : memref<20x1024xf32, #tpu.memory_space<vmem>>, vector<1x16xf32>,
    %swap3A_617 = vector.shape_cast %swap3A_616 : vector<1x16xf32> to vector<16xf32>
    %swap3A_618 = vector.shape_cast %broadcast_in_dim3A_1 : vector<16xf32> to vector<1x16xf32>
    tpu.vector_store %arg8[%swap3A_614, %swap3A_615], %swap3A_618 {strides = array<i32>} : memref<20x1024xf32, #tpu.memory_space<vmem>>, vector<1x16xf32>,
    %swap3A_619 = arith.constant 7 : i32
    %swap3A_620 = arith.index_cast %swap3A_619 : i32 to index
    %swap3A_621 = arith.constant 880 : index
    %swap3A_622 = tpu.vector_load %arg8[%swap3A_620, %swap3A_621] {strides = array<i32>} : memref<20x1024xf32, #tpu.memory_space<vmem>>, vector<1x16xf32>,
    %swap3A_623 = vector.shape_cast %swap3A_622 : vector<1x16xf32> to vector<16xf32>
    %swap3A_624 = vector.shape_cast %broadcast_in_dim3A_1 : vector<16xf32> to vector<1x16xf32>
    tpu.vector_store %arg8[%swap3A_620, %swap3A_621], %swap3A_624 {strides = array<i32>} : memref<20x1024xf32, #tpu.memory_space<vmem>>, vector<1x16xf32>,
    %swap3A_625 = arith.constant 7 : i32
    %swap3A_626 = arith.index_cast %swap3A_625 : i32 to index
    %swap3A_627 = arith.constant 896 : index
    %swap3A_628 = tpu.vector_load %arg8[%swap3A_626, %swap3A_627] {strides = array<i32>} : memref<20x1024xf32, #tpu.memory_space<vmem>>, vector<1x16xf32>,
    %swap3A_629 = vector.shape_cast %swap3A_628 : vector<1x16xf32> to vector<16xf32>
    %swap3A_630 = vector.shape_cast %broadcast_in_dim3A_1 : vector<16xf32> to vector<1x16xf32>
    tpu.vector_store %arg8[%swap3A_626, %swap3A_627], %swap3A_630 {strides = array<i32>} : memref<20x1024xf32, #tpu.memory_space<vmem>>, vector<1x16xf32>,
    %swap3A_631 = arith.constant 7 : i32
    %swap3A_632 = arith.index_cast %swap3A_631 : i32 to index
    %swap3A_633 = arith.constant 912 : index
    %swap3A_634 = tpu.vector_load %arg8[%swap3A_632, %swap3A_633] {strides = array<i32>} : memref<20x1024xf32, #tpu.memory_space<vmem>>, vector<1x16xf32>,
    %swap3A_635 = vector.shape_cast %swap3A_634 : vector<1x16xf32> to vector<16xf32>
    %swap3A_636 = vector.shape_cast %broadcast_in_dim3A_1 : vector<16xf32> to vector<1x16xf32>
    tpu.vector_store %arg8[%swap3A_632, %swap3A_633], %swap3A_636 {strides = array<i32>} : memref<20x1024xf32, #tpu.memory_space<vmem>>, vector<1x16xf32>,
    %swap3A_637 = arith.constant 7 : i32
    %swap3A_638 = arith.index_cast %swap3A_637 : i32 to index
    %swap3A_639 = arith.constant 928 : index
    %swap3A_640 = tpu.vector_load %arg8[%swap3A_638, %swap3A_639] {strides = array<i32>} : memref<20x1024xf32, #tpu.memory_space<vmem>>, vector<1x16xf32>,
    %swap3A_641 = vector.shape_cast %swap3A_640 : vector<1x16xf32> to vector<16xf32>
    %swap3A_642 = vector.shape_cast %broadcast_in_dim3A_1 : vector<16xf32> to vector<1x16xf32>
    tpu.vector_store %arg8[%swap3A_638, %swap3A_639], %swap3A_642 {strides = array<i32>} : memref<20x1024xf32, #tpu.memory_space<vmem>>, vector<1x16xf32>,
    %swap3A_643 = arith.constant 7 : i32
    %swap3A_644 = arith.index_cast %swap3A_643 : i32 to index
    %swap3A_645 = arith.constant 944 : index
    %swap3A_646 = tpu.vector_load %arg8[%swap3A_644, %swap3A_645] {strides = array<i32>} : memref<20x1024xf32, #tpu.memory_space<vmem>>, vector<1x16xf32>,
    %swap3A_647 = vector.shape_cast %swap3A_646 : vector<1x16xf32> to vector<16xf32>
    %swap3A_648 = vector.shape_cast %broadcast_in_dim3A_1 : vector<16xf32> to vector<1x16xf32>
    tpu.vector_store %arg8[%swap3A_644, %swap3A_645], %swap3A_648 {strides = array<i32>} : memref<20x1024xf32, #tpu.memory_space<vmem>>, vector<1x16xf32>,
    %swap3A_649 = arith.constant 7 : i32
    %swap3A_650 = arith.index_cast %swap3A_649 : i32 to index
    %swap3A_651 = arith.constant 960 : index
    %swap3A_652 = tpu.vector_load %arg8[%swap3A_650, %swap3A_651] {strides = array<i32>} : memref<20x1024xf32, #tpu.memory_space<vmem>>, vector<1x16xf32>,
    %swap3A_653 = vector.shape_cast %swap3A_652 : vector<1x16xf32> to vector<16xf32>
    %swap3A_654 = vector.shape_cast %broadcast_in_dim3A_1 : vector<16xf32> to vector<1x16xf32>
    tpu.vector_store %arg8[%swap3A_650, %swap3A_651], %swap3A_654 {strides = array<i32>} : memref<20x1024xf32, #tpu.memory_space<vmem>>, vector<1x16xf32>,
    %swap3A_655 = arith.constant 7 : i32
    %swap3A_656 = arith.index_cast %swap3A_655 : i32 to index
    %swap3A_657 = arith.constant 976 : index
    %swap3A_658 = tpu.vector_load %arg8[%swap3A_656, %swap3A_657] {strides = array<i32>} : memref<20x1024xf32, #tpu.memory_space<vmem>>, vector<1x16xf32>,
    %swap3A_659 = vector.shape_cast %swap3A_658 : vector<1x16xf32> to vector<16xf32>
    %swap3A_660 = vector.shape_cast %broadcast_in_dim3A_1 : vector<16xf32> to vector<1x16xf32>
    tpu.vector_store %arg8[%swap3A_656, %swap3A_657], %swap3A_660 {strides = array<i32>} : memref<20x1024xf32, #tpu.memory_space<vmem>>, vector<1x16xf32>,
    %swap3A_661 = arith.constant 7 : i32
    %swap3A_662 = arith.index_cast %swap3A_661 : i32 to index
    %swap3A_663 = arith.constant 992 : index
    %swap3A_664 = tpu.vector_load %arg8[%swap3A_662, %swap3A_663] {strides = array<i32>} : memref<20x1024xf32, #tpu.memory_space<vmem>>, vector<1x16xf32>,
    %swap3A_665 = vector.shape_cast %swap3A_664 : vector<1x16xf32> to vector<16xf32>
    %swap3A_666 = vector.shape_cast %broadcast_in_dim3A_1 : vector<16xf32> to vector<1x16xf32>
    tpu.vector_store %arg8[%swap3A_662, %swap3A_663], %swap3A_666 {strides = array<i32>} : memref<20x1024xf32, #tpu.memory_space<vmem>>, vector<1x16xf32>,
    %swap3A_667 = arith.constant 7 : i32
    %swap3A_668 = arith.index_cast %swap3A_667 : i32 to index
    %swap3A_669 = arith.constant 1008 : index
    %swap3A_670 = tpu.vector_load %arg8[%swap3A_668, %swap3A_669] {strides = array<i32>} : memref<20x1024xf32, #tpu.memory_space<vmem>>, vector<1x16xf32>,
    %swap3A_671 = vector.shape_cast %swap3A_670 : vector<1x16xf32> to vector<16xf32>
    %swap3A_672 = vector.shape_cast %broadcast_in_dim3A_1 : vector<16xf32> to vector<1x16xf32>
    tpu.vector_store %arg8[%swap3A_668, %swap3A_669], %swap3A_672 {strides = array<i32>} : memref<20x1024xf32, #tpu.memory_space<vmem>>, vector<1x16xf32>,
    %swap3A_673 = arith.constant 8 : i32
    %swap3A_674 = arith.index_cast %swap3A_673 : i32 to index
    %swap3A_675 = arith.constant 800 : index
    %swap3A_676 = tpu.vector_load %arg8[%swap3A_674, %swap3A_675] {strides = array<i32>} : memref<20x1024xf32, #tpu.memory_space<vmem>>, vector<1x16xf32>,
    %swap3A_677 = vector.shape_cast %swap3A_676 : vector<1x16xf32> to vector<16xf32>
    %swap3A_678 = vector.shape_cast %broadcast_in_dim3A_1 : vector<16xf32> to vector<1x16xf32>
    tpu.vector_store %arg8[%swap3A_674, %swap3A_675], %swap3A_678 {strides = array<i32>} : memref<20x1024xf32, #tpu.memory_space<vmem>>, vector<1x16xf32>,
    %swap3A_679 = arith.constant 8 : i32
    %swap3A_680 = arith.index_cast %swap3A_679 : i32 to index
    %swap3A_681 = arith.constant 816 : index
    %swap3A_682 = tpu.vector_load %arg8[%swap3A_680, %swap3A_681] {strides = array<i32>} : memref<20x1024xf32, #tpu.memory_space<vmem>>, vector<1x16xf32>,
    %swap3A_683 = vector.shape_cast %swap3A_682 : vector<1x16xf32> to vector<16xf32>
    %swap3A_684 = vector.shape_cast %broadcast_in_dim3A_1 : vector<16xf32> to vector<1x16xf32>
    tpu.vector_store %arg8[%swap3A_680, %swap3A_681], %swap3A_684 {strides = array<i32>} : memref<20x1024xf32, #tpu.memory_space<vmem>>, vector<1x16xf32>,
    %swap3A_685 = arith.constant 8 : i32
    %swap3A_686 = arith.index_cast %swap3A_685 : i32 to index
    %swap3A_687 = arith.constant 832 : index
    %swap3A_688 = tpu.vector_load %arg8[%swap3A_686, %swap3A_687] {strides = array<i32>} : memref<20x1024xf32, #tpu.memory_space<vmem>>, vector<1x16xf32>,
    %swap3A_689 = vector.shape_cast %swap3A_688 : vector<1x16xf32> to vector<16xf32>
    %swap3A_690 = vector.shape_cast %broadcast_in_dim3A_1 : vector<16xf32> to vector<1x16xf32>
    tpu.vector_store %arg8[%swap3A_686, %swap3A_687], %swap3A_690 {strides = array<i32>} : memref<20x1024xf32, #tpu.memory_space<vmem>>, vector<1x16xf32>,
    %swap3A_691 = arith.constant 8 : i32
    %swap3A_692 = arith.index_cast %swap3A_691 : i32 to index
    %swap3A_693 = arith.constant 848 : index
    %swap3A_694 = tpu.vector_load %arg8[%swap3A_692, %swap3A_693] {strides = array<i32>} : memref<20x1024xf32, #tpu.memory_space<vmem>>, vector<1x16xf32>,
    %swap3A_695 = vector.shape_cast %swap3A_694 : vector<1x16xf32> to vector<16xf32>
    %swap3A_696 = vector.shape_cast %broadcast_in_dim3A_1 : vector<16xf32> to vector<1x16xf32>
    tpu.vector_store %arg8[%swap3A_692, %swap3A_693], %swap3A_696 {strides = array<i32>} : memref<20x1024xf32, #tpu.memory_space<vmem>>, vector<1x16xf32>,
    %swap3A_697 = arith.constant 8 : i32
    %swap3A_698 = arith.index_cast %swap3A_697 : i32 to index
    %swap3A_699 = arith.constant 864 : index
    %swap3A_700 = tpu.vector_load %arg8[%swap3A_698, %swap3A_699] {strides = array<i32>} : memref<20x1024xf32, #tpu.memory_space<vmem>>, vector<1x16xf32>,
    %swap3A_701 = vector.shape_cast %swap3A_700 : vector<1x16xf32> to vector<16xf32>
    %swap3A_702 = vector.shape_cast %broadcast_in_dim3A_1 : vector<16xf32> to vector<1x16xf32>
    tpu.vector_store %arg8[%swap3A_698, %swap3A_699], %swap3A_702 {strides = array<i32>} : memref<20x1024xf32, #tpu.memory_space<vmem>>, vector<1x16xf32>,
    %swap3A_703 = arith.constant 8 : i32
    %swap3A_704 = arith.index_cast %swap3A_703 : i32 to index
    %swap3A_705 = arith.constant 880 : index
    %swap3A_706 = tpu.vector_load %arg8[%swap3A_704, %swap3A_705] {strides = array<i32>} : memref<20x1024xf32, #tpu.memory_space<vmem>>, vector<1x16xf32>,
    %swap3A_707 = vector.shape_cast %swap3A_706 : vector<1x16xf32> to vector<16xf32>
    %swap3A_708 = vector.shape_cast %broadcast_in_dim3A_1 : vector<16xf32> to vector<1x16xf32>
    tpu.vector_store %arg8[%swap3A_704, %swap3A_705], %swap3A_708 {strides = array<i32>} : memref<20x1024xf32, #tpu.memory_space<vmem>>, vector<1x16xf32>,
    %swap3A_709 = arith.constant 8 : i32
    %swap3A_710 = arith.index_cast %swap3A_709 : i32 to index
    %swap3A_711 = arith.constant 896 : index
    %swap3A_712 = tpu.vector_load %arg8[%swap3A_710, %swap3A_711] {strides = array<i32>} : memref<20x1024xf32, #tpu.memory_space<vmem>>, vector<1x16xf32>,
    %swap3A_713 = vector.shape_cast %swap3A_712 : vector<1x16xf32> to vector<16xf32>
    %swap3A_714 = vector.shape_cast %broadcast_in_dim3A_1 : vector<16xf32> to vector<1x16xf32>
    tpu.vector_store %arg8[%swap3A_710, %swap3A_711], %swap3A_714 {strides = array<i32>} : memref<20x1024xf32, #tpu.memory_space<vmem>>, vector<1x16xf32>,
    %swap3A_715 = arith.constant 8 : i32
    %swap3A_716 = arith.index_cast %swap3A_715 : i32 to index
    %swap3A_717 = arith.constant 912 : index
    %swap3A_718 = tpu.vector_load %arg8[%swap3A_716, %swap3A_717] {strides = array<i32>} : memref<20x1024xf32, #tpu.memory_space<vmem>>, vector<1x16xf32>,
    %swap3A_719 = vector.shape_cast %swap3A_718 : vector<1x16xf32> to vector<16xf32>
    %swap3A_720 = vector.shape_cast %broadcast_in_dim3A_1 : vector<16xf32> to vector<1x16xf32>
    tpu.vector_store %arg8[%swap3A_716, %swap3A_717], %swap3A_720 {strides = array<i32>} : memref<20x1024xf32, #tpu.memory_space<vmem>>, vector<1x16xf32>,
    %swap3A_721 = arith.constant 8 : i32
    %swap3A_722 = arith.index_cast %swap3A_721 : i32 to index
    %swap3A_723 = arith.constant 928 : index
    %swap3A_724 = tpu.vector_load %arg8[%swap3A_722, %swap3A_723] {strides = array<i32>} : memref<20x1024xf32, #tpu.memory_space<vmem>>, vector<1x16xf32>,
    %swap3A_725 = vector.shape_cast %swap3A_724 : vector<1x16xf32> to vector<16xf32>
    %swap3A_726 = vector.shape_cast %broadcast_in_dim3A_1 : vector<16xf32> to vector<1x16xf32>
    tpu.vector_store %arg8[%swap3A_722, %swap3A_723], %swap3A_726 {strides = array<i32>} : memref<20x1024xf32, #tpu.memory_space<vmem>>, vector<1x16xf32>,
    %swap3A_727 = arith.constant 8 : i32
    %swap3A_728 = arith.index_cast %swap3A_727 : i32 to index
    %swap3A_729 = arith.constant 944 : index
    %swap3A_730 = tpu.vector_load %arg8[%swap3A_728, %swap3A_729] {strides = array<i32>} : memref<20x1024xf32, #tpu.memory_space<vmem>>, vector<1x16xf32>,
    %swap3A_731 = vector.shape_cast %swap3A_730 : vector<1x16xf32> to vector<16xf32>
    %swap3A_732 = vector.shape_cast %broadcast_in_dim3A_1 : vector<16xf32> to vector<1x16xf32>
    tpu.vector_store %arg8[%swap3A_728, %swap3A_729], %swap3A_732 {strides = array<i32>} : memref<20x1024xf32, #tpu.memory_space<vmem>>, vector<1x16xf32>,
    %swap3A_733 = arith.constant 8 : i32
    %swap3A_734 = arith.index_cast %swap3A_733 : i32 to index
    %swap3A_735 = arith.constant 960 : index
    %swap3A_736 = tpu.vector_load %arg8[%swap3A_734, %swap3A_735] {strides = array<i32>} : memref<20x1024xf32, #tpu.memory_space<vmem>>, vector<1x16xf32>,
    %swap3A_737 = vector.shape_cast %swap3A_736 : vector<1x16xf32> to vector<16xf32>
    %swap3A_738 = vector.shape_cast %broadcast_in_dim3A_1 : vector<16xf32> to vector<1x16xf32>
    tpu.vector_store %arg8[%swap3A_734, %swap3A_735], %swap3A_738 {strides = array<i32>} : memref<20x1024xf32, #tpu.memory_space<vmem>>, vector<1x16xf32>,
    %swap3A_739 = arith.constant 8 : i32
    %swap3A_740 = arith.index_cast %swap3A_739 : i32 to index
    %swap3A_741 = arith.constant 976 : index
    %swap3A_742 = tpu.vector_load %arg8[%swap3A_740, %swap3A_741] {strides = array<i32>} : memref<20x1024xf32, #tpu.memory_space<vmem>>, vector<1x16xf32>,
    %swap3A_743 = vector.shape_cast %swap3A_742 : vector<1x16xf32> to vector<16xf32>
    %swap3A_744 = vector.shape_cast %broadcast_in_dim3A_1 : vector<16xf32> to vector<1x16xf32>
    tpu.vector_store %arg8[%swap3A_740, %swap3A_741], %swap3A_744 {strides = array<i32>} : memref<20x1024xf32, #tpu.memory_space<vmem>>, vector<1x16xf32>,
    %swap3A_745 = arith.constant 8 : i32
    %swap3A_746 = arith.index_cast %swap3A_745 : i32 to index
    %swap3A_747 = arith.constant 992 : index
    %swap3A_748 = tpu.vector_load %arg8[%swap3A_746, %swap3A_747] {strides = array<i32>} : memref<20x1024xf32, #tpu.memory_space<vmem>>, vector<1x16xf32>,
    %swap3A_749 = vector.shape_cast %swap3A_748 : vector<1x16xf32> to vector<16xf32>
    %swap3A_750 = vector.shape_cast %broadcast_in_dim3A_1 : vector<16xf32> to vector<1x16xf32>
    tpu.vector_store %arg8[%swap3A_746, %swap3A_747], %swap3A_750 {strides = array<i32>} : memref<20x1024xf32, #tpu.memory_space<vmem>>, vector<1x16xf32>,
    %swap3A_751 = arith.constant 8 : i32
    %swap3A_752 = arith.index_cast %swap3A_751 : i32 to index
    %swap3A_753 = arith.constant 1008 : index
    %swap3A_754 = tpu.vector_load %arg8[%swap3A_752, %swap3A_753] {strides = array<i32>} : memref<20x1024xf32, #tpu.memory_space<vmem>>, vector<1x16xf32>,
    %swap3A_755 = vector.shape_cast %swap3A_754 : vector<1x16xf32> to vector<16xf32>
    %swap3A_756 = vector.shape_cast %broadcast_in_dim3A_1 : vector<16xf32> to vector<1x16xf32>
    tpu.vector_store %arg8[%swap3A_752, %swap3A_753], %swap3A_756 {strides = array<i32>} : memref<20x1024xf32, #tpu.memory_space<vmem>>, vector<1x16xf32>,
    %swap3A_757 = arith.constant 9 : i32
    %swap3A_758 = arith.index_cast %swap3A_757 : i32 to index
    %swap3A_759 = arith.constant 800 : index
    %swap3A_760 = tpu.vector_load %arg8[%swap3A_758, %swap3A_759] {strides = array<i32>} : memref<20x1024xf32, #tpu.memory_space<vmem>>, vector<1x16xf32>,
    %swap3A_761 = vector.shape_cast %swap3A_760 : vector<1x16xf32> to vector<16xf32>
    %swap3A_762 = vector.shape_cast %broadcast_in_dim3A_1 : vector<16xf32> to vector<1x16xf32>
    tpu.vector_store %arg8[%swap3A_758, %swap3A_759], %swap3A_762 {strides = array<i32>} : memref<20x1024xf32, #tpu.memory_space<vmem>>, vector<1x16xf32>,
    %swap3A_763 = arith.constant 9 : i32
    %swap3A_764 = arith.index_cast %swap3A_763 : i32 to index
    %swap3A_765 = arith.constant 816 : index
    %swap3A_766 = tpu.vector_load %arg8[%swap3A_764, %swap3A_765] {strides = array<i32>} : memref<20x1024xf32, #tpu.memory_space<vmem>>, vector<1x16xf32>,
    %swap3A_767 = vector.shape_cast %swap3A_766 : vector<1x16xf32> to vector<16xf32>
    %swap3A_768 = vector.shape_cast %broadcast_in_dim3A_1 : vector<16xf32> to vector<1x16xf32>
    tpu.vector_store %arg8[%swap3A_764, %swap3A_765], %swap3A_768 {strides = array<i32>} : memref<20x1024xf32, #tpu.memory_space<vmem>>, vector<1x16xf32>,
    %swap3A_769 = arith.constant 9 : i32
    %swap3A_770 = arith.index_cast %swap3A_769 : i32 to index
    %swap3A_771 = arith.constant 832 : index
    %swap3A_772 = tpu.vector_load %arg8[%swap3A_770, %swap3A_771] {strides = array<i32>} : memref<20x1024xf32, #tpu.memory_space<vmem>>, vector<1x16xf32>,
    %swap3A_773 = vector.shape_cast %swap3A_772 : vector<1x16xf32> to vector<16xf32>
    %swap3A_774 = vector.shape_cast %broadcast_in_dim3A_1 : vector<16xf32> to vector<1x16xf32>
    tpu.vector_store %arg8[%swap3A_770, %swap3A_771], %swap3A_774 {strides = array<i32>} : memref<20x1024xf32, #tpu.memory_space<vmem>>, vector<1x16xf32>,
    %swap3A_775 = arith.constant 9 : i32
    %swap3A_776 = arith.index_cast %swap3A_775 : i32 to index
    %swap3A_777 = arith.constant 848 : index
    %swap3A_778 = tpu.vector_load %arg8[%swap3A_776, %swap3A_777] {strides = array<i32>} : memref<20x1024xf32, #tpu.memory_space<vmem>>, vector<1x16xf32>,
    %swap3A_779 = vector.shape_cast %swap3A_778 : vector<1x16xf32> to vector<16xf32>
    %swap3A_780 = vector.shape_cast %broadcast_in_dim3A_1 : vector<16xf32> to vector<1x16xf32>
    tpu.vector_store %arg8[%swap3A_776, %swap3A_777], %swap3A_780 {strides = array<i32>} : memref<20x1024xf32, #tpu.memory_space<vmem>>, vector<1x16xf32>,
    %swap3A_781 = arith.constant 9 : i32
    %swap3A_782 = arith.index_cast %swap3A_781 : i32 to index
    %swap3A_783 = arith.constant 864 : index
    %swap3A_784 = tpu.vector_load %arg8[%swap3A_782, %swap3A_783] {strides = array<i32>} : memref<20x1024xf32, #tpu.memory_space<vmem>>, vector<1x16xf32>,
    %swap3A_785 = vector.shape_cast %swap3A_784 : vector<1x16xf32> to vector<16xf32>
    %swap3A_786 = vector.shape_cast %broadcast_in_dim3A_1 : vector<16xf32> to vector<1x16xf32>
    tpu.vector_store %arg8[%swap3A_782, %swap3A_783], %swap3A_786 {strides = array<i32>} : memref<20x1024xf32, #tpu.memory_space<vmem>>, vector<1x16xf32>,
    %swap3A_787 = arith.constant 9 : i32
    %swap3A_788 = arith.index_cast %swap3A_787 : i32 to index
    %swap3A_789 = arith.constant 880 : index
    %swap3A_790 = tpu.vector_load %arg8[%swap3A_788, %swap3A_789] {strides = array<i32>} : memref<20x1024xf32, #tpu.memory_space<vmem>>, vector<1x16xf32>,
    %swap3A_791 = vector.shape_cast %swap3A_790 : vector<1x16xf32> to vector<16xf32>
    %swap3A_792 = vector.shape_cast %broadcast_in_dim3A_1 : vector<16xf32> to vector<1x16xf32>
    tpu.vector_store %arg8[%swap3A_788, %swap3A_789], %swap3A_792 {strides = array<i32>} : memref<20x1024xf32, #tpu.memory_space<vmem>>, vector<1x16xf32>,
    %swap3A_793 = arith.constant 9 : i32
    %swap3A_794 = arith.index_cast %swap3A_793 : i32 to index
    %swap3A_795 = arith.constant 896 : index
    %swap3A_796 = tpu.vector_load %arg8[%swap3A_794, %swap3A_795] {strides = array<i32>} : memref<20x1024xf32, #tpu.memory_space<vmem>>, vector<1x16xf32>,
    %swap3A_797 = vector.shape_cast %swap3A_796 : vector<1x16xf32> to vector<16xf32>
    %swap3A_798 = vector.shape_cast %broadcast_in_dim3A_1 : vector<16xf32> to vector<1x16xf32>
    tpu.vector_store %arg8[%swap3A_794, %swap3A_795], %swap3A_798 {strides = array<i32>} : memref<20x1024xf32, #tpu.memory_space<vmem>>, vector<1x16xf32>,
    %swap3A_799 = arith.constant 9 : i32
    %swap3A_800 = arith.index_cast %swap3A_799 : i32 to index
    %swap3A_801 = arith.constant 912 : index
    %swap3A_802 = tpu.vector_load %arg8[%swap3A_800, %swap3A_801] {strides = array<i32>} : memref<20x1024xf32, #tpu.memory_space<vmem>>, vector<1x16xf32>,
    %swap3A_803 = vector.shape_cast %swap3A_802 : vector<1x16xf32> to vector<16xf32>
    %swap3A_804 = vector.shape_cast %broadcast_in_dim3A_1 : vector<16xf32> to vector<1x16xf32>
    tpu.vector_store %arg8[%swap3A_800, %swap3A_801], %swap3A_804 {strides = array<i32>} : memref<20x1024xf32, #tpu.memory_space<vmem>>, vector<1x16xf32>,
    %swap3A_805 = arith.constant 9 : i32
    %swap3A_806 = arith.index_cast %swap3A_805 : i32 to index
    %swap3A_807 = arith.constant 928 : index
    %swap3A_808 = tpu.vector_load %arg8[%swap3A_806, %swap3A_807] {strides = array<i32>} : memref<20x1024xf32, #tpu.memory_space<vmem>>, vector<1x16xf32>,
    %swap3A_809 = vector.shape_cast %swap3A_808 : vector<1x16xf32> to vector<16xf32>
    %swap3A_810 = vector.shape_cast %broadcast_in_dim3A_1 : vector<16xf32> to vector<1x16xf32>
    tpu.vector_store %arg8[%swap3A_806, %swap3A_807], %swap3A_810 {strides = array<i32>} : memref<20x1024xf32, #tpu.memory_space<vmem>>, vector<1x16xf32>,
    %swap3A_811 = arith.constant 9 : i32
    %swap3A_812 = arith.index_cast %swap3A_811 : i32 to index
    %swap3A_813 = arith.constant 944 : index
    %swap3A_814 = tpu.vector_load %arg8[%swap3A_812, %swap3A_813] {strides = array<i32>} : memref<20x1024xf32, #tpu.memory_space<vmem>>, vector<1x16xf32>,
    %swap3A_815 = vector.shape_cast %swap3A_814 : vector<1x16xf32> to vector<16xf32>
    %swap3A_816 = vector.shape_cast %broadcast_in_dim3A_1 : vector<16xf32> to vector<1x16xf32>
    tpu.vector_store %arg8[%swap3A_812, %swap3A_813], %swap3A_816 {strides = array<i32>} : memref<20x1024xf32, #tpu.memory_space<vmem>>, vector<1x16xf32>,
    %swap3A_817 = arith.constant 9 : i32
    %swap3A_818 = arith.index_cast %swap3A_817 : i32 to index
    %swap3A_819 = arith.constant 960 : index
    %swap3A_820 = tpu.vector_load %arg8[%swap3A_818, %swap3A_819] {strides = array<i32>} : memref<20x1024xf32, #tpu.memory_space<vmem>>, vector<1x16xf32>,
    %swap3A_821 = vector.shape_cast %swap3A_820 : vector<1x16xf32> to vector<16xf32>
    %swap3A_822 = vector.shape_cast %broadcast_in_dim3A_1 : vector<16xf32> to vector<1x16xf32>
    tpu.vector_store %arg8[%swap3A_818, %swap3A_819], %swap3A_822 {strides = array<i32>} : memref<20x1024xf32, #tpu.memory_space<vmem>>, vector<1x16xf32>,
    %swap3A_823 = arith.constant 9 : i32
    %swap3A_824 = arith.index_cast %swap3A_823 : i32 to index
    %swap3A_825 = arith.constant 976 : index
    %swap3A_826 = tpu.vector_load %arg8[%swap3A_824, %swap3A_825] {strides = array<i32>} : memref<20x1024xf32, #tpu.memory_space<vmem>>, vector<1x16xf32>,
    %swap3A_827 = vector.shape_cast %swap3A_826 : vector<1x16xf32> to vector<16xf32>
    %swap3A_828 = vector.shape_cast %broadcast_in_dim3A_1 : vector<16xf32> to vector<1x16xf32>
    tpu.vector_store %arg8[%swap3A_824, %swap3A_825], %swap3A_828 {strides = array<i32>} : memref<20x1024xf32, #tpu.memory_space<vmem>>, vector<1x16xf32>,
    %swap3A_829 = arith.constant 9 : i32
    %swap3A_830 = arith.index_cast %swap3A_829 : i32 to index
    %swap3A_831 = arith.constant 992 : index
    %swap3A_832 = tpu.vector_load %arg8[%swap3A_830, %swap3A_831] {strides = array<i32>} : memref<20x1024xf32, #tpu.memory_space<vmem>>, vector<1x16xf32>,
    %swap3A_833 = vector.shape_cast %swap3A_832 : vector<1x16xf32> to vector<16xf32>
    %swap3A_834 = vector.shape_cast %broadcast_in_dim3A_1 : vector<16xf32> to vector<1x16xf32>
    tpu.vector_store %arg8[%swap3A_830, %swap3A_831], %swap3A_834 {strides = array<i32>} : memref<20x1024xf32, #tpu.memory_space<vmem>>, vector<1x16xf32>,
    %swap3A_835 = arith.constant 9 : i32
    %swap3A_836 = arith.index_cast %swap3A_835 : i32 to index
    %swap3A_837 = arith.constant 1008 : index
    %swap3A_838 = tpu.vector_load %arg8[%swap3A_836, %swap3A_837] {strides = array<i32>} : memref<20x1024xf32, #tpu.memory_space<vmem>>, vector<1x16xf32>,
    %swap3A_839 = vector.shape_cast %swap3A_838 : vector<1x16xf32> to vector<16xf32>
    %swap3A_840 = vector.shape_cast %broadcast_in_dim3A_1 : vector<16xf32> to vector<1x16xf32>
    tpu.vector_store %arg8[%swap3A_836, %swap3A_837], %swap3A_840 {strides = array<i32>} : memref<20x1024xf32, #tpu.memory_space<vmem>>, vector<1x16xf32>,
    %swap3A_841 = arith.constant 10 : i32
    %swap3A_842 = arith.index_cast %swap3A_841 : i32 to index
    %swap3A_843 = arith.constant 800 : index
    %swap3A_844 = tpu.vector_load %arg8[%swap3A_842, %swap3A_843] {strides = array<i32>} : memref<20x1024xf32, #tpu.memory_space<vmem>>, vector<1x16xf32>,
    %swap3A_845 = vector.shape_cast %swap3A_844 : vector<1x16xf32> to vector<16xf32>
    %swap3A_846 = vector.shape_cast %broadcast_in_dim3A_1 : vector<16xf32> to vector<1x16xf32>
    tpu.vector_store %arg8[%swap3A_842, %swap3A_843], %swap3A_846 {strides = array<i32>} : memref<20x1024xf32, #tpu.memory_space<vmem>>, vector<1x16xf32>,
    %swap3A_847 = arith.constant 10 : i32
    %swap3A_848 = arith.index_cast %swap3A_847 : i32 to index
    %swap3A_849 = arith.constant 816 : index
    %swap3A_850 = tpu.vector_load %arg8[%swap3A_848, %swap3A_849] {strides = array<i32>} : memref<20x1024xf32, #tpu.memory_space<vmem>>, vector<1x16xf32>,
    %swap3A_851 = vector.shape_cast %swap3A_850 : vector<1x16xf32> to vector<16xf32>
    %swap3A_852 = vector.shape_cast %broadcast_in_dim3A_1 : vector<16xf32> to vector<1x16xf32>
    tpu.vector_store %arg8[%swap3A_848, %swap3A_849], %swap3A_852 {strides = array<i32>} : memref<20x1024xf32, #tpu.memory_space<vmem>>, vector<1x16xf32>,
    %swap3A_853 = arith.constant 10 : i32
    %swap3A_854 = arith.index_cast %swap3A_853 : i32 to index
    %swap3A_855 = arith.constant 832 : index
    %swap3A_856 = tpu.vector_load %arg8[%swap3A_854, %swap3A_855] {strides = array<i32>} : memref<20x1024xf32, #tpu.memory_space<vmem>>, vector<1x16xf32>,
    %swap3A_857 = vector.shape_cast %swap3A_856 : vector<1x16xf32> to vector<16xf32>
    %swap3A_858 = vector.shape_cast %broadcast_in_dim3A_1 : vector<16xf32> to vector<1x16xf32>
    tpu.vector_store %arg8[%swap3A_854, %swap3A_855], %swap3A_858 {strides = array<i32>} : memref<20x1024xf32, #tpu.memory_space<vmem>>, vector<1x16xf32>,
    %swap3A_859 = arith.constant 10 : i32
    %swap3A_860 = arith.index_cast %swap3A_859 : i32 to index
    %swap3A_861 = arith.constant 848 : index
    %swap3A_862 = tpu.vector_load %arg8[%swap3A_860, %swap3A_861] {strides = array<i32>} : memref<20x1024xf32, #tpu.memory_space<vmem>>, vector<1x16xf32>,
    %swap3A_863 = vector.shape_cast %swap3A_862 : vector<1x16xf32> to vector<16xf32>
    %swap3A_864 = vector.shape_cast %broadcast_in_dim3A_1 : vector<16xf32> to vector<1x16xf32>
    tpu.vector_store %arg8[%swap3A_860, %swap3A_861], %swap3A_864 {strides = array<i32>} : memref<20x1024xf32, #tpu.memory_space<vmem>>, vector<1x16xf32>,
    %swap3A_865 = arith.constant 10 : i32
    %swap3A_866 = arith.index_cast %swap3A_865 : i32 to index
    %swap3A_867 = arith.constant 864 : index
    %swap3A_868 = tpu.vector_load %arg8[%swap3A_866, %swap3A_867] {strides = array<i32>} : memref<20x1024xf32, #tpu.memory_space<vmem>>, vector<1x16xf32>,
    %swap3A_869 = vector.shape_cast %swap3A_868 : vector<1x16xf32> to vector<16xf32>
    %swap3A_870 = vector.shape_cast %broadcast_in_dim3A_1 : vector<16xf32> to vector<1x16xf32>
    tpu.vector_store %arg8[%swap3A_866, %swap3A_867], %swap3A_870 {strides = array<i32>} : memref<20x1024xf32, #tpu.memory_space<vmem>>, vector<1x16xf32>,
    %swap3A_871 = arith.constant 10 : i32
    %swap3A_872 = arith.index_cast %swap3A_871 : i32 to index
    %swap3A_873 = arith.constant 880 : index
    %swap3A_874 = tpu.vector_load %arg8[%swap3A_872, %swap3A_873] {strides = array<i32>} : memref<20x1024xf32, #tpu.memory_space<vmem>>, vector<1x16xf32>,
    %swap3A_875 = vector.shape_cast %swap3A_874 : vector<1x16xf32> to vector<16xf32>
    %swap3A_876 = vector.shape_cast %broadcast_in_dim3A_1 : vector<16xf32> to vector<1x16xf32>
    tpu.vector_store %arg8[%swap3A_872, %swap3A_873], %swap3A_876 {strides = array<i32>} : memref<20x1024xf32, #tpu.memory_space<vmem>>, vector<1x16xf32>,
    %swap3A_877 = arith.constant 10 : i32
    %swap3A_878 = arith.index_cast %swap3A_877 : i32 to index
    %swap3A_879 = arith.constant 896 : index
    %swap3A_880 = tpu.vector_load %arg8[%swap3A_878, %swap3A_879] {strides = array<i32>} : memref<20x1024xf32, #tpu.memory_space<vmem>>, vector<1x16xf32>,
    %swap3A_881 = vector.shape_cast %swap3A_880 : vector<1x16xf32> to vector<16xf32>
    %swap3A_882 = vector.shape_cast %broadcast_in_dim3A_1 : vector<16xf32> to vector<1x16xf32>
    tpu.vector_store %arg8[%swap3A_878, %swap3A_879], %swap3A_882 {strides = array<i32>} : memref<20x1024xf32, #tpu.memory_space<vmem>>, vector<1x16xf32>,
    %swap3A_883 = arith.constant 10 : i32
    %swap3A_884 = arith.index_cast %swap3A_883 : i32 to index
    %swap3A_885 = arith.constant 912 : index
    %swap3A_886 = tpu.vector_load %arg8[%swap3A_884, %swap3A_885] {strides = array<i32>} : memref<20x1024xf32, #tpu.memory_space<vmem>>, vector<1x16xf32>,
    %swap3A_887 = vector.shape_cast %swap3A_886 : vector<1x16xf32> to vector<16xf32>
    %swap3A_888 = vector.shape_cast %broadcast_in_dim3A_1 : vector<16xf32> to vector<1x16xf32>
    tpu.vector_store %arg8[%swap3A_884, %swap3A_885], %swap3A_888 {strides = array<i32>} : memref<20x1024xf32, #tpu.memory_space<vmem>>, vector<1x16xf32>,
    %swap3A_889 = arith.constant 10 : i32
    %swap3A_890 = arith.index_cast %swap3A_889 : i32 to index
    %swap3A_891 = arith.constant 928 : index
    %swap3A_892 = tpu.vector_load %arg8[%swap3A_890, %swap3A_891] {strides = array<i32>} : memref<20x1024xf32, #tpu.memory_space<vmem>>, vector<1x16xf32>,
    %swap3A_893 = vector.shape_cast %swap3A_892 : vector<1x16xf32> to vector<16xf32>
    %swap3A_894 = vector.shape_cast %broadcast_in_dim3A_1 : vector<16xf32> to vector<1x16xf32>
    tpu.vector_store %arg8[%swap3A_890, %swap3A_891], %swap3A_894 {strides = array<i32>} : memref<20x1024xf32, #tpu.memory_space<vmem>>, vector<1x16xf32>,
    %swap3A_895 = arith.constant 10 : i32
    %swap3A_896 = arith.index_cast %swap3A_895 : i32 to index
    %swap3A_897 = arith.constant 944 : index
    %swap3A_898 = tpu.vector_load %arg8[%swap3A_896, %swap3A_897] {strides = array<i32>} : memref<20x1024xf32, #tpu.memory_space<vmem>>, vector<1x16xf32>,
    %swap3A_899 = vector.shape_cast %swap3A_898 : vector<1x16xf32> to vector<16xf32>
    %swap3A_900 = vector.shape_cast %broadcast_in_dim3A_1 : vector<16xf32> to vector<1x16xf32>
    tpu.vector_store %arg8[%swap3A_896, %swap3A_897], %swap3A_900 {strides = array<i32>} : memref<20x1024xf32, #tpu.memory_space<vmem>>, vector<1x16xf32>,
    %swap3A_901 = arith.constant 10 : i32
    %swap3A_902 = arith.index_cast %swap3A_901 : i32 to index
    %swap3A_903 = arith.constant 960 : index
    %swap3A_904 = tpu.vector_load %arg8[%swap3A_902, %swap3A_903] {strides = array<i32>} : memref<20x1024xf32, #tpu.memory_space<vmem>>, vector<1x16xf32>,
    %swap3A_905 = vector.shape_cast %swap3A_904 : vector<1x16xf32> to vector<16xf32>
    %swap3A_906 = vector.shape_cast %broadcast_in_dim3A_1 : vector<16xf32> to vector<1x16xf32>
    tpu.vector_store %arg8[%swap3A_902, %swap3A_903], %swap3A_906 {strides = array<i32>} : memref<20x1024xf32, #tpu.memory_space<vmem>>, vector<1x16xf32>,
    %swap3A_907 = arith.constant 10 : i32
    %swap3A_908 = arith.index_cast %swap3A_907 : i32 to index
    %swap3A_909 = arith.constant 976 : index
    %swap3A_910 = tpu.vector_load %arg8[%swap3A_908, %swap3A_909] {strides = array<i32>} : memref<20x1024xf32, #tpu.memory_space<vmem>>, vector<1x16xf32>,
    %swap3A_911 = vector.shape_cast %swap3A_910 : vector<1x16xf32> to vector<16xf32>
    %swap3A_912 = vector.shape_cast %broadcast_in_dim3A_1 : vector<16xf32> to vector<1x16xf32>
    tpu.vector_store %arg8[%swap3A_908, %swap3A_909], %swap3A_912 {strides = array<i32>} : memref<20x1024xf32, #tpu.memory_space<vmem>>, vector<1x16xf32>,
    %swap3A_913 = arith.constant 10 : i32
    %swap3A_914 = arith.index_cast %swap3A_913 : i32 to index
    %swap3A_915 = arith.constant 992 : index
    %swap3A_916 = tpu.vector_load %arg8[%swap3A_914, %swap3A_915] {strides = array<i32>} : memref<20x1024xf32, #tpu.memory_space<vmem>>, vector<1x16xf32>,
    %swap3A_917 = vector.shape_cast %swap3A_916 : vector<1x16xf32> to vector<16xf32>
    %swap3A_918 = vector.shape_cast %broadcast_in_dim3A_1 : vector<16xf32> to vector<1x16xf32>
    tpu.vector_store %arg8[%swap3A_914, %swap3A_915], %swap3A_918 {strides = array<i32>} : memref<20x1024xf32, #tpu.memory_space<vmem>>, vector<1x16xf32>,
    %swap3A_919 = arith.constant 10 : i32
    %swap3A_920 = arith.index_cast %swap3A_919 : i32 to index
    %swap3A_921 = arith.constant 1008 : index
    %swap3A_922 = tpu.vector_load %arg8[%swap3A_920, %swap3A_921] {strides = array<i32>} : memref<20x1024xf32, #tpu.memory_space<vmem>>, vector<1x16xf32>,
    %swap3A_923 = vector.shape_cast %swap3A_922 : vector<1x16xf32> to vector<16xf32>
    %swap3A_924 = vector.shape_cast %broadcast_in_dim3A_1 : vector<16xf32> to vector<1x16xf32>
    tpu.vector_store %arg8[%swap3A_920, %swap3A_921], %swap3A_924 {strides = array<i32>} : memref<20x1024xf32, #tpu.memory_space<vmem>>, vector<1x16xf32>,
    %swap3A_925 = arith.constant 11 : i32
    %swap3A_926 = arith.index_cast %swap3A_925 : i32 to index
    %swap3A_927 = arith.constant 800 : index
    %swap3A_928 = tpu.vector_load %arg8[%swap3A_926, %swap3A_927] {strides = array<i32>} : memref<20x1024xf32, #tpu.memory_space<vmem>>, vector<1x16xf32>,
    %swap3A_929 = vector.shape_cast %swap3A_928 : vector<1x16xf32> to vector<16xf32>
    %swap3A_930 = vector.shape_cast %broadcast_in_dim3A_1 : vector<16xf32> to vector<1x16xf32>
    tpu.vector_store %arg8[%swap3A_926, %swap3A_927], %swap3A_930 {strides = array<i32>} : memref<20x1024xf32, #tpu.memory_space<vmem>>, vector<1x16xf32>,
    %swap3A_931 = arith.constant 11 : i32
    %swap3A_932 = arith.index_cast %swap3A_931 : i32 to index
    %swap3A_933 = arith.constant 816 : index
    %swap3A_934 = tpu.vector_load %arg8[%swap3A_932, %swap3A_933] {strides = array<i32>} : memref<20x1024xf32, #tpu.memory_space<vmem>>, vector<1x16xf32>,
    %swap3A_935 = vector.shape_cast %swap3A_934 : vector<1x16xf32> to vector<16xf32>
    %swap3A_936 = vector.shape_cast %broadcast_in_dim3A_1 : vector<16xf32> to vector<1x16xf32>
    tpu.vector_store %arg8[%swap3A_932, %swap3A_933], %swap3A_936 {strides = array<i32>} : memref<20x1024xf32, #tpu.memory_space<vmem>>, vector<1x16xf32>,
    %swap3A_937 = arith.constant 11 : i32
    %swap3A_938 = arith.index_cast %swap3A_937 : i32 to index
    %swap3A_939 = arith.constant 832 : index
    %swap3A_940 = tpu.vector_load %arg8[%swap3A_938, %swap3A_939] {strides = array<i32>} : memref<20x1024xf32, #tpu.memory_space<vmem>>, vector<1x16xf32>,
    %swap3A_941 = vector.shape_cast %swap3A_940 : vector<1x16xf32> to vector<16xf32>
    %swap3A_942 = vector.shape_cast %broadcast_in_dim3A_1 : vector<16xf32> to vector<1x16xf32>
    tpu.vector_store %arg8[%swap3A_938, %swap3A_939], %swap3A_942 {strides = array<i32>} : memref<20x1024xf32, #tpu.memory_space<vmem>>, vector<1x16xf32>,
    %swap3A_943 = arith.constant 11 : i32
    %swap3A_944 = arith.index_cast %swap3A_943 : i32 to index
    %swap3A_945 = arith.constant 848 : index
    %swap3A_946 = tpu.vector_load %arg8[%swap3A_944, %swap3A_945] {strides = array<i32>} : memref<20x1024xf32, #tpu.memory_space<vmem>>, vector<1x16xf32>,
    %swap3A_947 = vector.shape_cast %swap3A_946 : vector<1x16xf32> to vector<16xf32>
    %swap3A_948 = vector.shape_cast %broadcast_in_dim3A_1 : vector<16xf32> to vector<1x16xf32>
    tpu.vector_store %arg8[%swap3A_944, %swap3A_945], %swap3A_948 {strides = array<i32>} : memref<20x1024xf32, #tpu.memory_space<vmem>>, vector<1x16xf32>,
    %swap3A_949 = arith.constant 11 : i32
    %swap3A_950 = arith.index_cast %swap3A_949 : i32 to index
    %swap3A_951 = arith.constant 864 : index
    %swap3A_952 = tpu.vector_load %arg8[%swap3A_950, %swap3A_951] {strides = array<i32>} : memref<20x1024xf32, #tpu.memory_space<vmem>>, vector<1x16xf32>,
    %swap3A_953 = vector.shape_cast %swap3A_952 : vector<1x16xf32> to vector<16xf32>
    %swap3A_954 = vector.shape_cast %broadcast_in_dim3A_1 : vector<16xf32> to vector<1x16xf32>
    tpu.vector_store %arg8[%swap3A_950, %swap3A_951], %swap3A_954 {strides = array<i32>} : memref<20x1024xf32, #tpu.memory_space<vmem>>, vector<1x16xf32>,
    %swap3A_955 = arith.constant 11 : i32
    %swap3A_956 = arith.index_cast %swap3A_955 : i32 to index
    %swap3A_957 = arith.constant 880 : index
    %swap3A_958 = tpu.vector_load %arg8[%swap3A_956, %swap3A_957] {strides = array<i32>} : memref<20x1024xf32, #tpu.memory_space<vmem>>, vector<1x16xf32>,
    %swap3A_959 = vector.shape_cast %swap3A_958 : vector<1x16xf32> to vector<16xf32>
    %swap3A_960 = vector.shape_cast %broadcast_in_dim3A_1 : vector<16xf32> to vector<1x16xf32>
    tpu.vector_store %arg8[%swap3A_956, %swap3A_957], %swap3A_960 {strides = array<i32>} : memref<20x1024xf32, #tpu.memory_space<vmem>>, vector<1x16xf32>,
    %swap3A_961 = arith.constant 11 : i32
    %swap3A_962 = arith.index_cast %swap3A_961 : i32 to index
    %swap3A_963 = arith.constant 896 : index
    %swap3A_964 = tpu.vector_load %arg8[%swap3A_962, %swap3A_963] {strides = array<i32>} : memref<20x1024xf32, #tpu.memory_space<vmem>>, vector<1x16xf32>,
    %swap3A_965 = vector.shape_cast %swap3A_964 : vector<1x16xf32> to vector<16xf32>
    %swap3A_966 = vector.shape_cast %broadcast_in_dim3A_1 : vector<16xf32> to vector<1x16xf32>
    tpu.vector_store %arg8[%swap3A_962, %swap3A_963], %swap3A_966 {strides = array<i32>} : memref<20x1024xf32, #tpu.memory_space<vmem>>, vector<1x16xf32>,
    %swap3A_967 = arith.constant 11 : i32
    %swap3A_968 = arith.index_cast %swap3A_967 : i32 to index
    %swap3A_969 = arith.constant 912 : index
    %swap3A_970 = tpu.vector_load %arg8[%swap3A_968, %swap3A_969] {strides = array<i32>} : memref<20x1024xf32, #tpu.memory_space<vmem>>, vector<1x16xf32>,
    %swap3A_971 = vector.shape_cast %swap3A_970 : vector<1x16xf32> to vector<16xf32>
    %swap3A_972 = vector.shape_cast %broadcast_in_dim3A_1 : vector<16xf32> to vector<1x16xf32>
    tpu.vector_store %arg8[%swap3A_968, %swap3A_969], %swap3A_972 {strides = array<i32>} : memref<20x1024xf32, #tpu.memory_space<vmem>>, vector<1x16xf32>,
    %swap3A_973 = arith.constant 11 : i32
    %swap3A_974 = arith.index_cast %swap3A_973 : i32 to index
    %swap3A_975 = arith.constant 928 : index
    %swap3A_976 = tpu.vector_load %arg8[%swap3A_974, %swap3A_975] {strides = array<i32>} : memref<20x1024xf32, #tpu.memory_space<vmem>>, vector<1x16xf32>,
    %swap3A_977 = vector.shape_cast %swap3A_976 : vector<1x16xf32> to vector<16xf32>
    %swap3A_978 = vector.shape_cast %broadcast_in_dim3A_1 : vector<16xf32> to vector<1x16xf32>
    tpu.vector_store %arg8[%swap3A_974, %swap3A_975], %swap3A_978 {strides = array<i32>} : memref<20x1024xf32, #tpu.memory_space<vmem>>, vector<1x16xf32>,
    %swap3A_979 = arith.constant 11 : i32
    %swap3A_980 = arith.index_cast %swap3A_979 : i32 to index
    %swap3A_981 = arith.constant 944 : index
    %swap3A_982 = tpu.vector_load %arg8[%swap3A_980, %swap3A_981] {strides = array<i32>} : memref<20x1024xf32, #tpu.memory_space<vmem>>, vector<1x16xf32>,
    %swap3A_983 = vector.shape_cast %swap3A_982 : vector<1x16xf32> to vector<16xf32>
    %swap3A_984 = vector.shape_cast %broadcast_in_dim3A_1 : vector<16xf32> to vector<1x16xf32>
    tpu.vector_store %arg8[%swap3A_980, %swap3A_981], %swap3A_984 {strides = array<i32>} : memref<20x1024xf32, #tpu.memory_space<vmem>>, vector<1x16xf32>,
    %swap3A_985 = arith.constant 11 : i32
    %swap3A_986 = arith.index_cast %swap3A_985 : i32 to index
    %swap3A_987 = arith.constant 960 : index
    %swap3A_988 = tpu.vector_load %arg8[%swap3A_986, %swap3A_987] {strides = array<i32>} : memref<20x1024xf32, #tpu.memory_space<vmem>>, vector<1x16xf32>,
    %swap3A_989 = vector.shape_cast %swap3A_988 : vector<1x16xf32> to vector<16xf32>
    %swap3A_990 = vector.shape_cast %broadcast_in_dim3A_1 : vector<16xf32> to vector<1x16xf32>
    tpu.vector_store %arg8[%swap3A_986, %swap3A_987], %swap3A_990 {strides = array<i32>} : memref<20x1024xf32, #tpu.memory_space<vmem>>, vector<1x16xf32>,
    %swap3A_991 = arith.constant 11 : i32
    %swap3A_992 = arith.index_cast %swap3A_991 : i32 to index
    %swap3A_993 = arith.constant 976 : index
    %swap3A_994 = tpu.vector_load %arg8[%swap3A_992, %swap3A_993] {strides = array<i32>} : memref<20x1024xf32, #tpu.memory_space<vmem>>, vector<1x16xf32>,
    %swap3A_995 = vector.shape_cast %swap3A_994 : vector<1x16xf32> to vector<16xf32>
    %swap3A_996 = vector.shape_cast %broadcast_in_dim3A_1 : vector<16xf32> to vector<1x16xf32>
    tpu.vector_store %arg8[%swap3A_992, %swap3A_993], %swap3A_996 {strides = array<i32>} : memref<20x1024xf32, #tpu.memory_space<vmem>>, vector<1x16xf32>,
    %swap3A_997 = arith.constant 11 : i32
    %swap3A_998 = arith.index_cast %swap3A_997 : i32 to index
    %swap3A_999 = arith.constant 992 : index
    %swap3A_1000 = tpu.vector_load %arg8[%swap3A_998, %swap3A_999] {strides = array<i32>} : memref<20x1024xf32, #tpu.memory_space<vmem>>, vector<1x16xf32>,
    %swap3A_1001 = vector.shape_cast %swap3A_1000 : vector<1x16xf32> to vector<16xf32>
    %swap3A_1002 = vector.shape_cast %broadcast_in_dim3A_1 : vector<16xf32> to vector<1x16xf32>
    tpu.vector_store %arg8[%swap3A_998, %swap3A_999], %swap3A_1002 {strides = array<i32>} : memref<20x1024xf32, #tpu.memory_space<vmem>>, vector<1x16xf32>,
    %swap3A_1003 = arith.constant 11 : i32
    %swap3A_1004 = arith.index_cast %swap3A_1003 : i32 to index
    %swap3A_1005 = arith.constant 1008 : index
    %swap3A_1006 = tpu.vector_load %arg8[%swap3A_1004, %swap3A_1005] {strides = array<i32>} : memref<20x1024xf32, #tpu.memory_space<vmem>>, vector<1x16xf32>,
    %swap3A_1007 = vector.shape_cast %swap3A_1006 : vector<1x16xf32> to vector<16xf32>
    %swap3A_1008 = vector.shape_cast %broadcast_in_dim3A_1 : vector<16xf32> to vector<1x16xf32>
    tpu.vector_store %arg8[%swap3A_1004, %swap3A_1005], %swap3A_1008 {strides = array<i32>} : memref<20x1024xf32, #tpu.memory_space<vmem>>, vector<1x16xf32>,
    %swap3A_1009 = arith.constant 12 : i32
    %swap3A_1010 = arith.index_cast %swap3A_1009 : i32 to index
    %swap3A_1011 = arith.constant 800 : index
    %swap3A_1012 = tpu.vector_load %arg8[%swap3A_1010, %swap3A_1011] {strides = array<i32>} : memref<20x1024xf32, #tpu.memory_space<vmem>>, vector<1x16xf32>,
    %swap3A_1013 = vector.shape_cast %swap3A_1012 : vector<1x16xf32> to vector<16xf32>
    %swap3A_1014 = vector.shape_cast %broadcast_in_dim3A_1 : vector<16xf32> to vector<1x16xf32>
    tpu.vector_store %arg8[%swap3A_1010, %swap3A_1011], %swap3A_1014 {strides = array<i32>} : memref<20x1024xf32, #tpu.memory_space<vmem>>, vector<1x16xf32>,
    %swap3A_1015 = arith.constant 12 : i32
    %swap3A_1016 = arith.index_cast %swap3A_1015 : i32 to index
    %swap3A_1017 = arith.constant 816 : index
    %swap3A_1018 = tpu.vector_load %arg8[%swap3A_1016, %swap3A_1017] {strides = array<i32>} : memref<20x1024xf32, #tpu.memory_space<vmem>>, vector<1x16xf32>,
    %swap3A_1019 = vector.shape_cast %swap3A_1018 : vector<1x16xf32> to vector<16xf32>
    %swap3A_1020 = vector.shape_cast %broadcast_in_dim3A_1 : vector<16xf32> to vector<1x16xf32>
    tpu.vector_store %arg8[%swap3A_1016, %swap3A_1017], %swap3A_1020 {strides = array<i32>} : memref<20x1024xf32, #tpu.memory_space<vmem>>, vector<1x16xf32>,
    %swap3A_1021 = arith.constant 12 : i32
    %swap3A_1022 = arith.index_cast %swap3A_1021 : i32 to index
    %swap3A_1023 = arith.constant 832 : index
    %swap3A_1024 = tpu.vector_load %arg8[%swap3A_1022, %swap3A_1023] {strides = array<i32>} : memref<20x1024xf32, #tpu.memory_space<vmem>>, vector<1x16xf32>,
    %swap3A_1025 = vector.shape_cast %swap3A_1024 : vector<1x16xf32> to vector<16xf32>
    %swap3A_1026 = vector.shape_cast %broadcast_in_dim3A_1 : vector<16xf32> to vector<1x16xf32>
    tpu.vector_store %arg8[%swap3A_1022, %swap3A_1023], %swap3A_1026 {strides = array<i32>} : memref<20x1024xf32, #tpu.memory_space<vmem>>, vector<1x16xf32>,
    %swap3A_1027 = arith.constant 12 : i32
    %swap3A_1028 = arith.index_cast %swap3A_1027 : i32 to index
    %swap3A_1029 = arith.constant 848 : index
    %swap3A_1030 = tpu.vector_load %arg8[%swap3A_1028, %swap3A_1029] {strides = array<i32>} : memref<20x1024xf32, #tpu.memory_space<vmem>>, vector<1x16xf32>,
    %swap3A_1031 = vector.shape_cast %swap3A_1030 : vector<1x16xf32> to vector<16xf32>
    %swap3A_1032 = vector.shape_cast %broadcast_in_dim3A_1 : vector<16xf32> to vector<1x16xf32>
    tpu.vector_store %arg8[%swap3A_1028, %swap3A_1029], %swap3A_1032 {strides = array<i32>} : memref<20x1024xf32, #tpu.memory_space<vmem>>, vector<1x16xf32>,
    %swap3A_1033 = arith.constant 12 : i32
    %swap3A_1034 = arith.index_cast %swap3A_1033 : i32 to index
    %swap3A_1035 = arith.constant 864 : index
    %swap3A_1036 = tpu.vector_load %arg8[%swap3A_1034, %swap3A_1035] {strides = array<i32>} : memref<20x1024xf32, #tpu.memory_space<vmem>>, vector<1x16xf32>,
    %swap3A_1037 = vector.shape_cast %swap3A_1036 : vector<1x16xf32> to vector<16xf32>
    %swap3A_1038 = vector.shape_cast %broadcast_in_dim3A_1 : vector<16xf32> to vector<1x16xf32>
    tpu.vector_store %arg8[%swap3A_1034, %swap3A_1035], %swap3A_1038 {strides = array<i32>} : memref<20x1024xf32, #tpu.memory_space<vmem>>, vector<1x16xf32>,
    %swap3A_1039 = arith.constant 12 : i32
    %swap3A_1040 = arith.index_cast %swap3A_1039 : i32 to index
    %swap3A_1041 = arith.constant 880 : index
    %swap3A_1042 = tpu.vector_load %arg8[%swap3A_1040, %swap3A_1041] {strides = array<i32>} : memref<20x1024xf32, #tpu.memory_space<vmem>>, vector<1x16xf32>,
    %swap3A_1043 = vector.shape_cast %swap3A_1042 : vector<1x16xf32> to vector<16xf32>
    %swap3A_1044 = vector.shape_cast %broadcast_in_dim3A_1 : vector<16xf32> to vector<1x16xf32>
    tpu.vector_store %arg8[%swap3A_1040, %swap3A_1041], %swap3A_1044 {strides = array<i32>} : memref<20x1024xf32, #tpu.memory_space<vmem>>, vector<1x16xf32>,
    %swap3A_1045 = arith.constant 12 : i32
    %swap3A_1046 = arith.index_cast %swap3A_1045 : i32 to index
    %swap3A_1047 = arith.constant 896 : index
    %swap3A_1048 = tpu.vector_load %arg8[%swap3A_1046, %swap3A_1047] {strides = array<i32>} : memref<20x1024xf32, #tpu.memory_space<vmem>>, vector<1x16xf32>,
    %swap3A_1049 = vector.shape_cast %swap3A_1048 : vector<1x16xf32> to vector<16xf32>
    %swap3A_1050 = vector.shape_cast %broadcast_in_dim3A_1 : vector<16xf32> to vector<1x16xf32>
    tpu.vector_store %arg8[%swap3A_1046, %swap3A_1047], %swap3A_1050 {strides = array<i32>} : memref<20x1024xf32, #tpu.memory_space<vmem>>, vector<1x16xf32>,
    %swap3A_1051 = arith.constant 12 : i32
    %swap3A_1052 = arith.index_cast %swap3A_1051 : i32 to index
    %swap3A_1053 = arith.constant 912 : index
    %swap3A_1054 = tpu.vector_load %arg8[%swap3A_1052, %swap3A_1053] {strides = array<i32>} : memref<20x1024xf32, #tpu.memory_space<vmem>>, vector<1x16xf32>,
    %swap3A_1055 = vector.shape_cast %swap3A_1054 : vector<1x16xf32> to vector<16xf32>
    %swap3A_1056 = vector.shape_cast %broadcast_in_dim3A_1 : vector<16xf32> to vector<1x16xf32>
    tpu.vector_store %arg8[%swap3A_1052, %swap3A_1053], %swap3A_1056 {strides = array<i32>} : memref<20x1024xf32, #tpu.memory_space<vmem>>, vector<1x16xf32>,
    %swap3A_1057 = arith.constant 12 : i32
    %swap3A_1058 = arith.index_cast %swap3A_1057 : i32 to index
    %swap3A_1059 = arith.constant 928 : index
    %swap3A_1060 = tpu.vector_load %arg8[%swap3A_1058, %swap3A_1059] {strides = array<i32>} : memref<20x1024xf32, #tpu.memory_space<vmem>>, vector<1x16xf32>,
    %swap3A_1061 = vector.shape_cast %swap3A_1060 : vector<1x16xf32> to vector<16xf32>
    %swap3A_1062 = vector.shape_cast %broadcast_in_dim3A_1 : vector<16xf32> to vector<1x16xf32>
    tpu.vector_store %arg8[%swap3A_1058, %swap3A_1059], %swap3A_1062 {strides = array<i32>} : memref<20x1024xf32, #tpu.memory_space<vmem>>, vector<1x16xf32>,
    %swap3A_1063 = arith.constant 12 : i32
    %swap3A_1064 = arith.index_cast %swap3A_1063 : i32 to index
    %swap3A_1065 = arith.constant 944 : index
    %swap3A_1066 = tpu.vector_load %arg8[%swap3A_1064, %swap3A_1065] {strides = array<i32>} : memref<20x1024xf32, #tpu.memory_space<vmem>>, vector<1x16xf32>,
    %swap3A_1067 = vector.shape_cast %swap3A_1066 : vector<1x16xf32> to vector<16xf32>
    %swap3A_1068 = vector.shape_cast %broadcast_in_dim3A_1 : vector<16xf32> to vector<1x16xf32>
    tpu.vector_store %arg8[%swap3A_1064, %swap3A_1065], %swap3A_1068 {strides = array<i32>} : memref<20x1024xf32, #tpu.memory_space<vmem>>, vector<1x16xf32>,
    %swap3A_1069 = arith.constant 12 : i32
    %swap3A_1070 = arith.index_cast %swap3A_1069 : i32 to index
    %swap3A_1071 = arith.constant 960 : index
    %swap3A_1072 = tpu.vector_load %arg8[%swap3A_1070, %swap3A_1071] {strides = array<i32>} : memref<20x1024xf32, #tpu.memory_space<vmem>>, vector<1x16xf32>,
    %swap3A_1073 = vector.shape_cast %swap3A_1072 : vector<1x16xf32> to vector<16xf32>
    %swap3A_1074 = vector.shape_cast %broadcast_in_dim3A_1 : vector<16xf32> to vector<1x16xf32>
    tpu.vector_store %arg8[%swap3A_1070, %swap3A_1071], %swap3A_1074 {strides = array<i32>} : memref<20x1024xf32, #tpu.memory_space<vmem>>, vector<1x16xf32>,
    %swap3A_1075 = arith.constant 12 : i32
    %swap3A_1076 = arith.index_cast %swap3A_1075 : i32 to index
    %swap3A_1077 = arith.constant 976 : index
    %swap3A_1078 = tpu.vector_load %arg8[%swap3A_1076, %swap3A_1077] {strides = array<i32>} : memref<20x1024xf32, #tpu.memory_space<vmem>>, vector<1x16xf32>,
    %swap3A_1079 = vector.shape_cast %swap3A_1078 : vector<1x16xf32> to vector<16xf32>
    %swap3A_1080 = vector.shape_cast %broadcast_in_dim3A_1 : vector<16xf32> to vector<1x16xf32>
    tpu.vector_store %arg8[%swap3A_1076, %swap3A_1077], %swap3A_1080 {strides = array<i32>} : memref<20x1024xf32, #tpu.memory_space<vmem>>, vector<1x16xf32>,
    %swap3A_1081 = arith.constant 12 : i32
    %swap3A_1082 = arith.index_cast %swap3A_1081 : i32 to index
    %swap3A_1083 = arith.constant 992 : index
    %swap3A_1084 = tpu.vector_load %arg8[%swap3A_1082, %swap3A_1083] {strides = array<i32>} : memref<20x1024xf32, #tpu.memory_space<vmem>>, vector<1x16xf32>,
    %swap3A_1085 = vector.shape_cast %swap3A_1084 : vector<1x16xf32> to vector<16xf32>
    %swap3A_1086 = vector.shape_cast %broadcast_in_dim3A_1 : vector<16xf32> to vector<1x16xf32>
    tpu.vector_store %arg8[%swap3A_1082, %swap3A_1083], %swap3A_1086 {strides = array<i32>} : memref<20x1024xf32, #tpu.memory_space<vmem>>, vector<1x16xf32>,
    %swap3A_1087 = arith.constant 12 : i32
    %swap3A_1088 = arith.index_cast %swap3A_1087 : i32 to index
    %swap3A_1089 = arith.constant 1008 : index
    %swap3A_1090 = tpu.vector_load %arg8[%swap3A_1088, %swap3A_1089] {strides = array<i32>} : memref<20x1024xf32, #tpu.memory_space<vmem>>, vector<1x16xf32>,
    %swap3A_1091 = vector.shape_cast %swap3A_1090 : vector<1x16xf32> to vector<16xf32>
    %swap3A_1092 = vector.shape_cast %broadcast_in_dim3A_1 : vector<16xf32> to vector<1x16xf32>
    tpu.vector_store %arg8[%swap3A_1088, %swap3A_1089], %swap3A_1092 {strides = array<i32>} : memref<20x1024xf32, #tpu.memory_space<vmem>>, vector<1x16xf32>,
    %swap3A_1093 = arith.constant 13 : i32
    %swap3A_1094 = arith.index_cast %swap3A_1093 : i32 to index
    %swap3A_1095 = arith.constant 800 : index
    %swap3A_1096 = tpu.vector_load %arg8[%swap3A_1094, %swap3A_1095] {strides = array<i32>} : memref<20x1024xf32, #tpu.memory_space<vmem>>, vector<1x16xf32>,
    %swap3A_1097 = vector.shape_cast %swap3A_1096 : vector<1x16xf32> to vector<16xf32>
    %swap3A_1098 = vector.shape_cast %broadcast_in_dim3A_1 : vector<16xf32> to vector<1x16xf32>
    tpu.vector_store %arg8[%swap3A_1094, %swap3A_1095], %swap3A_1098 {strides = array<i32>} : memref<20x1024xf32, #tpu.memory_space<vmem>>, vector<1x16xf32>,
    %swap3A_1099 = arith.constant 13 : i32
    %swap3A_1100 = arith.index_cast %swap3A_1099 : i32 to index
    %swap3A_1101 = arith.constant 816 : index
    %swap3A_1102 = tpu.vector_load %arg8[%swap3A_1100, %swap3A_1101] {strides = array<i32>} : memref<20x1024xf32, #tpu.memory_space<vmem>>, vector<1x16xf32>,
    %swap3A_1103 = vector.shape_cast %swap3A_1102 : vector<1x16xf32> to vector<16xf32>
    %swap3A_1104 = vector.shape_cast %broadcast_in_dim3A_1 : vector<16xf32> to vector<1x16xf32>
    tpu.vector_store %arg8[%swap3A_1100, %swap3A_1101], %swap3A_1104 {strides = array<i32>} : memref<20x1024xf32, #tpu.memory_space<vmem>>, vector<1x16xf32>,
    %swap3A_1105 = arith.constant 13 : i32
    %swap3A_1106 = arith.index_cast %swap3A_1105 : i32 to index
    %swap3A_1107 = arith.constant 832 : index
    %swap3A_1108 = tpu.vector_load %arg8[%swap3A_1106, %swap3A_1107] {strides = array<i32>} : memref<20x1024xf32, #tpu.memory_space<vmem>>, vector<1x16xf32>,
    %swap3A_1109 = vector.shape_cast %swap3A_1108 : vector<1x16xf32> to vector<16xf32>
    %swap3A_1110 = vector.shape_cast %broadcast_in_dim3A_1 : vector<16xf32> to vector<1x16xf32>
    tpu.vector_store %arg8[%swap3A_1106, %swap3A_1107], %swap3A_1110 {strides = array<i32>} : memref<20x1024xf32, #tpu.memory_space<vmem>>, vector<1x16xf32>,
    %swap3A_1111 = arith.constant 13 : i32
    %swap3A_1112 = arith.index_cast %swap3A_1111 : i32 to index
    %swap3A_1113 = arith.constant 848 : index
    %swap3A_1114 = tpu.vector_load %arg8[%swap3A_1112, %swap3A_1113] {strides = array<i32>} : memref<20x1024xf32, #tpu.memory_space<vmem>>, vector<1x16xf32>,
    %swap3A_1115 = vector.shape_cast %swap3A_1114 : vector<1x16xf32> to vector<16xf32>
    %swap3A_1116 = vector.shape_cast %broadcast_in_dim3A_1 : vector<16xf32> to vector<1x16xf32>
    tpu.vector_store %arg8[%swap3A_1112, %swap3A_1113], %swap3A_1116 {strides = array<i32>} : memref<20x1024xf32, #tpu.memory_space<vmem>>, vector<1x16xf32>,
    %swap3A_1117 = arith.constant 13 : i32
    %swap3A_1118 = arith.index_cast %swap3A_1117 : i32 to index
    %swap3A_1119 = arith.constant 864 : index
    %swap3A_1120 = tpu.vector_load %arg8[%swap3A_1118, %swap3A_1119] {strides = array<i32>} : memref<20x1024xf32, #tpu.memory_space<vmem>>, vector<1x16xf32>,
    %swap3A_1121 = vector.shape_cast %swap3A_1120 : vector<1x16xf32> to vector<16xf32>
    %swap3A_1122 = vector.shape_cast %broadcast_in_dim3A_1 : vector<16xf32> to vector<1x16xf32>
    tpu.vector_store %arg8[%swap3A_1118, %swap3A_1119], %swap3A_1122 {strides = array<i32>} : memref<20x1024xf32, #tpu.memory_space<vmem>>, vector<1x16xf32>,
    %swap3A_1123 = arith.constant 13 : i32
    %swap3A_1124 = arith.index_cast %swap3A_1123 : i32 to index
    %swap3A_1125 = arith.constant 880 : index
    %swap3A_1126 = tpu.vector_load %arg8[%swap3A_1124, %swap3A_1125] {strides = array<i32>} : memref<20x1024xf32, #tpu.memory_space<vmem>>, vector<1x16xf32>,
    %swap3A_1127 = vector.shape_cast %swap3A_1126 : vector<1x16xf32> to vector<16xf32>
    %swap3A_1128 = vector.shape_cast %broadcast_in_dim3A_1 : vector<16xf32> to vector<1x16xf32>
    tpu.vector_store %arg8[%swap3A_1124, %swap3A_1125], %swap3A_1128 {strides = array<i32>} : memref<20x1024xf32, #tpu.memory_space<vmem>>, vector<1x16xf32>,
    %swap3A_1129 = arith.constant 13 : i32
    %swap3A_1130 = arith.index_cast %swap3A_1129 : i32 to index
    %swap3A_1131 = arith.constant 896 : index
    %swap3A_1132 = tpu.vector_load %arg8[%swap3A_1130, %swap3A_1131] {strides = array<i32>} : memref<20x1024xf32, #tpu.memory_space<vmem>>, vector<1x16xf32>,
    %swap3A_1133 = vector.shape_cast %swap3A_1132 : vector<1x16xf32> to vector<16xf32>
    %swap3A_1134 = vector.shape_cast %broadcast_in_dim3A_1 : vector<16xf32> to vector<1x16xf32>
    tpu.vector_store %arg8[%swap3A_1130, %swap3A_1131], %swap3A_1134 {strides = array<i32>} : memref<20x1024xf32, #tpu.memory_space<vmem>>, vector<1x16xf32>,
    %swap3A_1135 = arith.constant 13 : i32
    %swap3A_1136 = arith.index_cast %swap3A_1135 : i32 to index
    %swap3A_1137 = arith.constant 912 : index
    %swap3A_1138 = tpu.vector_load %arg8[%swap3A_1136, %swap3A_1137] {strides = array<i32>} : memref<20x1024xf32, #tpu.memory_space<vmem>>, vector<1x16xf32>,
    %swap3A_1139 = vector.shape_cast %swap3A_1138 : vector<1x16xf32> to vector<16xf32>
    %swap3A_1140 = vector.shape_cast %broadcast_in_dim3A_1 : vector<16xf32> to vector<1x16xf32>
    tpu.vector_store %arg8[%swap3A_1136, %swap3A_1137], %swap3A_1140 {strides = array<i32>} : memref<20x1024xf32, #tpu.memory_space<vmem>>, vector<1x16xf32>,
    %swap3A_1141 = arith.constant 13 : i32
    %swap3A_1142 = arith.index_cast %swap3A_1141 : i32 to index
    %swap3A_1143 = arith.constant 928 : index
    %swap3A_1144 = tpu.vector_load %arg8[%swap3A_1142, %swap3A_1143] {strides = array<i32>} : memref<20x1024xf32, #tpu.memory_space<vmem>>, vector<1x16xf32>,
    %swap3A_1145 = vector.shape_cast %swap3A_1144 : vector<1x16xf32> to vector<16xf32>
    %swap3A_1146 = vector.shape_cast %broadcast_in_dim3A_1 : vector<16xf32> to vector<1x16xf32>
    tpu.vector_store %arg8[%swap3A_1142, %swap3A_1143], %swap3A_1146 {strides = array<i32>} : memref<20x1024xf32, #tpu.memory_space<vmem>>, vector<1x16xf32>,
    %swap3A_1147 = arith.constant 13 : i32
    %swap3A_1148 = arith.index_cast %swap3A_1147 : i32 to index
    %swap3A_1149 = arith.constant 944 : index
    %swap3A_1150 = tpu.vector_load %arg8[%swap3A_1148, %swap3A_1149] {strides = array<i32>} : memref<20x1024xf32, #tpu.memory_space<vmem>>, vector<1x16xf32>,
    %swap3A_1151 = vector.shape_cast %swap3A_1150 : vector<1x16xf32> to vector<16xf32>
    %swap3A_1152 = vector.shape_cast %broadcast_in_dim3A_1 : vector<16xf32> to vector<1x16xf32>
    tpu.vector_store %arg8[%swap3A_1148, %swap3A_1149], %swap3A_1152 {strides = array<i32>} : memref<20x1024xf32, #tpu.memory_space<vmem>>, vector<1x16xf32>,
    %swap3A_1153 = arith.constant 13 : i32
    %swap3A_1154 = arith.index_cast %swap3A_1153 : i32 to index
    %swap3A_1155 = arith.constant 960 : index
    %swap3A_1156 = tpu.vector_load %arg8[%swap3A_1154, %swap3A_1155] {strides = array<i32>} : memref<20x1024xf32, #tpu.memory_space<vmem>>, vector<1x16xf32>,
    %swap3A_1157 = vector.shape_cast %swap3A_1156 : vector<1x16xf32> to vector<16xf32>
    %swap3A_1158 = vector.shape_cast %broadcast_in_dim3A_1 : vector<16xf32> to vector<1x16xf32>
    tpu.vector_store %arg8[%swap3A_1154, %swap3A_1155], %swap3A_1158 {strides = array<i32>} : memref<20x1024xf32, #tpu.memory_space<vmem>>, vector<1x16xf32>,
    %swap3A_1159 = arith.constant 13 : i32
    %swap3A_1160 = arith.index_cast %swap3A_1159 : i32 to index
    %swap3A_1161 = arith.constant 976 : index
    %swap3A_1162 = tpu.vector_load %arg8[%swap3A_1160, %swap3A_1161] {strides = array<i32>} : memref<20x1024xf32, #tpu.memory_space<vmem>>, vector<1x16xf32>,
    %swap3A_1163 = vector.shape_cast %swap3A_1162 : vector<1x16xf32> to vector<16xf32>
    %swap3A_1164 = vector.shape_cast %broadcast_in_dim3A_1 : vector<16xf32> to vector<1x16xf32>
    tpu.vector_store %arg8[%swap3A_1160, %swap3A_1161], %swap3A_1164 {strides = array<i32>} : memref<20x1024xf32, #tpu.memory_space<vmem>>, vector<1x16xf32>,
    %swap3A_1165 = arith.constant 13 : i32
    %swap3A_1166 = arith.index_cast %swap3A_1165 : i32 to index
    %swap3A_1167 = arith.constant 992 : index
    %swap3A_1168 = tpu.vector_load %arg8[%swap3A_1166, %swap3A_1167] {strides = array<i32>} : memref<20x1024xf32, #tpu.memory_space<vmem>>, vector<1x16xf32>,
    %swap3A_1169 = vector.shape_cast %swap3A_1168 : vector<1x16xf32> to vector<16xf32>
    %swap3A_1170 = vector.shape_cast %broadcast_in_dim3A_1 : vector<16xf32> to vector<1x16xf32>
    tpu.vector_store %arg8[%swap3A_1166, %swap3A_1167], %swap3A_1170 {strides = array<i32>} : memref<20x1024xf32, #tpu.memory_space<vmem>>, vector<1x16xf32>,
    %swap3A_1171 = arith.constant 13 : i32
    %swap3A_1172 = arith.index_cast %swap3A_1171 : i32 to index
    %swap3A_1173 = arith.constant 1008 : index
    %swap3A_1174 = tpu.vector_load %arg8[%swap3A_1172, %swap3A_1173] {strides = array<i32>} : memref<20x1024xf32, #tpu.memory_space<vmem>>, vector<1x16xf32>,
    %swap3A_1175 = vector.shape_cast %swap3A_1174 : vector<1x16xf32> to vector<16xf32>
    %swap3A_1176 = vector.shape_cast %broadcast_in_dim3A_1 : vector<16xf32> to vector<1x16xf32>
    tpu.vector_store %arg8[%swap3A_1172, %swap3A_1173], %swap3A_1176 {strides = array<i32>} : memref<20x1024xf32, #tpu.memory_space<vmem>>, vector<1x16xf32>,
    %swap3A_1177 = arith.constant 14 : i32
    %swap3A_1178 = arith.index_cast %swap3A_1177 : i32 to index
    %swap3A_1179 = arith.constant 800 : index
    %swap3A_1180 = tpu.vector_load %arg8[%swap3A_1178, %swap3A_1179] {strides = array<i32>} : memref<20x1024xf32, #tpu.memory_space<vmem>>, vector<1x16xf32>,
    %swap3A_1181 = vector.shape_cast %swap3A_1180 : vector<1x16xf32> to vector<16xf32>
    %swap3A_1182 = vector.shape_cast %broadcast_in_dim3A_1 : vector<16xf32> to vector<1x16xf32>
    tpu.vector_store %arg8[%swap3A_1178, %swap3A_1179], %swap3A_1182 {strides = array<i32>} : memref<20x1024xf32, #tpu.memory_space<vmem>>, vector<1x16xf32>,
    %swap3A_1183 = arith.constant 14 : i32
    %swap3A_1184 = arith.index_cast %swap3A_1183 : i32 to index
    %swap3A_1185 = arith.constant 816 : index
    %swap3A_1186 = tpu.vector_load %arg8[%swap3A_1184, %swap3A_1185] {strides = array<i32>} : memref<20x1024xf32, #tpu.memory_space<vmem>>, vector<1x16xf32>,
    %swap3A_1187 = vector.shape_cast %swap3A_1186 : vector<1x16xf32> to vector<16xf32>
    %swap3A_1188 = vector.shape_cast %broadcast_in_dim3A_1 : vector<16xf32> to vector<1x16xf32>
    tpu.vector_store %arg8[%swap3A_1184, %swap3A_1185], %swap3A_1188 {strides = array<i32>} : memref<20x1024xf32, #tpu.memory_space<vmem>>, vector<1x16xf32>,
    %swap3A_1189 = arith.constant 14 : i32
    %swap3A_1190 = arith.index_cast %swap3A_1189 : i32 to index
    %swap3A_1191 = arith.constant 832 : index
    %swap3A_1192 = tpu.vector_load %arg8[%swap3A_1190, %swap3A_1191] {strides = array<i32>} : memref<20x1024xf32, #tpu.memory_space<vmem>>, vector<1x16xf32>,
    %swap3A_1193 = vector.shape_cast %swap3A_1192 : vector<1x16xf32> to vector<16xf32>
    %swap3A_1194 = vector.shape_cast %broadcast_in_dim3A_1 : vector<16xf32> to vector<1x16xf32>
    tpu.vector_store %arg8[%swap3A_1190, %swap3A_1191], %swap3A_1194 {strides = array<i32>} : memref<20x1024xf32, #tpu.memory_space<vmem>>, vector<1x16xf32>,
    %swap3A_1195 = arith.constant 14 : i32
    %swap3A_1196 = arith.index_cast %swap3A_1195 : i32 to index
    %swap3A_1197 = arith.constant 848 : index
    %swap3A_1198 = tpu.vector_load %arg8[%swap3A_1196, %swap3A_1197] {strides = array<i32>} : memref<20x1024xf32, #tpu.memory_space<vmem>>, vector<1x16xf32>,
    %swap3A_1199 = vector.shape_cast %swap3A_1198 : vector<1x16xf32> to vector<16xf32>
    %swap3A_1200 = vector.shape_cast %broadcast_in_dim3A_1 : vector<16xf32> to vector<1x16xf32>
    tpu.vector_store %arg8[%swap3A_1196, %swap3A_1197], %swap3A_1200 {strides = array<i32>} : memref<20x1024xf32, #tpu.memory_space<vmem>>, vector<1x16xf32>,
    %swap3A_1201 = arith.constant 14 : i32
    %swap3A_1202 = arith.index_cast %swap3A_1201 : i32 to index
    %swap3A_1203 = arith.constant 864 : index
    %swap3A_1204 = tpu.vector_load %arg8[%swap3A_1202, %swap3A_1203] {strides = array<i32>} : memref<20x1024xf32, #tpu.memory_space<vmem>>, vector<1x16xf32>,
    %swap3A_1205 = vector.shape_cast %swap3A_1204 : vector<1x16xf32> to vector<16xf32>
    %swap3A_1206 = vector.shape_cast %broadcast_in_dim3A_1 : vector<16xf32> to vector<1x16xf32>
    tpu.vector_store %arg8[%swap3A_1202, %swap3A_1203], %swap3A_1206 {strides = array<i32>} : memref<20x1024xf32, #tpu.memory_space<vmem>>, vector<1x16xf32>,
    %swap3A_1207 = arith.constant 14 : i32
    %swap3A_1208 = arith.index_cast %swap3A_1207 : i32 to index
    %swap3A_1209 = arith.constant 880 : index
    %swap3A_1210 = tpu.vector_load %arg8[%swap3A_1208, %swap3A_1209] {strides = array<i32>} : memref<20x1024xf32, #tpu.memory_space<vmem>>, vector<1x16xf32>,
    %swap3A_1211 = vector.shape_cast %swap3A_1210 : vector<1x16xf32> to vector<16xf32>
    %swap3A_1212 = vector.shape_cast %broadcast_in_dim3A_1 : vector<16xf32> to vector<1x16xf32>
    tpu.vector_store %arg8[%swap3A_1208, %swap3A_1209], %swap3A_1212 {strides = array<i32>} : memref<20x1024xf32, #tpu.memory_space<vmem>>, vector<1x16xf32>,
    %swap3A_1213 = arith.constant 14 : i32
    %swap3A_1214 = arith.index_cast %swap3A_1213 : i32 to index
    %swap3A_1215 = arith.constant 896 : index
    %swap3A_1216 = tpu.vector_load %arg8[%swap3A_1214, %swap3A_1215] {strides = array<i32>} : memref<20x1024xf32, #tpu.memory_space<vmem>>, vector<1x16xf32>,
    %swap3A_1217 = vector.shape_cast %swap3A_1216 : vector<1x16xf32> to vector<16xf32>
    %swap3A_1218 = vector.shape_cast %broadcast_in_dim3A_1 : vector<16xf32> to vector<1x16xf32>
    tpu.vector_store %arg8[%swap3A_1214, %swap3A_1215], %swap3A_1218 {strides = array<i32>} : memref<20x1024xf32, #tpu.memory_space<vmem>>, vector<1x16xf32>,
    %swap3A_1219 = arith.constant 14 : i32
    %swap3A_1220 = arith.index_cast %swap3A_1219 : i32 to index
    %swap3A_1221 = arith.constant 912 : index
    %swap3A_1222 = tpu.vector_load %arg8[%swap3A_1220, %swap3A_1221] {strides = array<i32>} : memref<20x1024xf32, #tpu.memory_space<vmem>>, vector<1x16xf32>,
    %swap3A_1223 = vector.shape_cast %swap3A_1222 : vector<1x16xf32> to vector<16xf32>
    %swap3A_1224 = vector.shape_cast %broadcast_in_dim3A_1 : vector<16xf32> to vector<1x16xf32>
    tpu.vector_store %arg8[%swap3A_1220, %swap3A_1221], %swap3A_1224 {strides = array<i32>} : memref<20x1024xf32, #tpu.memory_space<vmem>>, vector<1x16xf32>,
    %swap3A_1225 = arith.constant 14 : i32
    %swap3A_1226 = arith.index_cast %swap3A_1225 : i32 to index
    %swap3A_1227 = arith.constant 928 : index
    %swap3A_1228 = tpu.vector_load %arg8[%swap3A_1226, %swap3A_1227] {strides = array<i32>} : memref<20x1024xf32, #tpu.memory_space<vmem>>, vector<1x16xf32>,
    %swap3A_1229 = vector.shape_cast %swap3A_1228 : vector<1x16xf32> to vector<16xf32>
    %swap3A_1230 = vector.shape_cast %broadcast_in_dim3A_1 : vector<16xf32> to vector<1x16xf32>
    tpu.vector_store %arg8[%swap3A_1226, %swap3A_1227], %swap3A_1230 {strides = array<i32>} : memref<20x1024xf32, #tpu.memory_space<vmem>>, vector<1x16xf32>,
    %swap3A_1231 = arith.constant 14 : i32
    %swap3A_1232 = arith.index_cast %swap3A_1231 : i32 to index
    %swap3A_1233 = arith.constant 944 : index
    %swap3A_1234 = tpu.vector_load %arg8[%swap3A_1232, %swap3A_1233] {strides = array<i32>} : memref<20x1024xf32, #tpu.memory_space<vmem>>, vector<1x16xf32>,
    %swap3A_1235 = vector.shape_cast %swap3A_1234 : vector<1x16xf32> to vector<16xf32>
    %swap3A_1236 = vector.shape_cast %broadcast_in_dim3A_1 : vector<16xf32> to vector<1x16xf32>
    tpu.vector_store %arg8[%swap3A_1232, %swap3A_1233], %swap3A_1236 {strides = array<i32>} : memref<20x1024xf32, #tpu.memory_space<vmem>>, vector<1x16xf32>,
    %swap3A_1237 = arith.constant 14 : i32
    %swap3A_1238 = arith.index_cast %swap3A_1237 : i32 to index
    %swap3A_1239 = arith.constant 960 : index
    %swap3A_1240 = tpu.vector_load %arg8[%swap3A_1238, %swap3A_1239] {strides = array<i32>} : memref<20x1024xf32, #tpu.memory_space<vmem>>, vector<1x16xf32>,
    %swap3A_1241 = vector.shape_cast %swap3A_1240 : vector<1x16xf32> to vector<16xf32>
    %swap3A_1242 = vector.shape_cast %broadcast_in_dim3A_1 : vector<16xf32> to vector<1x16xf32>
    tpu.vector_store %arg8[%swap3A_1238, %swap3A_1239], %swap3A_1242 {strides = array<i32>} : memref<20x1024xf32, #tpu.memory_space<vmem>>, vector<1x16xf32>,
    %swap3A_1243 = arith.constant 14 : i32
    %swap3A_1244 = arith.index_cast %swap3A_1243 : i32 to index
    %swap3A_1245 = arith.constant 976 : index
    %swap3A_1246 = tpu.vector_load %arg8[%swap3A_1244, %swap3A_1245] {strides = array<i32>} : memref<20x1024xf32, #tpu.memory_space<vmem>>, vector<1x16xf32>,
    %swap3A_1247 = vector.shape_cast %swap3A_1246 : vector<1x16xf32> to vector<16xf32>
    %swap3A_1248 = vector.shape_cast %broadcast_in_dim3A_1 : vector<16xf32> to vector<1x16xf32>
    tpu.vector_store %arg8[%swap3A_1244, %swap3A_1245], %swap3A_1248 {strides = array<i32>} : memref<20x1024xf32, #tpu.memory_space<vmem>>, vector<1x16xf32>,
    %swap3A_1249 = arith.constant 14 : i32
    %swap3A_1250 = arith.index_cast %swap3A_1249 : i32 to index
    %swap3A_1251 = arith.constant 992 : index
    %swap3A_1252 = tpu.vector_load %arg8[%swap3A_1250, %swap3A_1251] {strides = array<i32>} : memref<20x1024xf32, #tpu.memory_space<vmem>>, vector<1x16xf32>,
    %swap3A_1253 = vector.shape_cast %swap3A_1252 : vector<1x16xf32> to vector<16xf32>
    %swap3A_1254 = vector.shape_cast %broadcast_in_dim3A_1 : vector<16xf32> to vector<1x16xf32>
    tpu.vector_store %arg8[%swap3A_1250, %swap3A_1251], %swap3A_1254 {strides = array<i32>} : memref<20x1024xf32, #tpu.memory_space<vmem>>, vector<1x16xf32>,
    %swap3A_1255 = arith.constant 14 : i32
    %swap3A_1256 = arith.index_cast %swap3A_1255 : i32 to index
    %swap3A_1257 = arith.constant 1008 : index
    %swap3A_1258 = tpu.vector_load %arg8[%swap3A_1256, %swap3A_1257] {strides = array<i32>} : memref<20x1024xf32, #tpu.memory_space<vmem>>, vector<1x16xf32>,
    %swap3A_1259 = vector.shape_cast %swap3A_1258 : vector<1x16xf32> to vector<16xf32>
    %swap3A_1260 = vector.shape_cast %broadcast_in_dim3A_1 : vector<16xf32> to vector<1x16xf32>
    tpu.vector_store %arg8[%swap3A_1256, %swap3A_1257], %swap3A_1260 {strides = array<i32>} : memref<20x1024xf32, #tpu.memory_space<vmem>>, vector<1x16xf32>,
    %swap3A_1261 = arith.constant 15 : i32
    %swap3A_1262 = arith.index_cast %swap3A_1261 : i32 to index
    %swap3A_1263 = arith.constant 800 : index
    %swap3A_1264 = tpu.vector_load %arg8[%swap3A_1262, %swap3A_1263] {strides = array<i32>} : memref<20x1024xf32, #tpu.memory_space<vmem>>, vector<1x16xf32>,
    %swap3A_1265 = vector.shape_cast %swap3A_1264 : vector<1x16xf32> to vector<16xf32>
    %swap3A_1266 = vector.shape_cast %broadcast_in_dim3A_1 : vector<16xf32> to vector<1x16xf32>
    tpu.vector_store %arg8[%swap3A_1262, %swap3A_1263], %swap3A_1266 {strides = array<i32>} : memref<20x1024xf32, #tpu.memory_space<vmem>>, vector<1x16xf32>,
    %swap3A_1267 = arith.constant 15 : i32
    %swap3A_1268 = arith.index_cast %swap3A_1267 : i32 to index
    %swap3A_1269 = arith.constant 816 : index
    %swap3A_1270 = tpu.vector_load %arg8[%swap3A_1268, %swap3A_1269] {strides = array<i32>} : memref<20x1024xf32, #tpu.memory_space<vmem>>, vector<1x16xf32>,
    %swap3A_1271 = vector.shape_cast %swap3A_1270 : vector<1x16xf32> to vector<16xf32>
    %swap3A_1272 = vector.shape_cast %broadcast_in_dim3A_1 : vector<16xf32> to vector<1x16xf32>
    tpu.vector_store %arg8[%swap3A_1268, %swap3A_1269], %swap3A_1272 {strides = array<i32>} : memref<20x1024xf32, #tpu.memory_space<vmem>>, vector<1x16xf32>,
    %swap3A_1273 = arith.constant 15 : i32
    %swap3A_1274 = arith.index_cast %swap3A_1273 : i32 to index
    %swap3A_1275 = arith.constant 832 : index
    %swap3A_1276 = tpu.vector_load %arg8[%swap3A_1274, %swap3A_1275] {strides = array<i32>} : memref<20x1024xf32, #tpu.memory_space<vmem>>, vector<1x16xf32>,
    %swap3A_1277 = vector.shape_cast %swap3A_1276 : vector<1x16xf32> to vector<16xf32>
    %swap3A_1278 = vector.shape_cast %broadcast_in_dim3A_1 : vector<16xf32> to vector<1x16xf32>
    tpu.vector_store %arg8[%swap3A_1274, %swap3A_1275], %swap3A_1278 {strides = array<i32>} : memref<20x1024xf32, #tpu.memory_space<vmem>>, vector<1x16xf32>,
    %swap3A_1279 = arith.constant 15 : i32
    %swap3A_1280 = arith.index_cast %swap3A_1279 : i32 to index
    %swap3A_1281 = arith.constant 848 : index
    %swap3A_1282 = tpu.vector_load %arg8[%swap3A_1280, %swap3A_1281] {strides = array<i32>} : memref<20x1024xf32, #tpu.memory_space<vmem>>, vector<1x16xf32>,
    %swap3A_1283 = vector.shape_cast %swap3A_1282 : vector<1x16xf32> to vector<16xf32>
    %swap3A_1284 = vector.shape_cast %broadcast_in_dim3A_1 : vector<16xf32> to vector<1x16xf32>
    tpu.vector_store %arg8[%swap3A_1280, %swap3A_1281], %swap3A_1284 {strides = array<i32>} : memref<20x1024xf32, #tpu.memory_space<vmem>>, vector<1x16xf32>,
    %swap3A_1285 = arith.constant 15 : i32
    %swap3A_1286 = arith.index_cast %swap3A_1285 : i32 to index
    %swap3A_1287 = arith.constant 864 : index
    %swap3A_1288 = tpu.vector_load %arg8[%swap3A_1286, %swap3A_1287] {strides = array<i32>} : memref<20x1024xf32, #tpu.memory_space<vmem>>, vector<1x16xf32>,
    %swap3A_1289 = vector.shape_cast %swap3A_1288 : vector<1x16xf32> to vector<16xf32>
    %swap3A_1290 = vector.shape_cast %broadcast_in_dim3A_1 : vector<16xf32> to vector<1x16xf32>
    tpu.vector_store %arg8[%swap3A_1286, %swap3A_1287], %swap3A_1290 {strides = array<i32>} : memref<20x1024xf32, #tpu.memory_space<vmem>>, vector<1x16xf32>,
    %swap3A_1291 = arith.constant 15 : i32
    %swap3A_1292 = arith.index_cast %swap3A_1291 : i32 to index
    %swap3A_1293 = arith.constant 880 : index
    %swap3A_1294 = tpu.vector_load %arg8[%swap3A_1292, %swap3A_1293] {strides = array<i32>} : memref<20x1024xf32, #tpu.memory_space<vmem>>, vector<1x16xf32>,
    %swap3A_1295 = vector.shape_cast %swap3A_1294 : vector<1x16xf32> to vector<16xf32>
    %swap3A_1296 = vector.shape_cast %broadcast_in_dim3A_1 : vector<16xf32> to vector<1x16xf32>
    tpu.vector_store %arg8[%swap3A_1292, %swap3A_1293], %swap3A_1296 {strides = array<i32>} : memref<20x1024xf32, #tpu.memory_space<vmem>>, vector<1x16xf32>,
    %swap3A_1297 = arith.constant 15 : i32
    %swap3A_1298 = arith.index_cast %swap3A_1297 : i32 to index
    %swap3A_1299 = arith.constant 896 : index
    %swap3A_1300 = tpu.vector_load %arg8[%swap3A_1298, %swap3A_1299] {strides = array<i32>} : memref<20x1024xf32, #tpu.memory_space<vmem>>, vector<1x16xf32>,
    %swap3A_1301 = vector.shape_cast %swap3A_1300 : vector<1x16xf32> to vector<16xf32>
    %swap3A_1302 = vector.shape_cast %broadcast_in_dim3A_1 : vector<16xf32> to vector<1x16xf32>
    tpu.vector_store %arg8[%swap3A_1298, %swap3A_1299], %swap3A_1302 {strides = array<i32>} : memref<20x1024xf32, #tpu.memory_space<vmem>>, vector<1x16xf32>,
    %swap3A_1303 = arith.constant 15 : i32
    %swap3A_1304 = arith.index_cast %swap3A_1303 : i32 to index
    %swap3A_1305 = arith.constant 912 : index
    %swap3A_1306 = tpu.vector_load %arg8[%swap3A_1304, %swap3A_1305] {strides = array<i32>} : memref<20x1024xf32, #tpu.memory_space<vmem>>, vector<1x16xf32>,
    %swap3A_1307 = vector.shape_cast %swap3A_1306 : vector<1x16xf32> to vector<16xf32>
    %swap3A_1308 = vector.shape_cast %broadcast_in_dim3A_1 : vector<16xf32> to vector<1x16xf32>
    tpu.vector_store %arg8[%swap3A_1304, %swap3A_1305], %swap3A_1308 {strides = array<i32>} : memref<20x1024xf32, #tpu.memory_space<vmem>>, vector<1x16xf32>,
    %swap3A_1309 = arith.constant 15 : i32
    %swap3A_1310 = arith.index_cast %swap3A_1309 : i32 to index
    %swap3A_1311 = arith.constant 928 : index
    %swap3A_1312 = tpu.vector_load %arg8[%swap3A_1310, %swap3A_1311] {strides = array<i32>} : memref<20x1024xf32, #tpu.memory_space<vmem>>, vector<1x16xf32>,
    %swap3A_1313 = vector.shape_cast %swap3A_1312 : vector<1x16xf32> to vector<16xf32>
    %swap3A_1314 = vector.shape_cast %broadcast_in_dim3A_1 : vector<16xf32> to vector<1x16xf32>
    tpu.vector_store %arg8[%swap3A_1310, %swap3A_1311], %swap3A_1314 {strides = array<i32>} : memref<20x1024xf32, #tpu.memory_space<vmem>>, vector<1x16xf32>,
    %swap3A_1315 = arith.constant 15 : i32
    %swap3A_1316 = arith.index_cast %swap3A_1315 : i32 to index
    %swap3A_1317 = arith.constant 944 : index
    %swap3A_1318 = tpu.vector_load %arg8[%swap3A_1316, %swap3A_1317] {strides = array<i32>} : memref<20x1024xf32, #tpu.memory_space<vmem>>, vector<1x16xf32>,
    %swap3A_1319 = vector.shape_cast %swap3A_1318 : vector<1x16xf32> to vector<16xf32>
    %swap3A_1320 = vector.shape_cast %broadcast_in_dim3A_1 : vector<16xf32> to vector<1x16xf32>
    tpu.vector_store %arg8[%swap3A_1316, %swap3A_1317], %swap3A_1320 {strides = array<i32>} : memref<20x1024xf32, #tpu.memory_space<vmem>>, vector<1x16xf32>,
    %swap3A_1321 = arith.constant 15 : i32
    %swap3A_1322 = arith.index_cast %swap3A_1321 : i32 to index
    %swap3A_1323 = arith.constant 960 : index
    %swap3A_1324 = tpu.vector_load %arg8[%swap3A_1322, %swap3A_1323] {strides = array<i32>} : memref<20x1024xf32, #tpu.memory_space<vmem>>, vector<1x16xf32>,
    %swap3A_1325 = vector.shape_cast %swap3A_1324 : vector<1x16xf32> to vector<16xf32>
    %swap3A_1326 = vector.shape_cast %broadcast_in_dim3A_1 : vector<16xf32> to vector<1x16xf32>
    tpu.vector_store %arg8[%swap3A_1322, %swap3A_1323], %swap3A_1326 {strides = array<i32>} : memref<20x1024xf32, #tpu.memory_space<vmem>>, vector<1x16xf32>,
    %swap3A_1327 = arith.constant 15 : i32
    %swap3A_1328 = arith.index_cast %swap3A_1327 : i32 to index
    %swap3A_1329 = arith.constant 976 : index
    %swap3A_1330 = tpu.vector_load %arg8[%swap3A_1328, %swap3A_1329] {strides = array<i32>} : memref<20x1024xf32, #tpu.memory_space<vmem>>, vector<1x16xf32>,
    %swap3A_1331 = vector.shape_cast %swap3A_1330 : vector<1x16xf32> to vector<16xf32>
    %swap3A_1332 = vector.shape_cast %broadcast_in_dim3A_1 : vector<16xf32> to vector<1x16xf32>
    tpu.vector_store %arg8[%swap3A_1328, %swap3A_1329], %swap3A_1332 {strides = array<i32>} : memref<20x1024xf32, #tpu.memory_space<vmem>>, vector<1x16xf32>,
    %swap3A_1333 = arith.constant 15 : i32
    %swap3A_1334 = arith.index_cast %swap3A_1333 : i32 to index
    %swap3A_1335 = arith.constant 992 : index
    %swap3A_1336 = tpu.vector_load %arg8[%swap3A_1334, %swap3A_1335] {strides = array<i32>} : memref<20x1024xf32, #tpu.memory_space<vmem>>, vector<1x16xf32>,
    %swap3A_1337 = vector.shape_cast %swap3A_1336 : vector<1x16xf32> to vector<16xf32>
    %swap3A_1338 = vector.shape_cast %broadcast_in_dim3A_1 : vector<16xf32> to vector<1x16xf32>
    tpu.vector_store %arg8[%swap3A_1334, %swap3A_1335], %swap3A_1338 {strides = array<i32>} : memref<20x1024xf32, #tpu.memory_space<vmem>>, vector<1x16xf32>,
    %swap3A_1339 = arith.constant 15 : i32
    %swap3A_1340 = arith.index_cast %swap3A_1339 : i32 to index
    %swap3A_1341 = arith.constant 1008 : index
    %swap3A_1342 = tpu.vector_load %arg8[%swap3A_1340, %swap3A_1341] {strides = array<i32>} : memref<20x1024xf32, #tpu.memory_space<vmem>>, vector<1x16xf32>,
    %swap3A_1343 = vector.shape_cast %swap3A_1342 : vector<1x16xf32> to vector<16xf32>
    %swap3A_1344 = vector.shape_cast %broadcast_in_dim3A_1 : vector<16xf32> to vector<1x16xf32>
    tpu.vector_store %arg8[%swap3A_1340, %swap3A_1341], %swap3A_1344 {strides = array<i32>} : memref<20x1024xf32, #tpu.memory_space<vmem>>, vector<1x16xf32>,
    %swap3A_1345 = arith.constant 16 : i32
    %swap3A_1346 = arith.index_cast %swap3A_1345 : i32 to index
    %swap3A_1347 = arith.constant 800 : index
    %swap3A_1348 = tpu.vector_load %arg8[%swap3A_1346, %swap3A_1347] {strides = array<i32>} : memref<20x1024xf32, #tpu.memory_space<vmem>>, vector<1x16xf32>,
    %swap3A_1349 = vector.shape_cast %swap3A_1348 : vector<1x16xf32> to vector<16xf32>
    %swap3A_1350 = vector.shape_cast %broadcast_in_dim3A_1 : vector<16xf32> to vector<1x16xf32>
    tpu.vector_store %arg8[%swap3A_1346, %swap3A_1347], %swap3A_1350 {strides = array<i32>} : memref<20x1024xf32, #tpu.memory_space<vmem>>, vector<1x16xf32>,
    %swap3A_1351 = arith.constant 16 : i32
    %swap3A_1352 = arith.index_cast %swap3A_1351 : i32 to index
    %swap3A_1353 = arith.constant 816 : index
    %swap3A_1354 = tpu.vector_load %arg8[%swap3A_1352, %swap3A_1353] {strides = array<i32>} : memref<20x1024xf32, #tpu.memory_space<vmem>>, vector<1x16xf32>,
    %swap3A_1355 = vector.shape_cast %swap3A_1354 : vector<1x16xf32> to vector<16xf32>
    %swap3A_1356 = vector.shape_cast %broadcast_in_dim3A_1 : vector<16xf32> to vector<1x16xf32>
    tpu.vector_store %arg8[%swap3A_1352, %swap3A_1353], %swap3A_1356 {strides = array<i32>} : memref<20x1024xf32, #tpu.memory_space<vmem>>, vector<1x16xf32>,
    %swap3A_1357 = arith.constant 16 : i32
    %swap3A_1358 = arith.index_cast %swap3A_1357 : i32 to index
    %swap3A_1359 = arith.constant 832 : index
    %swap3A_1360 = tpu.vector_load %arg8[%swap3A_1358, %swap3A_1359] {strides = array<i32>} : memref<20x1024xf32, #tpu.memory_space<vmem>>, vector<1x16xf32>,
    %swap3A_1361 = vector.shape_cast %swap3A_1360 : vector<1x16xf32> to vector<16xf32>
    %swap3A_1362 = vector.shape_cast %broadcast_in_dim3A_1 : vector<16xf32> to vector<1x16xf32>
    tpu.vector_store %arg8[%swap3A_1358, %swap3A_1359], %swap3A_1362 {strides = array<i32>} : memref<20x1024xf32, #tpu.memory_space<vmem>>, vector<1x16xf32>,
    %swap3A_1363 = arith.constant 16 : i32
    %swap3A_1364 = arith.index_cast %swap3A_1363 : i32 to index
    %swap3A_1365 = arith.constant 848 : index
    %swap3A_1366 = tpu.vector_load %arg8[%swap3A_1364, %swap3A_1365] {strides = array<i32>} : memref<20x1024xf32, #tpu.memory_space<vmem>>, vector<1x16xf32>,
    %swap3A_1367 = vector.shape_cast %swap3A_1366 : vector<1x16xf32> to vector<16xf32>
    %swap3A_1368 = vector.shape_cast %broadcast_in_dim3A_1 : vector<16xf32> to vector<1x16xf32>
    tpu.vector_store %arg8[%swap3A_1364, %swap3A_1365], %swap3A_1368 {strides = array<i32>} : memref<20x1024xf32, #tpu.memory_space<vmem>>, vector<1x16xf32>,
    %swap3A_1369 = arith.constant 16 : i32
    %swap3A_1370 = arith.index_cast %swap3A_1369 : i32 to index
    %swap3A_1371 = arith.constant 864 : index
    %swap3A_1372 = tpu.vector_load %arg8[%swap3A_1370, %swap3A_1371] {strides = array<i32>} : memref<20x1024xf32, #tpu.memory_space<vmem>>, vector<1x16xf32>,
    %swap3A_1373 = vector.shape_cast %swap3A_1372 : vector<1x16xf32> to vector<16xf32>
    %swap3A_1374 = vector.shape_cast %broadcast_in_dim3A_1 : vector<16xf32> to vector<1x16xf32>
    tpu.vector_store %arg8[%swap3A_1370, %swap3A_1371], %swap3A_1374 {strides = array<i32>} : memref<20x1024xf32, #tpu.memory_space<vmem>>, vector<1x16xf32>,
    %swap3A_1375 = arith.constant 16 : i32
    %swap3A_1376 = arith.index_cast %swap3A_1375 : i32 to index
    %swap3A_1377 = arith.constant 880 : index
    %swap3A_1378 = tpu.vector_load %arg8[%swap3A_1376, %swap3A_1377] {strides = array<i32>} : memref<20x1024xf32, #tpu.memory_space<vmem>>, vector<1x16xf32>,
    %swap3A_1379 = vector.shape_cast %swap3A_1378 : vector<1x16xf32> to vector<16xf32>
    %swap3A_1380 = vector.shape_cast %broadcast_in_dim3A_1 : vector<16xf32> to vector<1x16xf32>
    tpu.vector_store %arg8[%swap3A_1376, %swap3A_1377], %swap3A_1380 {strides = array<i32>} : memref<20x1024xf32, #tpu.memory_space<vmem>>, vector<1x16xf32>,
    %swap3A_1381 = arith.constant 16 : i32
    %swap3A_1382 = arith.index_cast %swap3A_1381 : i32 to index
    %swap3A_1383 = arith.constant 896 : index
    %swap3A_1384 = tpu.vector_load %arg8[%swap3A_1382, %swap3A_1383] {strides = array<i32>} : memref<20x1024xf32, #tpu.memory_space<vmem>>, vector<1x16xf32>,
    %swap3A_1385 = vector.shape_cast %swap3A_1384 : vector<1x16xf32> to vector<16xf32>
    %swap3A_1386 = vector.shape_cast %broadcast_in_dim3A_1 : vector<16xf32> to vector<1x16xf32>
    tpu.vector_store %arg8[%swap3A_1382, %swap3A_1383], %swap3A_1386 {strides = array<i32>} : memref<20x1024xf32, #tpu.memory_space<vmem>>, vector<1x16xf32>,
    %swap3A_1387 = arith.constant 16 : i32
    %swap3A_1388 = arith.index_cast %swap3A_1387 : i32 to index
    %swap3A_1389 = arith.constant 912 : index
    %swap3A_1390 = tpu.vector_load %arg8[%swap3A_1388, %swap3A_1389] {strides = array<i32>} : memref<20x1024xf32, #tpu.memory_space<vmem>>, vector<1x16xf32>,
    %swap3A_1391 = vector.shape_cast %swap3A_1390 : vector<1x16xf32> to vector<16xf32>
    %swap3A_1392 = vector.shape_cast %broadcast_in_dim3A_1 : vector<16xf32> to vector<1x16xf32>
    tpu.vector_store %arg8[%swap3A_1388, %swap3A_1389], %swap3A_1392 {strides = array<i32>} : memref<20x1024xf32, #tpu.memory_space<vmem>>, vector<1x16xf32>,
    %swap3A_1393 = arith.constant 16 : i32
    %swap3A_1394 = arith.index_cast %swap3A_1393 : i32 to index
    %swap3A_1395 = arith.constant 928 : index
    %swap3A_1396 = tpu.vector_load %arg8[%swap3A_1394, %swap3A_1395] {strides = array<i32>} : memref<20x1024xf32, #tpu.memory_space<vmem>>, vector<1x16xf32>,
    %swap3A_1397 = vector.shape_cast %swap3A_1396 : vector<1x16xf32> to vector<16xf32>
    %swap3A_1398 = vector.shape_cast %broadcast_in_dim3A_1 : vector<16xf32> to vector<1x16xf32>
    tpu.vector_store %arg8[%swap3A_1394, %swap3A_1395], %swap3A_1398 {strides = array<i32>} : memref<20x1024xf32, #tpu.memory_space<vmem>>, vector<1x16xf32>,
    %swap3A_1399 = arith.constant 16 : i32
    %swap3A_1400 = arith.index_cast %swap3A_1399 : i32 to index
    %swap3A_1401 = arith.constant 944 : index
    %swap3A_1402 = tpu.vector_load %arg8[%swap3A_1400, %swap3A_1401] {strides = array<i32>} : memref<20x1024xf32, #tpu.memory_space<vmem>>, vector<1x16xf32>,
    %swap3A_1403 = vector.shape_cast %swap3A_1402 : vector<1x16xf32> to vector<16xf32>
    %swap3A_1404 = vector.shape_cast %broadcast_in_dim3A_1 : vector<16xf32> to vector<1x16xf32>
    tpu.vector_store %arg8[%swap3A_1400, %swap3A_1401], %swap3A_1404 {strides = array<i32>} : memref<20x1024xf32, #tpu.memory_space<vmem>>, vector<1x16xf32>,
    %swap3A_1405 = arith.constant 16 : i32
    %swap3A_1406 = arith.index_cast %swap3A_1405 : i32 to index
    %swap3A_1407 = arith.constant 960 : index
    %swap3A_1408 = tpu.vector_load %arg8[%swap3A_1406, %swap3A_1407] {strides = array<i32>} : memref<20x1024xf32, #tpu.memory_space<vmem>>, vector<1x16xf32>,
    %swap3A_1409 = vector.shape_cast %swap3A_1408 : vector<1x16xf32> to vector<16xf32>
    %swap3A_1410 = vector.shape_cast %broadcast_in_dim3A_1 : vector<16xf32> to vector<1x16xf32>
    tpu.vector_store %arg8[%swap3A_1406, %swap3A_1407], %swap3A_1410 {strides = array<i32>} : memref<20x1024xf32, #tpu.memory_space<vmem>>, vector<1x16xf32>,
    %swap3A_1411 = arith.constant 16 : i32
    %swap3A_1412 = arith.index_cast %swap3A_1411 : i32 to index
    %swap3A_1413 = arith.constant 976 : index
    %swap3A_1414 = tpu.vector_load %arg8[%swap3A_1412, %swap3A_1413] {strides = array<i32>} : memref<20x1024xf32, #tpu.memory_space<vmem>>, vector<1x16xf32>,
    %swap3A_1415 = vector.shape_cast %swap3A_1414 : vector<1x16xf32> to vector<16xf32>
    %swap3A_1416 = vector.shape_cast %broadcast_in_dim3A_1 : vector<16xf32> to vector<1x16xf32>
    tpu.vector_store %arg8[%swap3A_1412, %swap3A_1413], %swap3A_1416 {strides = array<i32>} : memref<20x1024xf32, #tpu.memory_space<vmem>>, vector<1x16xf32>,
    %swap3A_1417 = arith.constant 16 : i32
    %swap3A_1418 = arith.index_cast %swap3A_1417 : i32 to index
    %swap3A_1419 = arith.constant 992 : index
    %swap3A_1420 = tpu.vector_load %arg8[%swap3A_1418, %swap3A_1419] {strides = array<i32>} : memref<20x1024xf32, #tpu.memory_space<vmem>>, vector<1x16xf32>,
    %swap3A_1421 = vector.shape_cast %swap3A_1420 : vector<1x16xf32> to vector<16xf32>
    %swap3A_1422 = vector.shape_cast %broadcast_in_dim3A_1 : vector<16xf32> to vector<1x16xf32>
    tpu.vector_store %arg8[%swap3A_1418, %swap3A_1419], %swap3A_1422 {strides = array<i32>} : memref<20x1024xf32, #tpu.memory_space<vmem>>, vector<1x16xf32>,
    %swap3A_1423 = arith.constant 16 : i32
    %swap3A_1424 = arith.index_cast %swap3A_1423 : i32 to index
    %swap3A_1425 = arith.constant 1008 : index
    %swap3A_1426 = tpu.vector_load %arg8[%swap3A_1424, %swap3A_1425] {strides = array<i32>} : memref<20x1024xf32, #tpu.memory_space<vmem>>, vector<1x16xf32>,
    %swap3A_1427 = vector.shape_cast %swap3A_1426 : vector<1x16xf32> to vector<16xf32>
    %swap3A_1428 = vector.shape_cast %broadcast_in_dim3A_1 : vector<16xf32> to vector<1x16xf32>
    tpu.vector_store %arg8[%swap3A_1424, %swap3A_1425], %swap3A_1428 {strides = array<i32>} : memref<20x1024xf32, #tpu.memory_space<vmem>>, vector<1x16xf32>,
    %swap3A_1429 = arith.constant 17 : i32
    %swap3A_1430 = arith.index_cast %swap3A_1429 : i32 to index
    %swap3A_1431 = arith.constant 800 : index
    %swap3A_1432 = tpu.vector_load %arg8[%swap3A_1430, %swap3A_1431] {strides = array<i32>} : memref<20x1024xf32, #tpu.memory_space<vmem>>, vector<1x16xf32>,
    %swap3A_1433 = vector.shape_cast %swap3A_1432 : vector<1x16xf32> to vector<16xf32>
    %swap3A_1434 = vector.shape_cast %broadcast_in_dim3A_1 : vector<16xf32> to vector<1x16xf32>
    tpu.vector_store %arg8[%swap3A_1430, %swap3A_1431], %swap3A_1434 {strides = array<i32>} : memref<20x1024xf32, #tpu.memory_space<vmem>>, vector<1x16xf32>,
    %swap3A_1435 = arith.constant 17 : i32
    %swap3A_1436 = arith.index_cast %swap3A_1435 : i32 to index
    %swap3A_1437 = arith.constant 816 : index
    %swap3A_1438 = tpu.vector_load %arg8[%swap3A_1436, %swap3A_1437] {strides = array<i32>} : memref<20x1024xf32, #tpu.memory_space<vmem>>, vector<1x16xf32>,
    %swap3A_1439 = vector.shape_cast %swap3A_1438 : vector<1x16xf32> to vector<16xf32>
    %swap3A_1440 = vector.shape_cast %broadcast_in_dim3A_1 : vector<16xf32> to vector<1x16xf32>
    tpu.vector_store %arg8[%swap3A_1436, %swap3A_1437], %swap3A_1440 {strides = array<i32>} : memref<20x1024xf32, #tpu.memory_space<vmem>>, vector<1x16xf32>,
    %swap3A_1441 = arith.constant 17 : i32
    %swap3A_1442 = arith.index_cast %swap3A_1441 : i32 to index
    %swap3A_1443 = arith.constant 832 : index
    %swap3A_1444 = tpu.vector_load %arg8[%swap3A_1442, %swap3A_1443] {strides = array<i32>} : memref<20x1024xf32, #tpu.memory_space<vmem>>, vector<1x16xf32>,
    %swap3A_1445 = vector.shape_cast %swap3A_1444 : vector<1x16xf32> to vector<16xf32>
    %swap3A_1446 = vector.shape_cast %broadcast_in_dim3A_1 : vector<16xf32> to vector<1x16xf32>
    tpu.vector_store %arg8[%swap3A_1442, %swap3A_1443], %swap3A_1446 {strides = array<i32>} : memref<20x1024xf32, #tpu.memory_space<vmem>>, vector<1x16xf32>,
    %swap3A_1447 = arith.constant 17 : i32
    %swap3A_1448 = arith.index_cast %swap3A_1447 : i32 to index
    %swap3A_1449 = arith.constant 848 : index
    %swap3A_1450 = tpu.vector_load %arg8[%swap3A_1448, %swap3A_1449] {strides = array<i32>} : memref<20x1024xf32, #tpu.memory_space<vmem>>, vector<1x16xf32>,
    %swap3A_1451 = vector.shape_cast %swap3A_1450 : vector<1x16xf32> to vector<16xf32>
    %swap3A_1452 = vector.shape_cast %broadcast_in_dim3A_1 : vector<16xf32> to vector<1x16xf32>
    tpu.vector_store %arg8[%swap3A_1448, %swap3A_1449], %swap3A_1452 {strides = array<i32>} : memref<20x1024xf32, #tpu.memory_space<vmem>>, vector<1x16xf32>,
    %swap3A_1453 = arith.constant 17 : i32
    %swap3A_1454 = arith.index_cast %swap3A_1453 : i32 to index
    %swap3A_1455 = arith.constant 864 : index
    %swap3A_1456 = tpu.vector_load %arg8[%swap3A_1454, %swap3A_1455] {strides = array<i32>} : memref<20x1024xf32, #tpu.memory_space<vmem>>, vector<1x16xf32>,
    %swap3A_1457 = vector.shape_cast %swap3A_1456 : vector<1x16xf32> to vector<16xf32>
    %swap3A_1458 = vector.shape_cast %broadcast_in_dim3A_1 : vector<16xf32> to vector<1x16xf32>
    tpu.vector_store %arg8[%swap3A_1454, %swap3A_1455], %swap3A_1458 {strides = array<i32>} : memref<20x1024xf32, #tpu.memory_space<vmem>>, vector<1x16xf32>,
    %swap3A_1459 = arith.constant 17 : i32
    %swap3A_1460 = arith.index_cast %swap3A_1459 : i32 to index
    %swap3A_1461 = arith.constant 880 : index
    %swap3A_1462 = tpu.vector_load %arg8[%swap3A_1460, %swap3A_1461] {strides = array<i32>} : memref<20x1024xf32, #tpu.memory_space<vmem>>, vector<1x16xf32>,
    %swap3A_1463 = vector.shape_cast %swap3A_1462 : vector<1x16xf32> to vector<16xf32>
    %swap3A_1464 = vector.shape_cast %broadcast_in_dim3A_1 : vector<16xf32> to vector<1x16xf32>
    tpu.vector_store %arg8[%swap3A_1460, %swap3A_1461], %swap3A_1464 {strides = array<i32>} : memref<20x1024xf32, #tpu.memory_space<vmem>>, vector<1x16xf32>,
    %swap3A_1465 = arith.constant 17 : i32
    %swap3A_1466 = arith.index_cast %swap3A_1465 : i32 to index
    %swap3A_1467 = arith.constant 896 : index
    %swap3A_1468 = tpu.vector_load %arg8[%swap3A_1466, %swap3A_1467] {strides = array<i32>} : memref<20x1024xf32, #tpu.memory_space<vmem>>, vector<1x16xf32>,
    %swap3A_1469 = vector.shape_cast %swap3A_1468 : vector<1x16xf32> to vector<16xf32>
    %swap3A_1470 = vector.shape_cast %broadcast_in_dim3A_1 : vector<16xf32> to vector<1x16xf32>
    tpu.vector_store %arg8[%swap3A_1466, %swap3A_1467], %swap3A_1470 {strides = array<i32>} : memref<20x1024xf32, #tpu.memory_space<vmem>>, vector<1x16xf32>,
    %swap3A_1471 = arith.constant 17 : i32
    %swap3A_1472 = arith.index_cast %swap3A_1471 : i32 to index
    %swap3A_1473 = arith.constant 912 : index
    %swap3A_1474 = tpu.vector_load %arg8[%swap3A_1472, %swap3A_1473] {strides = array<i32>} : memref<20x1024xf32, #tpu.memory_space<vmem>>, vector<1x16xf32>,
    %swap3A_1475 = vector.shape_cast %swap3A_1474 : vector<1x16xf32> to vector<16xf32>
    %swap3A_1476 = vector.shape_cast %broadcast_in_dim3A_1 : vector<16xf32> to vector<1x16xf32>
    tpu.vector_store %arg8[%swap3A_1472, %swap3A_1473], %swap3A_1476 {strides = array<i32>} : memref<20x1024xf32, #tpu.memory_space<vmem>>, vector<1x16xf32>,
    %swap3A_1477 = arith.constant 17 : i32
    %swap3A_1478 = arith.index_cast %swap3A_1477 : i32 to index
    %swap3A_1479 = arith.constant 928 : index
    %swap3A_1480 = tpu.vector_load %arg8[%swap3A_1478, %swap3A_1479] {strides = array<i32>} : memref<20x1024xf32, #tpu.memory_space<vmem>>, vector<1x16xf32>,
    %swap3A_1481 = vector.shape_cast %swap3A_1480 : vector<1x16xf32> to vector<16xf32>
    %swap3A_1482 = vector.shape_cast %broadcast_in_dim3A_1 : vector<16xf32> to vector<1x16xf32>
    tpu.vector_store %arg8[%swap3A_1478, %swap3A_1479], %swap3A_1482 {strides = array<i32>} : memref<20x1024xf32, #tpu.memory_space<vmem>>, vector<1x16xf32>,
    %swap3A_1483 = arith.constant 17 : i32
    %swap3A_1484 = arith.index_cast %swap3A_1483 : i32 to index
    %swap3A_1485 = arith.constant 944 : index
    %swap3A_1486 = tpu.vector_load %arg8[%swap3A_1484, %swap3A_1485] {strides = array<i32>} : memref<20x1024xf32, #tpu.memory_space<vmem>>, vector<1x16xf32>,
    %swap3A_1487 = vector.shape_cast %swap3A_1486 : vector<1x16xf32> to vector<16xf32>
    %swap3A_1488 = vector.shape_cast %broadcast_in_dim3A_1 : vector<16xf32> to vector<1x16xf32>
    tpu.vector_store %arg8[%swap3A_1484, %swap3A_1485], %swap3A_1488 {strides = array<i32>} : memref<20x1024xf32, #tpu.memory_space<vmem>>, vector<1x16xf32>,
    %swap3A_1489 = arith.constant 17 : i32
    %swap3A_1490 = arith.index_cast %swap3A_1489 : i32 to index
    %swap3A_1491 = arith.constant 960 : index
    %swap3A_1492 = tpu.vector_load %arg8[%swap3A_1490, %swap3A_1491] {strides = array<i32>} : memref<20x1024xf32, #tpu.memory_space<vmem>>, vector<1x16xf32>,
    %swap3A_1493 = vector.shape_cast %swap3A_1492 : vector<1x16xf32> to vector<16xf32>
    %swap3A_1494 = vector.shape_cast %broadcast_in_dim3A_1 : vector<16xf32> to vector<1x16xf32>
    tpu.vector_store %arg8[%swap3A_1490, %swap3A_1491], %swap3A_1494 {strides = array<i32>} : memref<20x1024xf32, #tpu.memory_space<vmem>>, vector<1x16xf32>,
    %swap3A_1495 = arith.constant 17 : i32
    %swap3A_1496 = arith.index_cast %swap3A_1495 : i32 to index
    %swap3A_1497 = arith.constant 976 : index
    %swap3A_1498 = tpu.vector_load %arg8[%swap3A_1496, %swap3A_1497] {strides = array<i32>} : memref<20x1024xf32, #tpu.memory_space<vmem>>, vector<1x16xf32>,
    %swap3A_1499 = vector.shape_cast %swap3A_1498 : vector<1x16xf32> to vector<16xf32>
    %swap3A_1500 = vector.shape_cast %broadcast_in_dim3A_1 : vector<16xf32> to vector<1x16xf32>
    tpu.vector_store %arg8[%swap3A_1496, %swap3A_1497], %swap3A_1500 {strides = array<i32>} : memref<20x1024xf32, #tpu.memory_space<vmem>>, vector<1x16xf32>,
    %swap3A_1501 = arith.constant 17 : i32
    %swap3A_1502 = arith.index_cast %swap3A_1501 : i32 to index
    %swap3A_1503 = arith.constant 992 : index
    %swap3A_1504 = tpu.vector_load %arg8[%swap3A_1502, %swap3A_1503] {strides = array<i32>} : memref<20x1024xf32, #tpu.memory_space<vmem>>, vector<1x16xf32>,
    %swap3A_1505 = vector.shape_cast %swap3A_1504 : vector<1x16xf32> to vector<16xf32>
    %swap3A_1506 = vector.shape_cast %broadcast_in_dim3A_1 : vector<16xf32> to vector<1x16xf32>
    tpu.vector_store %arg8[%swap3A_1502, %swap3A_1503], %swap3A_1506 {strides = array<i32>} : memref<20x1024xf32, #tpu.memory_space<vmem>>, vector<1x16xf32>,
    %swap3A_1507 = arith.constant 17 : i32
    %swap3A_1508 = arith.index_cast %swap3A_1507 : i32 to index
    %swap3A_1509 = arith.constant 1008 : index
    %swap3A_1510 = tpu.vector_load %arg8[%swap3A_1508, %swap3A_1509] {strides = array<i32>} : memref<20x1024xf32, #tpu.memory_space<vmem>>, vector<1x16xf32>,
    %swap3A_1511 = vector.shape_cast %swap3A_1510 : vector<1x16xf32> to vector<16xf32>
    %swap3A_1512 = vector.shape_cast %broadcast_in_dim3A_1 : vector<16xf32> to vector<1x16xf32>
    tpu.vector_store %arg8[%swap3A_1508, %swap3A_1509], %swap3A_1512 {strides = array<i32>} : memref<20x1024xf32, #tpu.memory_space<vmem>>, vector<1x16xf32>,
    %swap3A_1513 = arith.constant 18 : i32
    %swap3A_1514 = arith.index_cast %swap3A_1513 : i32 to index
    %swap3A_1515 = arith.constant 800 : index
    %swap3A_1516 = tpu.vector_load %arg8[%swap3A_1514, %swap3A_1515] {strides = array<i32>} : memref<20x1024xf32, #tpu.memory_space<vmem>>, vector<1x16xf32>,
    %swap3A_1517 = vector.shape_cast %swap3A_1516 : vector<1x16xf32> to vector<16xf32>
    %swap3A_1518 = vector.shape_cast %broadcast_in_dim3A_1 : vector<16xf32> to vector<1x16xf32>
    tpu.vector_store %arg8[%swap3A_1514, %swap3A_1515], %swap3A_1518 {strides = array<i32>} : memref<20x1024xf32, #tpu.memory_space<vmem>>, vector<1x16xf32>,
    %swap3A_1519 = arith.constant 18 : i32
    %swap3A_1520 = arith.index_cast %swap3A_1519 : i32 to index
    %swap3A_1521 = arith.constant 816 : index
    %swap3A_1522 = tpu.vector_load %arg8[%swap3A_1520, %swap3A_1521] {strides = array<i32>} : memref<20x1024xf32, #tpu.memory_space<vmem>>, vector<1x16xf32>,
    %swap3A_1523 = vector.shape_cast %swap3A_1522 : vector<1x16xf32> to vector<16xf32>
    %swap3A_1524 = vector.shape_cast %broadcast_in_dim3A_1 : vector<16xf32> to vector<1x16xf32>
    tpu.vector_store %arg8[%swap3A_1520, %swap3A_1521], %swap3A_1524 {strides = array<i32>} : memref<20x1024xf32, #tpu.memory_space<vmem>>, vector<1x16xf32>,
    %swap3A_1525 = arith.constant 18 : i32
    %swap3A_1526 = arith.index_cast %swap3A_1525 : i32 to index
    %swap3A_1527 = arith.constant 832 : index
    %swap3A_1528 = tpu.vector_load %arg8[%swap3A_1526, %swap3A_1527] {strides = array<i32>} : memref<20x1024xf32, #tpu.memory_space<vmem>>, vector<1x16xf32>,
    %swap3A_1529 = vector.shape_cast %swap3A_1528 : vector<1x16xf32> to vector<16xf32>
    %swap3A_1530 = vector.shape_cast %broadcast_in_dim3A_1 : vector<16xf32> to vector<1x16xf32>
    tpu.vector_store %arg8[%swap3A_1526, %swap3A_1527], %swap3A_1530 {strides = array<i32>} : memref<20x1024xf32, #tpu.memory_space<vmem>>, vector<1x16xf32>,
    %swap3A_1531 = arith.constant 18 : i32
    %swap3A_1532 = arith.index_cast %swap3A_1531 : i32 to index
    %swap3A_1533 = arith.constant 848 : index
    %swap3A_1534 = tpu.vector_load %arg8[%swap3A_1532, %swap3A_1533] {strides = array<i32>} : memref<20x1024xf32, #tpu.memory_space<vmem>>, vector<1x16xf32>,
    %swap3A_1535 = vector.shape_cast %swap3A_1534 : vector<1x16xf32> to vector<16xf32>
    %swap3A_1536 = vector.shape_cast %broadcast_in_dim3A_1 : vector<16xf32> to vector<1x16xf32>
    tpu.vector_store %arg8[%swap3A_1532, %swap3A_1533], %swap3A_1536 {strides = array<i32>} : memref<20x1024xf32, #tpu.memory_space<vmem>>, vector<1x16xf32>,
    %swap3A_1537 = arith.constant 18 : i32
    %swap3A_1538 = arith.index_cast %swap3A_1537 : i32 to index
    %swap3A_1539 = arith.constant 864 : index
    %swap3A_1540 = tpu.vector_load %arg8[%swap3A_1538, %swap3A_1539] {strides = array<i32>} : memref<20x1024xf32, #tpu.memory_space<vmem>>, vector<1x16xf32>,
    %swap3A_1541 = vector.shape_cast %swap3A_1540 : vector<1x16xf32> to vector<16xf32>
    %swap3A_1542 = vector.shape_cast %broadcast_in_dim3A_1 : vector<16xf32> to vector<1x16xf32>
    tpu.vector_store %arg8[%swap3A_1538, %swap3A_1539], %swap3A_1542 {strides = array<i32>} : memref<20x1024xf32, #tpu.memory_space<vmem>>, vector<1x16xf32>,
    %swap3A_1543 = arith.constant 18 : i32
    %swap3A_1544 = arith.index_cast %swap3A_1543 : i32 to index
    %swap3A_1545 = arith.constant 880 : index
    %swap3A_1546 = tpu.vector_load %arg8[%swap3A_1544, %swap3A_1545] {strides = array<i32>} : memref<20x1024xf32, #tpu.memory_space<vmem>>, vector<1x16xf32>,
    %swap3A_1547 = vector.shape_cast %swap3A_1546 : vector<1x16xf32> to vector<16xf32>
    %swap3A_1548 = vector.shape_cast %broadcast_in_dim3A_1 : vector<16xf32> to vector<1x16xf32>
    tpu.vector_store %arg8[%swap3A_1544, %swap3A_1545], %swap3A_1548 {strides = array<i32>} : memref<20x1024xf32, #tpu.memory_space<vmem>>, vector<1x16xf32>,
    %swap3A_1549 = arith.constant 18 : i32
    %swap3A_1550 = arith.index_cast %swap3A_1549 : i32 to index
    %swap3A_1551 = arith.constant 896 : index
    %swap3A_1552 = tpu.vector_load %arg8[%swap3A_1550, %swap3A_1551] {strides = array<i32>} : memref<20x1024xf32, #tpu.memory_space<vmem>>, vector<1x16xf32>,
    %swap3A_1553 = vector.shape_cast %swap3A_1552 : vector<1x16xf32> to vector<16xf32>
    %swap3A_1554 = vector.shape_cast %broadcast_in_dim3A_1 : vector<16xf32> to vector<1x16xf32>
    tpu.vector_store %arg8[%swap3A_1550, %swap3A_1551], %swap3A_1554 {strides = array<i32>} : memref<20x1024xf32, #tpu.memory_space<vmem>>, vector<1x16xf32>,
    %swap3A_1555 = arith.constant 18 : i32
    %swap3A_1556 = arith.index_cast %swap3A_1555 : i32 to index
    %swap3A_1557 = arith.constant 912 : index
    %swap3A_1558 = tpu.vector_load %arg8[%swap3A_1556, %swap3A_1557] {strides = array<i32>} : memref<20x1024xf32, #tpu.memory_space<vmem>>, vector<1x16xf32>,
    %swap3A_1559 = vector.shape_cast %swap3A_1558 : vector<1x16xf32> to vector<16xf32>
    %swap3A_1560 = vector.shape_cast %broadcast_in_dim3A_1 : vector<16xf32> to vector<1x16xf32>
    tpu.vector_store %arg8[%swap3A_1556, %swap3A_1557], %swap3A_1560 {strides = array<i32>} : memref<20x1024xf32, #tpu.memory_space<vmem>>, vector<1x16xf32>,
    %swap3A_1561 = arith.constant 18 : i32
    %swap3A_1562 = arith.index_cast %swap3A_1561 : i32 to index
    %swap3A_1563 = arith.constant 928 : index
    %swap3A_1564 = tpu.vector_load %arg8[%swap3A_1562, %swap3A_1563] {strides = array<i32>} : memref<20x1024xf32, #tpu.memory_space<vmem>>, vector<1x16xf32>,
    %swap3A_1565 = vector.shape_cast %swap3A_1564 : vector<1x16xf32> to vector<16xf32>
    %swap3A_1566 = vector.shape_cast %broadcast_in_dim3A_1 : vector<16xf32> to vector<1x16xf32>
    tpu.vector_store %arg8[%swap3A_1562, %swap3A_1563], %swap3A_1566 {strides = array<i32>} : memref<20x1024xf32, #tpu.memory_space<vmem>>, vector<1x16xf32>,
    %swap3A_1567 = arith.constant 18 : i32
    %swap3A_1568 = arith.index_cast %swap3A_1567 : i32 to index
    %swap3A_1569 = arith.constant 944 : index
    %swap3A_1570 = tpu.vector_load %arg8[%swap3A_1568, %swap3A_1569] {strides = array<i32>} : memref<20x1024xf32, #tpu.memory_space<vmem>>, vector<1x16xf32>,
    %swap3A_1571 = vector.shape_cast %swap3A_1570 : vector<1x16xf32> to vector<16xf32>
    %swap3A_1572 = vector.shape_cast %broadcast_in_dim3A_1 : vector<16xf32> to vector<1x16xf32>
    tpu.vector_store %arg8[%swap3A_1568, %swap3A_1569], %swap3A_1572 {strides = array<i32>} : memref<20x1024xf32, #tpu.memory_space<vmem>>, vector<1x16xf32>,
    %swap3A_1573 = arith.constant 18 : i32
    %swap3A_1574 = arith.index_cast %swap3A_1573 : i32 to index
    %swap3A_1575 = arith.constant 960 : index
    %swap3A_1576 = tpu.vector_load %arg8[%swap3A_1574, %swap3A_1575] {strides = array<i32>} : memref<20x1024xf32, #tpu.memory_space<vmem>>, vector<1x16xf32>,
    %swap3A_1577 = vector.shape_cast %swap3A_1576 : vector<1x16xf32> to vector<16xf32>
    %swap3A_1578 = vector.shape_cast %broadcast_in_dim3A_1 : vector<16xf32> to vector<1x16xf32>
    tpu.vector_store %arg8[%swap3A_1574, %swap3A_1575], %swap3A_1578 {strides = array<i32>} : memref<20x1024xf32, #tpu.memory_space<vmem>>, vector<1x16xf32>,
    %swap3A_1579 = arith.constant 18 : i32
    %swap3A_1580 = arith.index_cast %swap3A_1579 : i32 to index
    %swap3A_1581 = arith.constant 976 : index
    %swap3A_1582 = tpu.vector_load %arg8[%swap3A_1580, %swap3A_1581] {strides = array<i32>} : memref<20x1024xf32, #tpu.memory_space<vmem>>, vector<1x16xf32>,
    %swap3A_1583 = vector.shape_cast %swap3A_1582 : vector<1x16xf32> to vector<16xf32>
    %swap3A_1584 = vector.shape_cast %broadcast_in_dim3A_1 : vector<16xf32> to vector<1x16xf32>
    tpu.vector_store %arg8[%swap3A_1580, %swap3A_1581], %swap3A_1584 {strides = array<i32>} : memref<20x1024xf32, #tpu.memory_space<vmem>>, vector<1x16xf32>,
    %swap3A_1585 = arith.constant 18 : i32
    %swap3A_1586 = arith.index_cast %swap3A_1585 : i32 to index
    %swap3A_1587 = arith.constant 992 : index
    %swap3A_1588 = tpu.vector_load %arg8[%swap3A_1586, %swap3A_1587] {strides = array<i32>} : memref<20x1024xf32, #tpu.memory_space<vmem>>, vector<1x16xf32>,
    %swap3A_1589 = vector.shape_cast %swap3A_1588 : vector<1x16xf32> to vector<16xf32>
    %swap3A_1590 = vector.shape_cast %broadcast_in_dim3A_1 : vector<16xf32> to vector<1x16xf32>
    tpu.vector_store %arg8[%swap3A_1586, %swap3A_1587], %swap3A_1590 {strides = array<i32>} : memref<20x1024xf32, #tpu.memory_space<vmem>>, vector<1x16xf32>,
    %swap3A_1591 = arith.constant 18 : i32
    %swap3A_1592 = arith.index_cast %swap3A_1591 : i32 to index
    %swap3A_1593 = arith.constant 1008 : index
    %swap3A_1594 = tpu.vector_load %arg8[%swap3A_1592, %swap3A_1593] {strides = array<i32>} : memref<20x1024xf32, #tpu.memory_space<vmem>>, vector<1x16xf32>,
    %swap3A_1595 = vector.shape_cast %swap3A_1594 : vector<1x16xf32> to vector<16xf32>
    %swap3A_1596 = vector.shape_cast %broadcast_in_dim3A_1 : vector<16xf32> to vector<1x16xf32>
    tpu.vector_store %arg8[%swap3A_1592, %swap3A_1593], %swap3A_1596 {strides = array<i32>} : memref<20x1024xf32, #tpu.memory_space<vmem>>, vector<1x16xf32>,
    %swap3A_1597 = arith.constant 19 : i32
    %swap3A_1598 = arith.index_cast %swap3A_1597 : i32 to index
    %swap3A_1599 = arith.constant 800 : index
    %swap3A_1600 = tpu.vector_load %arg8[%swap3A_1598, %swap3A_1599] {strides = array<i32>} : memref<20x1024xf32, #tpu.memory_space<vmem>>, vector<1x16xf32>,
    %swap3A_1601 = vector.shape_cast %swap3A_1600 : vector<1x16xf32> to vector<16xf32>
    %swap3A_1602 = vector.shape_cast %broadcast_in_dim3A_1 : vector<16xf32> to vector<1x16xf32>
    tpu.vector_store %arg8[%swap3A_1598, %swap3A_1599], %swap3A_1602 {strides = array<i32>} : memref<20x1024xf32, #tpu.memory_space<vmem>>, vector<1x16xf32>,
    %swap3A_1603 = arith.constant 19 : i32
    %swap3A_1604 = arith.index_cast %swap3A_1603 : i32 to index
    %swap3A_1605 = arith.constant 816 : index
    %swap3A_1606 = tpu.vector_load %arg8[%swap3A_1604, %swap3A_1605] {strides = array<i32>} : memref<20x1024xf32, #tpu.memory_space<vmem>>, vector<1x16xf32>,
    %swap3A_1607 = vector.shape_cast %swap3A_1606 : vector<1x16xf32> to vector<16xf32>
    %swap3A_1608 = vector.shape_cast %broadcast_in_dim3A_1 : vector<16xf32> to vector<1x16xf32>
    tpu.vector_store %arg8[%swap3A_1604, %swap3A_1605], %swap3A_1608 {strides = array<i32>} : memref<20x1024xf32, #tpu.memory_space<vmem>>, vector<1x16xf32>,
    %swap3A_1609 = arith.constant 19 : i32
    %swap3A_1610 = arith.index_cast %swap3A_1609 : i32 to index
    %swap3A_1611 = arith.constant 832 : index
    %swap3A_1612 = tpu.vector_load %arg8[%swap3A_1610, %swap3A_1611] {strides = array<i32>} : memref<20x1024xf32, #tpu.memory_space<vmem>>, vector<1x16xf32>,
    %swap3A_1613 = vector.shape_cast %swap3A_1612 : vector<1x16xf32> to vector<16xf32>
    %swap3A_1614 = vector.shape_cast %broadcast_in_dim3A_1 : vector<16xf32> to vector<1x16xf32>
    tpu.vector_store %arg8[%swap3A_1610, %swap3A_1611], %swap3A_1614 {strides = array<i32>} : memref<20x1024xf32, #tpu.memory_space<vmem>>, vector<1x16xf32>,
    %swap3A_1615 = arith.constant 19 : i32
    %swap3A_1616 = arith.index_cast %swap3A_1615 : i32 to index
    %swap3A_1617 = arith.constant 848 : index
    %swap3A_1618 = tpu.vector_load %arg8[%swap3A_1616, %swap3A_1617] {strides = array<i32>} : memref<20x1024xf32, #tpu.memory_space<vmem>>, vector<1x16xf32>,
    %swap3A_1619 = vector.shape_cast %swap3A_1618 : vector<1x16xf32> to vector<16xf32>
    %swap3A_1620 = vector.shape_cast %broadcast_in_dim3A_1 : vector<16xf32> to vector<1x16xf32>
    tpu.vector_store %arg8[%swap3A_1616, %swap3A_1617], %swap3A_1620 {strides = array<i32>} : memref<20x1024xf32, #tpu.memory_space<vmem>>, vector<1x16xf32>,
    %swap3A_1621 = arith.constant 19 : i32
    %swap3A_1622 = arith.index_cast %swap3A_1621 : i32 to index
    %swap3A_1623 = arith.constant 864 : index
    %swap3A_1624 = tpu.vector_load %arg8[%swap3A_1622, %swap3A_1623] {strides = array<i32>} : memref<20x1024xf32, #tpu.memory_space<vmem>>, vector<1x16xf32>,
    %swap3A_1625 = vector.shape_cast %swap3A_1624 : vector<1x16xf32> to vector<16xf32>
    %swap3A_1626 = vector.shape_cast %broadcast_in_dim3A_1 : vector<16xf32> to vector<1x16xf32>
    tpu.vector_store %arg8[%swap3A_1622, %swap3A_1623], %swap3A_1626 {strides = array<i32>} : memref<20x1024xf32, #tpu.memory_space<vmem>>, vector<1x16xf32>,
    %swap3A_1627 = arith.constant 19 : i32
    %swap3A_1628 = arith.index_cast %swap3A_1627 : i32 to index
    %swap3A_1629 = arith.constant 880 : index
    %swap3A_1630 = tpu.vector_load %arg8[%swap3A_1628, %swap3A_1629] {strides = array<i32>} : memref<20x1024xf32, #tpu.memory_space<vmem>>, vector<1x16xf32>,
    %swap3A_1631 = vector.shape_cast %swap3A_1630 : vector<1x16xf32> to vector<16xf32>
    %swap3A_1632 = vector.shape_cast %broadcast_in_dim3A_1 : vector<16xf32> to vector<1x16xf32>
    tpu.vector_store %arg8[%swap3A_1628, %swap3A_1629], %swap3A_1632 {strides = array<i32>} : memref<20x1024xf32, #tpu.memory_space<vmem>>, vector<1x16xf32>,
    %swap3A_1633 = arith.constant 19 : i32
    %swap3A_1634 = arith.index_cast %swap3A_1633 : i32 to index
    %swap3A_1635 = arith.constant 896 : index
    %swap3A_1636 = tpu.vector_load %arg8[%swap3A_1634, %swap3A_1635] {strides = array<i32>} : memref<20x1024xf32, #tpu.memory_space<vmem>>, vector<1x16xf32>,
    %swap3A_1637 = vector.shape_cast %swap3A_1636 : vector<1x16xf32> to vector<16xf32>
    %swap3A_1638 = vector.shape_cast %broadcast_in_dim3A_1 : vector<16xf32> to vector<1x16xf32>
    tpu.vector_store %arg8[%swap3A_1634, %swap3A_1635], %swap3A_1638 {strides = array<i32>} : memref<20x1024xf32, #tpu.memory_space<vmem>>, vector<1x16xf32>,
    %swap3A_1639 = arith.constant 19 : i32
    %swap3A_1640 = arith.index_cast %swap3A_1639 : i32 to index
    %swap3A_1641 = arith.constant 912 : index
    %swap3A_1642 = tpu.vector_load %arg8[%swap3A_1640, %swap3A_1641] {strides = array<i32>} : memref<20x1024xf32, #tpu.memory_space<vmem>>, vector<1x16xf32>,
    %swap3A_1643 = vector.shape_cast %swap3A_1642 : vector<1x16xf32> to vector<16xf32>
    %swap3A_1644 = vector.shape_cast %broadcast_in_dim3A_1 : vector<16xf32> to vector<1x16xf32>
    tpu.vector_store %arg8[%swap3A_1640, %swap3A_1641], %swap3A_1644 {strides = array<i32>} : memref<20x1024xf32, #tpu.memory_space<vmem>>, vector<1x16xf32>,
    %swap3A_1645 = arith.constant 19 : i32
    %swap3A_1646 = arith.index_cast %swap3A_1645 : i32 to index
    %swap3A_1647 = arith.constant 928 : index
    %swap3A_1648 = tpu.vector_load %arg8[%swap3A_1646, %swap3A_1647] {strides = array<i32>} : memref<20x1024xf32, #tpu.memory_space<vmem>>, vector<1x16xf32>,
    %swap3A_1649 = vector.shape_cast %swap3A_1648 : vector<1x16xf32> to vector<16xf32>
    %swap3A_1650 = vector.shape_cast %broadcast_in_dim3A_1 : vector<16xf32> to vector<1x16xf32>
    tpu.vector_store %arg8[%swap3A_1646, %swap3A_1647], %swap3A_1650 {strides = array<i32>} : memref<20x1024xf32, #tpu.memory_space<vmem>>, vector<1x16xf32>,
    %swap3A_1651 = arith.constant 19 : i32
    %swap3A_1652 = arith.index_cast %swap3A_1651 : i32 to index
    %swap3A_1653 = arith.constant 944 : index
    %swap3A_1654 = tpu.vector_load %arg8[%swap3A_1652, %swap3A_1653] {strides = array<i32>} : memref<20x1024xf32, #tpu.memory_space<vmem>>, vector<1x16xf32>,
    %swap3A_1655 = vector.shape_cast %swap3A_1654 : vector<1x16xf32> to vector<16xf32>
    %swap3A_1656 = vector.shape_cast %broadcast_in_dim3A_1 : vector<16xf32> to vector<1x16xf32>
    tpu.vector_store %arg8[%swap3A_1652, %swap3A_1653], %swap3A_1656 {strides = array<i32>} : memref<20x1024xf32, #tpu.memory_space<vmem>>, vector<1x16xf32>,
    %swap3A_1657 = arith.constant 19 : i32
    %swap3A_1658 = arith.index_cast %swap3A_1657 : i32 to index
    %swap3A_1659 = arith.constant 960 : index
    %swap3A_1660 = tpu.vector_load %arg8[%swap3A_1658, %swap3A_1659] {strides = array<i32>} : memref<20x1024xf32, #tpu.memory_space<vmem>>, vector<1x16xf32>,
    %swap3A_1661 = vector.shape_cast %swap3A_1660 : vector<1x16xf32> to vector<16xf32>
    %swap3A_1662 = vector.shape_cast %broadcast_in_dim3A_1 : vector<16xf32> to vector<1x16xf32>
    tpu.vector_store %arg8[%swap3A_1658, %swap3A_1659], %swap3A_1662 {strides = array<i32>} : memref<20x1024xf32, #tpu.memory_space<vmem>>, vector<1x16xf32>,
    %swap3A_1663 = arith.constant 19 : i32
    %swap3A_1664 = arith.index_cast %swap3A_1663 : i32 to index
    %swap3A_1665 = arith.constant 976 : index
    %swap3A_1666 = tpu.vector_load %arg8[%swap3A_1664, %swap3A_1665] {strides = array<i32>} : memref<20x1024xf32, #tpu.memory_space<vmem>>, vector<1x16xf32>,
    %swap3A_1667 = vector.shape_cast %swap3A_1666 : vector<1x16xf32> to vector<16xf32>
    %swap3A_1668 = vector.shape_cast %broadcast_in_dim3A_1 : vector<16xf32> to vector<1x16xf32>
    tpu.vector_store %arg8[%swap3A_1664, %swap3A_1665], %swap3A_1668 {strides = array<i32>} : memref<20x1024xf32, #tpu.memory_space<vmem>>, vector<1x16xf32>,
    %swap3A_1669 = arith.constant 19 : i32
    %swap3A_1670 = arith.index_cast %swap3A_1669 : i32 to index
    %swap3A_1671 = arith.constant 992 : index
    %swap3A_1672 = tpu.vector_load %arg8[%swap3A_1670, %swap3A_1671] {strides = array<i32>} : memref<20x1024xf32, #tpu.memory_space<vmem>>, vector<1x16xf32>,
    %swap3A_1673 = vector.shape_cast %swap3A_1672 : vector<1x16xf32> to vector<16xf32>
    %swap3A_1674 = vector.shape_cast %broadcast_in_dim3A_1 : vector<16xf32> to vector<1x16xf32>
    tpu.vector_store %arg8[%swap3A_1670, %swap3A_1671], %swap3A_1674 {strides = array<i32>} : memref<20x1024xf32, #tpu.memory_space<vmem>>, vector<1x16xf32>,
    %swap3A_1675 = arith.constant 19 : i32
    %swap3A_1676 = arith.index_cast %swap3A_1675 : i32 to index
    %swap3A_1677 = arith.constant 1008 : index
    %swap3A_1678 = tpu.vector_load %arg8[%swap3A_1676, %swap3A_1677] {strides = array<i32>} : memref<20x1024xf32, #tpu.memory_space<vmem>>, vector<1x16xf32>,
    %swap3A_1679 = vector.shape_cast %swap3A_1678 : vector<1x16xf32> to vector<16xf32>
    %swap3A_1680 = vector.shape_cast %broadcast_in_dim3A_1 : vector<16xf32> to vector<1x16xf32>
    tpu.vector_store %arg8[%swap3A_1676, %swap3A_1677], %swap3A_1680 {strides = array<i32>} : memref<20x1024xf32, #tpu.memory_space<vmem>>, vector<1x16xf32>,
    %mul3A_1681 = arith.constant 2 : i32
    %mul3A_1682 = arith.muli %add3A, %mul3A_1681 : i32
    %add3A_1683 = arith.constant 0 : i32
    %add3A_1684 = arith.addi %mul3A_1682, %add3A_1683 : i32
    "tpu.region"() ({
      %run_scoped3A = tpu.sem_alloc : memref<!tpu.dma_semaphore, #tpu.memory_space<semaphore_mem>>
      %dma_start3A_1735 = arith.constant 0 : i32
      %dma_start3A_1736 = arith.constant 0 : i32
      %dma_start3A_1737 = tpu.memref_slice %arg3[%add3A_1684, %dma_start3A_1735, %dma_start3A_1736] : memref<64x20x256xf32, #tpu.memory_space<hbm>> -> memref<1x20x256xf32, #tpu.memory_space<hbm>>
      %dma_start3A_1738 = tpu.memref_squeeze %dma_start3A_1737 : memref<1x20x256xf32, #tpu.memory_space<hbm>> -> memref<20x256xf32, #tpu.memory_space<hbm>>
      %dma_start3A_1739 = arith.constant 0 : i32
      %dma_start3A_1740 = arith.constant 0 : i32
      %dma_start3A_1741 = tpu.memref_slice %arg3[%add3A_1684, %dma_start3A_1739, %dma_start3A_1740] : memref<64x20x256xf32, #tpu.memory_space<hbm>> -> memref<1x20x256xf32, #tpu.memory_space<hbm>>
      %dma_start3A_1742 = tpu.memref_squeeze %dma_start3A_1741 : memref<1x20x256xf32, #tpu.memory_space<hbm>> -> memref<20x256xf32, #tpu.memory_space<hbm>>
      tpu.enqueue_dma source(%dma_start3A_1742 : memref<20x256xf32, #tpu.memory_space<hbm>>) target(%arg5 : memref<20x256xf32, #tpu.memory_space<vmem>>) target_semaphore(%run_scoped3A : memref<!tpu.dma_semaphore, #tpu.memory_space<semaphore_mem>>)
      %dma_wait3A = arith.constant 0 : i32
      %dma_wait3A_1743 = arith.constant 0 : i32
      %dma_wait3A_1744 = tpu.memref_slice %arg3[%add3A_1684, %dma_wait3A, %dma_wait3A_1743] : memref<64x20x256xf32, #tpu.memory_space<hbm>> -> memref<1x20x256xf32, #tpu.memory_space<hbm>>
      %dma_wait3A_1745 = tpu.memref_squeeze %dma_wait3A_1744 : memref<1x20x256xf32, #tpu.memory_space<hbm>> -> memref<20x256xf32, #tpu.memory_space<hbm>>
      %dma_wait3A_1746 = arith.constant 0 : i32
      %dma_wait3A_1747 = arith.constant 0 : i32
      %dma_wait3A_1748 = tpu.memref_slice %arg3[%add3A_1684, %dma_wait3A_1746, %dma_wait3A_1747] : memref<64x20x256xf32, #tpu.memory_space<hbm>> -> memref<1x20x256xf32, #tpu.memory_space<hbm>>
      %dma_wait3A_1749 = tpu.memref_squeeze %dma_wait3A_1748 : memref<1x20x256xf32, #tpu.memory_space<hbm>> -> memref<20x256xf32, #tpu.memory_space<hbm>>
      tpu.wait_dma2 semaphore(%run_scoped3A : memref<!tpu.dma_semaphore, #tpu.memory_space<semaphore_mem>>) src(%dma_wait3A_1749 : memref<20x256xf32, #tpu.memory_space<hbm>>) dst(%arg5 : memref<20x256xf32, #tpu.memory_space<vmem>>)
      tpu.yield
    }) : () -> ()
    %dma_start3A = arith.constant 0 : i32
    %dma_start3A_1685 = arith.constant 0 : i32
    %dma_start3A_1686 = arith.constant 0 : i32
    %dma_start3A_1687 = tpu.memref_slice %arg2[%add3A_1684, %dma_start3A, %dma_start3A_1685, %dma_start3A_1686] : memref<64x20x50x256xf32, #tpu.memory_space<hbm>> -> memref<1x1x50x256xf32, #tpu.memory_space<hbm>>
    %dma_start3A_1688 = tpu.memref_squeeze %dma_start3A_1687 : memref<1x1x50x256xf32, #tpu.memory_space<hbm>> -> memref<50x256xf32, #tpu.memory_space<hbm>>
    %dma_start3A_1689 = arith.constant 0 : i32
    %dma_start3A_1690 = arith.constant 0 : i32
    %dma_start3A_1691 = tpu.memref_slice %arg2[%add3A_1684, %dma_start3A, %dma_start3A_1689, %dma_start3A_1690] : memref<64x20x50x256xf32, #tpu.memory_space<hbm>> -> memref<1x1x50x256xf32, #tpu.memory_space<hbm>>
    %dma_start3A_1692 = tpu.memref_squeeze %dma_start3A_1691 : memref<1x1x50x256xf32, #tpu.memory_space<hbm>> -> memref<50x256xf32, #tpu.memory_space<hbm>>
    tpu.enqueue_dma source(%dma_start3A_1692 : memref<50x256xf32, #tpu.memory_space<hbm>>) target(%arg6 : memref<50x256xf32, #tpu.memory_space<vmem>>) target_semaphore(%arg9 : memref<!tpu.dma_semaphore, #tpu.memory_space<semaphore_mem>>)
    %dma_start3A_1693 = arith.constant 1 : i32
    %dma_start3A_1694 = arith.constant 0 : i32
    %dma_start3A_1695 = arith.constant 0 : i32
    %dma_start3A_1696 = tpu.memref_slice %arg2[%add3A_1684, %dma_start3A_1693, %dma_start3A_1694, %dma_start3A_1695] : memref<64x20x50x256xf32, #tpu.memory_space<hbm>> -> memref<1x1x50x256xf32, #tpu.memory_space<hbm>>
    %dma_start3A_1697 = tpu.memref_squeeze %dma_start3A_1696 : memref<1x1x50x256xf32, #tpu.memory_space<hbm>> -> memref<50x256xf32, #tpu.memory_space<hbm>>
    %dma_start3A_1698 = arith.constant 0 : i32
    %dma_start3A_1699 = arith.constant 0 : i32
    %dma_start3A_1700 = tpu.memref_slice %arg2[%add3A_1684, %dma_start3A_1693, %dma_start3A_1698, %dma_start3A_1699] : memref<64x20x50x256xf32, #tpu.memory_space<hbm>> -> memref<1x1x50x256xf32, #tpu.memory_space<hbm>>
    %dma_start3A_1701 = tpu.memref_squeeze %dma_start3A_1700 : memref<1x1x50x256xf32, #tpu.memory_space<hbm>> -> memref<50x256xf32, #tpu.memory_space<hbm>>
    tpu.enqueue_dma source(%dma_start3A_1701 : memref<50x256xf32, #tpu.memory_space<hbm>>) target(%arg7 : memref<50x256xf32, #tpu.memory_space<vmem>>) target_semaphore(%arg10 : memref<!tpu.dma_semaphore, #tpu.memory_space<semaphore_mem>>)
    %scan3A = arith.constant 0 : i32
    %scan3A_1702 = arith.constant 0 : i32
    %scan3A_1703 = arith.constant 10 : i32
    %scan3A_1704 = arith.addi %scan3A_1702, %scan3A_1703 : i32
    %scan3A_1705 = arith.constant 1 : i32
    scf.for %scan3A_1735 = %scan3A_1702 to %scan3A_1704 step %scan3A_1705  : i32 {
      %mul3A_1736 = arith.constant 2 : i32
      %mul3A_1737 = arith.muli %scan3A_1735, %mul3A_1736 : i32
      %add3A_1738 = arith.constant 0 : i32
      %add3A_1739 = arith.addi %mul3A_1737, %add3A_1738 : i32
      %dma_wait3A = arith.constant 0 : i32
      %dma_wait3A_1740 = arith.constant 0 : i32
      %dma_wait3A_1741 = tpu.memref_slice %arg2[%add3A_1684, %add3A_1739, %dma_wait3A, %dma_wait3A_1740] : memref<64x20x50x256xf32, #tpu.memory_space<hbm>> -> memref<1x1x50x256xf32, #tpu.memory_space<hbm>>
      %dma_wait3A_1742 = tpu.memref_squeeze %dma_wait3A_1741 : memref<1x1x50x256xf32, #tpu.memory_space<hbm>> -> memref<50x256xf32, #tpu.memory_space<hbm>>
      %dma_wait3A_1743 = arith.constant 0 : i32
      %dma_wait3A_1744 = arith.constant 0 : i32
      %dma_wait3A_1745 = tpu.memref_slice %arg2[%add3A_1684, %add3A_1739, %dma_wait3A_1743, %dma_wait3A_1744] : memref<64x20x50x256xf32, #tpu.memory_space<hbm>> -> memref<1x1x50x256xf32, #tpu.memory_space<hbm>>
      %dma_wait3A_1746 = tpu.memref_squeeze %dma_wait3A_1745 : memref<1x1x50x256xf32, #tpu.memory_space<hbm>> -> memref<50x256xf32, #tpu.memory_space<hbm>>
      tpu.wait_dma2 semaphore(%arg9 : memref<!tpu.dma_semaphore, #tpu.memory_space<semaphore_mem>>) src(%dma_wait3A_1746 : memref<50x256xf32, #tpu.memory_space<hbm>>) dst(%arg6 : memref<50x256xf32, #tpu.memory_space<vmem>>)
      %get3A = arith.index_cast %add3A_1739 : i32 to index
      %get3A_1747 = arith.constant 0 : index
      %get3A_1748 = tpu.vector_load %arg5[%get3A, %get3A_1747] {strides = array<i32>} : memref<20x256xf32, #tpu.memory_space<vmem>>, vector<1x16xf32>,
      %get3A_1749 = vector.shape_cast %get3A_1748 : vector<1x16xf32> to vector<16xf32>
      %get3A_1750 = arith.index_cast %add3A_1739 : i32 to index
      %get3A_1751 = arith.constant 16 : index
      %get3A_1752 = tpu.vector_load %arg5[%get3A_1750, %get3A_1751] {strides = array<i32>} : memref<20x256xf32, #tpu.memory_space<vmem>>, vector<1x16xf32>,
      %get3A_1753 = vector.shape_cast %get3A_1752 : vector<1x16xf32> to vector<16xf32>
      %get3A_1754 = arith.index_cast %add3A_1739 : i32 to index
      %get3A_1755 = arith.constant 32 : index
      %get3A_1756 = tpu.vector_load %arg5[%get3A_1754, %get3A_1755] {strides = array<i32>} : memref<20x256xf32, #tpu.memory_space<vmem>>, vector<1x16xf32>,
      %get3A_1757 = vector.shape_cast %get3A_1756 : vector<1x16xf32> to vector<16xf32>
      %get3A_1758 = arith.index_cast %add3A_1739 : i32 to index
      %get3A_1759 = arith.constant 48 : index
      %get3A_1760 = tpu.vector_load %arg5[%get3A_1758, %get3A_1759] {strides = array<i32>} : memref<20x256xf32, #tpu.memory_space<vmem>>, vector<1x16xf32>,
      %get3A_1761 = vector.shape_cast %get3A_1760 : vector<1x16xf32> to vector<16xf32>
      %get3A_1762 = arith.index_cast %add3A_1739 : i32 to index
      %get3A_1763 = arith.constant 64 : index
      %get3A_1764 = tpu.vector_load %arg5[%get3A_1762, %get3A_1763] {strides = array<i32>} : memref<20x256xf32, #tpu.memory_space<vmem>>, vector<1x16xf32>,
      %get3A_1765 = vector.shape_cast %get3A_1764 : vector<1x16xf32> to vector<16xf32>
      %get3A_1766 = arith.index_cast %add3A_1739 : i32 to index
      %get3A_1767 = arith.constant 80 : index
      %get3A_1768 = tpu.vector_load %arg5[%get3A_1766, %get3A_1767] {strides = array<i32>} : memref<20x256xf32, #tpu.memory_space<vmem>>, vector<1x16xf32>,
      %get3A_1769 = vector.shape_cast %get3A_1768 : vector<1x16xf32> to vector<16xf32>
      %get3A_1770 = arith.index_cast %add3A_1739 : i32 to index
      %get3A_1771 = arith.constant 96 : index
      %get3A_1772 = tpu.vector_load %arg5[%get3A_1770, %get3A_1771] {strides = array<i32>} : memref<20x256xf32, #tpu.memory_space<vmem>>, vector<1x16xf32>,
      %get3A_1773 = vector.shape_cast %get3A_1772 : vector<1x16xf32> to vector<16xf32>
      %get3A_1774 = arith.index_cast %add3A_1739 : i32 to index
      %get3A_1775 = arith.constant 112 : index
      %get3A_1776 = tpu.vector_load %arg5[%get3A_1774, %get3A_1775] {strides = array<i32>} : memref<20x256xf32, #tpu.memory_space<vmem>>, vector<1x16xf32>,
      %get3A_1777 = vector.shape_cast %get3A_1776 : vector<1x16xf32> to vector<16xf32>
      %get3A_1778 = arith.index_cast %add3A_1739 : i32 to index
      %get3A_1779 = arith.constant 128 : index
      %get3A_1780 = tpu.vector_load %arg5[%get3A_1778, %get3A_1779] {strides = array<i32>} : memref<20x256xf32, #tpu.memory_space<vmem>>, vector<1x16xf32>,
      %get3A_1781 = vector.shape_cast %get3A_1780 : vector<1x16xf32> to vector<16xf32>
      %get3A_1782 = arith.index_cast %add3A_1739 : i32 to index
      %get3A_1783 = arith.constant 144 : index
      %get3A_1784 = tpu.vector_load %arg5[%get3A_1782, %get3A_1783] {strides = array<i32>} : memref<20x256xf32, #tpu.memory_space<vmem>>, vector<1x16xf32>,
      %get3A_1785 = vector.shape_cast %get3A_1784 : vector<1x16xf32> to vector<16xf32>
      %get3A_1786 = arith.index_cast %add3A_1739 : i32 to index
      %get3A_1787 = arith.constant 160 : index
      %get3A_1788 = tpu.vector_load %arg5[%get3A_1786, %get3A_1787] {strides = array<i32>} : memref<20x256xf32, #tpu.memory_space<vmem>>, vector<1x16xf32>,
      %get3A_1789 = vector.shape_cast %get3A_1788 : vector<1x16xf32> to vector<16xf32>
      %get3A_1790 = arith.index_cast %add3A_1739 : i32 to index
      %get3A_1791 = arith.constant 176 : index
      %get3A_1792 = tpu.vector_load %arg5[%get3A_1790, %get3A_1791] {strides = array<i32>} : memref<20x256xf32, #tpu.memory_space<vmem>>, vector<1x16xf32>,
      %get3A_1793 = vector.shape_cast %get3A_1792 : vector<1x16xf32> to vector<16xf32>
      %get3A_1794 = arith.index_cast %add3A_1739 : i32 to index
      %get3A_1795 = arith.constant 192 : index
      %get3A_1796 = tpu.vector_load %arg5[%get3A_1794, %get3A_1795] {strides = array<i32>} : memref<20x256xf32, #tpu.memory_space<vmem>>, vector<1x16xf32>,
      %get3A_1797 = vector.shape_cast %get3A_1796 : vector<1x16xf32> to vector<16xf32>
      %get3A_1798 = arith.index_cast %add3A_1739 : i32 to index
      %get3A_1799 = arith.constant 208 : index
      %get3A_1800 = tpu.vector_load %arg5[%get3A_1798, %get3A_1799] {strides = array<i32>} : memref<20x256xf32, #tpu.memory_space<vmem>>, vector<1x16xf32>,
      %get3A_1801 = vector.shape_cast %get3A_1800 : vector<1x16xf32> to vector<16xf32>
      %get3A_1802 = arith.index_cast %add3A_1739 : i32 to index
      %get3A_1803 = arith.constant 224 : index
      %get3A_1804 = tpu.vector_load %arg5[%get3A_1802, %get3A_1803] {strides = array<i32>} : memref<20x256xf32, #tpu.memory_space<vmem>>, vector<1x16xf32>,
      %get3A_1805 = vector.shape_cast %get3A_1804 : vector<1x16xf32> to vector<16xf32>
      %get3A_1806 = arith.index_cast %add3A_1739 : i32 to index
      %get3A_1807 = arith.constant 240 : index
      %get3A_1808 = tpu.vector_load %arg5[%get3A_1806, %get3A_1807] {strides = array<i32>} : memref<20x256xf32, #tpu.memory_space<vmem>>, vector<1x16xf32>,
      %get3A_1809 = vector.shape_cast %get3A_1808 : vector<1x16xf32> to vector<16xf32>
      %scan3A_1810 = arith.constant 0 : i32
      %scan3A_1811 = arith.constant 0 : i32
      %scan3A_1812 = arith.constant 50 : i32
      %scan3A_1813 = arith.addi %scan3A_1811, %scan3A_1812 : i32
      %scan3A_1814 = arith.constant 2 : i32
      scf.for %scan3A_1905 = %scan3A_1811 to %scan3A_1813 step %scan3A_1814  : i32 {
        %get3A_1906 = arith.index_cast %scan3A_1905 : i32 to index
        %get3A_1907 = arith.constant 0 : index
        %get3A_1908 = tpu.vector_load %arg6[%get3A_1906, %get3A_1907] {strides = array<i32>} : memref<50x256xf32, #tpu.memory_space<vmem>>, vector<1x16xf32>,
        %get3A_1909 = vector.shape_cast %get3A_1908 : vector<1x16xf32> to vector<16xf32>
        %mul3A_1910 = arith.mulf %get3A_1909, %get3A_1749 : vector<16xf32>
        %get3A_1911 = arith.index_cast %scan3A_1905 : i32 to index
        %get3A_1912 = arith.constant 16 : index
        %get3A_1913 = tpu.vector_load %arg6[%get3A_1911, %get3A_1912] {strides = array<i32>} : memref<50x256xf32, #tpu.memory_space<vmem>>, vector<1x16xf32>,
        %get3A_1914 = vector.shape_cast %get3A_1913 : vector<1x16xf32> to vector<16xf32>
        %mul3A_1915 = arith.mulf %get3A_1914, %get3A_1753 : vector<16xf32>
        %get3A_1916 = arith.index_cast %scan3A_1905 : i32 to index
        %get3A_1917 = arith.constant 32 : index
        %get3A_1918 = tpu.vector_load %arg6[%get3A_1916, %get3A_1917] {strides = array<i32>} : memref<50x256xf32, #tpu.memory_space<vmem>>, vector<1x16xf32>,
        %get3A_1919 = vector.shape_cast %get3A_1918 : vector<1x16xf32> to vector<16xf32>
        %mul3A_1920 = arith.mulf %get3A_1919, %get3A_1757 : vector<16xf32>
        %get3A_1921 = arith.index_cast %scan3A_1905 : i32 to index
        %get3A_1922 = arith.constant 48 : index
        %get3A_1923 = tpu.vector_load %arg6[%get3A_1921, %get3A_1922] {strides = array<i32>} : memref<50x256xf32, #tpu.memory_space<vmem>>, vector<1x16xf32>,
        %get3A_1924 = vector.shape_cast %get3A_1923 : vector<1x16xf32> to vector<16xf32>
        %mul3A_1925 = arith.mulf %get3A_1924, %get3A_1761 : vector<16xf32>
        %get3A_1926 = arith.index_cast %scan3A_1905 : i32 to index
        %get3A_1927 = arith.constant 64 : index
        %get3A_1928 = tpu.vector_load %arg6[%get3A_1926, %get3A_1927] {strides = array<i32>} : memref<50x256xf32, #tpu.memory_space<vmem>>, vector<1x16xf32>,
        %get3A_1929 = vector.shape_cast %get3A_1928 : vector<1x16xf32> to vector<16xf32>
        %mul3A_1930 = arith.mulf %get3A_1929, %get3A_1765 : vector<16xf32>
        %add3A_1931 = arith.addf %mul3A_1910, %mul3A_1930 : vector<16xf32>
        %get3A_1932 = arith.index_cast %scan3A_1905 : i32 to index
        %get3A_1933 = arith.constant 80 : index
        %get3A_1934 = tpu.vector_load %arg6[%get3A_1932, %get3A_1933] {strides = array<i32>} : memref<50x256xf32, #tpu.memory_space<vmem>>, vector<1x16xf32>,
        %get3A_1935 = vector.shape_cast %get3A_1934 : vector<1x16xf32> to vector<16xf32>
        %mul3A_1936 = arith.mulf %get3A_1935, %get3A_1769 : vector<16xf32>
        %add3A_1937 = arith.addf %mul3A_1915, %mul3A_1936 : vector<16xf32>
        %get3A_1938 = arith.index_cast %scan3A_1905 : i32 to index
        %get3A_1939 = arith.constant 96 : index
        %get3A_1940 = tpu.vector_load %arg6[%get3A_1938, %get3A_1939] {strides = array<i32>} : memref<50x256xf32, #tpu.memory_space<vmem>>, vector<1x16xf32>,
        %get3A_1941 = vector.shape_cast %get3A_1940 : vector<1x16xf32> to vector<16xf32>
        %mul3A_1942 = arith.mulf %get3A_1941, %get3A_1773 : vector<16xf32>
        %add3A_1943 = arith.addf %mul3A_1920, %mul3A_1942 : vector<16xf32>
        %get3A_1944 = arith.index_cast %scan3A_1905 : i32 to index
        %get3A_1945 = arith.constant 112 : index
        %get3A_1946 = tpu.vector_load %arg6[%get3A_1944, %get3A_1945] {strides = array<i32>} : memref<50x256xf32, #tpu.memory_space<vmem>>, vector<1x16xf32>,
        %get3A_1947 = vector.shape_cast %get3A_1946 : vector<1x16xf32> to vector<16xf32>
        %mul3A_1948 = arith.mulf %get3A_1947, %get3A_1777 : vector<16xf32>
        %add3A_1949 = arith.addf %mul3A_1925, %mul3A_1948 : vector<16xf32>
        %get3A_1950 = arith.index_cast %scan3A_1905 : i32 to index
        %get3A_1951 = arith.constant 128 : index
        %get3A_1952 = tpu.vector_load %arg6[%get3A_1950, %get3A_1951] {strides = array<i32>} : memref<50x256xf32, #tpu.memory_space<vmem>>, vector<1x16xf32>,
        %get3A_1953 = vector.shape_cast %get3A_1952 : vector<1x16xf32> to vector<16xf32>
        %mul3A_1954 = arith.mulf %get3A_1953, %get3A_1781 : vector<16xf32>
        %add3A_1955 = arith.addf %add3A_1931, %mul3A_1954 : vector<16xf32>
        %get3A_1956 = arith.index_cast %scan3A_1905 : i32 to index
        %get3A_1957 = arith.constant 144 : index
        %get3A_1958 = tpu.vector_load %arg6[%get3A_1956, %get3A_1957] {strides = array<i32>} : memref<50x256xf32, #tpu.memory_space<vmem>>, vector<1x16xf32>,
        %get3A_1959 = vector.shape_cast %get3A_1958 : vector<1x16xf32> to vector<16xf32>
        %mul3A_1960 = arith.mulf %get3A_1959, %get3A_1785 : vector<16xf32>
        %add3A_1961 = arith.addf %add3A_1937, %mul3A_1960 : vector<16xf32>
        %get3A_1962 = arith.index_cast %scan3A_1905 : i32 to index
        %get3A_1963 = arith.constant 160 : index
        %get3A_1964 = tpu.vector_load %arg6[%get3A_1962, %get3A_1963] {strides = array<i32>} : memref<50x256xf32, #tpu.memory_space<vmem>>, vector<1x16xf32>,
        %get3A_1965 = vector.shape_cast %get3A_1964 : vector<1x16xf32> to vector<16xf32>
        %mul3A_1966 = arith.mulf %get3A_1965, %get3A_1789 : vector<16xf32>
        %add3A_1967 = arith.addf %add3A_1943, %mul3A_1966 : vector<16xf32>
        %get3A_1968 = arith.index_cast %scan3A_1905 : i32 to index
        %get3A_1969 = arith.constant 176 : index
        %get3A_1970 = tpu.vector_load %arg6[%get3A_1968, %get3A_1969] {strides = array<i32>} : memref<50x256xf32, #tpu.memory_space<vmem>>, vector<1x16xf32>,
        %get3A_1971 = vector.shape_cast %get3A_1970 : vector<1x16xf32> to vector<16xf32>
        %mul3A_1972 = arith.mulf %get3A_1971, %get3A_1793 : vector<16xf32>
        %add3A_1973 = arith.addf %add3A_1949, %mul3A_1972 : vector<16xf32>
        %get3A_1974 = arith.index_cast %scan3A_1905 : i32 to index
        %get3A_1975 = arith.constant 192 : index
        %get3A_1976 = tpu.vector_load %arg6[%get3A_1974, %get3A_1975] {strides = array<i32>} : memref<50x256xf32, #tpu.memory_space<vmem>>, vector<1x16xf32>,
        %get3A_1977 = vector.shape_cast %get3A_1976 : vector<1x16xf32> to vector<16xf32>
        %mul3A_1978 = arith.mulf %get3A_1977, %get3A_1797 : vector<16xf32>
        %add3A_1979 = arith.addf %add3A_1955, %mul3A_1978 : vector<16xf32>
        %get3A_1980 = arith.index_cast %scan3A_1905 : i32 to index
        %get3A_1981 = arith.constant 208 : index
        %get3A_1982 = tpu.vector_load %arg6[%get3A_1980, %get3A_1981] {strides = array<i32>} : memref<50x256xf32, #tpu.memory_space<vmem>>, vector<1x16xf32>,
        %get3A_1983 = vector.shape_cast %get3A_1982 : vector<1x16xf32> to vector<16xf32>
        %mul3A_1984 = arith.mulf %get3A_1983, %get3A_1801 : vector<16xf32>
        %add3A_1985 = arith.addf %add3A_1961, %mul3A_1984 : vector<16xf32>
        %get3A_1986 = arith.index_cast %scan3A_1905 : i32 to index
        %get3A_1987 = arith.constant 224 : index
        %get3A_1988 = tpu.vector_load %arg6[%get3A_1986, %get3A_1987] {strides = array<i32>} : memref<50x256xf32, #tpu.memory_space<vmem>>, vector<1x16xf32>,
        %get3A_1989 = vector.shape_cast %get3A_1988 : vector<1x16xf32> to vector<16xf32>
        %mul3A_1990 = arith.mulf %get3A_1989, %get3A_1805 : vector<16xf32>
        %add3A_1991 = arith.addf %add3A_1967, %mul3A_1990 : vector<16xf32>
        %get3A_1992 = arith.index_cast %scan3A_1905 : i32 to index
        %get3A_1993 = arith.constant 240 : index
        %get3A_1994 = tpu.vector_load %arg6[%get3A_1992, %get3A_1993] {strides = array<i32>} : memref<50x256xf32, #tpu.memory_space<vmem>>, vector<1x16xf32>,
        %get3A_1995 = vector.shape_cast %get3A_1994 : vector<1x16xf32> to vector<16xf32>
        %mul3A_1996 = arith.mulf %get3A_1995, %get3A_1809 : vector<16xf32>
        %add3A_1997 = arith.addf %add3A_1973, %mul3A_1996 : vector<16xf32>
        %add3A_1998 = arith.addf %add3A_1979, %add3A_1985 : vector<16xf32>
        %add3A_1999 = arith.addf %add3A_1991, %add3A_1997 : vector<16xf32>
        %add3A_2000 = arith.addf %add3A_1998, %add3A_1999 : vector<16xf32>
        %mul3A_2001 = arith.constant 16 : i32
        %mul3A_2002 = arith.muli %scan3A_1905, %mul3A_2001 : i32
        %multiple_of3A = tpu.assume_multiple %mul3A_2002, 16 : i32
        %swap3A_2003 = arith.index_cast %add3A_1739 : i32 to index
        %swap3A_2004 = arith.index_cast %multiple_of3A : i32 to index
        %swap3A_2005 = tpu.vector_load %arg8[%swap3A_2003, %swap3A_2004] {strides = array<i32>} : memref<20x1024xf32, #tpu.memory_space<vmem>>, vector<1x16xf32>,
        %swap3A_2006 = vector.shape_cast %swap3A_2005 : vector<1x16xf32> to vector<16xf32>
        %swap3A_2007 = vector.shape_cast %add3A_2000 : vector<16xf32> to vector<1x16xf32>
        tpu.vector_store %arg8[%swap3A_2003, %swap3A_2004], %swap3A_2007 {strides = array<i32>} : memref<20x1024xf32, #tpu.memory_space<vmem>>, vector<1x16xf32>,
        %scan3A_2008 = arith.constant 1 : i32
        %scan3A_2009 = arith.addi %scan3A_1905, %scan3A_2008 : i32
        %get3A_2010 = arith.index_cast %scan3A_2009 : i32 to index
        %get3A_2011 = arith.constant 0 : index
        %get3A_2012 = tpu.vector_load %arg6[%get3A_2010, %get3A_2011] {strides = array<i32>} : memref<50x256xf32, #tpu.memory_space<vmem>>, vector<1x16xf32>,
        %get3A_2013 = vector.shape_cast %get3A_2012 : vector<1x16xf32> to vector<16xf32>
        %mul3A_2014 = arith.mulf %get3A_2013, %get3A_1749 : vector<16xf32>
        %get3A_2015 = arith.index_cast %scan3A_2009 : i32 to index
        %get3A_2016 = arith.constant 16 : index
        %get3A_2017 = tpu.vector_load %arg6[%get3A_2015, %get3A_2016] {strides = array<i32>} : memref<50x256xf32, #tpu.memory_space<vmem>>, vector<1x16xf32>,
        %get3A_2018 = vector.shape_cast %get3A_2017 : vector<1x16xf32> to vector<16xf32>
        %mul3A_2019 = arith.mulf %get3A_2018, %get3A_1753 : vector<16xf32>
        %get3A_2020 = arith.index_cast %scan3A_2009 : i32 to index
        %get3A_2021 = arith.constant 32 : index
        %get3A_2022 = tpu.vector_load %arg6[%get3A_2020, %get3A_2021] {strides = array<i32>} : memref<50x256xf32, #tpu.memory_space<vmem>>, vector<1x16xf32>,
        %get3A_2023 = vector.shape_cast %get3A_2022 : vector<1x16xf32> to vector<16xf32>
        %mul3A_2024 = arith.mulf %get3A_2023, %get3A_1757 : vector<16xf32>
        %get3A_2025 = arith.index_cast %scan3A_2009 : i32 to index
        %get3A_2026 = arith.constant 48 : index
        %get3A_2027 = tpu.vector_load %arg6[%get3A_2025, %get3A_2026] {strides = array<i32>} : memref<50x256xf32, #tpu.memory_space<vmem>>, vector<1x16xf32>,
        %get3A_2028 = vector.shape_cast %get3A_2027 : vector<1x16xf32> to vector<16xf32>
        %mul3A_2029 = arith.mulf %get3A_2028, %get3A_1761 : vector<16xf32>
        %get3A_2030 = arith.index_cast %scan3A_2009 : i32 to index
        %get3A_2031 = arith.constant 64 : index
        %get3A_2032 = tpu.vector_load %arg6[%get3A_2030, %get3A_2031] {strides = array<i32>} : memref<50x256xf32, #tpu.memory_space<vmem>>, vector<1x16xf32>,
        %get3A_2033 = vector.shape_cast %get3A_2032 : vector<1x16xf32> to vector<16xf32>
        %mul3A_2034 = arith.mulf %get3A_2033, %get3A_1765 : vector<16xf32>
        %add3A_2035 = arith.addf %mul3A_2014, %mul3A_2034 : vector<16xf32>
        %get3A_2036 = arith.index_cast %scan3A_2009 : i32 to index
        %get3A_2037 = arith.constant 80 : index
        %get3A_2038 = tpu.vector_load %arg6[%get3A_2036, %get3A_2037] {strides = array<i32>} : memref<50x256xf32, #tpu.memory_space<vmem>>, vector<1x16xf32>,
        %get3A_2039 = vector.shape_cast %get3A_2038 : vector<1x16xf32> to vector<16xf32>
        %mul3A_2040 = arith.mulf %get3A_2039, %get3A_1769 : vector<16xf32>
        %add3A_2041 = arith.addf %mul3A_2019, %mul3A_2040 : vector<16xf32>
        %get3A_2042 = arith.index_cast %scan3A_2009 : i32 to index
        %get3A_2043 = arith.constant 96 : index
        %get3A_2044 = tpu.vector_load %arg6[%get3A_2042, %get3A_2043] {strides = array<i32>} : memref<50x256xf32, #tpu.memory_space<vmem>>, vector<1x16xf32>,
        %get3A_2045 = vector.shape_cast %get3A_2044 : vector<1x16xf32> to vector<16xf32>
        %mul3A_2046 = arith.mulf %get3A_2045, %get3A_1773 : vector<16xf32>
        %add3A_2047 = arith.addf %mul3A_2024, %mul3A_2046 : vector<16xf32>
        %get3A_2048 = arith.index_cast %scan3A_2009 : i32 to index
        %get3A_2049 = arith.constant 112 : index
        %get3A_2050 = tpu.vector_load %arg6[%get3A_2048, %get3A_2049] {strides = array<i32>} : memref<50x256xf32, #tpu.memory_space<vmem>>, vector<1x16xf32>,
        %get3A_2051 = vector.shape_cast %get3A_2050 : vector<1x16xf32> to vector<16xf32>
        %mul3A_2052 = arith.mulf %get3A_2051, %get3A_1777 : vector<16xf32>
        %add3A_2053 = arith.addf %mul3A_2029, %mul3A_2052 : vector<16xf32>
        %get3A_2054 = arith.index_cast %scan3A_2009 : i32 to index
        %get3A_2055 = arith.constant 128 : index
        %get3A_2056 = tpu.vector_load %arg6[%get3A_2054, %get3A_2055] {strides = array<i32>} : memref<50x256xf32, #tpu.memory_space<vmem>>, vector<1x16xf32>,
        %get3A_2057 = vector.shape_cast %get3A_2056 : vector<1x16xf32> to vector<16xf32>
        %mul3A_2058 = arith.mulf %get3A_2057, %get3A_1781 : vector<16xf32>
        %add3A_2059 = arith.addf %add3A_2035, %mul3A_2058 : vector<16xf32>
        %get3A_2060 = arith.index_cast %scan3A_2009 : i32 to index
        %get3A_2061 = arith.constant 144 : index
        %get3A_2062 = tpu.vector_load %arg6[%get3A_2060, %get3A_2061] {strides = array<i32>} : memref<50x256xf32, #tpu.memory_space<vmem>>, vector<1x16xf32>,
        %get3A_2063 = vector.shape_cast %get3A_2062 : vector<1x16xf32> to vector<16xf32>
        %mul3A_2064 = arith.mulf %get3A_2063, %get3A_1785 : vector<16xf32>
        %add3A_2065 = arith.addf %add3A_2041, %mul3A_2064 : vector<16xf32>
        %get3A_2066 = arith.index_cast %scan3A_2009 : i32 to index
        %get3A_2067 = arith.constant 160 : index
        %get3A_2068 = tpu.vector_load %arg6[%get3A_2066, %get3A_2067] {strides = array<i32>} : memref<50x256xf32, #tpu.memory_space<vmem>>, vector<1x16xf32>,
        %get3A_2069 = vector.shape_cast %get3A_2068 : vector<1x16xf32> to vector<16xf32>
        %mul3A_2070 = arith.mulf %get3A_2069, %get3A_1789 : vector<16xf32>
        %add3A_2071 = arith.addf %add3A_2047, %mul3A_2070 : vector<16xf32>
        %get3A_2072 = arith.index_cast %scan3A_2009 : i32 to index
        %get3A_2073 = arith.constant 176 : index
        %get3A_2074 = tpu.vector_load %arg6[%get3A_2072, %get3A_2073] {strides = array<i32>} : memref<50x256xf32, #tpu.memory_space<vmem>>, vector<1x16xf32>,
        %get3A_2075 = vector.shape_cast %get3A_2074 : vector<1x16xf32> to vector<16xf32>
        %mul3A_2076 = arith.mulf %get3A_2075, %get3A_1793 : vector<16xf32>
        %add3A_2077 = arith.addf %add3A_2053, %mul3A_2076 : vector<16xf32>
        %get3A_2078 = arith.index_cast %scan3A_2009 : i32 to index
        %get3A_2079 = arith.constant 192 : index
        %get3A_2080 = tpu.vector_load %arg6[%get3A_2078, %get3A_2079] {strides = array<i32>} : memref<50x256xf32, #tpu.memory_space<vmem>>, vector<1x16xf32>,
        %get3A_2081 = vector.shape_cast %get3A_2080 : vector<1x16xf32> to vector<16xf32>
        %mul3A_2082 = arith.mulf %get3A_2081, %get3A_1797 : vector<16xf32>
        %add3A_2083 = arith.addf %add3A_2059, %mul3A_2082 : vector<16xf32>
        %get3A_2084 = arith.index_cast %scan3A_2009 : i32 to index
        %get3A_2085 = arith.constant 208 : index
        %get3A_2086 = tpu.vector_load %arg6[%get3A_2084, %get3A_2085] {strides = array<i32>} : memref<50x256xf32, #tpu.memory_space<vmem>>, vector<1x16xf32>,
        %get3A_2087 = vector.shape_cast %get3A_2086 : vector<1x16xf32> to vector<16xf32>
        %mul3A_2088 = arith.mulf %get3A_2087, %get3A_1801 : vector<16xf32>
        %add3A_2089 = arith.addf %add3A_2065, %mul3A_2088 : vector<16xf32>
        %get3A_2090 = arith.index_cast %scan3A_2009 : i32 to index
        %get3A_2091 = arith.constant 224 : index
        %get3A_2092 = tpu.vector_load %arg6[%get3A_2090, %get3A_2091] {strides = array<i32>} : memref<50x256xf32, #tpu.memory_space<vmem>>, vector<1x16xf32>,
        %get3A_2093 = vector.shape_cast %get3A_2092 : vector<1x16xf32> to vector<16xf32>
        %mul3A_2094 = arith.mulf %get3A_2093, %get3A_1805 : vector<16xf32>
        %add3A_2095 = arith.addf %add3A_2071, %mul3A_2094 : vector<16xf32>
        %get3A_2096 = arith.index_cast %scan3A_2009 : i32 to index
        %get3A_2097 = arith.constant 240 : index
        %get3A_2098 = tpu.vector_load %arg6[%get3A_2096, %get3A_2097] {strides = array<i32>} : memref<50x256xf32, #tpu.memory_space<vmem>>, vector<1x16xf32>,
        %get3A_2099 = vector.shape_cast %get3A_2098 : vector<1x16xf32> to vector<16xf32>
        %mul3A_2100 = arith.mulf %get3A_2099, %get3A_1809 : vector<16xf32>
        %add3A_2101 = arith.addf %add3A_2077, %mul3A_2100 : vector<16xf32>
        %add3A_2102 = arith.addf %add3A_2083, %add3A_2089 : vector<16xf32>
        %add3A_2103 = arith.addf %add3A_2095, %add3A_2101 : vector<16xf32>
        %add3A_2104 = arith.addf %add3A_2102, %add3A_2103 : vector<16xf32>
        %mul3A_2105 = arith.constant 16 : i32
        %mul3A_2106 = arith.muli %scan3A_2009, %mul3A_2105 : i32
        %multiple_of3A_2107 = tpu.assume_multiple %mul3A_2106, 16 : i32
        %swap3A_2108 = arith.index_cast %add3A_1739 : i32 to index
        %swap3A_2109 = arith.index_cast %multiple_of3A_2107 : i32 to index
        %swap3A_2110 = tpu.vector_load %arg8[%swap3A_2108, %swap3A_2109] {strides = array<i32>} : memref<20x1024xf32, #tpu.memory_space<vmem>>, vector<1x16xf32>,
        %swap3A_2111 = vector.shape_cast %swap3A_2110 : vector<1x16xf32> to vector<16xf32>
        %swap3A_2112 = vector.shape_cast %add3A_2104 : vector<16xf32> to vector<1x16xf32>
        tpu.vector_store %arg8[%swap3A_2108, %swap3A_2109], %swap3A_2112 {strides = array<i32>} : memref<20x1024xf32, #tpu.memory_space<vmem>>, vector<1x16xf32>,
      }
      %scan3A_1815 = arith.constant 50 : i32
      %lt3A = arith.constant 18 : i32
      %lt3A_1816 = arith.cmpi slt, %add3A_1739, %lt3A : i32
      %convert_element_type3A = arith.extui %lt3A_1816 : i1 to i32
      %cond3A = arith.constant 0 : i32
      %cond3A_1817 = arith.cmpi ne, %convert_element_type3A, %cond3A : i32
      scf.if %cond3A_1817 {
        %add3A_1905 = arith.constant 2 : i32
        %add3A_1906 = arith.addi %add3A_1739, %add3A_1905 : i32
        %dma_start3A_1907 = arith.constant 0 : i32
        %dma_start3A_1908 = arith.constant 0 : i32
        %dma_start3A_1909 = tpu.memref_slice %arg2[%add3A_1684, %add3A_1906, %dma_start3A_1907, %dma_start3A_1908] : memref<64x20x50x256xf32, #tpu.memory_space<hbm>> -> memref<1x1x50x256xf32, #tpu.memory_space<hbm>>
        %dma_start3A_1910 = tpu.memref_squeeze %dma_start3A_1909 : memref<1x1x50x256xf32, #tpu.memory_space<hbm>> -> memref<50x256xf32, #tpu.memory_space<hbm>>
        %dma_start3A_1911 = arith.constant 0 : i32
        %dma_start3A_1912 = arith.constant 0 : i32
        %dma_start3A_1913 = tpu.memref_slice %arg2[%add3A_1684, %add3A_1906, %dma_start3A_1911, %dma_start3A_1912] : memref<64x20x50x256xf32, #tpu.memory_space<hbm>> -> memref<1x1x50x256xf32, #tpu.memory_space<hbm>>
        %dma_start3A_1914 = tpu.memref_squeeze %dma_start3A_1913 : memref<1x1x50x256xf32, #tpu.memory_space<hbm>> -> memref<50x256xf32, #tpu.memory_space<hbm>>
        tpu.enqueue_dma source(%dma_start3A_1914 : memref<50x256xf32, #tpu.memory_space<hbm>>) target(%arg6 : memref<50x256xf32, #tpu.memory_space<vmem>>) target_semaphore(%arg9 : memref<!tpu.dma_semaphore, #tpu.memory_space<semaphore_mem>>)
      } else {
      }
      %mul3A_1818 = arith.constant 2 : i32
      %mul3A_1819 = arith.muli %scan3A_1735, %mul3A_1818 : i32
      %add3A_1820 = arith.constant 1 : i32
      %add3A_1821 = arith.addi %mul3A_1819, %add3A_1820 : i32
      %dma_wait3A_1822 = arith.constant 0 : i32
      %dma_wait3A_1823 = arith.constant 0 : i32
      %dma_wait3A_1824 = tpu.memref_slice %arg2[%add3A_1684, %add3A_1821, %dma_wait3A_1822, %dma_wait3A_1823] : memref<64x20x50x256xf32, #tpu.memory_space<hbm>> -> memref<1x1x50x256xf32, #tpu.memory_space<hbm>>
      %dma_wait3A_1825 = tpu.memref_squeeze %dma_wait3A_1824 : memref<1x1x50x256xf32, #tpu.memory_space<hbm>> -> memref<50x256xf32, #tpu.memory_space<hbm>>
      %dma_wait3A_1826 = arith.constant 0 : i32
      %dma_wait3A_1827 = arith.constant 0 : i32
      %dma_wait3A_1828 = tpu.memref_slice %arg2[%add3A_1684, %add3A_1821, %dma_wait3A_1826, %dma_wait3A_1827] : memref<64x20x50x256xf32, #tpu.memory_space<hbm>> -> memref<1x1x50x256xf32, #tpu.memory_space<hbm>>
      %dma_wait3A_1829 = tpu.memref_squeeze %dma_wait3A_1828 : memref<1x1x50x256xf32, #tpu.memory_space<hbm>> -> memref<50x256xf32, #tpu.memory_space<hbm>>
      tpu.wait_dma2 semaphore(%arg10 : memref<!tpu.dma_semaphore, #tpu.memory_space<semaphore_mem>>) src(%dma_wait3A_1829 : memref<50x256xf32, #tpu.memory_space<hbm>>) dst(%arg7 : memref<50x256xf32, #tpu.memory_space<vmem>>)
      %get3A_1830 = arith.index_cast %add3A_1821 : i32 to index
      %get3A_1831 = arith.constant 0 : index
      %get3A_1832 = tpu.vector_load %arg5[%get3A_1830, %get3A_1831] {strides = array<i32>} : memref<20x256xf32, #tpu.memory_space<vmem>>, vector<1x16xf32>,
      %get3A_1833 = vector.shape_cast %get3A_1832 : vector<1x16xf32> to vector<16xf32>
      %get3A_1834 = arith.index_cast %add3A_1821 : i32 to index
      %get3A_1835 = arith.constant 16 : index
      %get3A_1836 = tpu.vector_load %arg5[%get3A_1834, %get3A_1835] {strides = array<i32>} : memref<20x256xf32, #tpu.memory_space<vmem>>, vector<1x16xf32>,
      %get3A_1837 = vector.shape_cast %get3A_1836 : vector<1x16xf32> to vector<16xf32>
      %get3A_1838 = arith.index_cast %add3A_1821 : i32 to index
      %get3A_1839 = arith.constant 32 : index
      %get3A_1840 = tpu.vector_load %arg5[%get3A_1838, %get3A_1839] {strides = array<i32>} : memref<20x256xf32, #tpu.memory_space<vmem>>, vector<1x16xf32>,
      %get3A_1841 = vector.shape_cast %get3A_1840 : vector<1x16xf32> to vector<16xf32>
      %get3A_1842 = arith.index_cast %add3A_1821 : i32 to index
      %get3A_1843 = arith.constant 48 : index
      %get3A_1844 = tpu.vector_load %arg5[%get3A_1842, %get3A_1843] {strides = array<i32>} : memref<20x256xf32, #tpu.memory_space<vmem>>, vector<1x16xf32>,
      %get3A_1845 = vector.shape_cast %get3A_1844 : vector<1x16xf32> to vector<16xf32>
      %get3A_1846 = arith.index_cast %add3A_1821 : i32 to index
      %get3A_1847 = arith.constant 64 : index
      %get3A_1848 = tpu.vector_load %arg5[%get3A_1846, %get3A_1847] {strides = array<i32>} : memref<20x256xf32, #tpu.memory_space<vmem>>, vector<1x16xf32>,
      %get3A_1849 = vector.shape_cast %get3A_1848 : vector<1x16xf32> to vector<16xf32>
      %get3A_1850 = arith.index_cast %add3A_1821 : i32 to index
      %get3A_1851 = arith.constant 80 : index
      %get3A_1852 = tpu.vector_load %arg5[%get3A_1850, %get3A_1851] {strides = array<i32>} : memref<20x256xf32, #tpu.memory_space<vmem>>, vector<1x16xf32>,
      %get3A_1853 = vector.shape_cast %get3A_1852 : vector<1x16xf32> to vector<16xf32>
      %get3A_1854 = arith.index_cast %add3A_1821 : i32 to index
      %get3A_1855 = arith.constant 96 : index
      %get3A_1856 = tpu.vector_load %arg5[%get3A_1854, %get3A_1855] {strides = array<i32>} : memref<20x256xf32, #tpu.memory_space<vmem>>, vector<1x16xf32>,
      %get3A_1857 = vector.shape_cast %get3A_1856 : vector<1x16xf32> to vector<16xf32>
      %get3A_1858 = arith.index_cast %add3A_1821 : i32 to index
      %get3A_1859 = arith.constant 112 : index
      %get3A_1860 = tpu.vector_load %arg5[%get3A_1858, %get3A_1859] {strides = array<i32>} : memref<20x256xf32, #tpu.memory_space<vmem>>, vector<1x16xf32>,
      %get3A_1861 = vector.shape_cast %get3A_1860 : vector<1x16xf32> to vector<16xf32>
      %get3A_1862 = arith.index_cast %add3A_1821 : i32 to index
      %get3A_1863 = arith.constant 128 : index
      %get3A_1864 = tpu.vector_load %arg5[%get3A_1862, %get3A_1863] {strides = array<i32>} : memref<20x256xf32, #tpu.memory_space<vmem>>, vector<1x16xf32>,
      %get3A_1865 = vector.shape_cast %get3A_1864 : vector<1x16xf32> to vector<16xf32>
      %get3A_1866 = arith.index_cast %add3A_1821 : i32 to index
      %get3A_1867 = arith.constant 144 : index
      %get3A_1868 = tpu.vector_load %arg5[%get3A_1866, %get3A_1867] {strides = array<i32>} : memref<20x256xf32, #tpu.memory_space<vmem>>, vector<1x16xf32>,
      %get3A_1869 = vector.shape_cast %get3A_1868 : vector<1x16xf32> to vector<16xf32>
      %get3A_1870 = arith.index_cast %add3A_1821 : i32 to index
      %get3A_1871 = arith.constant 160 : index
      %get3A_1872 = tpu.vector_load %arg5[%get3A_1870, %get3A_1871] {strides = array<i32>} : memref<20x256xf32, #tpu.memory_space<vmem>>, vector<1x16xf32>,
      %get3A_1873 = vector.shape_cast %get3A_1872 : vector<1x16xf32> to vector<16xf32>
      %get3A_1874 = arith.index_cast %add3A_1821 : i32 to index
      %get3A_1875 = arith.constant 176 : index
      %get3A_1876 = tpu.vector_load %arg5[%get3A_1874, %get3A_1875] {strides = array<i32>} : memref<20x256xf32, #tpu.memory_space<vmem>>, vector<1x16xf32>,
      %get3A_1877 = vector.shape_cast %get3A_1876 : vector<1x16xf32> to vector<16xf32>
      %get3A_1878 = arith.index_cast %add3A_1821 : i32 to index
      %get3A_1879 = arith.constant 192 : index
      %get3A_1880 = tpu.vector_load %arg5[%get3A_1878, %get3A_1879] {strides = array<i32>} : memref<20x256xf32, #tpu.memory_space<vmem>>, vector<1x16xf32>,
      %get3A_1881 = vector.shape_cast %get3A_1880 : vector<1x16xf32> to vector<16xf32>
      %get3A_1882 = arith.index_cast %add3A_1821 : i32 to index
      %get3A_1883 = arith.constant 208 : index
      %get3A_1884 = tpu.vector_load %arg5[%get3A_1882, %get3A_1883] {strides = array<i32>} : memref<20x256xf32, #tpu.memory_space<vmem>>, vector<1x16xf32>,
      %get3A_1885 = vector.shape_cast %get3A_1884 : vector<1x16xf32> to vector<16xf32>
      %get3A_1886 = arith.index_cast %add3A_1821 : i32 to index
      %get3A_1887 = arith.constant 224 : index
      %get3A_1888 = tpu.vector_load %arg5[%get3A_1886, %get3A_1887] {strides = array<i32>} : memref<20x256xf32, #tpu.memory_space<vmem>>, vector<1x16xf32>,
      %get3A_1889 = vector.shape_cast %get3A_1888 : vector<1x16xf32> to vector<16xf32>
      %get3A_1890 = arith.index_cast %add3A_1821 : i32 to index
      %get3A_1891 = arith.constant 240 : index
      %get3A_1892 = tpu.vector_load %arg5[%get3A_1890, %get3A_1891] {strides = array<i32>} : memref<20x256xf32, #tpu.memory_space<vmem>>, vector<1x16xf32>,
      %get3A_1893 = vector.shape_cast %get3A_1892 : vector<1x16xf32> to vector<16xf32>
      %scan3A_1894 = arith.constant 0 : i32
      %scan3A_1895 = arith.constant 0 : i32
      %scan3A_1896 = arith.constant 50 : i32
      %scan3A_1897 = arith.addi %scan3A_1895, %scan3A_1896 : i32
      %scan3A_1898 = arith.constant 2 : i32
      scf.for %scan3A_1905 = %scan3A_1895 to %scan3A_1897 step %scan3A_1898  : i32 {
        %get3A_1906 = arith.index_cast %scan3A_1905 : i32 to index
        %get3A_1907 = arith.constant 0 : index
        %get3A_1908 = tpu.vector_load %arg7[%get3A_1906, %get3A_1907] {strides = array<i32>} : memref<50x256xf32, #tpu.memory_space<vmem>>, vector<1x16xf32>,
        %get3A_1909 = vector.shape_cast %get3A_1908 : vector<1x16xf32> to vector<16xf32>
        %mul3A_1910 = arith.mulf %get3A_1909, %get3A_1833 : vector<16xf32>
        %get3A_1911 = arith.index_cast %scan3A_1905 : i32 to index
        %get3A_1912 = arith.constant 16 : index
        %get3A_1913 = tpu.vector_load %arg7[%get3A_1911, %get3A_1912] {strides = array<i32>} : memref<50x256xf32, #tpu.memory_space<vmem>>, vector<1x16xf32>,
        %get3A_1914 = vector.shape_cast %get3A_1913 : vector<1x16xf32> to vector<16xf32>
        %mul3A_1915 = arith.mulf %get3A_1914, %get3A_1837 : vector<16xf32>
        %get3A_1916 = arith.index_cast %scan3A_1905 : i32 to index
        %get3A_1917 = arith.constant 32 : index
        %get3A_1918 = tpu.vector_load %arg7[%get3A_1916, %get3A_1917] {strides = array<i32>} : memref<50x256xf32, #tpu.memory_space<vmem>>, vector<1x16xf32>,
        %get3A_1919 = vector.shape_cast %get3A_1918 : vector<1x16xf32> to vector<16xf32>
        %mul3A_1920 = arith.mulf %get3A_1919, %get3A_1841 : vector<16xf32>
        %get3A_1921 = arith.index_cast %scan3A_1905 : i32 to index
        %get3A_1922 = arith.constant 48 : index
        %get3A_1923 = tpu.vector_load %arg7[%get3A_1921, %get3A_1922] {strides = array<i32>} : memref<50x256xf32, #tpu.memory_space<vmem>>, vector<1x16xf32>,
        %get3A_1924 = vector.shape_cast %get3A_1923 : vector<1x16xf32> to vector<16xf32>
        %mul3A_1925 = arith.mulf %get3A_1924, %get3A_1845 : vector<16xf32>
        %get3A_1926 = arith.index_cast %scan3A_1905 : i32 to index
        %get3A_1927 = arith.constant 64 : index
        %get3A_1928 = tpu.vector_load %arg7[%get3A_1926, %get3A_1927] {strides = array<i32>} : memref<50x256xf32, #tpu.memory_space<vmem>>, vector<1x16xf32>,
        %get3A_1929 = vector.shape_cast %get3A_1928 : vector<1x16xf32> to vector<16xf32>
        %mul3A_1930 = arith.mulf %get3A_1929, %get3A_1849 : vector<16xf32>
        %add3A_1931 = arith.addf %mul3A_1910, %mul3A_1930 : vector<16xf32>
        %get3A_1932 = arith.index_cast %scan3A_1905 : i32 to index
        %get3A_1933 = arith.constant 80 : index
        %get3A_1934 = tpu.vector_load %arg7[%get3A_1932, %get3A_1933] {strides = array<i32>} : memref<50x256xf32, #tpu.memory_space<vmem>>, vector<1x16xf32>,
        %get3A_1935 = vector.shape_cast %get3A_1934 : vector<1x16xf32> to vector<16xf32>
        %mul3A_1936 = arith.mulf %get3A_1935, %get3A_1853 : vector<16xf32>
        %add3A_1937 = arith.addf %mul3A_1915, %mul3A_1936 : vector<16xf32>
        %get3A_1938 = arith.index_cast %scan3A_1905 : i32 to index
        %get3A_1939 = arith.constant 96 : index
        %get3A_1940 = tpu.vector_load %arg7[%get3A_1938, %get3A_1939] {strides = array<i32>} : memref<50x256xf32, #tpu.memory_space<vmem>>, vector<1x16xf32>,
        %get3A_1941 = vector.shape_cast %get3A_1940 : vector<1x16xf32> to vector<16xf32>
        %mul3A_1942 = arith.mulf %get3A_1941, %get3A_1857 : vector<16xf32>
        %add3A_1943 = arith.addf %mul3A_1920, %mul3A_1942 : vector<16xf32>
        %get3A_1944 = arith.index_cast %scan3A_1905 : i32 to index
        %get3A_1945 = arith.constant 112 : index
        %get3A_1946 = tpu.vector_load %arg7[%get3A_1944, %get3A_1945] {strides = array<i32>} : memref<50x256xf32, #tpu.memory_space<vmem>>, vector<1x16xf32>,
        %get3A_1947 = vector.shape_cast %get3A_1946 : vector<1x16xf32> to vector<16xf32>
        %mul3A_1948 = arith.mulf %get3A_1947, %get3A_1861 : vector<16xf32>
        %add3A_1949 = arith.addf %mul3A_1925, %mul3A_1948 : vector<16xf32>
        %get3A_1950 = arith.index_cast %scan3A_1905 : i32 to index
        %get3A_1951 = arith.constant 128 : index
        %get3A_1952 = tpu.vector_load %arg7[%get3A_1950, %get3A_1951] {strides = array<i32>} : memref<50x256xf32, #tpu.memory_space<vmem>>, vector<1x16xf32>,
        %get3A_1953 = vector.shape_cast %get3A_1952 : vector<1x16xf32> to vector<16xf32>
        %mul3A_1954 = arith.mulf %get3A_1953, %get3A_1865 : vector<16xf32>
        %add3A_1955 = arith.addf %add3A_1931, %mul3A_1954 : vector<16xf32>
        %get3A_1956 = arith.index_cast %scan3A_1905 : i32 to index
        %get3A_1957 = arith.constant 144 : index
        %get3A_1958 = tpu.vector_load %arg7[%get3A_1956, %get3A_1957] {strides = array<i32>} : memref<50x256xf32, #tpu.memory_space<vmem>>, vector<1x16xf32>,
        %get3A_1959 = vector.shape_cast %get3A_1958 : vector<1x16xf32> to vector<16xf32>
        %mul3A_1960 = arith.mulf %get3A_1959, %get3A_1869 : vector<16xf32>
        %add3A_1961 = arith.addf %add3A_1937, %mul3A_1960 : vector<16xf32>
        %get3A_1962 = arith.index_cast %scan3A_1905 : i32 to index
        %get3A_1963 = arith.constant 160 : index
        %get3A_1964 = tpu.vector_load %arg7[%get3A_1962, %get3A_1963] {strides = array<i32>} : memref<50x256xf32, #tpu.memory_space<vmem>>, vector<1x16xf32>,
        %get3A_1965 = vector.shape_cast %get3A_1964 : vector<1x16xf32> to vector<16xf32>
        %mul3A_1966 = arith.mulf %get3A_1965, %get3A_1873 : vector<16xf32>
        %add3A_1967 = arith.addf %add3A_1943, %mul3A_1966 : vector<16xf32>
        %get3A_1968 = arith.index_cast %scan3A_1905 : i32 to index
        %get3A_1969 = arith.constant 176 : index
        %get3A_1970 = tpu.vector_load %arg7[%get3A_1968, %get3A_1969] {strides = array<i32>} : memref<50x256xf32, #tpu.memory_space<vmem>>, vector<1x16xf32>,
        %get3A_1971 = vector.shape_cast %get3A_1970 : vector<1x16xf32> to vector<16xf32>
        %mul3A_1972 = arith.mulf %get3A_1971, %get3A_1877 : vector<16xf32>
        %add3A_1973 = arith.addf %add3A_1949, %mul3A_1972 : vector<16xf32>
        %get3A_1974 = arith.index_cast %scan3A_1905 : i32 to index
        %get3A_1975 = arith.constant 192 : index
        %get3A_1976 = tpu.vector_load %arg7[%get3A_1974, %get3A_1975] {strides = array<i32>} : memref<50x256xf32, #tpu.memory_space<vmem>>, vector<1x16xf32>,
        %get3A_1977 = vector.shape_cast %get3A_1976 : vector<1x16xf32> to vector<16xf32>
        %mul3A_1978 = arith.mulf %get3A_1977, %get3A_1881 : vector<16xf32>
        %add3A_1979 = arith.addf %add3A_1955, %mul3A_1978 : vector<16xf32>
        %get3A_1980 = arith.index_cast %scan3A_1905 : i32 to index
        %get3A_1981 = arith.constant 208 : index
        %get3A_1982 = tpu.vector_load %arg7[%get3A_1980, %get3A_1981] {strides = array<i32>} : memref<50x256xf32, #tpu.memory_space<vmem>>, vector<1x16xf32>,
        %get3A_1983 = vector.shape_cast %get3A_1982 : vector<1x16xf32> to vector<16xf32>
        %mul3A_1984 = arith.mulf %get3A_1983, %get3A_1885 : vector<16xf32>
        %add3A_1985 = arith.addf %add3A_1961, %mul3A_1984 : vector<16xf32>
        %get3A_1986 = arith.index_cast %scan3A_1905 : i32 to index
        %get3A_1987 = arith.constant 224 : index
        %get3A_1988 = tpu.vector_load %arg7[%get3A_1986, %get3A_1987] {strides = array<i32>} : memref<50x256xf32, #tpu.memory_space<vmem>>, vector<1x16xf32>,
        %get3A_1989 = vector.shape_cast %get3A_1988 : vector<1x16xf32> to vector<16xf32>
        %mul3A_1990 = arith.mulf %get3A_1989, %get3A_1889 : vector<16xf32>
        %add3A_1991 = arith.addf %add3A_1967, %mul3A_1990 : vector<16xf32>
        %get3A_1992 = arith.index_cast %scan3A_1905 : i32 to index
        %get3A_1993 = arith.constant 240 : index
        %get3A_1994 = tpu.vector_load %arg7[%get3A_1992, %get3A_1993] {strides = array<i32>} : memref<50x256xf32, #tpu.memory_space<vmem>>, vector<1x16xf32>,
        %get3A_1995 = vector.shape_cast %get3A_1994 : vector<1x16xf32> to vector<16xf32>
        %mul3A_1996 = arith.mulf %get3A_1995, %get3A_1893 : vector<16xf32>
        %add3A_1997 = arith.addf %add3A_1973, %mul3A_1996 : vector<16xf32>
        %add3A_1998 = arith.addf %add3A_1979, %add3A_1985 : vector<16xf32>
        %add3A_1999 = arith.addf %add3A_1991, %add3A_1997 : vector<16xf32>
        %add3A_2000 = arith.addf %add3A_1998, %add3A_1999 : vector<16xf32>
        %mul3A_2001 = arith.constant 16 : i32
        %mul3A_2002 = arith.muli %scan3A_1905, %mul3A_2001 : i32
        %multiple_of3A = tpu.assume_multiple %mul3A_2002, 16 : i32
        %swap3A_2003 = arith.index_cast %add3A_1821 : i32 to index
        %swap3A_2004 = arith.index_cast %multiple_of3A : i32 to index
        %swap3A_2005 = tpu.vector_load %arg8[%swap3A_2003, %swap3A_2004] {strides = array<i32>} : memref<20x1024xf32, #tpu.memory_space<vmem>>, vector<1x16xf32>,
        %swap3A_2006 = vector.shape_cast %swap3A_2005 : vector<1x16xf32> to vector<16xf32>
        %swap3A_2007 = vector.shape_cast %add3A_2000 : vector<16xf32> to vector<1x16xf32>
        tpu.vector_store %arg8[%swap3A_2003, %swap3A_2004], %swap3A_2007 {strides = array<i32>} : memref<20x1024xf32, #tpu.memory_space<vmem>>, vector<1x16xf32>,
        %scan3A_2008 = arith.constant 1 : i32
        %scan3A_2009 = arith.addi %scan3A_1905, %scan3A_2008 : i32
        %get3A_2010 = arith.index_cast %scan3A_2009 : i32 to index
        %get3A_2011 = arith.constant 0 : index
        %get3A_2012 = tpu.vector_load %arg7[%get3A_2010, %get3A_2011] {strides = array<i32>} : memref<50x256xf32, #tpu.memory_space<vmem>>, vector<1x16xf32>,
        %get3A_2013 = vector.shape_cast %get3A_2012 : vector<1x16xf32> to vector<16xf32>
        %mul3A_2014 = arith.mulf %get3A_2013, %get3A_1833 : vector<16xf32>
        %get3A_2015 = arith.index_cast %scan3A_2009 : i32 to index
        %get3A_2016 = arith.constant 16 : index
        %get3A_2017 = tpu.vector_load %arg7[%get3A_2015, %get3A_2016] {strides = array<i32>} : memref<50x256xf32, #tpu.memory_space<vmem>>, vector<1x16xf32>,
        %get3A_2018 = vector.shape_cast %get3A_2017 : vector<1x16xf32> to vector<16xf32>
        %mul3A_2019 = arith.mulf %get3A_2018, %get3A_1837 : vector<16xf32>
        %get3A_2020 = arith.index_cast %scan3A_2009 : i32 to index
        %get3A_2021 = arith.constant 32 : index
        %get3A_2022 = tpu.vector_load %arg7[%get3A_2020, %get3A_2021] {strides = array<i32>} : memref<50x256xf32, #tpu.memory_space<vmem>>, vector<1x16xf32>,
        %get3A_2023 = vector.shape_cast %get3A_2022 : vector<1x16xf32> to vector<16xf32>
        %mul3A_2024 = arith.mulf %get3A_2023, %get3A_1841 : vector<16xf32>
        %get3A_2025 = arith.index_cast %scan3A_2009 : i32 to index
        %get3A_2026 = arith.constant 48 : index
        %get3A_2027 = tpu.vector_load %arg7[%get3A_2025, %get3A_2026] {strides = array<i32>} : memref<50x256xf32, #tpu.memory_space<vmem>>, vector<1x16xf32>,
        %get3A_2028 = vector.shape_cast %get3A_2027 : vector<1x16xf32> to vector<16xf32>
        %mul3A_2029 = arith.mulf %get3A_2028, %get3A_1845 : vector<16xf32>
        %get3A_2030 = arith.index_cast %scan3A_2009 : i32 to index
        %get3A_2031 = arith.constant 64 : index
        %get3A_2032 = tpu.vector_load %arg7[%get3A_2030, %get3A_2031] {strides = array<i32>} : memref<50x256xf32, #tpu.memory_space<vmem>>, vector<1x16xf32>,
        %get3A_2033 = vector.shape_cast %get3A_2032 : vector<1x16xf32> to vector<16xf32>
        %mul3A_2034 = arith.mulf %get3A_2033, %get3A_1849 : vector<16xf32>
        %add3A_2035 = arith.addf %mul3A_2014, %mul3A_2034 : vector<16xf32>
        %get3A_2036 = arith.index_cast %scan3A_2009 : i32 to index
        %get3A_2037 = arith.constant 80 : index
        %get3A_2038 = tpu.vector_load %arg7[%get3A_2036, %get3A_2037] {strides = array<i32>} : memref<50x256xf32, #tpu.memory_space<vmem>>, vector<1x16xf32>,
        %get3A_2039 = vector.shape_cast %get3A_2038 : vector<1x16xf32> to vector<16xf32>
        %mul3A_2040 = arith.mulf %get3A_2039, %get3A_1853 : vector<16xf32>
        %add3A_2041 = arith.addf %mul3A_2019, %mul3A_2040 : vector<16xf32>
        %get3A_2042 = arith.index_cast %scan3A_2009 : i32 to index
        %get3A_2043 = arith.constant 96 : index
        %get3A_2044 = tpu.vector_load %arg7[%get3A_2042, %get3A_2043] {strides = array<i32>} : memref<50x256xf32, #tpu.memory_space<vmem>>, vector<1x16xf32>,
        %get3A_2045 = vector.shape_cast %get3A_2044 : vector<1x16xf32> to vector<16xf32>
        %mul3A_2046 = arith.mulf %get3A_2045, %get3A_1857 : vector<16xf32>
        %add3A_2047 = arith.addf %mul3A_2024, %mul3A_2046 : vector<16xf32>
        %get3A_2048 = arith.index_cast %scan3A_2009 : i32 to index
        %get3A_2049 = arith.constant 112 : index
        %get3A_2050 = tpu.vector_load %arg7[%get3A_2048, %get3A_2049] {strides = array<i32>} : memref<50x256xf32, #tpu.memory_space<vmem>>, vector<1x16xf32>,
        %get3A_2051 = vector.shape_cast %get3A_2050 : vector<1x16xf32> to vector<16xf32>
        %mul3A_2052 = arith.mulf %get3A_2051, %get3A_1861 : vector<16xf32>
        %add3A_2053 = arith.addf %mul3A_2029, %mul3A_2052 : vector<16xf32>
        %get3A_2054 = arith.index_cast %scan3A_2009 : i32 to index
        %get3A_2055 = arith.constant 128 : index
        %get3A_2056 = tpu.vector_load %arg7[%get3A_2054, %get3A_2055] {strides = array<i32>} : memref<50x256xf32, #tpu.memory_space<vmem>>, vector<1x16xf32>,
        %get3A_2057 = vector.shape_cast %get3A_2056 : vector<1x16xf32> to vector<16xf32>
        %mul3A_2058 = arith.mulf %get3A_2057, %get3A_1865 : vector<16xf32>
        %add3A_2059 = arith.addf %add3A_2035, %mul3A_2058 : vector<16xf32>
        %get3A_2060 = arith.index_cast %scan3A_2009 : i32 to index
        %get3A_2061 = arith.constant 144 : index
        %get3A_2062 = tpu.vector_load %arg7[%get3A_2060, %get3A_2061] {strides = array<i32>} : memref<50x256xf32, #tpu.memory_space<vmem>>, vector<1x16xf32>,
        %get3A_2063 = vector.shape_cast %get3A_2062 : vector<1x16xf32> to vector<16xf32>
        %mul3A_2064 = arith.mulf %get3A_2063, %get3A_1869 : vector<16xf32>
        %add3A_2065 = arith.addf %add3A_2041, %mul3A_2064 : vector<16xf32>
        %get3A_2066 = arith.index_cast %scan3A_2009 : i32 to index
        %get3A_2067 = arith.constant 160 : index
        %get3A_2068 = tpu.vector_load %arg7[%get3A_2066, %get3A_2067] {strides = array<i32>} : memref<50x256xf32, #tpu.memory_space<vmem>>, vector<1x16xf32>,
        %get3A_2069 = vector.shape_cast %get3A_2068 : vector<1x16xf32> to vector<16xf32>
        %mul3A_2070 = arith.mulf %get3A_2069, %get3A_1873 : vector<16xf32>
        %add3A_2071 = arith.addf %add3A_2047, %mul3A_2070 : vector<16xf32>
        %get3A_2072 = arith.index_cast %scan3A_2009 : i32 to index
        %get3A_2073 = arith.constant 176 : index
        %get3A_2074 = tpu.vector_load %arg7[%get3A_2072, %get3A_2073] {strides = array<i32>} : memref<50x256xf32, #tpu.memory_space<vmem>>, vector<1x16xf32>,
        %get3A_2075 = vector.shape_cast %get3A_2074 : vector<1x16xf32> to vector<16xf32>
        %mul3A_2076 = arith.mulf %get3A_2075, %get3A_1877 : vector<16xf32>
        %add3A_2077 = arith.addf %add3A_2053, %mul3A_2076 : vector<16xf32>
        %get3A_2078 = arith.index_cast %scan3A_2009 : i32 to index
        %get3A_2079 = arith.constant 192 : index
        %get3A_2080 = tpu.vector_load %arg7[%get3A_2078, %get3A_2079] {strides = array<i32>} : memref<50x256xf32, #tpu.memory_space<vmem>>, vector<1x16xf32>,
        %get3A_2081 = vector.shape_cast %get3A_2080 : vector<1x16xf32> to vector<16xf32>
        %mul3A_2082 = arith.mulf %get3A_2081, %get3A_1881 : vector<16xf32>
        %add3A_2083 = arith.addf %add3A_2059, %mul3A_2082 : vector<16xf32>
        %get3A_2084 = arith.index_cast %scan3A_2009 : i32 to index
        %get3A_2085 = arith.constant 208 : index
        %get3A_2086 = tpu.vector_load %arg7[%get3A_2084, %get3A_2085] {strides = array<i32>} : memref<50x256xf32, #tpu.memory_space<vmem>>, vector<1x16xf32>,
        %get3A_2087 = vector.shape_cast %get3A_2086 : vector<1x16xf32> to vector<16xf32>
        %mul3A_2088 = arith.mulf %get3A_2087, %get3A_1885 : vector<16xf32>
        %add3A_2089 = arith.addf %add3A_2065, %mul3A_2088 : vector<16xf32>
        %get3A_2090 = arith.index_cast %scan3A_2009 : i32 to index
        %get3A_2091 = arith.constant 224 : index
        %get3A_2092 = tpu.vector_load %arg7[%get3A_2090, %get3A_2091] {strides = array<i32>} : memref<50x256xf32, #tpu.memory_space<vmem>>, vector<1x16xf32>,
        %get3A_2093 = vector.shape_cast %get3A_2092 : vector<1x16xf32> to vector<16xf32>
        %mul3A_2094 = arith.mulf %get3A_2093, %get3A_1889 : vector<16xf32>
        %add3A_2095 = arith.addf %add3A_2071, %mul3A_2094 : vector<16xf32>
        %get3A_2096 = arith.index_cast %scan3A_2009 : i32 to index
        %get3A_2097 = arith.constant 240 : index
        %get3A_2098 = tpu.vector_load %arg7[%get3A_2096, %get3A_2097] {strides = array<i32>} : memref<50x256xf32, #tpu.memory_space<vmem>>, vector<1x16xf32>,
        %get3A_2099 = vector.shape_cast %get3A_2098 : vector<1x16xf32> to vector<16xf32>
        %mul3A_2100 = arith.mulf %get3A_2099, %get3A_1893 : vector<16xf32>
        %add3A_2101 = arith.addf %add3A_2077, %mul3A_2100 : vector<16xf32>
        %add3A_2102 = arith.addf %add3A_2083, %add3A_2089 : vector<16xf32>
        %add3A_2103 = arith.addf %add3A_2095, %add3A_2101 : vector<16xf32>
        %add3A_2104 = arith.addf %add3A_2102, %add3A_2103 : vector<16xf32>
        %mul3A_2105 = arith.constant 16 : i32
        %mul3A_2106 = arith.muli %scan3A_2009, %mul3A_2105 : i32
        %multiple_of3A_2107 = tpu.assume_multiple %mul3A_2106, 16 : i32
        %swap3A_2108 = arith.index_cast %add3A_1821 : i32 to index
        %swap3A_2109 = arith.index_cast %multiple_of3A_2107 : i32 to index
        %swap3A_2110 = tpu.vector_load %arg8[%swap3A_2108, %swap3A_2109] {strides = array<i32>} : memref<20x1024xf32, #tpu.memory_space<vmem>>, vector<1x16xf32>,
        %swap3A_2111 = vector.shape_cast %swap3A_2110 : vector<1x16xf32> to vector<16xf32>
        %swap3A_2112 = vector.shape_cast %add3A_2104 : vector<16xf32> to vector<1x16xf32>
        tpu.vector_store %arg8[%swap3A_2108, %swap3A_2109], %swap3A_2112 {strides = array<i32>} : memref<20x1024xf32, #tpu.memory_space<vmem>>, vector<1x16xf32>,
      }
      %scan3A_1899 = arith.constant 50 : i32
      %lt3A_1900 = arith.constant 18 : i32
      %lt3A_1901 = arith.cmpi slt, %add3A_1821, %lt3A_1900 : i32
      %convert_element_type3A_1902 = arith.extui %lt3A_1901 : i1 to i32
      %cond3A_1903 = arith.constant 0 : i32
      %cond3A_1904 = arith.cmpi ne, %convert_element_type3A_1902, %cond3A_1903 : i32
      scf.if %cond3A_1904 {
        %add3A_1905 = arith.constant 2 : i32
        %add3A_1906 = arith.addi %add3A_1821, %add3A_1905 : i32
        %dma_start3A_1907 = arith.constant 0 : i32
        %dma_start3A_1908 = arith.constant 0 : i32
        %dma_start3A_1909 = tpu.memref_slice %arg2[%add3A_1684, %add3A_1906, %dma_start3A_1907, %dma_start3A_1908] : memref<64x20x50x256xf32, #tpu.memory_space<hbm>> -> memref<1x1x50x256xf32, #tpu.memory_space<hbm>>
        %dma_start3A_1910 = tpu.memref_squeeze %dma_start3A_1909 : memref<1x1x50x256xf32, #tpu.memory_space<hbm>> -> memref<50x256xf32, #tpu.memory_space<hbm>>
        %dma_start3A_1911 = arith.constant 0 : i32
        %dma_start3A_1912 = arith.constant 0 : i32
        %dma_start3A_1913 = tpu.memref_slice %arg2[%add3A_1684, %add3A_1906, %dma_start3A_1911, %dma_start3A_1912] : memref<64x20x50x256xf32, #tpu.memory_space<hbm>> -> memref<1x1x50x256xf32, #tpu.memory_space<hbm>>
        %dma_start3A_1914 = tpu.memref_squeeze %dma_start3A_1913 : memref<1x1x50x256xf32, #tpu.memory_space<hbm>> -> memref<50x256xf32, #tpu.memory_space<hbm>>
        tpu.enqueue_dma source(%dma_start3A_1914 : memref<50x256xf32, #tpu.memory_space<hbm>>) target(%arg7 : memref<50x256xf32, #tpu.memory_space<vmem>>) target_semaphore(%arg10 : memref<!tpu.dma_semaphore, #tpu.memory_space<semaphore_mem>>)
      } else {
      }
    }
    %scan3A_1706 = arith.constant 10 : i32
    "tpu.region"() ({
      %run_scoped3A = tpu.sem_alloc : memref<!tpu.dma_semaphore, #tpu.memory_space<semaphore_mem>>
      %dma_start3A_1735 = arith.constant 0 : i32
      %dma_start3A_1736 = arith.constant 0 : i32
      %dma_start3A_1737 = tpu.memref_slice %arg4[%add3A_1684, %dma_start3A_1735, %dma_start3A_1736] : memref<64x20x1024xf32, #tpu.memory_space<hbm>> -> memref<1x20x1024xf32, #tpu.memory_space<hbm>>
      %dma_start3A_1738 = tpu.memref_squeeze %dma_start3A_1737 : memref<1x20x1024xf32, #tpu.memory_space<hbm>> -> memref<20x1024xf32, #tpu.memory_space<hbm>>
      %dma_start3A_1739 = arith.constant 0 : i32
      %dma_start3A_1740 = arith.constant 0 : i32
      %dma_start3A_1741 = tpu.memref_slice %arg4[%add3A_1684, %dma_start3A_1739, %dma_start3A_1740] : memref<64x20x1024xf32, #tpu.memory_space<hbm>> -> memref<1x20x1024xf32, #tpu.memory_space<hbm>>
      %dma_start3A_1742 = tpu.memref_squeeze %dma_start3A_1741 : memref<1x20x1024xf32, #tpu.memory_space<hbm>> -> memref<20x1024xf32, #tpu.memory_space<hbm>>
      tpu.enqueue_dma source(%arg8 : memref<20x1024xf32, #tpu.memory_space<vmem>>) target(%dma_start3A_1742 : memref<20x1024xf32, #tpu.memory_space<hbm>>) target_semaphore(%run_scoped3A : memref<!tpu.dma_semaphore, #tpu.memory_space<semaphore_mem>>)
      %dma_wait3A = arith.constant 0 : i32
      %dma_wait3A_1743 = arith.constant 0 : i32
      %dma_wait3A_1744 = tpu.memref_slice %arg4[%add3A_1684, %dma_wait3A, %dma_wait3A_1743] : memref<64x20x1024xf32, #tpu.memory_space<hbm>> -> memref<1x20x1024xf32, #tpu.memory_space<hbm>>
      %dma_wait3A_1745 = tpu.memref_squeeze %dma_wait3A_1744 : memref<1x20x1024xf32, #tpu.memory_space<hbm>> -> memref<20x1024xf32, #tpu.memory_space<hbm>>
      %dma_wait3A_1746 = arith.constant 0 : i32
      %dma_wait3A_1747 = arith.constant 0 : i32
      %dma_wait3A_1748 = tpu.memref_slice %arg4[%add3A_1684, %dma_wait3A_1746, %dma_wait3A_1747] : memref<64x20x1024xf32, #tpu.memory_space<hbm>> -> memref<1x20x1024xf32, #tpu.memory_space<hbm>>
      %dma_wait3A_1749 = tpu.memref_squeeze %dma_wait3A_1748 : memref<1x20x1024xf32, #tpu.memory_space<hbm>> -> memref<20x1024xf32, #tpu.memory_space<hbm>>
      tpu.wait_dma2 semaphore(%run_scoped3A : memref<!tpu.dma_semaphore, #tpu.memory_space<semaphore_mem>>) src(%arg8 : memref<20x1024xf32, #tpu.memory_space<vmem>>) dst(%dma_wait3A_1749 : memref<20x1024xf32, #tpu.memory_space<hbm>>)
      tpu.yield
    }) : () -> ()
    %mul3A_1707 = arith.constant 2 : i32
    %mul3A_1708 = arith.muli %add3A, %mul3A_1707 : i32
    %add3A_1709 = arith.constant 1 : i32
    %add3A_1710 = arith.addi %mul3A_1708, %add3A_1709 : i32
    "tpu.region"() ({
      %run_scoped3A = tpu.sem_alloc : memref<!tpu.dma_semaphore, #tpu.memory_space<semaphore_mem>>
      %dma_start3A_1735 = arith.constant 0 : i32
      %dma_start3A_1736 = arith.constant 0 : i32
      %dma_start3A_1737 = tpu.memref_slice %arg3[%add3A_1710, %dma_start3A_1735, %dma_start3A_1736] : memref<64x20x256xf32, #tpu.memory_space<hbm>> -> memref<1x20x256xf32, #tpu.memory_space<hbm>>
      %dma_start3A_1738 = tpu.memref_squeeze %dma_start3A_1737 : memref<1x20x256xf32, #tpu.memory_space<hbm>> -> memref<20x256xf32, #tpu.memory_space<hbm>>
      %dma_start3A_1739 = arith.constant 0 : i32
      %dma_start3A_1740 = arith.constant 0 : i32
      %dma_start3A_1741 = tpu.memref_slice %arg3[%add3A_1710, %dma_start3A_1739, %dma_start3A_1740] : memref<64x20x256xf32, #tpu.memory_space<hbm>> -> memref<1x20x256xf32, #tpu.memory_space<hbm>>
      %dma_start3A_1742 = tpu.memref_squeeze %dma_start3A_1741 : memref<1x20x256xf32, #tpu.memory_space<hbm>> -> memref<20x256xf32, #tpu.memory_space<hbm>>
      tpu.enqueue_dma source(%dma_start3A_1742 : memref<20x256xf32, #tpu.memory_space<hbm>>) target(%arg5 : memref<20x256xf32, #tpu.memory_space<vmem>>) target_semaphore(%run_scoped3A : memref<!tpu.dma_semaphore, #tpu.memory_space<semaphore_mem>>)
      %dma_wait3A = arith.constant 0 : i32
      %dma_wait3A_1743 = arith.constant 0 : i32
      %dma_wait3A_1744 = tpu.memref_slice %arg3[%add3A_1710, %dma_wait3A, %dma_wait3A_1743] : memref<64x20x256xf32, #tpu.memory_space<hbm>> -> memref<1x20x256xf32, #tpu.memory_space<hbm>>
      %dma_wait3A_1745 = tpu.memref_squeeze %dma_wait3A_1744 : memref<1x20x256xf32, #tpu.memory_space<hbm>> -> memref<20x256xf32, #tpu.memory_space<hbm>>
      %dma_wait3A_1746 = arith.constant 0 : i32
      %dma_wait3A_1747 = arith.constant 0 : i32
      %dma_wait3A_1748 = tpu.memref_slice %arg3[%add3A_1710, %dma_wait3A_1746, %dma_wait3A_1747] : memref<64x20x256xf32, #tpu.memory_space<hbm>> -> memref<1x20x256xf32, #tpu.memory_space<hbm>>
      %dma_wait3A_1749 = tpu.memref_squeeze %dma_wait3A_1748 : memref<1x20x256xf32, #tpu.memory_space<hbm>> -> memref<20x256xf32, #tpu.memory_space<hbm>>
      tpu.wait_dma2 semaphore(%run_scoped3A : memref<!tpu.dma_semaphore, #tpu.memory_space<semaphore_mem>>) src(%dma_wait3A_1749 : memref<20x256xf32, #tpu.memory_space<hbm>>) dst(%arg5 : memref<20x256xf32, #tpu.memory_space<vmem>>)
      tpu.yield
    }) : () -> ()
    %dma_start3A_1711 = arith.constant 0 : i32
    %dma_start3A_1712 = arith.constant 0 : i32
    %dma_start3A_1713 = arith.constant 0 : i32
    %dma_start3A_1714 = tpu.memref_slice %arg2[%add3A_1710, %dma_start3A_1711, %dma_start3A_1712, %dma_start3A_1713] : memref<64x20x50x256xf32, #tpu.memory_space<hbm>> -> memref<1x1x50x256xf32, #tpu.memory_space<hbm>>
    %dma_start3A_1715 = tpu.memref_squeeze %dma_start3A_1714 : memref<1x1x50x256xf32, #tpu.memory_space<hbm>> -> memref<50x256xf32, #tpu.memory_space<hbm>>
    %dma_start3A_1716 = arith.constant 0 : i32
    %dma_start3A_1717 = arith.constant 0 : i32
    %dma_start3A_1718 = tpu.memref_slice %arg2[%add3A_1710, %dma_start3A_1711, %dma_start3A_1716, %dma_start3A_1717] : memref<64x20x50x256xf32, #tpu.memory_space<hbm>> -> memref<1x1x50x256xf32, #tpu.memory_space<hbm>>
    %dma_start3A_1719 = tpu.memref_squeeze %dma_start3A_1718 : memref<1x1x50x256xf32, #tpu.memory_space<hbm>> -> memref<50x256xf32, #tpu.memory_space<hbm>>
    tpu.enqueue_dma source(%dma_start3A_1719 : memref<50x256xf32, #tpu.memory_space<hbm>>) target(%arg6 : memref<50x256xf32, #tpu.memory_space<vmem>>) target_semaphore(%arg9 : memref<!tpu.dma_semaphore, #tpu.memory_space<semaphore_mem>>)
    %dma_start3A_1720 = arith.constant 1 : i32
    %dma_start3A_1721 = arith.constant 0 : i32
    %dma_start3A_1722 = arith.constant 0 : i32
    %dma_start3A_1723 = tpu.memref_slice %arg2[%add3A_1710, %dma_start3A_1720, %dma_start3A_1721, %dma_start3A_1722] : memref<64x20x50x256xf32, #tpu.memory_space<hbm>> -> memref<1x1x50x256xf32, #tpu.memory_space<hbm>>
    %dma_start3A_1724 = tpu.memref_squeeze %dma_start3A_1723 : memref<1x1x50x256xf32, #tpu.memory_space<hbm>> -> memref<50x256xf32, #tpu.memory_space<hbm>>
    %dma_start3A_1725 = arith.constant 0 : i32
    %dma_start3A_1726 = arith.constant 0 : i32
    %dma_start3A_1727 = tpu.memref_slice %arg2[%add3A_1710, %dma_start3A_1720, %dma_start3A_1725, %dma_start3A_1726] : memref<64x20x50x256xf32, #tpu.memory_space<hbm>> -> memref<1x1x50x256xf32, #tpu.memory_space<hbm>>
    %dma_start3A_1728 = tpu.memref_squeeze %dma_start3A_1727 : memref<1x1x50x256xf32, #tpu.memory_space<hbm>> -> memref<50x256xf32, #tpu.memory_space<hbm>>
    tpu.enqueue_dma source(%dma_start3A_1728 : memref<50x256xf32, #tpu.memory_space<hbm>>) target(%arg7 : memref<50x256xf32, #tpu.memory_space<vmem>>) target_semaphore(%arg10 : memref<!tpu.dma_semaphore, #tpu.memory_space<semaphore_mem>>)
    %scan3A_1729 = arith.constant 0 : i32
    %scan3A_1730 = arith.constant 0 : i32
    %scan3A_1731 = arith.constant 10 : i32
    %scan3A_1732 = arith.addi %scan3A_1730, %scan3A_1731 : i32
    %scan3A_1733 = arith.constant 1 : i32
    scf.for %scan3A_1735 = %scan3A_1730 to %scan3A_1732 step %scan3A_1733  : i32 {
      %mul3A_1736 = arith.constant 2 : i32
      %mul3A_1737 = arith.muli %scan3A_1735, %mul3A_1736 : i32
      %add3A_1738 = arith.constant 0 : i32
      %add3A_1739 = arith.addi %mul3A_1737, %add3A_1738 : i32
      %dma_wait3A = arith.constant 0 : i32
      %dma_wait3A_1740 = arith.constant 0 : i32
      %dma_wait3A_1741 = tpu.memref_slice %arg2[%add3A_1710, %add3A_1739, %dma_wait3A, %dma_wait3A_1740] : memref<64x20x50x256xf32, #tpu.memory_space<hbm>> -> memref<1x1x50x256xf32, #tpu.memory_space<hbm>>
      %dma_wait3A_1742 = tpu.memref_squeeze %dma_wait3A_1741 : memref<1x1x50x256xf32, #tpu.memory_space<hbm>> -> memref<50x256xf32, #tpu.memory_space<hbm>>
      %dma_wait3A_1743 = arith.constant 0 : i32
      %dma_wait3A_1744 = arith.constant 0 : i32
      %dma_wait3A_1745 = tpu.memref_slice %arg2[%add3A_1710, %add3A_1739, %dma_wait3A_1743, %dma_wait3A_1744] : memref<64x20x50x256xf32, #tpu.memory_space<hbm>> -> memref<1x1x50x256xf32, #tpu.memory_space<hbm>>
      %dma_wait3A_1746 = tpu.memref_squeeze %dma_wait3A_1745 : memref<1x1x50x256xf32, #tpu.memory_space<hbm>> -> memref<50x256xf32, #tpu.memory_space<hbm>>
      tpu.wait_dma2 semaphore(%arg9 : memref<!tpu.dma_semaphore, #tpu.memory_space<semaphore_mem>>) src(%dma_wait3A_1746 : memref<50x256xf32, #tpu.memory_space<hbm>>) dst(%arg6 : memref<50x256xf32, #tpu.memory_space<vmem>>)
      %get3A = arith.index_cast %add3A_1739 : i32 to index
      %get3A_1747 = arith.constant 0 : index
      %get3A_1748 = tpu.vector_load %arg5[%get3A, %get3A_1747] {strides = array<i32>} : memref<20x256xf32, #tpu.memory_space<vmem>>, vector<1x16xf32>,
      %get3A_1749 = vector.shape_cast %get3A_1748 : vector<1x16xf32> to vector<16xf32>
      %get3A_1750 = arith.index_cast %add3A_1739 : i32 to index
      %get3A_1751 = arith.constant 16 : index
      %get3A_1752 = tpu.vector_load %arg5[%get3A_1750, %get3A_1751] {strides = array<i32>} : memref<20x256xf32, #tpu.memory_space<vmem>>, vector<1x16xf32>,
      %get3A_1753 = vector.shape_cast %get3A_1752 : vector<1x16xf32> to vector<16xf32>
      %get3A_1754 = arith.index_cast %add3A_1739 : i32 to index
      %get3A_1755 = arith.constant 32 : index
      %get3A_1756 = tpu.vector_load %arg5[%get3A_1754, %get3A_1755] {strides = array<i32>} : memref<20x256xf32, #tpu.memory_space<vmem>>, vector<1x16xf32>,
      %get3A_1757 = vector.shape_cast %get3A_1756 : vector<1x16xf32> to vector<16xf32>
      %get3A_1758 = arith.index_cast %add3A_1739 : i32 to index
      %get3A_1759 = arith.constant 48 : index
      %get3A_1760 = tpu.vector_load %arg5[%get3A_1758, %get3A_1759] {strides = array<i32>} : memref<20x256xf32, #tpu.memory_space<vmem>>, vector<1x16xf32>,
      %get3A_1761 = vector.shape_cast %get3A_1760 : vector<1x16xf32> to vector<16xf32>
      %get3A_1762 = arith.index_cast %add3A_1739 : i32 to index
      %get3A_1763 = arith.constant 64 : index
      %get3A_1764 = tpu.vector_load %arg5[%get3A_1762, %get3A_1763] {strides = array<i32>} : memref<20x256xf32, #tpu.memory_space<vmem>>, vector<1x16xf32>,
      %get3A_1765 = vector.shape_cast %get3A_1764 : vector<1x16xf32> to vector<16xf32>
      %get3A_1766 = arith.index_cast %add3A_1739 : i32 to index
      %get3A_1767 = arith.constant 80 : index
      %get3A_1768 = tpu.vector_load %arg5[%get3A_1766, %get3A_1767] {strides = array<i32>} : memref<20x256xf32, #tpu.memory_space<vmem>>, vector<1x16xf32>,
      %get3A_1769 = vector.shape_cast %get3A_1768 : vector<1x16xf32> to vector<16xf32>
      %get3A_1770 = arith.index_cast %add3A_1739 : i32 to index
      %get3A_1771 = arith.constant 96 : index
      %get3A_1772 = tpu.vector_load %arg5[%get3A_1770, %get3A_1771] {strides = array<i32>} : memref<20x256xf32, #tpu.memory_space<vmem>>, vector<1x16xf32>,
      %get3A_1773 = vector.shape_cast %get3A_1772 : vector<1x16xf32> to vector<16xf32>
      %get3A_1774 = arith.index_cast %add3A_1739 : i32 to index
      %get3A_1775 = arith.constant 112 : index
      %get3A_1776 = tpu.vector_load %arg5[%get3A_1774, %get3A_1775] {strides = array<i32>} : memref<20x256xf32, #tpu.memory_space<vmem>>, vector<1x16xf32>,
      %get3A_1777 = vector.shape_cast %get3A_1776 : vector<1x16xf32> to vector<16xf32>
      %get3A_1778 = arith.index_cast %add3A_1739 : i32 to index
      %get3A_1779 = arith.constant 128 : index
      %get3A_1780 = tpu.vector_load %arg5[%get3A_1778, %get3A_1779] {strides = array<i32>} : memref<20x256xf32, #tpu.memory_space<vmem>>, vector<1x16xf32>,
      %get3A_1781 = vector.shape_cast %get3A_1780 : vector<1x16xf32> to vector<16xf32>
      %get3A_1782 = arith.index_cast %add3A_1739 : i32 to index
      %get3A_1783 = arith.constant 144 : index
      %get3A_1784 = tpu.vector_load %arg5[%get3A_1782, %get3A_1783] {strides = array<i32>} : memref<20x256xf32, #tpu.memory_space<vmem>>, vector<1x16xf32>,
      %get3A_1785 = vector.shape_cast %get3A_1784 : vector<1x16xf32> to vector<16xf32>
      %get3A_1786 = arith.index_cast %add3A_1739 : i32 to index
      %get3A_1787 = arith.constant 160 : index
      %get3A_1788 = tpu.vector_load %arg5[%get3A_1786, %get3A_1787] {strides = array<i32>} : memref<20x256xf32, #tpu.memory_space<vmem>>, vector<1x16xf32>,
      %get3A_1789 = vector.shape_cast %get3A_1788 : vector<1x16xf32> to vector<16xf32>
      %get3A_1790 = arith.index_cast %add3A_1739 : i32 to index
      %get3A_1791 = arith.constant 176 : index
      %get3A_1792 = tpu.vector_load %arg5[%get3A_1790, %get3A_1791] {strides = array<i32>} : memref<20x256xf32, #tpu.memory_space<vmem>>, vector<1x16xf32>,
      %get3A_1793 = vector.shape_cast %get3A_1792 : vector<1x16xf32> to vector<16xf32>
      %get3A_1794 = arith.index_cast %add3A_1739 : i32 to index
      %get3A_1795 = arith.constant 192 : index
      %get3A_1796 = tpu.vector_load %arg5[%get3A_1794, %get3A_1795] {strides = array<i32>} : memref<20x256xf32, #tpu.memory_space<vmem>>, vector<1x16xf32>,
      %get3A_1797 = vector.shape_cast %get3A_1796 : vector<1x16xf32> to vector<16xf32>
      %get3A_1798 = arith.index_cast %add3A_1739 : i32 to index
      %get3A_1799 = arith.constant 208 : index
      %get3A_1800 = tpu.vector_load %arg5[%get3A_1798, %get3A_1799] {strides = array<i32>} : memref<20x256xf32, #tpu.memory_space<vmem>>, vector<1x16xf32>,
      %get3A_1801 = vector.shape_cast %get3A_1800 : vector<1x16xf32> to vector<16xf32>
      %get3A_1802 = arith.index_cast %add3A_1739 : i32 to index
      %get3A_1803 = arith.constant 224 : index
      %get3A_1804 = tpu.vector_load %arg5[%get3A_1802, %get3A_1803] {strides = array<i32>} : memref<20x256xf32, #tpu.memory_space<vmem>>, vector<1x16xf32>,
      %get3A_1805 = vector.shape_cast %get3A_1804 : vector<1x16xf32> to vector<16xf32>
      %get3A_1806 = arith.index_cast %add3A_1739 : i32 to index
      %get3A_1807 = arith.constant 240 : index
      %get3A_1808 = tpu.vector_load %arg5[%get3A_1806, %get3A_1807] {strides = array<i32>} : memref<20x256xf32, #tpu.memory_space<vmem>>, vector<1x16xf32>,
      %get3A_1809 = vector.shape_cast %get3A_1808 : vector<1x16xf32> to vector<16xf32>
      %scan3A_1810 = arith.constant 0 : i32
      %scan3A_1811 = arith.constant 0 : i32
      %scan3A_1812 = arith.constant 50 : i32
      %scan3A_1813 = arith.addi %scan3A_1811, %scan3A_1812 : i32
      %scan3A_1814 = arith.constant 2 : i32
      scf.for %scan3A_1905 = %scan3A_1811 to %scan3A_1813 step %scan3A_1814  : i32 {
        %get3A_1906 = arith.index_cast %scan3A_1905 : i32 to index
        %get3A_1907 = arith.constant 0 : index
        %get3A_1908 = tpu.vector_load %arg6[%get3A_1906, %get3A_1907] {strides = array<i32>} : memref<50x256xf32, #tpu.memory_space<vmem>>, vector<1x16xf32>,
        %get3A_1909 = vector.shape_cast %get3A_1908 : vector<1x16xf32> to vector<16xf32>
        %mul3A_1910 = arith.mulf %get3A_1909, %get3A_1749 : vector<16xf32>
        %get3A_1911 = arith.index_cast %scan3A_1905 : i32 to index
        %get3A_1912 = arith.constant 16 : index
        %get3A_1913 = tpu.vector_load %arg6[%get3A_1911, %get3A_1912] {strides = array<i32>} : memref<50x256xf32, #tpu.memory_space<vmem>>, vector<1x16xf32>,
        %get3A_1914 = vector.shape_cast %get3A_1913 : vector<1x16xf32> to vector<16xf32>
        %mul3A_1915 = arith.mulf %get3A_1914, %get3A_1753 : vector<16xf32>
        %get3A_1916 = arith.index_cast %scan3A_1905 : i32 to index
        %get3A_1917 = arith.constant 32 : index
        %get3A_1918 = tpu.vector_load %arg6[%get3A_1916, %get3A_1917] {strides = array<i32>} : memref<50x256xf32, #tpu.memory_space<vmem>>, vector<1x16xf32>,
        %get3A_1919 = vector.shape_cast %get3A_1918 : vector<1x16xf32> to vector<16xf32>
        %mul3A_1920 = arith.mulf %get3A_1919, %get3A_1757 : vector<16xf32>
        %get3A_1921 = arith.index_cast %scan3A_1905 : i32 to index
        %get3A_1922 = arith.constant 48 : index
        %get3A_1923 = tpu.vector_load %arg6[%get3A_1921, %get3A_1922] {strides = array<i32>} : memref<50x256xf32, #tpu.memory_space<vmem>>, vector<1x16xf32>,
        %get3A_1924 = vector.shape_cast %get3A_1923 : vector<1x16xf32> to vector<16xf32>
        %mul3A_1925 = arith.mulf %get3A_1924, %get3A_1761 : vector<16xf32>
        %get3A_1926 = arith.index_cast %scan3A_1905 : i32 to index
        %get3A_1927 = arith.constant 64 : index
        %get3A_1928 = tpu.vector_load %arg6[%get3A_1926, %get3A_1927] {strides = array<i32>} : memref<50x256xf32, #tpu.memory_space<vmem>>, vector<1x16xf32>,
        %get3A_1929 = vector.shape_cast %get3A_1928 : vector<1x16xf32> to vector<16xf32>
        %mul3A_1930 = arith.mulf %get3A_1929, %get3A_1765 : vector<16xf32>
        %add3A_1931 = arith.addf %mul3A_1910, %mul3A_1930 : vector<16xf32>
        %get3A_1932 = arith.index_cast %scan3A_1905 : i32 to index
        %get3A_1933 = arith.constant 80 : index
        %get3A_1934 = tpu.vector_load %arg6[%get3A_1932, %get3A_1933] {strides = array<i32>} : memref<50x256xf32, #tpu.memory_space<vmem>>, vector<1x16xf32>,
        %get3A_1935 = vector.shape_cast %get3A_1934 : vector<1x16xf32> to vector<16xf32>
        %mul3A_1936 = arith.mulf %get3A_1935, %get3A_1769 : vector<16xf32>
        %add3A_1937 = arith.addf %mul3A_1915, %mul3A_1936 : vector<16xf32>
        %get3A_1938 = arith.index_cast %scan3A_1905 : i32 to index
        %get3A_1939 = arith.constant 96 : index
        %get3A_1940 = tpu.vector_load %arg6[%get3A_1938, %get3A_1939] {strides = array<i32>} : memref<50x256xf32, #tpu.memory_space<vmem>>, vector<1x16xf32>,
        %get3A_1941 = vector.shape_cast %get3A_1940 : vector<1x16xf32> to vector<16xf32>
        %mul3A_1942 = arith.mulf %get3A_1941, %get3A_1773 : vector<16xf32>
        %add3A_1943 = arith.addf %mul3A_1920, %mul3A_1942 : vector<16xf32>
        %get3A_1944 = arith.index_cast %scan3A_1905 : i32 to index
        %get3A_1945 = arith.constant 112 : index
        %get3A_1946 = tpu.vector_load %arg6[%get3A_1944, %get3A_1945] {strides = array<i32>} : memref<50x256xf32, #tpu.memory_space<vmem>>, vector<1x16xf32>,
        %get3A_1947 = vector.shape_cast %get3A_1946 : vector<1x16xf32> to vector<16xf32>
        %mul3A_1948 = arith.mulf %get3A_1947, %get3A_1777 : vector<16xf32>
        %add3A_1949 = arith.addf %mul3A_1925, %mul3A_1948 : vector<16xf32>
        %get3A_1950 = arith.index_cast %scan3A_1905 : i32 to index
        %get3A_1951 = arith.constant 128 : index
        %get3A_1952 = tpu.vector_load %arg6[%get3A_1950, %get3A_1951] {strides = array<i32>} : memref<50x256xf32, #tpu.memory_space<vmem>>, vector<1x16xf32>,
        %get3A_1953 = vector.shape_cast %get3A_1952 : vector<1x16xf32> to vector<16xf32>
        %mul3A_1954 = arith.mulf %get3A_1953, %get3A_1781 : vector<16xf32>
        %add3A_1955 = arith.addf %add3A_1931, %mul3A_1954 : vector<16xf32>
        %get3A_1956 = arith.index_cast %scan3A_1905 : i32 to index
        %get3A_1957 = arith.constant 144 : index
        %get3A_1958 = tpu.vector_load %arg6[%get3A_1956, %get3A_1957] {strides = array<i32>} : memref<50x256xf32, #tpu.memory_space<vmem>>, vector<1x16xf32>,
        %get3A_1959 = vector.shape_cast %get3A_1958 : vector<1x16xf32> to vector<16xf32>
        %mul3A_1960 = arith.mulf %get3A_1959, %get3A_1785 : vector<16xf32>
        %add3A_1961 = arith.addf %add3A_1937, %mul3A_1960 : vector<16xf32>
        %get3A_1962 = arith.index_cast %scan3A_1905 : i32 to index
        %get3A_1963 = arith.constant 160 : index
        %get3A_1964 = tpu.vector_load %arg6[%get3A_1962, %get3A_1963] {strides = array<i32>} : memref<50x256xf32, #tpu.memory_space<vmem>>, vector<1x16xf32>,
        %get3A_1965 = vector.shape_cast %get3A_1964 : vector<1x16xf32> to vector<16xf32>
        %mul3A_1966 = arith.mulf %get3A_1965, %get3A_1789 : vector<16xf32>
        %add3A_1967 = arith.addf %add3A_1943, %mul3A_1966 : vector<16xf32>
        %get3A_1968 = arith.index_cast %scan3A_1905 : i32 to index
        %get3A_1969 = arith.constant 176 : index
        %get3A_1970 = tpu.vector_load %arg6[%get3A_1968, %get3A_1969] {strides = array<i32>} : memref<50x256xf32, #tpu.memory_space<vmem>>, vector<1x16xf32>,
        %get3A_1971 = vector.shape_cast %get3A_1970 : vector<1x16xf32> to vector<16xf32>
        %mul3A_1972 = arith.mulf %get3A_1971, %get3A_1793 : vector<16xf32>
        %add3A_1973 = arith.addf %add3A_1949, %mul3A_1972 : vector<16xf32>
        %get3A_1974 = arith.index_cast %scan3A_1905 : i32 to index
        %get3A_1975 = arith.constant 192 : index
        %get3A_1976 = tpu.vector_load %arg6[%get3A_1974, %get3A_1975] {strides = array<i32>} : memref<50x256xf32, #tpu.memory_space<vmem>>, vector<1x16xf32>,
        %get3A_1977 = vector.shape_cast %get3A_1976 : vector<1x16xf32> to vector<16xf32>
        %mul3A_1978 = arith.mulf %get3A_1977, %get3A_1797 : vector<16xf32>
        %add3A_1979 = arith.addf %add3A_1955, %mul3A_1978 : vector<16xf32>
        %get3A_1980 = arith.index_cast %scan3A_1905 : i32 to index
        %get3A_1981 = arith.constant 208 : index
        %get3A_1982 = tpu.vector_load %arg6[%get3A_1980, %get3A_1981] {strides = array<i32>} : memref<50x256xf32, #tpu.memory_space<vmem>>, vector<1x16xf32>,
        %get3A_1983 = vector.shape_cast %get3A_1982 : vector<1x16xf32> to vector<16xf32>
        %mul3A_1984 = arith.mulf %get3A_1983, %get3A_1801 : vector<16xf32>
        %add3A_1985 = arith.addf %add3A_1961, %mul3A_1984 : vector<16xf32>
        %get3A_1986 = arith.index_cast %scan3A_1905 : i32 to index
        %get3A_1987 = arith.constant 224 : index
        %get3A_1988 = tpu.vector_load %arg6[%get3A_1986, %get3A_1987] {strides = array<i32>} : memref<50x256xf32, #tpu.memory_space<vmem>>, vector<1x16xf32>,
        %get3A_1989 = vector.shape_cast %get3A_1988 : vector<1x16xf32> to vector<16xf32>
        %mul3A_1990 = arith.mulf %get3A_1989, %get3A_1805 : vector<16xf32>
        %add3A_1991 = arith.addf %add3A_1967, %mul3A_1990 : vector<16xf32>
        %get3A_1992 = arith.index_cast %scan3A_1905 : i32 to index
        %get3A_1993 = arith.constant 240 : index
        %get3A_1994 = tpu.vector_load %arg6[%get3A_1992, %get3A_1993] {strides = array<i32>} : memref<50x256xf32, #tpu.memory_space<vmem>>, vector<1x16xf32>,
        %get3A_1995 = vector.shape_cast %get3A_1994 : vector<1x16xf32> to vector<16xf32>
        %mul3A_1996 = arith.mulf %get3A_1995, %get3A_1809 : vector<16xf32>
        %add3A_1997 = arith.addf %add3A_1973, %mul3A_1996 : vector<16xf32>
        %add3A_1998 = arith.addf %add3A_1979, %add3A_1985 : vector<16xf32>
        %add3A_1999 = arith.addf %add3A_1991, %add3A_1997 : vector<16xf32>
        %add3A_2000 = arith.addf %add3A_1998, %add3A_1999 : vector<16xf32>
        %mul3A_2001 = arith.constant 16 : i32
        %mul3A_2002 = arith.muli %scan3A_1905, %mul3A_2001 : i32
        %multiple_of3A = tpu.assume_multiple %mul3A_2002, 16 : i32
        %swap3A_2003 = arith.index_cast %add3A_1739 : i32 to index
        %swap3A_2004 = arith.index_cast %multiple_of3A : i32 to index
        %swap3A_2005 = tpu.vector_load %arg8[%swap3A_2003, %swap3A_2004] {strides = array<i32>} : memref<20x1024xf32, #tpu.memory_space<vmem>>, vector<1x16xf32>,
        %swap3A_2006 = vector.shape_cast %swap3A_2005 : vector<1x16xf32> to vector<16xf32>
        %swap3A_2007 = vector.shape_cast %add3A_2000 : vector<16xf32> to vector<1x16xf32>
        tpu.vector_store %arg8[%swap3A_2003, %swap3A_2004], %swap3A_2007 {strides = array<i32>} : memref<20x1024xf32, #tpu.memory_space<vmem>>, vector<1x16xf32>,
        %scan3A_2008 = arith.constant 1 : i32
        %scan3A_2009 = arith.addi %scan3A_1905, %scan3A_2008 : i32
        %get3A_2010 = arith.index_cast %scan3A_2009 : i32 to index
        %get3A_2011 = arith.constant 0 : index
        %get3A_2012 = tpu.vector_load %arg6[%get3A_2010, %get3A_2011] {strides = array<i32>} : memref<50x256xf32, #tpu.memory_space<vmem>>, vector<1x16xf32>,
        %get3A_2013 = vector.shape_cast %get3A_2012 : vector<1x16xf32> to vector<16xf32>
        %mul3A_2014 = arith.mulf %get3A_2013, %get3A_1749 : vector<16xf32>
        %get3A_2015 = arith.index_cast %scan3A_2009 : i32 to index
        %get3A_2016 = arith.constant 16 : index
        %get3A_2017 = tpu.vector_load %arg6[%get3A_2015, %get3A_2016] {strides = array<i32>} : memref<50x256xf32, #tpu.memory_space<vmem>>, vector<1x16xf32>,
        %get3A_2018 = vector.shape_cast %get3A_2017 : vector<1x16xf32> to vector<16xf32>
        %mul3A_2019 = arith.mulf %get3A_2018, %get3A_1753 : vector<16xf32>
        %get3A_2020 = arith.index_cast %scan3A_2009 : i32 to index
        %get3A_2021 = arith.constant 32 : index
        %get3A_2022 = tpu.vector_load %arg6[%get3A_2020, %get3A_2021] {strides = array<i32>} : memref<50x256xf32, #tpu.memory_space<vmem>>, vector<1x16xf32>,
        %get3A_2023 = vector.shape_cast %get3A_2022 : vector<1x16xf32> to vector<16xf32>
        %mul3A_2024 = arith.mulf %get3A_2023, %get3A_1757 : vector<16xf32>
        %get3A_2025 = arith.index_cast %scan3A_2009 : i32 to index
        %get3A_2026 = arith.constant 48 : index
        %get3A_2027 = tpu.vector_load %arg6[%get3A_2025, %get3A_2026] {strides = array<i32>} : memref<50x256xf32, #tpu.memory_space<vmem>>, vector<1x16xf32>,
        %get3A_2028 = vector.shape_cast %get3A_2027 : vector<1x16xf32> to vector<16xf32>
        %mul3A_2029 = arith.mulf %get3A_2028, %get3A_1761 : vector<16xf32>
        %get3A_2030 = arith.index_cast %scan3A_2009 : i32 to index
        %get3A_2031 = arith.constant 64 : index
        %get3A_2032 = tpu.vector_load %arg6[%get3A_2030, %get3A_2031] {strides = array<i32>} : memref<50x256xf32, #tpu.memory_space<vmem>>, vector<1x16xf32>,
        %get3A_2033 = vector.shape_cast %get3A_2032 : vector<1x16xf32> to vector<16xf32>
        %mul3A_2034 = arith.mulf %get3A_2033, %get3A_1765 : vector<16xf32>
        %add3A_2035 = arith.addf %mul3A_2014, %mul3A_2034 : vector<16xf32>
        %get3A_2036 = arith.index_cast %scan3A_2009 : i32 to index
        %get3A_2037 = arith.constant 80 : index
        %get3A_2038 = tpu.vector_load %arg6[%get3A_2036, %get3A_2037] {strides = array<i32>} : memref<50x256xf32, #tpu.memory_space<vmem>>, vector<1x16xf32>,
        %get3A_2039 = vector.shape_cast %get3A_2038 : vector<1x16xf32> to vector<16xf32>
        %mul3A_2040 = arith.mulf %get3A_2039, %get3A_1769 : vector<16xf32>
        %add3A_2041 = arith.addf %mul3A_2019, %mul3A_2040 : vector<16xf32>
        %get3A_2042 = arith.index_cast %scan3A_2009 : i32 to index
        %get3A_2043 = arith.constant 96 : index
        %get3A_2044 = tpu.vector_load %arg6[%get3A_2042, %get3A_2043] {strides = array<i32>} : memref<50x256xf32, #tpu.memory_space<vmem>>, vector<1x16xf32>,
        %get3A_2045 = vector.shape_cast %get3A_2044 : vector<1x16xf32> to vector<16xf32>
        %mul3A_2046 = arith.mulf %get3A_2045, %get3A_1773 : vector<16xf32>
        %add3A_2047 = arith.addf %mul3A_2024, %mul3A_2046 : vector<16xf32>
        %get3A_2048 = arith.index_cast %scan3A_2009 : i32 to index
        %get3A_2049 = arith.constant 112 : index
        %get3A_2050 = tpu.vector_load %arg6[%get3A_2048, %get3A_2049] {strides = array<i32>} : memref<50x256xf32, #tpu.memory_space<vmem>>, vector<1x16xf32>,
        %get3A_2051 = vector.shape_cast %get3A_2050 : vector<1x16xf32> to vector<16xf32>
        %mul3A_2052 = arith.mulf %get3A_2051, %get3A_1777 : vector<16xf32>
        %add3A_2053 = arith.addf %mul3A_2029, %mul3A_2052 : vector<16xf32>
        %get3A_2054 = arith.index_cast %scan3A_2009 : i32 to index
        %get3A_2055 = arith.constant 128 : index
        %get3A_2056 = tpu.vector_load %arg6[%get3A_2054, %get3A_2055] {strides = array<i32>} : memref<50x256xf32, #tpu.memory_space<vmem>>, vector<1x16xf32>,
        %get3A_2057 = vector.shape_cast %get3A_2056 : vector<1x16xf32> to vector<16xf32>
        %mul3A_2058 = arith.mulf %get3A_2057, %get3A_1781 : vector<16xf32>
        %add3A_2059 = arith.addf %add3A_2035, %mul3A_2058 : vector<16xf32>
        %get3A_2060 = arith.index_cast %scan3A_2009 : i32 to index
        %get3A_2061 = arith.constant 144 : index
        %get3A_2062 = tpu.vector_load %arg6[%get3A_2060, %get3A_2061] {strides = array<i32>} : memref<50x256xf32, #tpu.memory_space<vmem>>, vector<1x16xf32>,
        %get3A_2063 = vector.shape_cast %get3A_2062 : vector<1x16xf32> to vector<16xf32>
        %mul3A_2064 = arith.mulf %get3A_2063, %get3A_1785 : vector<16xf32>
        %add3A_2065 = arith.addf %add3A_2041, %mul3A_2064 : vector<16xf32>
        %get3A_2066 = arith.index_cast %scan3A_2009 : i32 to index
        %get3A_2067 = arith.constant 160 : index
        %get3A_2068 = tpu.vector_load %arg6[%get3A_2066, %get3A_2067] {strides = array<i32>} : memref<50x256xf32, #tpu.memory_space<vmem>>, vector<1x16xf32>,
        %get3A_2069 = vector.shape_cast %get3A_2068 : vector<1x16xf32> to vector<16xf32>
        %mul3A_2070 = arith.mulf %get3A_2069, %get3A_1789 : vector<16xf32>
        %add3A_2071 = arith.addf %add3A_2047, %mul3A_2070 : vector<16xf32>
        %get3A_2072 = arith.index_cast %scan3A_2009 : i32 to index
        %get3A_2073 = arith.constant 176 : index
        %get3A_2074 = tpu.vector_load %arg6[%get3A_2072, %get3A_2073] {strides = array<i32>} : memref<50x256xf32, #tpu.memory_space<vmem>>, vector<1x16xf32>,
        %get3A_2075 = vector.shape_cast %get3A_2074 : vector<1x16xf32> to vector<16xf32>
        %mul3A_2076 = arith.mulf %get3A_2075, %get3A_1793 : vector<16xf32>
        %add3A_2077 = arith.addf %add3A_2053, %mul3A_2076 : vector<16xf32>
        %get3A_2078 = arith.index_cast %scan3A_2009 : i32 to index
        %get3A_2079 = arith.constant 192 : index
        %get3A_2080 = tpu.vector_load %arg6[%get3A_2078, %get3A_2079] {strides = array<i32>} : memref<50x256xf32, #tpu.memory_space<vmem>>, vector<1x16xf32>,
        %get3A_2081 = vector.shape_cast %get3A_2080 : vector<1x16xf32> to vector<16xf32>
        %mul3A_2082 = arith.mulf %get3A_2081, %get3A_1797 : vector<16xf32>
        %add3A_2083 = arith.addf %add3A_2059, %mul3A_2082 : vector<16xf32>
        %get3A_2084 = arith.index_cast %scan3A_2009 : i32 to index
        %get3A_2085 = arith.constant 208 : index
        %get3A_2086 = tpu.vector_load %arg6[%get3A_2084, %get3A_2085] {strides = array<i32>} : memref<50x256xf32, #tpu.memory_space<vmem>>, vector<1x16xf32>,
        %get3A_2087 = vector.shape_cast %get3A_2086 : vector<1x16xf32> to vector<16xf32>
        %mul3A_2088 = arith.mulf %get3A_2087, %get3A_1801 : vector<16xf32>
        %add3A_2089 = arith.addf %add3A_2065, %mul3A_2088 : vector<16xf32>
        %get3A_2090 = arith.index_cast %scan3A_2009 : i32 to index
        %get3A_2091 = arith.constant 224 : index
        %get3A_2092 = tpu.vector_load %arg6[%get3A_2090, %get3A_2091] {strides = array<i32>} : memref<50x256xf32, #tpu.memory_space<vmem>>, vector<1x16xf32>,
        %get3A_2093 = vector.shape_cast %get3A_2092 : vector<1x16xf32> to vector<16xf32>
        %mul3A_2094 = arith.mulf %get3A_2093, %get3A_1805 : vector<16xf32>
        %add3A_2095 = arith.addf %add3A_2071, %mul3A_2094 : vector<16xf32>
        %get3A_2096 = arith.index_cast %scan3A_2009 : i32 to index
        %get3A_2097 = arith.constant 240 : index
        %get3A_2098 = tpu.vector_load %arg6[%get3A_2096, %get3A_2097] {strides = array<i32>} : memref<50x256xf32, #tpu.memory_space<vmem>>, vector<1x16xf32>,
        %get3A_2099 = vector.shape_cast %get3A_2098 : vector<1x16xf32> to vector<16xf32>
        %mul3A_2100 = arith.mulf %get3A_2099, %get3A_1809 : vector<16xf32>
        %add3A_2101 = arith.addf %add3A_2077, %mul3A_2100 : vector<16xf32>
        %add3A_2102 = arith.addf %add3A_2083, %add3A_2089 : vector<16xf32>
        %add3A_2103 = arith.addf %add3A_2095, %add3A_2101 : vector<16xf32>
        %add3A_2104 = arith.addf %add3A_2102, %add3A_2103 : vector<16xf32>
        %mul3A_2105 = arith.constant 16 : i32
        %mul3A_2106 = arith.muli %scan3A_2009, %mul3A_2105 : i32
        %multiple_of3A_2107 = tpu.assume_multiple %mul3A_2106, 16 : i32
        %swap3A_2108 = arith.index_cast %add3A_1739 : i32 to index
        %swap3A_2109 = arith.index_cast %multiple_of3A_2107 : i32 to index
        %swap3A_2110 = tpu.vector_load %arg8[%swap3A_2108, %swap3A_2109] {strides = array<i32>} : memref<20x1024xf32, #tpu.memory_space<vmem>>, vector<1x16xf32>,
        %swap3A_2111 = vector.shape_cast %swap3A_2110 : vector<1x16xf32> to vector<16xf32>
        %swap3A_2112 = vector.shape_cast %add3A_2104 : vector<16xf32> to vector<1x16xf32>
        tpu.vector_store %arg8[%swap3A_2108, %swap3A_2109], %swap3A_2112 {strides = array<i32>} : memref<20x1024xf32, #tpu.memory_space<vmem>>, vector<1x16xf32>,
      }
      %scan3A_1815 = arith.constant 50 : i32
      %lt3A = arith.constant 18 : i32
      %lt3A_1816 = arith.cmpi slt, %add3A_1739, %lt3A : i32
      %convert_element_type3A = arith.extui %lt3A_1816 : i1 to i32
      %cond3A = arith.constant 0 : i32
      %cond3A_1817 = arith.cmpi ne, %convert_element_type3A, %cond3A : i32
      scf.if %cond3A_1817 {
        %add3A_1905 = arith.constant 2 : i32
        %add3A_1906 = arith.addi %add3A_1739, %add3A_1905 : i32
        %dma_start3A_1907 = arith.constant 0 : i32
        %dma_start3A_1908 = arith.constant 0 : i32
        %dma_start3A_1909 = tpu.memref_slice %arg2[%add3A_1710, %add3A_1906, %dma_start3A_1907, %dma_start3A_1908] : memref<64x20x50x256xf32, #tpu.memory_space<hbm>> -> memref<1x1x50x256xf32, #tpu.memory_space<hbm>>
        %dma_start3A_1910 = tpu.memref_squeeze %dma_start3A_1909 : memref<1x1x50x256xf32, #tpu.memory_space<hbm>> -> memref<50x256xf32, #tpu.memory_space<hbm>>
        %dma_start3A_1911 = arith.constant 0 : i32
        %dma_start3A_1912 = arith.constant 0 : i32
        %dma_start3A_1913 = tpu.memref_slice %arg2[%add3A_1710, %add3A_1906, %dma_start3A_1911, %dma_start3A_1912] : memref<64x20x50x256xf32, #tpu.memory_space<hbm>> -> memref<1x1x50x256xf32, #tpu.memory_space<hbm>>
        %dma_start3A_1914 = tpu.memref_squeeze %dma_start3A_1913 : memref<1x1x50x256xf32, #tpu.memory_space<hbm>> -> memref<50x256xf32, #tpu.memory_space<hbm>>
        tpu.enqueue_dma source(%dma_start3A_1914 : memref<50x256xf32, #tpu.memory_space<hbm>>) target(%arg6 : memref<50x256xf32, #tpu.memory_space<vmem>>) target_semaphore(%arg9 : memref<!tpu.dma_semaphore, #tpu.memory_space<semaphore_mem>>)
      } else {
      }
      %mul3A_1818 = arith.constant 2 : i32
      %mul3A_1819 = arith.muli %scan3A_1735, %mul3A_1818 : i32
      %add3A_1820 = arith.constant 1 : i32
      %add3A_1821 = arith.addi %mul3A_1819, %add3A_1820 : i32
      %dma_wait3A_1822 = arith.constant 0 : i32
      %dma_wait3A_1823 = arith.constant 0 : i32
      %dma_wait3A_1824 = tpu.memref_slice %arg2[%add3A_1710, %add3A_1821, %dma_wait3A_1822, %dma_wait3A_1823] : memref<64x20x50x256xf32, #tpu.memory_space<hbm>> -> memref<1x1x50x256xf32, #tpu.memory_space<hbm>>
      %dma_wait3A_1825 = tpu.memref_squeeze %dma_wait3A_1824 : memref<1x1x50x256xf32, #tpu.memory_space<hbm>> -> memref<50x256xf32, #tpu.memory_space<hbm>>
      %dma_wait3A_1826 = arith.constant 0 : i32
      %dma_wait3A_1827 = arith.constant 0 : i32
      %dma_wait3A_1828 = tpu.memref_slice %arg2[%add3A_1710, %add3A_1821, %dma_wait3A_1826, %dma_wait3A_1827] : memref<64x20x50x256xf32, #tpu.memory_space<hbm>> -> memref<1x1x50x256xf32, #tpu.memory_space<hbm>>
      %dma_wait3A_1829 = tpu.memref_squeeze %dma_wait3A_1828 : memref<1x1x50x256xf32, #tpu.memory_space<hbm>> -> memref<50x256xf32, #tpu.memory_space<hbm>>
      tpu.wait_dma2 semaphore(%arg10 : memref<!tpu.dma_semaphore, #tpu.memory_space<semaphore_mem>>) src(%dma_wait3A_1829 : memref<50x256xf32, #tpu.memory_space<hbm>>) dst(%arg7 : memref<50x256xf32, #tpu.memory_space<vmem>>)
      %get3A_1830 = arith.index_cast %add3A_1821 : i32 to index
      %get3A_1831 = arith.constant 0 : index
      %get3A_1832 = tpu.vector_load %arg5[%get3A_1830, %get3A_1831] {strides = array<i32>} : memref<20x256xf32, #tpu.memory_space<vmem>>, vector<1x16xf32>,
      %get3A_1833 = vector.shape_cast %get3A_1832 : vector<1x16xf32> to vector<16xf32>
      %get3A_1834 = arith.index_cast %add3A_1821 : i32 to index
      %get3A_1835 = arith.constant 16 : index
      %get3A_1836 = tpu.vector_load %arg5[%get3A_1834, %get3A_1835] {strides = array<i32>} : memref<20x256xf32, #tpu.memory_space<vmem>>, vector<1x16xf32>,
      %get3A_1837 = vector.shape_cast %get3A_1836 : vector<1x16xf32> to vector<16xf32>
      %get3A_1838 = arith.index_cast %add3A_1821 : i32 to index
      %get3A_1839 = arith.constant 32 : index
      %get3A_1840 = tpu.vector_load %arg5[%get3A_1838, %get3A_1839] {strides = array<i32>} : memref<20x256xf32, #tpu.memory_space<vmem>>, vector<1x16xf32>,
      %get3A_1841 = vector.shape_cast %get3A_1840 : vector<1x16xf32> to vector<16xf32>
      %get3A_1842 = arith.index_cast %add3A_1821 : i32 to index
      %get3A_1843 = arith.constant 48 : index
      %get3A_1844 = tpu.vector_load %arg5[%get3A_1842, %get3A_1843] {strides = array<i32>} : memref<20x256xf32, #tpu.memory_space<vmem>>, vector<1x16xf32>,
      %get3A_1845 = vector.shape_cast %get3A_1844 : vector<1x16xf32> to vector<16xf32>
      %get3A_1846 = arith.index_cast %add3A_1821 : i32 to index
      %get3A_1847 = arith.constant 64 : index
      %get3A_1848 = tpu.vector_load %arg5[%get3A_1846, %get3A_1847] {strides = array<i32>} : memref<20x256xf32, #tpu.memory_space<vmem>>, vector<1x16xf32>,
      %get3A_1849 = vector.shape_cast %get3A_1848 : vector<1x16xf32> to vector<16xf32>
      %get3A_1850 = arith.index_cast %add3A_1821 : i32 to index
      %get3A_1851 = arith.constant 80 : index
      %get3A_1852 = tpu.vector_load %arg5[%get3A_1850, %get3A_1851] {strides = array<i32>} : memref<20x256xf32, #tpu.memory_space<vmem>>, vector<1x16xf32>,
      %get3A_1853 = vector.shape_cast %get3A_1852 : vector<1x16xf32> to vector<16xf32>
      %get3A_1854 = arith.index_cast %add3A_1821 : i32 to index
      %get3A_1855 = arith.constant 96 : index
      %get3A_1856 = tpu.vector_load %arg5[%get3A_1854, %get3A_1855] {strides = array<i32>} : memref<20x256xf32, #tpu.memory_space<vmem>>, vector<1x16xf32>,
      %get3A_1857 = vector.shape_cast %get3A_1856 : vector<1x16xf32> to vector<16xf32>
      %get3A_1858 = arith.index_cast %add3A_1821 : i32 to index
      %get3A_1859 = arith.constant 112 : index
      %get3A_1860 = tpu.vector_load %arg5[%get3A_1858, %get3A_1859] {strides = array<i32>} : memref<20x256xf32, #tpu.memory_space<vmem>>, vector<1x16xf32>,
      %get3A_1861 = vector.shape_cast %get3A_1860 : vector<1x16xf32> to vector<16xf32>
      %get3A_1862 = arith.index_cast %add3A_1821 : i32 to index
      %get3A_1863 = arith.constant 128 : index
      %get3A_1864 = tpu.vector_load %arg5[%get3A_1862, %get3A_1863] {strides = array<i32>} : memref<20x256xf32, #tpu.memory_space<vmem>>, vector<1x16xf32>,
      %get3A_1865 = vector.shape_cast %get3A_1864 : vector<1x16xf32> to vector<16xf32>
      %get3A_1866 = arith.index_cast %add3A_1821 : i32 to index
      %get3A_1867 = arith.constant 144 : index
      %get3A_1868 = tpu.vector_load %arg5[%get3A_1866, %get3A_1867] {strides = array<i32>} : memref<20x256xf32, #tpu.memory_space<vmem>>, vector<1x16xf32>,
      %get3A_1869 = vector.shape_cast %get3A_1868 : vector<1x16xf32> to vector<16xf32>
      %get3A_1870 = arith.index_cast %add3A_1821 : i32 to index
      %get3A_1871 = arith.constant 160 : index
      %get3A_1872 = tpu.vector_load %arg5[%get3A_1870, %get3A_1871] {strides = array<i32>} : memref<20x256xf32, #tpu.memory_space<vmem>>, vector<1x16xf32>,
      %get3A_1873 = vector.shape_cast %get3A_1872 : vector<1x16xf32> to vector<16xf32>
      %get3A_1874 = arith.index_cast %add3A_1821 : i32 to index
      %get3A_1875 = arith.constant 176 : index
      %get3A_1876 = tpu.vector_load %arg5[%get3A_1874, %get3A_1875] {strides = array<i32>} : memref<20x256xf32, #tpu.memory_space<vmem>>, vector<1x16xf32>,
      %get3A_1877 = vector.shape_cast %get3A_1876 : vector<1x16xf32> to vector<16xf32>
      %get3A_1878 = arith.index_cast %add3A_1821 : i32 to index
      %get3A_1879 = arith.constant 192 : index
      %get3A_1880 = tpu.vector_load %arg5[%get3A_1878, %get3A_1879] {strides = array<i32>} : memref<20x256xf32, #tpu.memory_space<vmem>>, vector<1x16xf32>,
      %get3A_1881 = vector.shape_cast %get3A_1880 : vector<1x16xf32> to vector<16xf32>
      %get3A_1882 = arith.index_cast %add3A_1821 : i32 to index
      %get3A_1883 = arith.constant 208 : index
      %get3A_1884 = tpu.vector_load %arg5[%get3A_1882, %get3A_1883] {strides = array<i32>} : memref<20x256xf32, #tpu.memory_space<vmem>>, vector<1x16xf32>,
      %get3A_1885 = vector.shape_cast %get3A_1884 : vector<1x16xf32> to vector<16xf32>
      %get3A_1886 = arith.index_cast %add3A_1821 : i32 to index
      %get3A_1887 = arith.constant 224 : index
      %get3A_1888 = tpu.vector_load %arg5[%get3A_1886, %get3A_1887] {strides = array<i32>} : memref<20x256xf32, #tpu.memory_space<vmem>>, vector<1x16xf32>,
      %get3A_1889 = vector.shape_cast %get3A_1888 : vector<1x16xf32> to vector<16xf32>
      %get3A_1890 = arith.index_cast %add3A_1821 : i32 to index
      %get3A_1891 = arith.constant 240 : index
      %get3A_1892 = tpu.vector_load %arg5[%get3A_1890, %get3A_1891] {strides = array<i32>} : memref<20x256xf32, #tpu.memory_space<vmem>>, vector<1x16xf32>,
      %get3A_1893 = vector.shape_cast %get3A_1892 : vector<1x16xf32> to vector<16xf32>
      %scan3A_1894 = arith.constant 0 : i32
      %scan3A_1895 = arith.constant 0 : i32
      %scan3A_1896 = arith.constant 50 : i32
      %scan3A_1897 = arith.addi %scan3A_1895, %scan3A_1896 : i32
      %scan3A_1898 = arith.constant 2 : i32
      scf.for %scan3A_1905 = %scan3A_1895 to %scan3A_1897 step %scan3A_1898  : i32 {
        %get3A_1906 = arith.index_cast %scan3A_1905 : i32 to index
        %get3A_1907 = arith.constant 0 : index
        %get3A_1908 = tpu.vector_load %arg7[%get3A_1906, %get3A_1907] {strides = array<i32>} : memref<50x256xf32, #tpu.memory_space<vmem>>, vector<1x16xf32>,
        %get3A_1909 = vector.shape_cast %get3A_1908 : vector<1x16xf32> to vector<16xf32>
        %mul3A_1910 = arith.mulf %get3A_1909, %get3A_1833 : vector<16xf32>
        %get3A_1911 = arith.index_cast %scan3A_1905 : i32 to index
        %get3A_1912 = arith.constant 16 : index
        %get3A_1913 = tpu.vector_load %arg7[%get3A_1911, %get3A_1912] {strides = array<i32>} : memref<50x256xf32, #tpu.memory_space<vmem>>, vector<1x16xf32>,
        %get3A_1914 = vector.shape_cast %get3A_1913 : vector<1x16xf32> to vector<16xf32>
        %mul3A_1915 = arith.mulf %get3A_1914, %get3A_1837 : vector<16xf32>
        %get3A_1916 = arith.index_cast %scan3A_1905 : i32 to index
        %get3A_1917 = arith.constant 32 : index
        %get3A_1918 = tpu.vector_load %arg7[%get3A_1916, %get3A_1917] {strides = array<i32>} : memref<50x256xf32, #tpu.memory_space<vmem>>, vector<1x16xf32>,
        %get3A_1919 = vector.shape_cast %get3A_1918 : vector<1x16xf32> to vector<16xf32>
        %mul3A_1920 = arith.mulf %get3A_1919, %get3A_1841 : vector<16xf32>
        %get3A_1921 = arith.index_cast %scan3A_1905 : i32 to index
        %get3A_1922 = arith.constant 48 : index
        %get3A_1923 = tpu.vector_load %arg7[%get3A_1921, %get3A_1922] {strides = array<i32>} : memref<50x256xf32, #tpu.memory_space<vmem>>, vector<1x16xf32>,
        %get3A_1924 = vector.shape_cast %get3A_1923 : vector<1x16xf32> to vector<16xf32>
        %mul3A_1925 = arith.mulf %get3A_1924, %get3A_1845 : vector<16xf32>
        %get3A_1926 = arith.index_cast %scan3A_1905 : i32 to index
        %get3A_1927 = arith.constant 64 : index
        %get3A_1928 = tpu.vector_load %arg7[%get3A_1926, %get3A_1927] {strides = array<i32>} : memref<50x256xf32, #tpu.memory_space<vmem>>, vector<1x16xf32>,
        %get3A_1929 = vector.shape_cast %get3A_1928 : vector<1x16xf32> to vector<16xf32>
        %mul3A_1930 = arith.mulf %get3A_1929, %get3A_1849 : vector<16xf32>
        %add3A_1931 = arith.addf %mul3A_1910, %mul3A_1930 : vector<16xf32>
        %get3A_1932 = arith.index_cast %scan3A_1905 : i32 to index
        %get3A_1933 = arith.constant 80 : index
        %get3A_1934 = tpu.vector_load %arg7[%get3A_1932, %get3A_1933] {strides = array<i32>} : memref<50x256xf32, #tpu.memory_space<vmem>>, vector<1x16xf32>,
        %get3A_1935 = vector.shape_cast %get3A_1934 : vector<1x16xf32> to vector<16xf32>
        %mul3A_1936 = arith.mulf %get3A_1935, %get3A_1853 : vector<16xf32>
        %add3A_1937 = arith.addf %mul3A_1915, %mul3A_1936 : vector<16xf32>
        %get3A_1938 = arith.index_cast %scan3A_1905 : i32 to index
        %get3A_1939 = arith.constant 96 : index
        %get3A_1940 = tpu.vector_load %arg7[%get3A_1938, %get3A_1939] {strides = array<i32>} : memref<50x256xf32, #tpu.memory_space<vmem>>, vector<1x16xf32>,
        %get3A_1941 = vector.shape_cast %get3A_1940 : vector<1x16xf32> to vector<16xf32>
        %mul3A_1942 = arith.mulf %get3A_1941, %get3A_1857 : vector<16xf32>
        %add3A_1943 = arith.addf %mul3A_1920, %mul3A_1942 : vector<16xf32>
        %get3A_1944 = arith.index_cast %scan3A_1905 : i32 to index
        %get3A_1945 = arith.constant 112 : index
        %get3A_1946 = tpu.vector_load %arg7[%get3A_1944, %get3A_1945] {strides = array<i32>} : memref<50x256xf32, #tpu.memory_space<vmem>>, vector<1x16xf32>,
        %get3A_1947 = vector.shape_cast %get3A_1946 : vector<1x16xf32> to vector<16xf32>
        %mul3A_1948 = arith.mulf %get3A_1947, %get3A_1861 : vector<16xf32>
        %add3A_1949 = arith.addf %mul3A_1925, %mul3A_1948 : vector<16xf32>
        %get3A_1950 = arith.index_cast %scan3A_1905 : i32 to index
        %get3A_1951 = arith.constant 128 : index
        %get3A_1952 = tpu.vector_load %arg7[%get3A_1950, %get3A_1951] {strides = array<i32>} : memref<50x256xf32, #tpu.memory_space<vmem>>, vector<1x16xf32>,
        %get3A_1953 = vector.shape_cast %get3A_1952 : vector<1x16xf32> to vector<16xf32>
        %mul3A_1954 = arith.mulf %get3A_1953, %get3A_1865 : vector<16xf32>
        %add3A_1955 = arith.addf %add3A_1931, %mul3A_1954 : vector<16xf32>
        %get3A_1956 = arith.index_cast %scan3A_1905 : i32 to index
        %get3A_1957 = arith.constant 144 : index
        %get3A_1958 = tpu.vector_load %arg7[%get3A_1956, %get3A_1957] {strides = array<i32>} : memref<50x256xf32, #tpu.memory_space<vmem>>, vector<1x16xf32>,
        %get3A_1959 = vector.shape_cast %get3A_1958 : vector<1x16xf32> to vector<16xf32>
        %mul3A_1960 = arith.mulf %get3A_1959, %get3A_1869 : vector<16xf32>
        %add3A_1961 = arith.addf %add3A_1937, %mul3A_1960 : vector<16xf32>
        %get3A_1962 = arith.index_cast %scan3A_1905 : i32 to index
        %get3A_1963 = arith.constant 160 : index
        %get3A_1964 = tpu.vector_load %arg7[%get3A_1962, %get3A_1963] {strides = array<i32>} : memref<50x256xf32, #tpu.memory_space<vmem>>, vector<1x16xf32>,
        %get3A_1965 = vector.shape_cast %get3A_1964 : vector<1x16xf32> to vector<16xf32>
        %mul3A_1966 = arith.mulf %get3A_1965, %get3A_1873 : vector<16xf32>
        %add3A_1967 = arith.addf %add3A_1943, %mul3A_1966 : vector<16xf32>
        %get3A_1968 = arith.index_cast %scan3A_1905 : i32 to index
        %get3A_1969 = arith.constant 176 : index
        %get3A_1970 = tpu.vector_load %arg7[%get3A_1968, %get3A_1969] {strides = array<i32>} : memref<50x256xf32, #tpu.memory_space<vmem>>, vector<1x16xf32>,
        %get3A_1971 = vector.shape_cast %get3A_1970 : vector<1x16xf32> to vector<16xf32>
        %mul3A_1972 = arith.mulf %get3A_1971, %get3A_1877 : vector<16xf32>
        %add3A_1973 = arith.addf %add3A_1949, %mul3A_1972 : vector<16xf32>
        %get3A_1974 = arith.index_cast %scan3A_1905 : i32 to index
        %get3A_1975 = arith.constant 192 : index
        %get3A_1976 = tpu.vector_load %arg7[%get3A_1974, %get3A_1975] {strides = array<i32>} : memref<50x256xf32, #tpu.memory_space<vmem>>, vector<1x16xf32>,
        %get3A_1977 = vector.shape_cast %get3A_1976 : vector<1x16xf32> to vector<16xf32>
        %mul3A_1978 = arith.mulf %get3A_1977, %get3A_1881 : vector<16xf32>
        %add3A_1979 = arith.addf %add3A_1955, %mul3A_1978 : vector<16xf32>
        %get3A_1980 = arith.index_cast %scan3A_1905 : i32 to index
        %get3A_1981 = arith.constant 208 : index
        %get3A_1982 = tpu.vector_load %arg7[%get3A_1980, %get3A_1981] {strides = array<i32>} : memref<50x256xf32, #tpu.memory_space<vmem>>, vector<1x16xf32>,
        %get3A_1983 = vector.shape_cast %get3A_1982 : vector<1x16xf32> to vector<16xf32>
        %mul3A_1984 = arith.mulf %get3A_1983, %get3A_1885 : vector<16xf32>
        %add3A_1985 = arith.addf %add3A_1961, %mul3A_1984 : vector<16xf32>
        %get3A_1986 = arith.index_cast %scan3A_1905 : i32 to index
        %get3A_1987 = arith.constant 224 : index
        %get3A_1988 = tpu.vector_load %arg7[%get3A_1986, %get3A_1987] {strides = array<i32>} : memref<50x256xf32, #tpu.memory_space<vmem>>, vector<1x16xf32>,
        %get3A_1989 = vector.shape_cast %get3A_1988 : vector<1x16xf32> to vector<16xf32>
        %mul3A_1990 = arith.mulf %get3A_1989, %get3A_1889 : vector<16xf32>
        %add3A_1991 = arith.addf %add3A_1967, %mul3A_1990 : vector<16xf32>
        %get3A_1992 = arith.index_cast %scan3A_1905 : i32 to index
        %get3A_1993 = arith.constant 240 : index
        %get3A_1994 = tpu.vector_load %arg7[%get3A_1992, %get3A_1993] {strides = array<i32>} : memref<50x256xf32, #tpu.memory_space<vmem>>, vector<1x16xf32>,
        %get3A_1995 = vector.shape_cast %get3A_1994 : vector<1x16xf32> to vector<16xf32>
        %mul3A_1996 = arith.mulf %get3A_1995, %get3A_1893 : vector<16xf32>
        %add3A_1997 = arith.addf %add3A_1973, %mul3A_1996 : vector<16xf32>
        %add3A_1998 = arith.addf %add3A_1979, %add3A_1985 : vector<16xf32>
        %add3A_1999 = arith.addf %add3A_1991, %add3A_1997 : vector<16xf32>
        %add3A_2000 = arith.addf %add3A_1998, %add3A_1999 : vector<16xf32>
        %mul3A_2001 = arith.constant 16 : i32
        %mul3A_2002 = arith.muli %scan3A_1905, %mul3A_2001 : i32
        %multiple_of3A = tpu.assume_multiple %mul3A_2002, 16 : i32
        %swap3A_2003 = arith.index_cast %add3A_1821 : i32 to index
        %swap3A_2004 = arith.index_cast %multiple_of3A : i32 to index
        %swap3A_2005 = tpu.vector_load %arg8[%swap3A_2003, %swap3A_2004] {strides = array<i32>} : memref<20x1024xf32, #tpu.memory_space<vmem>>, vector<1x16xf32>,
        %swap3A_2006 = vector.shape_cast %swap3A_2005 : vector<1x16xf32> to vector<16xf32>
        %swap3A_2007 = vector.shape_cast %add3A_2000 : vector<16xf32> to vector<1x16xf32>
        tpu.vector_store %arg8[%swap3A_2003, %swap3A_2004], %swap3A_2007 {strides = array<i32>} : memref<20x1024xf32, #tpu.memory_space<vmem>>, vector<1x16xf32>,
        %scan3A_2008 = arith.constant 1 : i32
        %scan3A_2009 = arith.addi %scan3A_1905, %scan3A_2008 : i32
        %get3A_2010 = arith.index_cast %scan3A_2009 : i32 to index
        %get3A_2011 = arith.constant 0 : index
        %get3A_2012 = tpu.vector_load %arg7[%get3A_2010, %get3A_2011] {strides = array<i32>} : memref<50x256xf32, #tpu.memory_space<vmem>>, vector<1x16xf32>,
        %get3A_2013 = vector.shape_cast %get3A_2012 : vector<1x16xf32> to vector<16xf32>
        %mul3A_2014 = arith.mulf %get3A_2013, %get3A_1833 : vector<16xf32>
        %get3A_2015 = arith.index_cast %scan3A_2009 : i32 to index
        %get3A_2016 = arith.constant 16 : index
        %get3A_2017 = tpu.vector_load %arg7[%get3A_2015, %get3A_2016] {strides = array<i32>} : memref<50x256xf32, #tpu.memory_space<vmem>>, vector<1x16xf32>,
        %get3A_2018 = vector.shape_cast %get3A_2017 : vector<1x16xf32> to vector<16xf32>
        %mul3A_2019 = arith.mulf %get3A_2018, %get3A_1837 : vector<16xf32>
        %get3A_2020 = arith.index_cast %scan3A_2009 : i32 to index
        %get3A_2021 = arith.constant 32 : index
        %get3A_2022 = tpu.vector_load %arg7[%get3A_2020, %get3A_2021] {strides = array<i32>} : memref<50x256xf32, #tpu.memory_space<vmem>>, vector<1x16xf32>,
        %get3A_2023 = vector.shape_cast %get3A_2022 : vector<1x16xf32> to vector<16xf32>
        %mul3A_2024 = arith.mulf %get3A_2023, %get3A_1841 : vector<16xf32>
        %get3A_2025 = arith.index_cast %scan3A_2009 : i32 to index
        %get3A_2026 = arith.constant 48 : index
        %get3A_2027 = tpu.vector_load %arg7[%get3A_2025, %get3A_2026] {strides = array<i32>} : memref<50x256xf32, #tpu.memory_space<vmem>>, vector<1x16xf32>,
        %get3A_2028 = vector.shape_cast %get3A_2027 : vector<1x16xf32> to vector<16xf32>
        %mul3A_2029 = arith.mulf %get3A_2028, %get3A_1845 : vector<16xf32>
        %get3A_2030 = arith.index_cast %scan3A_2009 : i32 to index
        %get3A_2031 = arith.constant 64 : index
        %get3A_2032 = tpu.vector_load %arg7[%get3A_2030, %get3A_2031] {strides = array<i32>} : memref<50x256xf32, #tpu.memory_space<vmem>>, vector<1x16xf32>,
        %get3A_2033 = vector.shape_cast %get3A_2032 : vector<1x16xf32> to vector<16xf32>
        %mul3A_2034 = arith.mulf %get3A_2033, %get3A_1849 : vector<16xf32>
        %add3A_2035 = arith.addf %mul3A_2014, %mul3A_2034 : vector<16xf32>
        %get3A_2036 = arith.index_cast %scan3A_2009 : i32 to index
        %get3A_2037 = arith.constant 80 : index
        %get3A_2038 = tpu.vector_load %arg7[%get3A_2036, %get3A_2037] {strides = array<i32>} : memref<50x256xf32, #tpu.memory_space<vmem>>, vector<1x16xf32>,
        %get3A_2039 = vector.shape_cast %get3A_2038 : vector<1x16xf32> to vector<16xf32>
        %mul3A_2040 = arith.mulf %get3A_2039, %get3A_1853 : vector<16xf32>
        %add3A_2041 = arith.addf %mul3A_2019, %mul3A_2040 : vector<16xf32>
        %get3A_2042 = arith.index_cast %scan3A_2009 : i32 to index
        %get3A_2043 = arith.constant 96 : index
        %get3A_2044 = tpu.vector_load %arg7[%get3A_2042, %get3A_2043] {strides = array<i32>} : memref<50x256xf32, #tpu.memory_space<vmem>>, vector<1x16xf32>,
        %get3A_2045 = vector.shape_cast %get3A_2044 : vector<1x16xf32> to vector<16xf32>
        %mul3A_2046 = arith.mulf %get3A_2045, %get3A_1857 : vector<16xf32>
        %add3A_2047 = arith.addf %mul3A_2024, %mul3A_2046 : vector<16xf32>
        %get3A_2048 = arith.index_cast %scan3A_2009 : i32 to index
        %get3A_2049 = arith.constant 112 : index
        %get3A_2050 = tpu.vector_load %arg7[%get3A_2048, %get3A_2049] {strides = array<i32>} : memref<50x256xf32, #tpu.memory_space<vmem>>, vector<1x16xf32>,
        %get3A_2051 = vector.shape_cast %get3A_2050 : vector<1x16xf32> to vector<16xf32>
        %mul3A_2052 = arith.mulf %get3A_2051, %get3A_1861 : vector<16xf32>
        %add3A_2053 = arith.addf %mul3A_2029, %mul3A_2052 : vector<16xf32>
        %get3A_2054 = arith.index_cast %scan3A_2009 : i32 to index
        %get3A_2055 = arith.constant 128 : index
        %get3A_2056 = tpu.vector_load %arg7[%get3A_2054, %get3A_2055] {strides = array<i32>} : memref<50x256xf32, #tpu.memory_space<vmem>>, vector<1x16xf32>,
        %get3A_2057 = vector.shape_cast %get3A_2056 : vector<1x16xf32> to vector<16xf32>
        %mul3A_2058 = arith.mulf %get3A_2057, %get3A_1865 : vector<16xf32>
        %add3A_2059 = arith.addf %add3A_2035, %mul3A_2058 : vector<16xf32>
        %get3A_2060 = arith.index_cast %scan3A_2009 : i32 to index
        %get3A_2061 = arith.constant 144 : index
        %get3A_2062 = tpu.vector_load %arg7[%get3A_2060, %get3A_2061] {strides = array<i32>} : memref<50x256xf32, #tpu.memory_space<vmem>>, vector<1x16xf32>,
        %get3A_2063 = vector.shape_cast %get3A_2062 : vector<1x16xf32> to vector<16xf32>
        %mul3A_2064 = arith.mulf %get3A_2063, %get3A_1869 : vector<16xf32>
        %add3A_2065 = arith.addf %add3A_2041, %mul3A_2064 : vector<16xf32>
        %get3A_2066 = arith.index_cast %scan3A_2009 : i32 to index
        %get3A_2067 = arith.constant 160 : index
        %get3A_2068 = tpu.vector_load %arg7[%get3A_2066, %get3A_2067] {strides = array<i32>} : memref<50x256xf32, #tpu.memory_space<vmem>>, vector<1x16xf32>,
        %get3A_2069 = vector.shape_cast %get3A_2068 : vector<1x16xf32> to vector<16xf32>
        %mul3A_2070 = arith.mulf %get3A_2069, %get3A_1873 : vector<16xf32>
        %add3A_2071 = arith.addf %add3A_2047, %mul3A_2070 : vector<16xf32>
        %get3A_2072 = arith.index_cast %scan3A_2009 : i32 to index
        %get3A_2073 = arith.constant 176 : index
        %get3A_2074 = tpu.vector_load %arg7[%get3A_2072, %get3A_2073] {strides = array<i32>} : memref<50x256xf32, #tpu.memory_space<vmem>>, vector<1x16xf32>,
        %get3A_2075 = vector.shape_cast %get3A_2074 : vector<1x16xf32> to vector<16xf32>
        %mul3A_2076 = arith.mulf %get3A_2075, %get3A_1877 : vector<16xf32>
        %add3A_2077 = arith.addf %add3A_2053, %mul3A_2076 : vector<16xf32>
        %get3A_2078 = arith.index_cast %scan3A_2009 : i32 to index
        %get3A_2079 = arith.constant 192 : index
        %get3A_2080 = tpu.vector_load %arg7[%get3A_2078, %get3A_2079] {strides = array<i32>} : memref<50x256xf32, #tpu.memory_space<vmem>>, vector<1x16xf32>,
        %get3A_2081 = vector.shape_cast %get3A_2080 : vector<1x16xf32> to vector<16xf32>
        %mul3A_2082 = arith.mulf %get3A_2081, %get3A_1881 : vector<16xf32>
        %add3A_2083 = arith.addf %add3A_2059, %mul3A_2082 : vector<16xf32>
        %get3A_2084 = arith.index_cast %scan3A_2009 : i32 to index
        %get3A_2085 = arith.constant 208 : index
        %get3A_2086 = tpu.vector_load %arg7[%get3A_2084, %get3A_2085] {strides = array<i32>} : memref<50x256xf32, #tpu.memory_space<vmem>>, vector<1x16xf32>,
        %get3A_2087 = vector.shape_cast %get3A_2086 : vector<1x16xf32> to vector<16xf32>
        %mul3A_2088 = arith.mulf %get3A_2087, %get3A_1885 : vector<16xf32>
        %add3A_2089 = arith.addf %add3A_2065, %mul3A_2088 : vector<16xf32>
        %get3A_2090 = arith.index_cast %scan3A_2009 : i32 to index
        %get3A_2091 = arith.constant 224 : index
        %get3A_2092 = tpu.vector_load %arg7[%get3A_2090, %get3A_2091] {strides = array<i32>} : memref<50x256xf32, #tpu.memory_space<vmem>>, vector<1x16xf32>,
        %get3A_2093 = vector.shape_cast %get3A_2092 : vector<1x16xf32> to vector<16xf32>
        %mul3A_2094 = arith.mulf %get3A_2093, %get3A_1889 : vector<16xf32>
        %add3A_2095 = arith.addf %add3A_2071, %mul3A_2094 : vector<16xf32>
        %get3A_2096 = arith.index_cast %scan3A_2009 : i32 to index
        %get3A_2097 = arith.constant 240 : index
        %get3A_2098 = tpu.vector_load %arg7[%get3A_2096, %get3A_2097] {strides = array<i32>} : memref<50x256xf32, #tpu.memory_space<vmem>>, vector<1x16xf32>,
        %get3A_2099 = vector.shape_cast %get3A_2098 : vector<1x16xf32> to vector<16xf32>
        %mul3A_2100 = arith.mulf %get3A_2099, %get3A_1893 : vector<16xf32>
        %add3A_2101 = arith.addf %add3A_2077, %mul3A_2100 : vector<16xf32>
        %add3A_2102 = arith.addf %add3A_2083, %add3A_2089 : vector<16xf32>
        %add3A_2103 = arith.addf %add3A_2095, %add3A_2101 : vector<16xf32>
        %add3A_2104 = arith.addf %add3A_2102, %add3A_2103 : vector<16xf32>
        %mul3A_2105 = arith.constant 16 : i32
        %mul3A_2106 = arith.muli %scan3A_2009, %mul3A_2105 : i32
        %multiple_of3A_2107 = tpu.assume_multiple %mul3A_2106, 16 : i32
        %swap3A_2108 = arith.index_cast %add3A_1821 : i32 to index
        %swap3A_2109 = arith.index_cast %multiple_of3A_2107 : i32 to index
        %swap3A_2110 = tpu.vector_load %arg8[%swap3A_2108, %swap3A_2109] {strides = array<i32>} : memref<20x1024xf32, #tpu.memory_space<vmem>>, vector<1x16xf32>,
        %swap3A_2111 = vector.shape_cast %swap3A_2110 : vector<1x16xf32> to vector<16xf32>
        %swap3A_2112 = vector.shape_cast %add3A_2104 : vector<16xf32> to vector<1x16xf32>
        tpu.vector_store %arg8[%swap3A_2108, %swap3A_2109], %swap3A_2112 {strides = array<i32>} : memref<20x1024xf32, #tpu.memory_space<vmem>>, vector<1x16xf32>,
      }
      %scan3A_1899 = arith.constant 50 : i32
      %lt3A_1900 = arith.constant 18 : i32
      %lt3A_1901 = arith.cmpi slt, %add3A_1821, %lt3A_1900 : i32
      %convert_element_type3A_1902 = arith.extui %lt3A_1901 : i1 to i32
      %cond3A_1903 = arith.constant 0 : i32
      %cond3A_1904 = arith.cmpi ne, %convert_element_type3A_1902, %cond3A_1903 : i32
      scf.if %cond3A_1904 {
        %add3A_1905 = arith.constant 2 : i32
        %add3A_1906 = arith.addi %add3A_1821, %add3A_1905 : i32
        %dma_start3A_1907 = arith.constant 0 : i32
        %dma_start3A_1908 = arith.constant 0 : i32
        %dma_start3A_1909 = tpu.memref_slice %arg2[%add3A_1710, %add3A_1906, %dma_start3A_1907, %dma_start3A_1908] : memref<64x20x50x256xf32, #tpu.memory_space<hbm>> -> memref<1x1x50x256xf32, #tpu.memory_space<hbm>>
        %dma_start3A_1910 = tpu.memref_squeeze %dma_start3A_1909 : memref<1x1x50x256xf32, #tpu.memory_space<hbm>> -> memref<50x256xf32, #tpu.memory_space<hbm>>
        %dma_start3A_1911 = arith.constant 0 : i32
        %dma_start3A_1912 = arith.constant 0 : i32
        %dma_start3A_1913 = tpu.memref_slice %arg2[%add3A_1710, %add3A_1906, %dma_start3A_1911, %dma_start3A_1912] : memref<64x20x50x256xf32, #tpu.memory_space<hbm>> -> memref<1x1x50x256xf32, #tpu.memory_space<hbm>>
        %dma_start3A_1914 = tpu.memref_squeeze %dma_start3A_1913 : memref<1x1x50x256xf32, #tpu.memory_space<hbm>> -> memref<50x256xf32, #tpu.memory_space<hbm>>
        tpu.enqueue_dma source(%dma_start3A_1914 : memref<50x256xf32, #tpu.memory_space<hbm>>) target(%arg7 : memref<50x256xf32, #tpu.memory_space<vmem>>) target_semaphore(%arg10 : memref<!tpu.dma_semaphore, #tpu.memory_space<semaphore_mem>>)
      } else {
      }
    }
    %scan3A_1734 = arith.constant 10 : i32
    "tpu.region"() ({
      %run_scoped3A = tpu.sem_alloc : memref<!tpu.dma_semaphore, #tpu.memory_space<semaphore_mem>>
      %dma_start3A_1735 = arith.constant 0 : i32
      %dma_start3A_1736 = arith.constant 0 : i32
      %dma_start3A_1737 = tpu.memref_slice %arg4[%add3A_1710, %dma_start3A_1735, %dma_start3A_1736] : memref<64x20x1024xf32, #tpu.memory_space<hbm>> -> memref<1x20x1024xf32, #tpu.memory_space<hbm>>
      %dma_start3A_1738 = tpu.memref_squeeze %dma_start3A_1737 : memref<1x20x1024xf32, #tpu.memory_space<hbm>> -> memref<20x1024xf32, #tpu.memory_space<hbm>>
      %dma_start3A_1739 = arith.constant 0 : i32
      %dma_start3A_1740 = arith.constant 0 : i32
      %dma_start3A_1741 = tpu.memref_slice %arg4[%add3A_1710, %dma_start3A_1739, %dma_start3A_1740] : memref<64x20x1024xf32, #tpu.memory_space<hbm>> -> memref<1x20x1024xf32, #tpu.memory_space<hbm>>
      %dma_start3A_1742 = tpu.memref_squeeze %dma_start3A_1741 : memref<1x20x1024xf32, #tpu.memory_space<hbm>> -> memref<20x1024xf32, #tpu.memory_space<hbm>>
      tpu.enqueue_dma source(%arg8 : memref<20x1024xf32, #tpu.memory_space<vmem>>) target(%dma_start3A_1742 : memref<20x1024xf32, #tpu.memory_space<hbm>>) target_semaphore(%run_scoped3A : memref<!tpu.dma_semaphore, #tpu.memory_space<semaphore_mem>>)
      %dma_wait3A = arith.constant 0 : i32
      %dma_wait3A_1743 = arith.constant 0 : i32
      %dma_wait3A_1744 = tpu.memref_slice %arg4[%add3A_1710, %dma_wait3A, %dma_wait3A_1743] : memref<64x20x1024xf32, #tpu.memory_space<hbm>> -> memref<1x20x1024xf32, #tpu.memory_space<hbm>>
      %dma_wait3A_1745 = tpu.memref_squeeze %dma_wait3A_1744 : memref<1x20x1024xf32, #tpu.memory_space<hbm>> -> memref<20x1024xf32, #tpu.memory_space<hbm>>
      %dma_wait3A_1746 = arith.constant 0 : i32
      %dma_wait3A_1747 = arith.constant 0 : i32
      %dma_wait3A_1748 = tpu.memref_slice %arg4[%add3A_1710, %dma_wait3A_1746, %dma_wait3A_1747] : memref<64x20x1024xf32, #tpu.memory_space<hbm>> -> memref<1x20x1024xf32, #tpu.memory_space<hbm>>
      %dma_wait3A_1749 = tpu.memref_squeeze %dma_wait3A_1748 : memref<1x20x1024xf32, #tpu.memory_space<hbm>> -> memref<20x1024xf32, #tpu.memory_space<hbm>>
      tpu.wait_dma2 semaphore(%run_scoped3A : memref<!tpu.dma_semaphore, #tpu.memory_space<semaphore_mem>>) src(%arg8 : memref<20x1024xf32, #tpu.memory_space<vmem>>) dst(%dma_wait3A_1749 : memref<20x1024xf32, #tpu.memory_space<hbm>>)
      tpu.yield
    }) : () -> ()
    return
  }
}

module attributes {stable_mosaic.version = 14 : i64} {
  func.func @_proj_kernel(%arg0: memref<64x2048xf32, #tpu.memory_space<vmem>>, %arg1: memref<64x20x256xf32, #tpu.memory_space<vmem>>, %arg2: memref<512x2048xf32, #tpu.memory_space<vmem>>, %arg3: memref<512x256xf32, #tpu.memory_space<vmem>>, %arg4: memref<512x256xf32, #tpu.memory_space<vmem>>, %arg5: memref<64x20x1xf32, #tpu.memory_space<vmem>>, %arg6: memref<64x20x256xf32, #tpu.memory_space<vmem>>) attributes {dimension_semantics = [], scalar_prefetch = 0 : i64, scratch_operands = 0 : i64, tpu.core_type = #tpu.core_type<tc>} {
    %get3A = arith.constant 0 : index
    %get3A_0 = arith.constant 0 : index
    %get3A_1 = vector.load %arg0[%get3A, %get3A_0] : memref<64x2048xf32, #tpu.memory_space<vmem>>, vector<64x2048xf32>
    %get3A_2 = arith.constant 0 : index
    %get3A_3 = arith.constant 0 : index
    %get3A_4 = vector.load %arg2[%get3A_2, %get3A_3] : memref<512x2048xf32, #tpu.memory_space<vmem>>, vector<512x2048xf32>
    %dot_general3A = arith.constant dense<0.000000e+00> : vector<64x512xf32>
    %dot_general3A_5 = tpu.matmul %get3A_1, %get3A_4, %dot_general3A {dimension_numbers = #tpu.dot_dimension_numbers<[1], [1], [0], [0], [0, 0, 1, 0], [], []>, transpose_lhs_hint = false} : vector<64x2048xf32>, vector<512x2048xf32>, vector<64x512xf32> -> vector<64x512xf32>
    %get3A_6 = arith.constant 0 : index
    %get3A_7 = arith.constant 0 : index
    %get3A_8 = arith.constant 0 : index
    %get3A_9 = vector.load %arg1[%get3A_6, %get3A_7, %get3A_8] : memref<64x20x256xf32, #tpu.memory_space<vmem>>, vector<64x20x256xf32>
    %reshape3A = vector.shape_cast %get3A_9 : vector<64x20x256xf32> to vector<1280x256xf32>
    %get3A_10 = arith.constant 0 : index
    %get3A_11 = arith.constant 0 : index
    %get3A_12 = vector.load %arg3[%get3A_10, %get3A_11] : memref<512x256xf32, #tpu.memory_space<vmem>>, vector<512x256xf32>
    %dot_general3A_13 = arith.constant dense<0.000000e+00> : vector<1280x512xf32>
    %dot_general3A_14 = tpu.matmul %reshape3A, %get3A_12, %dot_general3A_13 {dimension_numbers = #tpu.dot_dimension_numbers<[1], [1], [0], [0], [0, 0, 1, 0], [], []>, transpose_lhs_hint = false} : vector<1280x256xf32>, vector<512x256xf32>, vector<1280x512xf32> -> vector<1280x512xf32>
    %reshape3A_15 = vector.shape_cast %dot_general3A_14 : vector<1280x512xf32> to vector<64x20x512xf32>
    %broadcast_in_dim3A = vector.shape_cast %dot_general3A_5 : vector<64x512xf32> to vector<64x1x512xf32>
    %mul3A = vector.broadcast %broadcast_in_dim3A : vector<64x1x512xf32> to vector<64x20x512xf32>
    %mul3A_16 = arith.mulf %reshape3A_15, %mul3A : vector<64x20x512xf32>
    %reduce_sum3A = arith.constant dense<0.000000e+00> : vector<64x20xf32>
    %reduce_sum3A_17 = vector.multi_reduction <add>, %mul3A_16, %reduce_sum3A [2] : vector<64x20x512xf32> to vector<64x20xf32>
    %reduce_max3A = arith.constant dense<0xFF800000> : vector<64xf32>
    %reduce_max3A_18 = vector.multi_reduction <maximumf>, %reduce_sum3A_17, %reduce_max3A [1] : vector<64x20xf32> to vector<64xf32>
    %broadcast_in_dim3A_19 = vector.shape_cast %reduce_max3A_18 : vector<64xf32> to vector<64x1xf32>
    %sub3A = vector.broadcast %broadcast_in_dim3A_19 : vector<64x1xf32> to vector<64x20xf32>
    %sub3A_20 = arith.subf %reduce_sum3A_17, %sub3A : vector<64x20xf32>
    %exp3A = math.exp %sub3A_20 : vector<64x20xf32>
    %reduce_sum3A_21 = arith.constant dense<0.000000e+00> : vector<64xf32>
    %reduce_sum3A_22 = vector.multi_reduction <add>, %exp3A, %reduce_sum3A_21 [1] : vector<64x20xf32> to vector<64xf32>
    %broadcast_in_dim3A_23 = vector.shape_cast %reduce_sum3A_22 : vector<64xf32> to vector<64x1xf32>
    %div3A = vector.broadcast %broadcast_in_dim3A_23 : vector<64x1xf32> to vector<64x20xf32>
    %div3A_24 = arith.divf %exp3A, %div3A : vector<64x20xf32>
    %broadcast_in_dim3A_25 = vector.shape_cast %div3A_24 : vector<64x20xf32> to vector<64x20x1xf32>
    %swap3A = arith.constant 0 : index
    %swap3A_26 = arith.constant 0 : index
    %swap3A_27 = arith.constant 0 : index
    %swap3A_28 = vector.load %arg5[%swap3A, %swap3A_26, %swap3A_27] : memref<64x20x1xf32, #tpu.memory_space<vmem>>, vector<64x20x1xf32>
    tpu.vector_store %arg5[%swap3A, %swap3A_26, %swap3A_27], %broadcast_in_dim3A_25 {strides = array<i32>} : memref<64x20x1xf32, #tpu.memory_space<vmem>>, vector<64x20x1xf32>,
    %get3A_29 = arith.constant 0 : index
    %get3A_30 = arith.constant 0 : index
    %get3A_31 = vector.load %arg4[%get3A_29, %get3A_30] : memref<512x256xf32, #tpu.memory_space<vmem>>, vector<512x256xf32>
    %dot_general3A_32 = arith.constant dense<0.000000e+00> : vector<1280x256xf32>
    %dot_general3A_33 = tpu.matmul %dot_general3A_14, %get3A_31, %dot_general3A_32 {dimension_numbers = #tpu.dot_dimension_numbers<[1], [0], [0], [1], [0, 0, 1, 1], [], []>, transpose_lhs_hint = false} : vector<1280x512xf32>, vector<512x256xf32>, vector<1280x256xf32> -> vector<1280x256xf32>
    %reshape3A_34 = vector.shape_cast %dot_general3A_33 : vector<1280x256xf32> to vector<64x20x256xf32>
    %swap3A_35 = arith.constant 0 : index
    %swap3A_36 = arith.constant 0 : index
    %swap3A_37 = arith.constant 0 : index
    %swap3A_38 = vector.load %arg6[%swap3A_35, %swap3A_36, %swap3A_37] : memref<64x20x256xf32, #tpu.memory_space<vmem>>, vector<64x20x256xf32>
    tpu.vector_store %arg6[%swap3A_35, %swap3A_36, %swap3A_37], %reshape3A_34 {strides = array<i32>} : memref<64x20x256xf32, #tpu.memory_space<vmem>>, vector<64x20x256xf32>,
    return
  }
}

module attributes {stable_mosaic.version = 14 : i64} {
  func.func @_combine_kernel(%arg0: i32, %arg1: memref<8x20x1024xf32, #tpu.memory_space<vmem>>, %arg2: memref<8x20x1xf32, #tpu.memory_space<vmem>>, %arg3: memref<8x80x512xf32, #tpu.memory_space<vmem>>, %arg4: memref<8x20x50xi32, #tpu.memory_space<vmem>>, %arg5: memref<8x1x20xi32, #tpu.memory_space<vmem>>, %arg6: memref<8x20x50xi32, #tpu.memory_space<vmem>>, %arg7: memref<8x20x50xf32, #tpu.memory_space<vmem>>, %arg8: memref<8x80x512xf32, #tpu.memory_space<vmem>>, %arg9: memref<8x1x8xi32, #tpu.memory_space<vmem>>) attributes {dimension_semantics = [#tpu.dimension_semantics<arbitrary>], iteration_bounds = array<i64: 8>, scalar_prefetch = 0 : i64, scratch_operands = 0 : i64, tpu.core_type = #tpu.core_type<tc>, window_params = [{transform_indices = @transform_0, window_bounds = array<i64: 8, 20, 1024>}, {transform_indices = @transform_1, window_bounds = array<i64: 8, 20, 1>}, {transform_indices = @transform_2, window_bounds = array<i64: 8, 80, 512>}, {transform_indices = @transform_3, window_bounds = array<i64: 8, 20, 50>}, {transform_indices = @transform_4, window_bounds = array<i64: 8, 1, 20>}, {transform_indices = @transform_5, window_bounds = array<i64: 8, 20, 50>}, {transform_indices = @transform_6, window_bounds = array<i64: 8, 20, 50>}, {transform_indices = @transform_7, window_bounds = array<i64: 8, 80, 512>}, {transform_indices = @transform_8, window_bounds = array<i64: 8, 1, 8>}]} {
    %get3A = arith.constant 0 : index
    %get3A_0 = arith.constant 0 : index
    %get3A_1 = arith.constant 0 : index
    %get3A_2 = vector.load %arg1[%get3A, %get3A_0, %get3A_1] : memref<8x20x1024xf32, #tpu.memory_space<vmem>>, vector<8x20x1024xf32>
    %reshape3A = vector.shape_cast %get3A_2 : vector<8x20x1024xf32> to vector<160x1024xf32>
    %iota3A = tpu.iota {dimensions = array<i32: 0>} : vector<1024x50xi32>
    %jit3A = arith.constant 16 : i32
    %div3A = vector.broadcast %jit3A : i32 to vector<1024x50xi32>
    %div3A_3 = arith.divsi %iota3A, %div3A : vector<1024x50xi32>
    %sign3A = arith.constant 0 : i32
    %sign3A_4 = vector.broadcast %sign3A : i32 to vector<1024x50xi32>
    %sign3A_5 = arith.cmpi sgt, %iota3A, %sign3A_4 : vector<1024x50xi32>
    %sign3A_6 = arith.extui %sign3A_5 : vector<1024x50xi1> to vector<1024x50xi32>
    %sign3A_7 = arith.constant 0 : i32
    %sign3A_8 = vector.broadcast %sign3A_7 : i32 to vector<1024x50xi32>
    %sign3A_9 = arith.cmpi slt, %iota3A, %sign3A_8 : vector<1024x50xi32>
    %sign3A_10 = arith.extui %sign3A_9 : vector<1024x50xi1> to vector<1024x50xi32>
    %sign3A_11 = arith.subi %sign3A_6, %sign3A_10 : vector<1024x50xi32>
    %sign3A_12 = arith.constant 0 : i32
    %sign3A_13 = arith.cmpi sgt, %jit3A, %sign3A_12 : i32
    %sign3A_14 = arith.extui %sign3A_13 : i1 to i32
    %sign3A_15 = arith.constant 0 : i32
    %sign3A_16 = arith.cmpi slt, %jit3A, %sign3A_15 : i32
    %sign3A_17 = arith.extui %sign3A_16 : i1 to i32
    %sign3A_18 = arith.subi %sign3A_14, %sign3A_17 : i32
    %ne3A = vector.broadcast %sign3A_18 : i32 to vector<1024x50xi32>
    %ne3A_19 = arith.cmpi ne, %sign3A_11, %ne3A : vector<1024x50xi32>
    %rem3A = vector.broadcast %jit3A : i32 to vector<1024x50xi32>
    %rem3A_20 = arith.remsi %iota3A, %rem3A : vector<1024x50xi32>
    %ne3A_21 = arith.constant 0 : i32
    %ne3A_22 = vector.broadcast %ne3A_21 : i32 to vector<1024x50xi32>
    %ne3A_23 = arith.cmpi ne, %rem3A_20, %ne3A_22 : vector<1024x50xi32>
    %and3A = arith.andi %ne3A_19, %ne3A_23 : vector<1024x50xi1>
    %sub3A = arith.constant 1 : i32
    %sub3A_24 = vector.broadcast %sub3A : i32 to vector<1024x50xi32>
    %sub3A_25 = arith.subi %div3A_3, %sub3A_24 : vector<1024x50xi32>
    %select_n3A = arith.select %and3A, %sub3A_25, %div3A_3 : vector<1024x50xi1>, vector<1024x50xi32>
    %iota3A_26 = tpu.iota {dimensions = array<i32: 1>} : vector<1024x50xi32>
    %eq3A = arith.cmpi eq, %select_n3A, %iota3A_26 : vector<1024x50xi32>
    %convert_element_type3A = arith.extui %eq3A : vector<1024x50xi1> to vector<1024x50xi32>
    %convert_element_type3A_27 = arith.sitofp %convert_element_type3A : vector<1024x50xi32> to vector<1024x50xf32>
    %dot_general3A = arith.constant dense<0.000000e+00> : vector<160x50xf32>
    %dot_general3A_28 = tpu.matmul %reshape3A, %convert_element_type3A_27, %dot_general3A {dimension_numbers = #tpu.dot_dimension_numbers<[1], [0], [0], [1], [0, 0, 1, 1], [], []>, transpose_lhs_hint = false} : vector<160x1024xf32>, vector<1024x50xf32>, vector<160x50xf32> -> vector<160x50xf32>
    %reshape3A_29 = vector.shape_cast %dot_general3A_28 : vector<160x50xf32> to vector<8x20x50xf32>
    %reduce_max3A = arith.constant dense<0xFF800000> : vector<8x20xf32>
    %reduce_max3A_30 = vector.multi_reduction <maximumf>, %reshape3A_29, %reduce_max3A [2] : vector<8x20x50xf32> to vector<8x20xf32>
    %broadcast_in_dim3A = vector.shape_cast %reduce_max3A_30 : vector<8x20xf32> to vector<8x20x1xf32>
    %sub3A_31 = vector.broadcast %broadcast_in_dim3A : vector<8x20x1xf32> to vector<8x20x50xf32>
    %sub3A_32 = arith.subf %reshape3A_29, %sub3A_31 : vector<8x20x50xf32>
    %exp3A = math.exp %sub3A_32 : vector<8x20x50xf32>
    %reduce_sum3A = arith.constant dense<0.000000e+00> : vector<8x20xf32>
    %reduce_sum3A_33 = vector.multi_reduction <add>, %exp3A, %reduce_sum3A [2] : vector<8x20x50xf32> to vector<8x20xf32>
    %broadcast_in_dim3A_34 = vector.shape_cast %reduce_sum3A_33 : vector<8x20xf32> to vector<8x20x1xf32>
    %div3A_35 = vector.broadcast %broadcast_in_dim3A_34 : vector<8x20x1xf32> to vector<8x20x50xf32>
    %div3A_36 = arith.divf %exp3A, %div3A_35 : vector<8x20x50xf32>
    %get3A_37 = arith.constant 0 : index
    %get3A_38 = arith.constant 0 : index
    %get3A_39 = arith.constant 0 : index
    %get3A_40 = vector.load %arg2[%get3A_37, %get3A_38, %get3A_39] : memref<8x20x1xf32, #tpu.memory_space<vmem>>, vector<8x20x1xf32>
    %mul3A = vector.broadcast %get3A_40 : vector<8x20x1xf32> to vector<8x20x50xf32>
    %mul3A_41 = arith.mulf %mul3A, %div3A_36 : vector<8x20x50xf32>
    %get3A_42 = arith.constant 0 : index
    %get3A_43 = arith.constant 0 : index
    %get3A_44 = arith.constant 0 : index
    %get3A_45 = vector.load %arg4[%get3A_42, %get3A_43, %get3A_44] : memref<8x20x50xi32, #tpu.memory_space<vmem>>, vector<8x20x50xi32>
    %ne3A_46 = arith.constant 0 : i32
    %ne3A_47 = vector.broadcast %ne3A_46 : i32 to vector<8x20x50xi32>
    %ne3A_48 = arith.cmpi ne, %get3A_45, %ne3A_47 : vector<8x20x50xi32>
    %jit3A_49 = arith.constant 0xFF800000 : f32
    %broadcast_in_dim3A_50 = vector.broadcast %jit3A_49 : f32 to vector<8x20x50xf32>
    %select_n3A_51 = arith.select %ne3A_48, %broadcast_in_dim3A_50, %mul3A_41 : vector<8x20x50xi1>, vector<8x20x50xf32>
    %iota3A_52 = tpu.iota {dimensions = array<i32: 1>} : vector<8x20x50xi32>
    %iota3A_53 = tpu.iota {dimensions = array<i32: 2>} : vector<8x20x50xi32>
    %mul3A_54 = arith.constant 50 : i32
    %mul3A_55 = vector.broadcast %mul3A_54 : i32 to vector<8x20x50xi32>
    %mul3A_56 = arith.muli %iota3A_52, %mul3A_55 : vector<8x20x50xi32>
    %add3A = arith.addi %mul3A_56, %iota3A_53 : vector<8x20x50xi32>
    %reduce_max3A_57 = arith.constant dense<0xFF800000> : vector<8xf32>
    %reduce_max3A_58 = vector.multi_reduction <maximumf>, %select_n3A_51, %reduce_max3A_57 [1, 2] : vector<8x20x50xf32> to vector<8xf32>
    %broadcast_in_dim3A_59 = vector.shape_cast %reduce_max3A_58 : vector<8xf32> to vector<8x1x1xf32>
    %eq3A_60 = vector.broadcast %broadcast_in_dim3A_59 : vector<8x1x1xf32> to vector<8x20x50xf32>
    %eq3A_61 = arith.cmpf oeq, %select_n3A_51, %eq3A_60 : vector<8x20x50xf32>
    %jit3A_62 = arith.constant 1000 : i32
    %broadcast_in_dim3A_63 = vector.broadcast %jit3A_62 : i32 to vector<8x20x50xi32>
    %select_n3A_64 = arith.select %eq3A_61, %add3A, %broadcast_in_dim3A_63 : vector<8x20x50xi1>, vector<8x20x50xi32>
    %reduce_min3A = arith.constant dense<2147483647> : vector<8xi32>
    %reduce_min3A_65 = vector.multi_reduction <minsi>, %select_n3A_64, %reduce_min3A [1, 2] : vector<8x20x50xi32> to vector<8xi32>
    %broadcast_in_dim3A_66 = vector.shape_cast %reduce_min3A_65 : vector<8xi32> to vector<8x1x1xi32>
    %jit3A_67 = arith.constant 50 : i32
    %div3A_68 = vector.broadcast %jit3A_67 : i32 to vector<8x1x1xi32>
    %div3A_69 = arith.divsi %broadcast_in_dim3A_66, %div3A_68 : vector<8x1x1xi32>
    %sign3A_70 = arith.constant 0 : i32
    %sign3A_71 = vector.broadcast %sign3A_70 : i32 to vector<8x1x1xi32>
    %sign3A_72 = arith.cmpi sgt, %broadcast_in_dim3A_66, %sign3A_71 : vector<8x1x1xi32>
    %sign3A_73 = arith.extui %sign3A_72 : vector<8x1x1xi1> to vector<8x1x1xi32>
    %sign3A_74 = arith.constant 0 : i32
    %sign3A_75 = vector.broadcast %sign3A_74 : i32 to vector<8x1x1xi32>
    %sign3A_76 = arith.cmpi slt, %broadcast_in_dim3A_66, %sign3A_75 : vector<8x1x1xi32>
    %sign3A_77 = arith.extui %sign3A_76 : vector<8x1x1xi1> to vector<8x1x1xi32>
    %sign3A_78 = arith.subi %sign3A_73, %sign3A_77 : vector<8x1x1xi32>
    %sign3A_79 = arith.constant 0 : i32
    %sign3A_80 = arith.cmpi sgt, %jit3A_67, %sign3A_79 : i32
    %sign3A_81 = arith.extui %sign3A_80 : i1 to i32
    %sign3A_82 = arith.constant 0 : i32
    %sign3A_83 = arith.cmpi slt, %jit3A_67, %sign3A_82 : i32
    %sign3A_84 = arith.extui %sign3A_83 : i1 to i32
    %sign3A_85 = arith.subi %sign3A_81, %sign3A_84 : i32
    %ne3A_86 = vector.broadcast %sign3A_85 : i32 to vector<8x1x1xi32>
    %ne3A_87 = arith.cmpi ne, %sign3A_78, %ne3A_86 : vector<8x1x1xi32>
    %rem3A_88 = vector.broadcast %jit3A_67 : i32 to vector<8x1x1xi32>
    %rem3A_89 = arith.remsi %broadcast_in_dim3A_66, %rem3A_88 : vector<8x1x1xi32>
    %ne3A_90 = arith.constant 0 : i32
    %ne3A_91 = vector.broadcast %ne3A_90 : i32 to vector<8x1x1xi32>
    %ne3A_92 = arith.cmpi ne, %rem3A_89, %ne3A_91 : vector<8x1x1xi32>
    %and3A_93 = arith.andi %ne3A_87, %ne3A_92 : vector<8x1x1xi1>
    %sub3A_94 = arith.constant 1 : i32
    %sub3A_95 = vector.broadcast %sub3A_94 : i32 to vector<8x1x1xi32>
    %sub3A_96 = arith.subi %div3A_69, %sub3A_95 : vector<8x1x1xi32>
    %select_n3A_97 = arith.select %and3A_93, %sub3A_96, %div3A_69 : vector<8x1x1xi1>, vector<8x1x1xi32>
    %mul3A_98 = arith.constant 50 : i32
    %mul3A_99 = vector.broadcast %mul3A_98 : i32 to vector<8x1x1xi32>
    %mul3A_100 = arith.muli %select_n3A_97, %mul3A_99 : vector<8x1x1xi32>
    %sub3A_101 = arith.subi %broadcast_in_dim3A_66, %mul3A_100 : vector<8x1x1xi32>
    %iota3A_102 = tpu.iota {dimensions = array<i32: 2>} : vector<8x1x20xi32>
    %eq3A_103 = vector.broadcast %select_n3A_97 : vector<8x1x1xi32> to vector<8x1x20xi32>
    %eq3A_104 = arith.cmpi eq, %iota3A_102, %eq3A_103 : vector<8x1x20xi32>
    %get3A_105 = arith.constant 0 : index
    %get3A_106 = arith.constant 0 : index
    %get3A_107 = arith.constant 0 : index
    %get3A_108 = vector.load %arg5[%get3A_105, %get3A_106, %get3A_107] : memref<8x1x20xi32, #tpu.memory_space<vmem>>, vector<8x1x20xi32>
    %jit3A_109 = arith.constant 0 : i32
    %broadcast_in_dim3A_110 = vector.broadcast %jit3A_109 : i32 to vector<8x1x20xi32>
    %select_n3A_111 = arith.select %eq3A_104, %get3A_108, %broadcast_in_dim3A_110 : vector<8x1x20xi1>, vector<8x1x20xi32>
    %reduce_sum3A_112 = arith.constant dense<0> : vector<8xi32>
    %reduce_sum3A_113 = vector.multi_reduction <add>, %select_n3A_111, %reduce_sum3A_112 [1, 2] : vector<8x1x20xi32> to vector<8xi32>
    %broadcast_in_dim3A_114 = vector.shape_cast %reduce_sum3A_113 : vector<8xi32> to vector<8x1x1xi32>
    %eq3A_115 = vector.broadcast %select_n3A_97 : vector<8x1x1xi32> to vector<8x20x50xi32>
    %eq3A_116 = arith.cmpi eq, %iota3A_52, %eq3A_115 : vector<8x20x50xi32>
    %eq3A_117 = vector.broadcast %sub3A_101 : vector<8x1x1xi32> to vector<8x20x50xi32>
    %eq3A_118 = arith.cmpi eq, %iota3A_53, %eq3A_117 : vector<8x20x50xi32>
    %and3A_119 = arith.andi %eq3A_116, %eq3A_118 : vector<8x20x50xi1>
    %get3A_120 = arith.constant 0 : index
    %get3A_121 = arith.constant 0 : index
    %get3A_122 = arith.constant 0 : index
    %get3A_123 = vector.load %arg6[%get3A_120, %get3A_121, %get3A_122] : memref<8x20x50xi32, #tpu.memory_space<vmem>>, vector<8x20x50xi32>
    %jit3A_124 = arith.constant 0 : i32
    %broadcast_in_dim3A_125 = vector.broadcast %jit3A_124 : i32 to vector<8x20x50xi32>
    %select_n3A_126 = arith.select %and3A_119, %get3A_123, %broadcast_in_dim3A_125 : vector<8x20x50xi1>, vector<8x20x50xi32>
    %reduce_sum3A_127 = arith.constant dense<0> : vector<8xi32>
    %reduce_sum3A_128 = vector.multi_reduction <add>, %select_n3A_126, %reduce_sum3A_127 [1, 2] : vector<8x20x50xi32> to vector<8xi32>
    %broadcast_in_dim3A_129 = vector.shape_cast %reduce_sum3A_128 : vector<8xi32> to vector<8x1x1xi32>
    %lt3A = arith.constant 79 : i32
    %lt3A_130 = vector.broadcast %lt3A : i32 to vector<8x1x1xi32>
    %lt3A_131 = arith.cmpi slt, %broadcast_in_dim3A_114, %lt3A_130 : vector<8x1x1xi32>
    %lt3A_132 = arith.constant 79 : i32
    %lt3A_133 = vector.broadcast %lt3A_132 : i32 to vector<8x1x1xi32>
    %lt3A_134 = arith.cmpi slt, %broadcast_in_dim3A_129, %lt3A_133 : vector<8x1x1xi32>
    %and3A_135 = arith.andi %lt3A_131, %lt3A_134 : vector<8x1x1xi1>
    %get3A_136 = arith.constant 0 : index
    %get3A_137 = arith.constant 0 : index
    %get3A_138 = arith.constant 0 : index
    %get3A_139 = vector.load %arg3[%get3A_136, %get3A_137, %get3A_138] : memref<8x80x512xf32, #tpu.memory_space<vmem>>, vector<8x80x512xf32>
    %iota3A_140 = tpu.iota {dimensions = array<i32: 1>} : vector<8x80x1xi32>
    %eq3A_141 = vector.broadcast %broadcast_in_dim3A_129 : vector<8x1x1xi32> to vector<8x80x1xi32>
    %eq3A_142 = arith.cmpi eq, %iota3A_140, %eq3A_141 : vector<8x80x1xi32>
    %jit3A_143 = arith.constant 0.000000e+00 : f32
    %broadcast_in_dim3A_144 = vector.shape_cast %eq3A_142 : vector<8x80x1xi1> to vector<8x80x1xi1>
    %broadcast_in_dim3A_145 = vector.broadcast %broadcast_in_dim3A_144 : vector<8x80x1xi1> to vector<8x80x512xi1>
    %broadcast_in_dim3A_146 = vector.broadcast %jit3A_143 : f32 to vector<8x80x512xf32>
    %select_n3A_147 = arith.select %broadcast_in_dim3A_145, %get3A_139, %broadcast_in_dim3A_146 : vector<8x80x512xi1>, vector<8x80x512xf32>
    %reduce_sum3A_148 = arith.constant dense<0.000000e+00> : vector<8x512xf32>
    %reduce_sum3A_149 = vector.multi_reduction <add>, %select_n3A_147, %reduce_sum3A_148 [1] : vector<8x80x512xf32> to vector<8x512xf32>
    %broadcast_in_dim3A_150 = vector.shape_cast %reduce_sum3A_149 : vector<8x512xf32> to vector<8x1x512xf32>
    %eq3A_151 = vector.broadcast %broadcast_in_dim3A_114 : vector<8x1x1xi32> to vector<8x80x1xi32>
    %eq3A_152 = arith.cmpi eq, %iota3A_140, %eq3A_151 : vector<8x80x1xi32>
    %and3A_153 = vector.broadcast %and3A_135 : vector<8x1x1xi1> to vector<8x80x1xi1>
    %and3A_154 = arith.andi %eq3A_152, %and3A_153 : vector<8x80x1xi1>
    %broadcast_in_dim3A_155 = vector.shape_cast %and3A_154 : vector<8x80x1xi1> to vector<8x80x1xi1>
    %broadcast_in_dim3A_156 = vector.broadcast %broadcast_in_dim3A_155 : vector<8x80x1xi1> to vector<8x80x512xi1>
    %broadcast_in_dim3A_157 = vector.shape_cast %broadcast_in_dim3A_150 : vector<8x1x512xf32> to vector<8x1x512xf32>
    %broadcast_in_dim3A_158 = vector.broadcast %broadcast_in_dim3A_157 : vector<8x1x512xf32> to vector<8x80x512xf32>
    %select_n3A_159 = arith.select %broadcast_in_dim3A_156, %broadcast_in_dim3A_158, %get3A_139 : vector<8x80x512xi1>, vector<8x80x512xf32>
    %swap3A = arith.constant 0 : index
    %swap3A_160 = arith.constant 0 : index
    %swap3A_161 = arith.constant 0 : index
    %swap3A_162 = vector.load %arg8[%swap3A, %swap3A_160, %swap3A_161] : memref<8x80x512xf32, #tpu.memory_space<vmem>>, vector<8x80x512xf32>
    tpu.vector_store %arg8[%swap3A, %swap3A_160, %swap3A_161], %select_n3A_159 {strides = array<i32>} : memref<8x80x512xf32, #tpu.memory_space<vmem>>, vector<8x80x512xf32>,
    %swap3A_163 = arith.constant 0 : index
    %swap3A_164 = arith.constant 0 : index
    %swap3A_165 = arith.constant 0 : index
    %swap3A_166 = vector.load %arg7[%swap3A_163, %swap3A_164, %swap3A_165] : memref<8x20x50xf32, #tpu.memory_space<vmem>>, vector<8x20x50xf32>
    tpu.vector_store %arg7[%swap3A_163, %swap3A_164, %swap3A_165], %select_n3A_51 {strides = array<i32>} : memref<8x20x50xf32, #tpu.memory_space<vmem>>, vector<8x20x50xf32>,
    %broadcast_in_dim3A_167 = vector.shape_cast %select_n3A_97 : vector<8x1x1xi32> to vector<8x1x1xi32>
    %broadcast_in_dim3A_168 = vector.broadcast %broadcast_in_dim3A_167 : vector<8x1x1xi32> to vector<8x1x8xi32>
    %swap3A_169 = arith.constant 0 : index
    %swap3A_170 = arith.constant 0 : index
    %swap3A_171 = arith.constant 0 : index
    %swap3A_172 = vector.load %arg9[%swap3A_169, %swap3A_170, %swap3A_171] : memref<8x1x8xi32, #tpu.memory_space<vmem>>, vector<8x1x8xi32>
    tpu.vector_store %arg9[%swap3A_169, %swap3A_170, %swap3A_171], %broadcast_in_dim3A_168 {strides = array<i32>} : memref<8x1x8xi32, #tpu.memory_space<vmem>>, vector<8x1x8xi32>,
    return
  }
  func.func @transform_0(%arg0: i32) -> (i32, i32, i32) {
    %c0_i32 = arith.constant 0 : i32
    %c0_i32_0 = arith.constant 0 : i32
    %c0_i32_1 = arith.constant 0 : i32
    return %arg0, %c0_i32, %c0_i32_0 : i32, i32, i32
  }
  func.func @transform_1(%arg0: i32) -> (i32, i32, i32) {
    %c0_i32 = arith.constant 0 : i32
    %c0_i32_0 = arith.constant 0 : i32
    %c0_i32_1 = arith.constant 0 : i32
    return %arg0, %c0_i32, %c0_i32_0 : i32, i32, i32
  }
  func.func @transform_2(%arg0: i32) -> (i32, i32, i32) {
    %c0_i32 = arith.constant 0 : i32
    %c0_i32_0 = arith.constant 0 : i32
    %c0_i32_1 = arith.constant 0 : i32
    return %arg0, %c0_i32, %c0_i32_0 : i32, i32, i32
  }
  func.func @transform_3(%arg0: i32) -> (i32, i32, i32) {
    %c0_i32 = arith.constant 0 : i32
    %c0_i32_0 = arith.constant 0 : i32
    %c0_i32_1 = arith.constant 0 : i32
    return %arg0, %c0_i32, %c0_i32_0 : i32, i32, i32
  }
  func.func @transform_4(%arg0: i32) -> (i32, i32, i32) {
    %c0_i32 = arith.constant 0 : i32
    %c0_i32_0 = arith.constant 0 : i32
    %c0_i32_1 = arith.constant 0 : i32
    return %arg0, %c0_i32, %c0_i32_0 : i32, i32, i32
  }
  func.func @transform_5(%arg0: i32) -> (i32, i32, i32) {
    %c0_i32 = arith.constant 0 : i32
    %c0_i32_0 = arith.constant 0 : i32
    %c0_i32_1 = arith.constant 0 : i32
    return %arg0, %c0_i32, %c0_i32_0 : i32, i32, i32
  }
  func.func @transform_6(%arg0: i32) -> (i32, i32, i32) {
    %c0_i32 = arith.constant 0 : i32
    %c0_i32_0 = arith.constant 0 : i32
    %c0_i32_1 = arith.constant 0 : i32
    return %arg0, %c0_i32, %c0_i32_0 : i32, i32, i32
  }
  func.func @transform_7(%arg0: i32) -> (i32, i32, i32) {
    %c0_i32 = arith.constant 0 : i32
    %c0_i32_0 = arith.constant 0 : i32
    %c0_i32_1 = arith.constant 0 : i32
    return %arg0, %c0_i32, %c0_i32_0 : i32, i32, i32
  }
  func.func @transform_8(%arg0: i32) -> (i32, i32, i32) {
    %c0_i32 = arith.constant 0 : i32
    %c0_i32_0 = arith.constant 0 : i32
    %c0_i32_1 = arith.constant 0 : i32
    return %arg0, %c0_i32, %c0_i32_0 : i32, i32, i32
  }
}

</mosaic_0001>

<sc_bundles>
// kernel: kernel.5.cloned.1.call-start
scs
__scs_entry_jumppad:
0x0: {  	(pc) =	sbr.rel $0x88, $3  }
0x1: {  	(tag) =	ssettag $0x0;
	lr =	simm.s32 $0x1  }
0x2: {  	[smem:$0x3F97] =	sst lr;
	_ =	strace $0xD0000000  }
0x3: {  	_ = 	snop  }
0x4: {  	_ = 	snop  }
0x5: {  	_ = 	snop  }
0x6: {  	_ = 	snop  }
0x7: {  	_ = 	snop  }
__scs_overlays_trampoline_lowered:
0x8: {  	[smem:$0x3FA6] =	sst s0  }
0x9: {  	[smem:$0x3FA7] =	sst s1  }
0xa: {  	[smem:$0x3FA8] =	sst s2  }
0xb: {  	[smem:$0x3FA9] =	sst s3  }
0xc: {  	[smem:$0x3FAA] =	sst s4  }
0xd: {  	[smem:$0x3FAB] =	sst s5  }
0xe: {  	[smem:$0x3FAC] =	sst s6  }
0xf: {  	[smem:$0x3FAD] =	sst s7  }
0x10: {  	[smem:$0x3FAE] =	sst s8  }
0x11: {  	[smem:$0x3FAF] =	sst s9;
	s0 =	simm.s32 @!p0 $0x0  }
0x12: {  	s1 =	sld [smem:$0x3F95];
	s0 =	simm.s32 @p0 $0x1  }
0x13: {  	[smem:$0x3FB0] =	sst s0;
	s0 =	simm.s32 @!p1 $0x0  }
0x14: {  	s2 =	sld [smem:$0x3F94];
	s0 =	simm.s32 @p1 $0x1  }
0x15: {  	[smem:$0x3FB1] =	sst s0;
	s0 =	simm.s32 @!p2 $0x0  }
0x16: {  	s3 =	sld [smem:$0x3FDB];
	s0 =	simm.s32 @p2 $0x1  }
0x17: {  	s4 =	simm.s32 $0x1BF5;
	[smem:$0x3FB3] =	sst s0  }
0x18: {  	s0 =	sld [smem:$0x3F96];
	_ =	swait.ge [sflag:s4], $0x0  }
0x19: {  	s7 =	sld [smem:$0x3F97]  }
0x1a: {  	s8 =	sadd.s32 $0xFFFFE003, lr  }
0x1b: {  	s9 =	sadd.s32 $0xFFFFFEF7, lr;
	s5 =	simm.s32 $0xFFFFFFFF;
	p2 =	slt.u32 s8, $0xFFFFF086  }
0x1c: {  	p1 =	slt.u32 s9, $0xF7A;
	s5 =	simm.s32 @!p2 $0x0  }
0x1d: {  	s5 =	simm.s32 @p1 $0x1;
	p0 =	seq.s32 s7, s2  }
0x1e: {  	s7 =	smul.u32 @!p0 $0xF7A, s2;
	p2 =	seq.s32 @!p0 s5, $0x0  }
0x1f: {  	s9 =	smul.u32 $0xF7A, s1;
	s8 =	simm.s32 @!p0 $0x1BF5;
	p2 =	por !p2, p0  }
0x20: {  	[sflag:s8] =	ssyncset.s32 @!p0 $0xFFFFF086;
	s6 =	sadd.s32 @!p0 s3, s7;
	s7 =	simm.s32 @!p0 $0x108  }
0x21: {  	s3 =	sadd.s32 s3, s9;
	s6 =	sadd.s32 @!p0 $0x88, s6;
	s7 =	simm.s32 @p2 $0x1082  }
0x22: {  	[simem:s7], [sflag:s8] =	dma.local @!p0 [hbm:s6], $0xF7A  }
0x23: {  	s9 =	sor.u32 $0xD0000000, s2;
	s6 =	simm.s32 $0x108;
	_ =	swait.ge @!p0 [sflag:s8], $0x0  }
0x24: {  	s3 =	sadd.s32 $0x88, s3;
	s6 =	simm.s32 @!p1 $0x1082;
	[sflag:s4] =	ssyncset.s32 $0xFFFFF086  }
0x25: {  	[simem:s6], [sflag:s4] =	dma.local [hbm:s3], $0xF7A  }
0x26: {  	[smem:$0x3F97] =	sst s1;
	(tag) =	ssettag s2;
	_ =	strace s9  }
0x27: {  	s1 =	sld [smem:$0x3FA7]  }
0x28: {  	s2 =	sld [smem:$0x3FA8]  }
0x29: {  	s4 =	sld [smem:$0x3FAA]  }
0x2a: {  	p0 =	seq.s32 s5, $0x0;
	s5 =	sld [smem:$0x3FAB]  }
0x2b: {  	s6 =	sld [smem:$0x3FAC]  }
0x2c: {  	s7 =	sld [smem:$0x3FAD]  }
0x2d: {  	s3 =	simm.s32 $0x108;
	s8 =	sld [smem:$0x3FAE]  }
0x2e: {  	s3 =	simm.s32 @!p0 $0x1082;
	s9 =	sld [smem:$0x3FAF]  }
0x2f: {  	lr =	sadd.s32 s0, s3;
	s0 =	sld [smem:$0x3FA6]  }
0x30: {  	s3 =	sld [smem:$0x3FA9]  }
0x31: {  	[smem:$0x3FB2] =	sst s10  }
0x32: {  	s10 =	sld [smem:$0x3FB0];
	_ =	sdelay $0x3  }
0x33: {  	p0 =	seq.s32 s10, $0x1;
	s10 =	sld [smem:$0x3FB2];
	_ =	sdelay $0x3  }
0x34: {  	[smem:$0x3FB2] =	sst s10  }
0x35: {  	s10 =	sld [smem:$0x3FB1];
	_ =	sdelay $0x3  }
0x36: {  	p1 =	seq.s32 s10, $0x1;
	s10 =	sld [smem:$0x3FB2];
	_ =	sdelay $0x3  }
0x37: {  	[smem:$0x3FB2] =	sst s10  }
0x38: {  	s10 =	sld [smem:$0x3FB3]  }
0x39: {  	_ = 	snop;
	(pc) =	sbr.ind lr, $3  }
0x3a: {  	_ = 	snop  }
0x3b: {  	_ = 	snop  }
0x3c: {  	p2 =	seq.s32 s10, $0x1;
	s10 =	sld [smem:$0x3FB2]  }
0x3d: {  	_ =	shalt  }
0x3e: {  	_ =	shalt  }
0x3f: {  	_ =	shalt  }
0x40: {  	_ =	shalt  }
0x41: {  	_ =	shalt  }
0x42: {  	_ =	shalt  }
0x43: {  	_ =	shalt  }
0x44: {  	_ =	shalt  }
0x45: {  	_ =	shalt  }
0x46: {  	_ =	shalt  }
0x47: {  	_ =	shalt  }
0x48: {  	_ =	shalt  }
0x49: {  	_ =	shalt  }
0x4a: {  	_ =	shalt  }
0x4b: {  	_ =	shalt  }
0x4c: {  	_ =	shalt  }
0x4d: {  	_ =	shalt  }
0x4e: {  	_ =	shalt  }
0x4f: {  	_ =	shalt  }
0x50: {  	_ =	shalt  }
0x51: {  	_ =	shalt  }
0x52: {  	_ =	shalt  }
0x53: {  	_ =	shalt  }
0x54: {  	_ =	shalt  }
0x55: {  	_ =	shalt  }
0x56: {  	_ =	shalt  }
0x57: {  	_ =	shalt  }
0x58: {  	_ =	shalt  }
0x59: {  	_ =	shalt  }
0x5a: {  	_ =	shalt  }
0x5b: {  	_ =	shalt  }
0x5c: {  	_ =	shalt  }
0x5d: {  	_ =	shalt  }
0x5e: {  	_ =	shalt  }
0x5f: {  	_ =	shalt  }
0x60: {  	_ =	shalt  }
0x61: {  	_ =	shalt  }
0x62: {  	_ =	shalt  }
0x63: {  	_ =	shalt  }
0x64: {  	_ =	shalt  }
0x65: {  	_ =	shalt  }
0x66: {  	_ =	shalt  }
0x67: {  	_ =	shalt  }
0x68: {  	_ =	shalt  }
0x69: {  	_ =	shalt  }
0x6a: {  	_ =	shalt  }
0x6b: {  	_ =	shalt  }
0x6c: {  	_ =	shalt  }
0x6d: {  	_ =	shalt  }
0x6e: {  	_ =	shalt  }
0x6f: {  	_ =	shalt  }
0x70: {  	_ =	shalt  }
0x71: {  	_ =	shalt  }
0x72: {  	_ =	shalt  }
0x73: {  	_ =	shalt  }
0x74: {  	_ =	shalt  }
0x75: {  	_ =	shalt  }
0x76: {  	_ =	shalt  }
0x77: {  	_ =	shalt  }
0x78: {  	_ =	shalt  }
0x79: {  	_ =	shalt  }
0x7a: {  	_ =	shalt  }
0x7b: {  	_ =	shalt  }
0x7c: {  	_ =	shalt  }
0x7d: {  	_ =	shalt  }
0x7e: {  	_ =	shalt  }
0x7f: {  	_ =	shalt  }
0x80: {  	_ =	shalt  }
0x81: {  	_ =	shalt  }
0x82: {  	_ =	shalt  }
0x83: {  	_ =	shalt  }
0x84: {  	_ =	shalt  }
0x85: {  	_ =	shalt  }
0x86: {  	_ =	shalt  }
0x87: {  	_ =	shalt  }
.Lfunc_end0:
.L_simem_size_0:
called_computation_lowered:
.L_overlay_start_0:
0x88: {  	s2 =	sld [smem:$0x3FD9]  }
0x89: {  	s3 =	sld [smem:$0x3FFE];
	_ =	sdelay $0x1  }
0x8a: {  	s1 =	srdreg.scid  }
0x8b: {  	s0 =	sand.u32 $0x1, s1  }
0x8c: {  	s14 =	sshll.u32 s0, $0xA;
	s2 =	sadd.s32 s3, s2  }
0x8d: {  	s2 =	sadd.s32 s2, s14  }
0x8e: {  	[smem:$0x3FBE] =	sst s2  }
0x8f: {  	_ = 	snop  }
0x90: {  	s2 =	sld [smem:$0x3FD0];
	_ =	sdelay $0x2  }
0x91: {  	s15 =	simm.s32 $0xA;
	s4 =	simm.s32 $0x10  }
0x92: {  	[smem:s4], [sflag:s15] =	dma.local [hbm:s2], $0x1  }
0x93: {  	_ =	swait.eq [sflag:s15], $0x1  }
0x94: {  	[sflag:s15] =	ssyncset.done $0x0  }
0x95: {  	[sflag:s15] =	ssyncadd.s32 $0xFFFFFFFF  }
0x96: {  	s16 =	sld [smem:$0x11];
	(tm) =	ssettm $0x1  }
0x97: {  	s17 =	sld [smem:$0x3FFB];
	_ =	sdelay $0x3  }
0x98: {  	_ =	strace s17  }
0x99: {  	s3 =	sld [smem:$0x3FFC];
	_ =	sdelay $0x3  }
0x9a: {  	_ =	strace s3  }
0x9b: {  	s3 =	sld [smem:$0x3FFD];
	_ =	sdelay $0x3  }
0x9c: {  	_ =	strace s3  }
0x9d: {  	_ =	strace $0x8FFFFFFF  }
0x9e: {  	s18 =	sld [smem:$0x3FDB];
	_ =	sdelay $0x1  }
0x9f: {  	s19 =	simm.s32 $_scs_section_size  }
0xa0: {  	s5 =	simm.s32 $_size__tile_overlayer_lowered;
	s6 =	simm.s32 $_tile_overlayer_lowered  }
0xa1: {  	s22 =	simm.s32 $0x1BFF;
	s21 =	sshll.u32 s6, $0x1;
	s3 =	sadd.s32 s19, s18  }
0xa2: {  	s7 =	simm.s32 $0x0;
	s20 =	sshll.u32 s5, $0x1;
	s5 =	sadd.s32 s21, s3  }
0xa3: {  	[timem:s7], [sflag:s22] =	dma.local [hbm:s5], s20  }
0xa4: {  	_ =	swait.ge [sflag:s22], s20  }
0xa5: {  	s4 =	ssub.s32 $0x0, s20;
	[sflag:s22] =	ssyncset.done $0x0  }
0xa6: {  	[sflag:s22] =	ssyncadd.s32 s4;
	_ =	sdelay $0x1  }
0xa7: {  	s23 =	simm.s32 $0x1B8B  }
0xa8: {  	_ =	swait.ge [sflag:s23], $0x1  }
0xa9: {  	[sflag:s23] =	ssyncset.done $0x0  }
0xaa: {  	s25 =	simm.s32 $0x1B8E;
	s24 =	sld [smem:$0x3FFE];
	[sflag:s23] =	ssyncadd.s32 $0xFFFFFFFF  }
0xab: {  	s26 =	simm.s32 $execute0_lowered;
	[smem:$0x3FD2] =	sst s25  }
0xac: {  	s5 =	sshll.u32 s26, $0x1;
	_ =	strace $0x80000046;
	[dreg:$0x1] =	wrdreg $0xFFFFFFFF  }
0xad: {  	s28 =	simm.s32 $_size_execute0_lowered;
	s3 =	sadd.s32 s3, s5;
	[dreg:$0x0] =	wrdreg $0x0  }
0xae: {  	s5 =	sshll.u32 s28, $0x1;
	[dreg:$0x2] =	wrdreg s3  }
0xaf: {  	[dreg:$0x3] =	wrdreg s5  }
0xb0: {  	[dreg:$0x4] =	wrdreg $0xC0  }
0xb1: {  	_ =	task [dreg:s7], $0x5FFFF  }
0xb2: {  	[dreg:$0x1] =	wrdreg $0xFFFFFFFF  }
0xb3: {  	[dreg:$0x0] =	wrdreg $0x60  }
0xb4: {  	[dreg:$0x2] =	wrdreg s24  }
0xb5: {  	[dreg:$0x3] =	wrdreg s16  }
0xb6: {  	[dreg:$0x4] =	wrdreg $0x9  }
0xb7: {  	_ =	task.clear_ibuf [dreg:s7], $0x5FFFF;
	_ =	strace $0x90000046  }
0xb8: {  	s29 =	simm.s32 $0x9;
	_ =	strace $0x80000048  }
0xb9: {  	_ =	swait.ge [sflag:s29], $0x1  }
0xba: {  	[sflag:s29] =	ssyncadd.s32 $0xFFFFFFFF  }
0xbb: {  	_ =	strace $0x90000048  }
0xbc: {  	_ =	sfence  }
0xbd: {  	s30 =	sld [smem:$0x0];
	_ =	sdelay $0x2  }
0xbe: {  	s31 =	sshll.u32 s1, $0xD;
	s1 =	sshrl.u32 s1, $0x2  }
0xbf: {  	s3 =	sand.u32 $0x4000, s31;
	s1 =	sadd.s32 s1, s30  }
0xc0: {  	s0 =	sor.u32 s3, s0;
	s1 =	sshll.u32 s1, $0x11  }
0xc1: {  	s0 =	sor.u32 s1, s0  }
0xc2: {  	s0 =	sadd.s32 $0x8F2B, s0  }
0xc3: {  	[sflag:s0] =	ssyncadd.remote.s32 $0x1  }
0xc4: {  	_ =	sfence.sel $0xFFFF  }
0xc5: {  	[dreg:$0x0] =	wrdreg $0xFFFFFFFF;
	(pc) =	sbr.abs _section_cstart, $3  }
0xc6: {  	[dreg:$0x1] =	wrdreg $0xFFFFFFFF  }
0xc7: {  	_ =	task.clear_ibuf [dreg:s7], $0x2FFFF;
	_ =	strace $0x9FFFFFFF  }
0xc8: {  	(tm) =	ssettm $0x7FFFFFFF  }
0xc9: {  	_ =	shalt  }
tec
execute0_lowered:
.L_overlay_start_1:
0x0: {  	(tag) =	ssettag $0x1  }
0x1: {  	s3 =	srdreg.scid  }
0x2: {  	s0 =	rddreg [dreg:$0x0];
	s4 =	stileid.u32;
	s3 =	sand.u32 $0x1, s3  }
0x3: {  	s1 =	rddreg [dreg:$0x1];
	s4 =	sshll.u32 s4, $0x2;
	s5 =	sshll.u32 s3, $0x1  }
0x4: {  	s2 =	simm.s32 $0x0;
	s17 =	simm.s32 $0x3;
	s4 =	sor.u32 s5, s4  }
0x5: {  	s19 =	simm.s32 $0x5000;
	s20 =	simm.s32 $0x1;
	s8 =	smul.u32 $0x46000, s4  }
0x6: {  	s21 =	simm.s32 $0x2;
	s23 =	simm.s32 $0x0;
	s28 =	smul.u32 $0x300, s4  }
0x7: {  	[smem:$0x7FF] =	sst s2;
	s9 =	smul.u32 $0xC00, s4;
	s4 =	sor.u32 $0x1, s4  }
0x8: {  	_ =	strace $0x80000047;
	s6 =	ssub.s32 $0x2, s3;
	s14 =	smul.u32 $0x46000, s4  }
0x9: {  	s3 =	sadd.s32 $0x2200, s0;
	s26 =	sshrl.u32 s6, $0x1;
	s10 =	smul.u32 $0x300, s4  }
0xa: {  	s0 =	sadd.s32 $0x232200, s0;
	s16 =	ssub.s32 s6, s26;
	s31 =	smul.u32 $0xC00, s4  }
0xb: {  	s16 =	smax.u32 s16, $0x1;
	s29 =	sshrl.u32 s8, $0x3;
	s5 =	sadd.s32 s0, s28  }
0xc: {  	s7 =	sadd.s32 $0x7000, s8;
	s8 =	sadd.s32 $0xA800, s8;
	s30 =	sadd.s32 s1, s9  }
.Ltmp0:
0xd: {  	[dreg:$0x3] =	wrdreg s5;
	s5 =	sadd.s32 s3, s29;
	(pc) =	sbr.rel .LBB2_1-.Ltmp0, $4  }
0xe: {  	[dreg:$0x5] =	wrdreg s30;
	s11 =	sshrl.u32 s14, $0x3;
	s0 =	sadd.s32 s0, s10  }
0xf: {  	s13 =	sadd.s32 $0x7000, s14;
	s14 =	sadd.s32 $0xA800, s14;
	s15 =	sadd.s32 s1, s31  }
0x10: {  	s6 =	sadd.s32 $0x700, s5;
	[dreg:$0x6] =	wrdreg s0;
	s11 =	sadd.s32 s3, s11  }
0x11: {  	v0 =	vimm.f32 $0.0e+00;
	s10 =	simm.s32 $0x8800;
	[dreg:$0x4] =	wrdreg s6;
	s12 =	sadd.s32 $0x700, s11  }
.LBB2_15:
0x12: {  	s23 =	sadd.s32 $0x1, s23  }
0x13: {  	p0 =	sne.s32 s23, s16  }
.Ltmp1:
0x14: {  	s10 =	simm.s32 $0x8800;
	(pc) =	sbr.rel @!p0 .LBB2_16-.Ltmp1, $4  }
0x15: {  	[hbm4b:s15+s2] =	stream.linear.scatter [tilespmem:s10], [sflag:$0x3], $0x6000, $0x38;
	[tilespmem:$0xE800] =	vst v63  }
0x16: {  	_ =	swait.ge [sflag:s17], $0x6000  }
0x17: {  	[sflag:s17] =	ssyncset.done $0x0  }
0x18: {  	[sflag:s17] =	ssyncadd.s32 $0xFFFFA000  }
.LBB2_1:
0x19: {  	[tilespmem:$0xA020] =	vst v0  }
0x1a: {  	[tilespmem:$0xA030] =	vst v0  }
0x1b: {  	[tilespmem:$0xA040] =	vst v0  }
0x1c: {  	[tilespmem:$0xA050] =	vst v0  }
0x1d: {  	[tilespmem:$0xA060] =	vst v0  }
0x1e: {  	[tilespmem:$0xA070] =	vst v0  }
0x1f: {  	[tilespmem:$0xA400] =	vst v0  }
0x20: {  	[tilespmem:$0xA410] =	vst v0  }
0x21: {  	[tilespmem:$0xA420] =	vst v0  }
0x22: {  	[tilespmem:$0xA430] =	vst v0  }
0x23: {  	[tilespmem:$0xA440] =	vst v0  }
0x24: {  	[tilespmem:$0xA450] =	vst v0  }
0x25: {  	[tilespmem:$0xA460] =	vst v0  }
0x26: {  	[tilespmem:$0xA470] =	vst v0  }
0x27: {  	[tilespmem:$0xA0A0] =	vst v0  }
0x28: {  	[tilespmem:$0xA0B0] =	vst v0  }
0x29: {  	[tilespmem:$0xA0C0] =	vst v0  }
0x2a: {  	[tilespmem:$0xA0D0] =	vst v0  }
0x2b: {  	[tilespmem:$0xA0E0] =	vst v0  }
0x2c: {  	[tilespmem:$0xA0F0] =	vst v0  }
0x2d: {  	[tilespmem:$0xA480] =	vst v0  }
0x2e: {  	[tilespmem:$0xA490] =	vst v0  }
0x2f: {  	[tilespmem:$0xA4A0] =	vst v0  }
0x30: {  	[tilespmem:$0xA4B0] =	vst v0  }
0x31: {  	[tilespmem:$0xA4C0] =	vst v0  }
0x32: {  	[tilespmem:$0xA4D0] =	vst v0  }
0x33: {  	[tilespmem:$0xA4E0] =	vst v0  }
0x34: {  	[tilespmem:$0xA4F0] =	vst v0  }
0x35: {  	[tilespmem:$0xA120] =	vst v0  }
0x36: {  	[tilespmem:$0xA130] =	vst v0  }
0x37: {  	[tilespmem:$0xA140] =	vst v0  }
0x38: {  	[tilespmem:$0xA150] =	vst v0  }
0x39: {  	[tilespmem:$0xA160] =	vst v0  }
0x3a: {  	[tilespmem:$0xA170] =	vst v0  }
0x3b: {  	[tilespmem:$0xA500] =	vst v0  }
0x3c: {  	[tilespmem:$0xA510] =	vst v0  }
0x3d: {  	[tilespmem:$0xA520] =	vst v0  }
0x3e: {  	[tilespmem:$0xA530] =	vst v0  }
0x3f: {  	[tilespmem:$0xA540] =	vst v0  }
0x40: {  	[tilespmem:$0xA550] =	vst v0  }
0x41: {  	[tilespmem:$0xA560] =	vst v0  }
0x42: {  	[tilespmem:$0xA570] =	vst v0  }
0x43: {  	[tilespmem:$0xA1A0] =	vst v0  }
0x44: {  	[tilespmem:$0xA1B0] =	vst v0  }
0x45: {  	[tilespmem:$0xA1C0] =	vst v0  }
0x46: {  	[tilespmem:$0xA1D0] =	vst v0  }
0x47: {  	[tilespmem:$0xA1E0] =	vst v0  }
0x48: {  	[tilespmem:$0xA1F0] =	vst v0  }
0x49: {  	[tilespmem:$0xA580] =	vst v0  }
0x4a: {  	[tilespmem:$0xA590] =	vst v0  }
0x4b: {  	[tilespmem:$0xA5A0] =	vst v0  }
0x4c: {  	[tilespmem:$0xA5B0] =	vst v0  }
0x4d: {  	[tilespmem:$0xA5C0] =	vst v0  }
0x4e: {  	[tilespmem:$0xA5D0] =	vst v0  }
0x4f: {  	[tilespmem:$0xA5E0] =	vst v0  }
0x50: {  	[tilespmem:$0xA5F0] =	vst v0  }
0x51: {  	[tilespmem:$0xA220] =	vst v0  }
0x52: {  	[tilespmem:$0xA230] =	vst v0  }
0x53: {  	[tilespmem:$0xA240] =	vst v0  }
0x54: {  	[tilespmem:$0xA250] =	vst v0  }
0x55: {  	[tilespmem:$0xA260] =	vst v0  }
0x56: {  	[tilespmem:$0xA270] =	vst v0  }
0x57: {  	[tilespmem:$0xA600] =	vst v0  }
0x58: {  	[tilespmem:$0xA610] =	vst v0  }
0x59: {  	[tilespmem:$0xA620] =	vst v0  }
0x5a: {  	[tilespmem:$0xA630] =	vst v0  }
0x5b: {  	[tilespmem:$0xA640] =	vst v0  }
0x5c: {  	[tilespmem:$0xA650] =	vst v0  }
0x5d: {  	[tilespmem:$0xA660] =	vst v0  }
0x5e: {  	[tilespmem:$0xA670] =	vst v0  }
0x5f: {  	[tilespmem:$0xA2A0] =	vst v0  }
0x60: {  	[tilespmem:$0xA2B0] =	vst v0  }
0x61: {  	[tilespmem:$0xA2C0] =	vst v0  }
0x62: {  	[tilespmem:$0xA2D0] =	vst v0  }
0x63: {  	[tilespmem:$0xA2E0] =	vst v0  }
0x64: {  	[tilespmem:$0xA2F0] =	vst v0  }
0x65: {  	[tilespmem:$0xA680] =	vst v0  }
0x66: {  	[tilespmem:$0xA690] =	vst v0  }
0x67: {  	[tilespmem:$0xA6A0] =	vst v0  }
0x68: {  	[tilespmem:$0xA6B0] =	vst v0  }
0x69: {  	[tilespmem:$0xA6C0] =	vst v0  }
0x6a: {  	[tilespmem:$0xA6D0] =	vst v0  }
0x6b: {  	[tilespmem:$0xA6E0] =	vst v0  }
0x6c: {  	[tilespmem:$0xA6F0] =	vst v0  }
0x6d: {  	[tilespmem:$0xA320] =	vst v0  }
0x6e: {  	[tilespmem:$0xA330] =	vst v0  }
0x6f: {  	[tilespmem:$0xA340] =	vst v0  }
0x70: {  	[tilespmem:$0xA350] =	vst v0  }
0x71: {  	[tilespmem:$0xA360] =	vst v0  }
0x72: {  	[tilespmem:$0xA370] =	vst v0  }
0x73: {  	[tilespmem:$0xA700] =	vst v0  }
0x74: {  	[tilespmem:$0xA710] =	vst v0  }
0x75: {  	[tilespmem:$0xA720] =	vst v0  }
0x76: {  	[tilespmem:$0xA730] =	vst v0  }
0x77: {  	[tilespmem:$0xA740] =	vst v0  }
0x78: {  	[tilespmem:$0xA750] =	vst v0  }
0x79: {  	[tilespmem:$0xA760] =	vst v0  }
0x7a: {  	[tilespmem:$0xA770] =	vst v0  }
0x7b: {  	[tilespmem:$0xA3A0] =	vst v0  }
0x7c: {  	[tilespmem:$0xA3B0] =	vst v0  }
0x7d: {  	[tilespmem:$0xA3C0] =	vst v0  }
0x7e: {  	[tilespmem:$0xA3D0] =	vst v0  }
0x7f: {  	[tilespmem:$0xA3E0] =	vst v0  }
0x80: {  	[tilespmem:$0xA3F0] =	vst v0  }
0x81: {  	[tilespmem:$0xA780] =	vst v0  }
0x82: {  	[tilespmem:$0xA790] =	vst v0  }
0x83: {  	[tilespmem:$0xA7A0] =	vst v0  }
0x84: {  	[tilespmem:$0xA7B0] =	vst v0  }
0x85: {  	[tilespmem:$0xA7C0] =	vst v0  }
0x86: {  	[tilespmem:$0xA7D0] =	vst v0  }
0x87: {  	[tilespmem:$0xA7E0] =	vst v0  }
0x88: {  	[tilespmem:$0xA7F0] =	vst v0  }
0x89: {  	[tilespmem:$0xC020] =	vst v0  }
0x8a: {  	[tilespmem:$0xC030] =	vst v0  }
0x8b: {  	[tilespmem:$0xC040] =	vst v0  }
0x8c: {  	[tilespmem:$0xC050] =	vst v0  }
0x8d: {  	[tilespmem:$0xC060] =	vst v0  }
0x8e: {  	[tilespmem:$0xC070] =	vst v0  }
0x8f: {  	[tilespmem:$0xC400] =	vst v0  }
0x90: {  	[tilespmem:$0xC410] =	vst v0  }
0x91: {  	[tilespmem:$0xC420] =	vst v0  }
0x92: {  	[tilespmem:$0xC430] =	vst v0  }
0x93: {  	[tilespmem:$0xC440] =	vst v0  }
0x94: {  	[tilespmem:$0xC450] =	vst v0  }
0x95: {  	[tilespmem:$0xC460] =	vst v0  }
0x96: {  	[tilespmem:$0xC470] =	vst v0  }
0x97: {  	[tilespmem:$0xC0A0] =	vst v0  }
0x98: {  	[tilespmem:$0xC0B0] =	vst v0  }
0x99: {  	[tilespmem:$0xC0C0] =	vst v0  }
0x9a: {  	[tilespmem:$0xC0D0] =	vst v0  }
0x9b: {  	[tilespmem:$0xC0E0] =	vst v0  }
0x9c: {  	[tilespmem:$0xC0F0] =	vst v0  }
0x9d: {  	[tilespmem:$0xC480] =	vst v0  }
0x9e: {  	[tilespmem:$0xC490] =	vst v0  }
0x9f: {  	[tilespmem:$0xC4A0] =	vst v0  }
0xa0: {  	[tilespmem:$0xC4B0] =	vst v0  }
0xa1: {  	[tilespmem:$0xC4C0] =	vst v0  }
0xa2: {  	[tilespmem:$0xC4D0] =	vst v0  }
0xa3: {  	[tilespmem:$0xC4E0] =	vst v0  }
0xa4: {  	[tilespmem:$0xC4F0] =	vst v0  }
0xa5: {  	[tilespmem:$0xC120] =	vst v0  }
0xa6: {  	[tilespmem:$0xC130] =	vst v0  }
0xa7: {  	[tilespmem:$0xC140] =	vst v0  }
0xa8: {  	[tilespmem:$0xC150] =	vst v0  }
0xa9: {  	[tilespmem:$0xC160] =	vst v0  }
0xaa: {  	[tilespmem:$0xC170] =	vst v0  }
0xab: {  	[tilespmem:$0xC500] =	vst v0  }
0xac: {  	[tilespmem:$0xC510] =	vst v0  }
0xad: {  	[tilespmem:$0xC520] =	vst v0  }
0xae: {  	[tilespmem:$0xC530] =	vst v0  }
0xaf: {  	[tilespmem:$0xC540] =	vst v0  }
0xb0: {  	[tilespmem:$0xC550] =	vst v0  }
0xb1: {  	[tilespmem:$0xC560] =	vst v0  }
0xb2: {  	[tilespmem:$0xC570] =	vst v0  }
0xb3: {  	[tilespmem:$0xC1A0] =	vst v0  }
0xb4: {  	[tilespmem:$0xC1B0] =	vst v0  }
0xb5: {  	[tilespmem:$0xC1C0] =	vst v0  }
0xb6: {  	[tilespmem:$0xC1D0] =	vst v0  }
0xb7: {  	[tilespmem:$0xC1E0] =	vst v0  }
0xb8: {  	[tilespmem:$0xC1F0] =	vst v0  }
0xb9: {  	[tilespmem:$0xC580] =	vst v0  }
0xba: {  	[tilespmem:$0xC590] =	vst v0  }
0xbb: {  	[tilespmem:$0xC5A0] =	vst v0  }
0xbc: {  	[tilespmem:$0xC5B0] =	vst v0  }
0xbd: {  	[tilespmem:$0xC5C0] =	vst v0  }
0xbe: {  	[tilespmem:$0xC5D0] =	vst v0  }
0xbf: {  	[tilespmem:$0xC5E0] =	vst v0  }
0xc0: {  	[tilespmem:$0xC5F0] =	vst v0  }
0xc1: {  	[tilespmem:$0xC220] =	vst v0  }
0xc2: {  	[tilespmem:$0xC230] =	vst v0  }
0xc3: {  	[tilespmem:$0xC240] =	vst v0  }
0xc4: {  	[tilespmem:$0xC250] =	vst v0  }
0xc5: {  	[tilespmem:$0xC260] =	vst v0  }
0xc6: {  	[tilespmem:$0xC270] =	vst v0  }
0xc7: {  	[tilespmem:$0xC600] =	vst v0  }
0xc8: {  	[tilespmem:$0xC610] =	vst v0  }
0xc9: {  	[tilespmem:$0xC620] =	vst v0  }
0xca: {  	[tilespmem:$0xC630] =	vst v0  }
0xcb: {  	[tilespmem:$0xC640] =	vst v0  }
0xcc: {  	[tilespmem:$0xC650] =	vst v0  }
0xcd: {  	[tilespmem:$0xC660] =	vst v0  }
0xce: {  	[tilespmem:$0xC670] =	vst v0  }
0xcf: {  	[tilespmem:$0xC2A0] =	vst v0  }
0xd0: {  	[tilespmem:$0xC2B0] =	vst v0  }
0xd1: {  	[tilespmem:$0xC2C0] =	vst v0  }
0xd2: {  	[tilespmem:$0xC2D0] =	vst v0  }
0xd3: {  	[tilespmem:$0xC2E0] =	vst v0  }
0xd4: {  	[tilespmem:$0xC2F0] =	vst v0  }
0xd5: {  	[tilespmem:$0xC680] =	vst v0  }
0xd6: {  	[tilespmem:$0xC690] =	vst v0  }
0xd7: {  	[tilespmem:$0xC6A0] =	vst v0  }
0xd8: {  	[tilespmem:$0xC6B0] =	vst v0  }
0xd9: {  	[tilespmem:$0xC6C0] =	vst v0  }
0xda: {  	[tilespmem:$0xC6D0] =	vst v0  }
0xdb: {  	[tilespmem:$0xC6E0] =	vst v0  }
0xdc: {  	[tilespmem:$0xC6F0] =	vst v0  }
0xdd: {  	[tilespmem:$0xC320] =	vst v0  }
0xde: {  	[tilespmem:$0xC330] =	vst v0  }
0xdf: {  	[tilespmem:$0xC340] =	vst v0  }
0xe0: {  	[tilespmem:$0xC350] =	vst v0  }
0xe1: {  	[tilespmem:$0xC360] =	vst v0  }
0xe2: {  	[tilespmem:$0xC370] =	vst v0  }
0xe3: {  	[tilespmem:$0xC700] =	vst v0  }
0xe4: {  	[tilespmem:$0xC710] =	vst v0  }
0xe5: {  	[tilespmem:$0xC720] =	vst v0  }
0xe6: {  	[tilespmem:$0xC730] =	vst v0  }
0xe7: {  	[tilespmem:$0xC740] =	vst v0  }
0xe8: {  	[tilespmem:$0xC750] =	vst v0  }
0xe9: {  	[tilespmem:$0xC760] =	vst v0  }
0xea: {  	[tilespmem:$0xC770] =	vst v0  }
0xeb: {  	[tilespmem:$0xC3A0] =	vst v0  }
0xec: {  	[tilespmem:$0xC3B0] =	vst v0  }
0xed: {  	[tilespmem:$0xC3C0] =	vst v0  }
0xee: {  	[tilespmem:$0xC3D0] =	vst v0  }
0xef: {  	[tilespmem:$0xC3E0] =	vst v0  }
0xf0: {  	[tilespmem:$0xC3F0] =	vst v0  }
0xf1: {  	[tilespmem:$0xC780] =	vst v0  }
0xf2: {  	[tilespmem:$0xC790] =	vst v0  }
0xf3: {  	[tilespmem:$0xC7A0] =	vst v0  }
0xf4: {  	[tilespmem:$0xC7B0] =	vst v0  }
0xf5: {  	[tilespmem:$0xC7C0] =	vst v0  }
0xf6: {  	[tilespmem:$0xC7D0] =	vst v0  }
0xf7: {  	[tilespmem:$0xC7E0] =	vst v0  }
0xf8: {  	[tilespmem:$0xC7F0] =	vst v0  }
0xf9: {  	[tilespmem:$0xE020] =	vst v0  }
0xfa: {  	[tilespmem:$0xE030] =	vst v0  }
0xfb: {  	[tilespmem:$0xE040] =	vst v0  }
0xfc: {  	[tilespmem:$0xE050] =	vst v0  }
0xfd: {  	[tilespmem:$0xE060] =	vst v0  }
0xfe: {  	[tilespmem:$0xE070] =	vst v0  }
0xff: {  	[tilespmem:$0xE400] =	vst v0  }
0x100: {  	[tilespmem:$0xE410] =	vst v0  }
0x101: {  	[tilespmem:$0xE420] =	vst v0  }
0x102: {  	[tilespmem:$0xE430] =	vst v0  }
0x103: {  	[tilespmem:$0xE440] =	vst v0  }
0x104: {  	[tilespmem:$0xE450] =	vst v0  }
0x105: {  	[tilespmem:$0xE460] =	vst v0  }
0x106: {  	[tilespmem:$0xE470] =	vst v0  }
0x107: {  	[tilespmem:$0xE0A0] =	vst v0  }
0x108: {  	[tilespmem:$0xE0B0] =	vst v0  }
0x109: {  	[tilespmem:$0xE0C0] =	vst v0  }
0x10a: {  	[tilespmem:$0xE0D0] =	vst v0  }
0x10b: {  	[tilespmem:$0xE0E0] =	vst v0  }
0x10c: {  	[tilespmem:$0xE0F0] =	vst v0  }
0x10d: {  	[tilespmem:$0xE480] =	vst v0  }
0x10e: {  	[tilespmem:$0xE490] =	vst v0  }
0x10f: {  	[tilespmem:$0xE4A0] =	vst v0  }
0x110: {  	[tilespmem:$0xE4B0] =	vst v0  }
0x111: {  	[tilespmem:$0xE4C0] =	vst v0  }
0x112: {  	[tilespmem:$0xE4D0] =	vst v0  }
0x113: {  	[tilespmem:$0xE4E0] =	vst v0  }
0x114: {  	[tilespmem:$0xE4F0] =	vst v0  }
0x115: {  	[tilespmem:$0xE120] =	vst v0  }
0x116: {  	[tilespmem:$0xE130] =	vst v0  }
0x117: {  	[tilespmem:$0xE140] =	vst v0  }
0x118: {  	[tilespmem:$0xE5F0] =	vst v0  }
0x119: {  	[tilespmem:$0xE150] =	vst v0  }
0x11a: {  	[tilespmem:$0xE160] =	vst v0  }
0x11b: {  	[tilespmem:$0xE170] =	vst v0  }
0x11c: {  	[tilespmem:$0xE500] =	vst v0  }
0x11d: {  	[tilespmem:$0xE510] =	vst v0  }
0x11e: {  	[tilespmem:$0xE520] =	vst v0  }
0x11f: {  	[tilespmem:$0xE530] =	vst v0  }
0x120: {  	[tilespmem:$0xE540] =	vst v0  }
0x121: {  	[tilespmem:$0xE550] =	vst v0  }
0x122: {  	[tilespmem:$0xE560] =	vst v0  }
0x123: {  	[tilespmem:$0xE570] =	vst v0  }
0x124: {  	[tilespmem:$0xE1A0] =	vst v0  }
0x125: {  	[tilespmem:$0xE1B0] =	vst v0  }
0x126: {  	[tilespmem:$0xE1C0] =	vst v0  }
0x127: {  	[tilespmem:$0xE1D0] =	vst v0  }
0x128: {  	[tilespmem:$0xE1E0] =	vst v0  }
0x129: {  	[tilespmem:$0xE1F0] =	vst v0  }
0x12a: {  	[tilespmem:$0xE580] =	vst v0  }
0x12b: {  	[tilespmem:$0xE590] =	vst v0  }
0x12c: {  	[tilespmem:$0xE5A0] =	vst v0  }
0x12d: {  	[tilespmem:$0xE5B0] =	vst v0  }
0x12e: {  	[tilespmem:$0xE5C0] =	vst v0  }
0x12f: {  	[tilespmem:$0xE5D0] =	vst v0  }
0x130: {  	[tilespmem:$0xE5E0] =	vst v0;
	s0 =	rddreg [dreg:$0x3]  }
0x131: {  	[tilespmem:s2], [sflag:$0x3] =	stream.linear.gather [hbm4b:s0+s2], $0x1800, $0x38;
	[tilespmem:$0xE800] =	vst v63  }
0x132: {  	_ =	swait.ge [sflag:s17], $0x1800  }
0x133: {  	[sflag:s17] =	ssyncset.done $0x0  }
0x134: {  	s30 =	simm.s32 $0x1800;
	[sflag:s17] =	ssyncadd.s32 $0xFFFFE800  }
0x135: {  	[tilespmem:s30], [sflag:$0x1] =	stream.linear.gather [hbm4b:s5+s2], $0x3800, $0x38;
	[tilespmem:$0xE800] =	vst v63  }
0x136: {  	s24 =	simm.s32 $0x0;
	s31 =	rddreg [dreg:$0x4]  }
0x137: {  	[tilespmem:s19], [sflag:$0x2] =	stream.linear.gather [hbm4b:s31+s2], $0x3800, $0x38;
	[tilespmem:$0xE800] =	vst v63  }
.LBB2_2:
0x138: {  	s0 =	sshll.u32 s24, $0xB  }
0x139: {  	_ =	swait.ge [sflag:s20], $0x3800;
	s1 =	sshll.u32 s24, $0x8;
	s4 =	sshra.s32 s0, $0x2  }
0x13a: {  	[sflag:s20] =	ssyncset.done $0x0;
	s28 =	sand.u32 $0x300, s1;
	s26 =	sand.u32 $0xFFFFF800, s4  }
0x13b: {  	[sflag:s20] =	ssyncadd.s32 $0xFFFFC800;
	s1 =	sor.u32 s28, s26  }
0x13c: {  	v9 =	vld [tilespmem:s1+$0x0]  }
0x13d: {  	v13 =	vld [tilespmem:s1+$0x10]  }
0x13e: {  	v14 =	vld [tilespmem:s1+$0x20]  }
0x13f: {  	v6 =	vld [tilespmem:s1+$0x30]  }
0x140: {  	v12 =	vld [tilespmem:s1+$0x40]  }
0x141: {  	v15 =	vld [tilespmem:s1+$0x50]  }
0x142: {  	v3 =	vld [tilespmem:s1+$0x60]  }
0x143: {  	v10 =	vld [tilespmem:s1+$0x70]  }
0x144: {  	v4 =	vld [tilespmem:s1+$0x400]  }
0x145: {  	v11 =	vld [tilespmem:s1+$0x410]  }
0x146: {  	v2 =	vld [tilespmem:s1+$0x420]  }
0x147: {  	v7 =	vld [tilespmem:s1+$0x430]  }
0x148: {  	s22 =	simm.s32 $0x0;
	v1 =	vld [tilespmem:s1+$0x440]  }
0x149: {  	s18 =	simm.s32 $0x0;
	s4 =	sand.u32 $0x3800, s22;
	v16 =	vld [tilespmem:s1+$0x450]  }
0x14a: {  	s22 =	sand.u32 $0x300, s18;
	s4 =	sadd.s32 $0x1800, s4;
	v5 =	vld [tilespmem:s1+$0x460]  }
0x14b: {  	v8 =	vld [tilespmem:s1+$0x470];
	s25 =	sor.u32 s22, s4  }
0x14c: {  	v17 =	vld [tilespmem:s25+$0x20]  }
0x14d: {  	v18 =	vld [tilespmem:s25+$0x400]  }
0x14e: {  	v19 =	vld [tilespmem:s25+$0x430]  }
0x14f: {  	v20 =	vld [tilespmem:s25+$0x410]  }
0x150: {  	v21 =	vld [tilespmem:s25+$0x420]  }
0x151: {  	v22 =	vld [tilespmem:s25+$0x70]  }
0x152: {  	v23 =	vld [tilespmem:s25+$0x40]  }
0x153: {  	v24 =	vld [tilespmem:s25+$0x60]  }
0x154: {  	v25 =	vld [tilespmem:s25+$0x50]  }
0x155: {  	v26 =	vld [tilespmem:s25+$0x10]  }
0x156: {  	v27 =	vld [tilespmem:s25+$0x30]  }
0x157: {  	v28 =	vld [tilespmem:s25+$0x0];
	v21 =	vmul.f32 v21, v2  }
0x158: {  	v29 =	vld [tilespmem:s25+$0x450];
	v22 =	vmul.f32 v22, v10;
	v23 =	vmul.f32 v23, v12  }
0x159: {  	v30 =	vld [tilespmem:s25+$0x470];
	v17 =	vmul.f32 v17, v14;
	v20 =	vmul.f32 v20, v11  }
0x15a: {  	v31 =	vld [tilespmem:s25+$0x460];
	v25 =	vmul.f32 v25, v15;
	v24 =	vmul.f32 v24, v3  }
0x15b: {  	v32 =	vld [tilespmem:s25+$0x440];
	v26 =	vmul.f32 v26, v13;
	v27 =	vmul.f32 v27, v6  }
0x15c: {  	v19 =	vmul.f32 v19, v7;
	v61 =	vmul.f32 v28, v9;
	v17 =	vadd.f32 v24, v17  }
0x15d: {  	v62 =	vmul.f32 v29, v16;
	v25 =	vadd.f32 v25, v26;
	v22 =	vadd.f32 v22, v27  }
0x15e: {  	v18 =	vmul.f32 v18, v4;
	v17 =	vadd.f32 v21, v17;
	v21 =	vadd.f32 v23, v61  }
0x15f: {  	v23 =	vmul.f32 v30, v8;
	v19 =	vadd.f32 v19, v22;
	v22 =	vmul.f32 v31, v5  }
0x160: {  	v63 =	vmul.f32 v32, v1;
	v20 =	vadd.f32 v20, v25;
	v18 =	vadd.f32 v18, v21  }
0x161: {  	v21 =	vadd.f32 v22, v17;
	v19 =	vadd.f32 v23, v19  }
0x162: {  	v20 =	vadd.f32 v62, v20;
	v18 =	vadd.f32 v63, v18  }
0x163: {  	v17 =	vmov s28  }
0x164: {  	s0 =	sand.u32 $0x3FFFE000, s0;
	v19 =	vadd.f32 v19, v21;
	v18 =	vadd.f32 v20, v18  }
0x165: {  	s9 =	simm.s32 $0x0;
	s6 =	sand.u32 $0x1C00, s18;
	s25 =	sadd.s32 $0x8800, s0  }
0x166: {  	s31 =	simm.s32 $0x80;
	s18 =	sand.u32 $0x60, s9;
	s29 =	sadd.s32 s6, s25;
	v18 =	vadd.f32 v19, v18  }
0x167: {  	s22 =	sand.u32 $0x380, s31;
	s0 =	sadd.s32 s18, s29  }
0x168: {  	s4 =	sor.u32 s22, s4;
	[tilespmem:v17+s0+$0x0 ss:$0x1] =	vst.idx.msk $0xffff, v18  }
0x169: {  	v20 =	vld [tilespmem:s4+$0x0]  }
0x16a: {  	v22 =	vld [tilespmem:s4+$0x10]  }
0x16b: {  	v21 =	vld [tilespmem:s4+$0x20]  }
0x16c: {  	s30 =	simm.s32 $0x10;
	v18 =	vld [tilespmem:s4+$0x470]  }
0x16d: {  	s1 =	simm.s32 $0x0;
	s18 =	simm.s32 $0x200;
	s0 =	simm.s32 $0x10;
	v19 =	vld [tilespmem:s4+$0x430]  }
.LBB2_3:
0x16e: {  	s1 =	sadd.s32 $0x2, s1;
	v23 =	vld [tilespmem:s4+$0x450];
	s0 =	sadd.s32 $0x20, s0;
	s31 =	sadd.s32 $0x100, s31  }
0x16f: {  	p0 =	slt.u32 s1, $0x30;
	v22 =	vmul.f32 v22, v13;
	v24 =	vld [tilespmem:s4+$0x70]  }
0x170: {  	v21 =	vmul.f32 v21, v14;
	v25 =	vld [tilespmem:s4+$0x50]  }
0x171: {  	v26 =	vld [tilespmem:s4+$0x410]  }
0x172: {  	v27 =	vld [tilespmem:s4+$0x40]  }
0x173: {  	v28 =	vld [tilespmem:s4+$0x30]  }
0x174: {  	v29 =	vld [tilespmem:s4+$0x60]  }
0x175: {  	v25 =	vmul.f32 v25, v15;
	v30 =	vld [tilespmem:s4+$0x400]  }
0x176: {  	v20 =	vmul.f32 v20, v9;
	v23 =	vmul.f32 v23, v16;
	v31 =	vld [tilespmem:s4+$0x420]  }
0x177: {  	v27 =	vmul.f32 v27, v12;
	v22 =	vadd.f32 v25, v22;
	v25 =	vmul.f32 v26, v11;
	v26 =	vld [tilespmem:s4+$0x440]  }
0x178: {  	v24 =	vmul.f32 v24, v10;
	v28 =	vmul.f32 v28, v6;
	v32 =	vld [tilespmem:s4+$0x460]  }
0x179: {  	v20 =	vadd.f32 v27, v20;
	v27 =	vmul.f32 v29, v3;
	v22 =	vadd.f32 v25, v22  }
0x17a: {  	v19 =	vmul.f32 v19, v7;
	v24 =	vadd.f32 v24, v28;
	v25 =	vmul.f32 v30, v4  }
0x17b: {  	v21 =	vadd.f32 v27, v21;
	v27 =	vmul.f32 v31, v2;
	v22 =	vadd.f32 v23, v22  }
0x17c: {  	v20 =	vadd.f32 v25, v20;
	v19 =	vadd.f32 v19, v24;
	v23 =	vmul.f32 v26, v1  }
0x17d: {  	v18 =	vmul.f32 v18, v8;
	v21 =	vadd.f32 v27, v21;
	v24 =	vmul.f32 v32, v5  }
0x17e: {  	v20 =	vadd.f32 v23, v20  }
0x17f: {  	v18 =	vadd.f32 v18, v19;
	v21 =	vadd.f32 v24, v21;
	_ =	sdelay $0x1  }
0x180: {  	v19 =	vadd.f32 v22, v20;
	v18 =	vadd.f32 v18, v21  }
0x181: {  	s4 =	sand.u32 $0x70, s30;
	s30 =	smov.u32 s0  }
0x182: {  	s22 =	sand.u32 $0x3800, s18;
	s6 =	sadd.s32 $0xFFFFFF80, s31;
	s4 =	sadd.s32 s4, s29;
	v18 =	vadd.f32 v18, v19  }
0x183: {  	s22 =	sadd.s32 $0x1800, s22;
	s29 =	sand.u32 $0x300, s6;
	s6 =	sand.u32 $0x1C00, s6  }
0x184: {  	s9 =	sor.u32 s29, s22;
	s29 =	sadd.s32 s6, s25;
	[tilespmem:v17+s4+$0x0 ss:$0x1] =	vst.idx.msk $0xffff, v18  }
0x185: {  	v18 =	vld [tilespmem:s9+$0x20]  }
0x186: {  	v19 =	vld [tilespmem:s9+$0x400]  }
0x187: {  	v20 =	vld [tilespmem:s9+$0x450]  }
0x188: {  	v21 =	vld [tilespmem:s9+$0x430]  }
0x189: {  	v22 =	vld [tilespmem:s9+$0x410]  }
0x18a: {  	v23 =	vld [tilespmem:s9+$0x420]  }
0x18b: {  	v24 =	vld [tilespmem:s9+$0x70]  }
0x18c: {  	v25 =	vld [tilespmem:s9+$0x40]  }
0x18d: {  	v26 =	vld [tilespmem:s9+$0x60]  }
0x18e: {  	v27 =	vld [tilespmem:s9+$0x50]  }
0x18f: {  	v28 =	vld [tilespmem:s9+$0x10];
	v23 =	vmul.f32 v23, v2  }
0x190: {  	v29 =	vld [tilespmem:s9+$0x30];
	v24 =	vmul.f32 v24, v10  }
0x191: {  	v30 =	vld [tilespmem:s9+$0x0];
	v25 =	vmul.f32 v25, v12  }
0x192: {  	v18 =	vmul.f32 v18, v14;
	v22 =	vmul.f32 v22, v11;
	v31 =	vld [tilespmem:s9+$0x470]  }
0x193: {  	v26 =	vmul.f32 v26, v3;
	v27 =	vmul.f32 v27, v15;
	v32 =	vld [tilespmem:s9+$0x440]  }
0x194: {  	v21 =	vmul.f32 v21, v7;
	v28 =	vmul.f32 v28, v13;
	v33 =	vld [tilespmem:s9+$0x460]  }
0x195: {  	v20 =	vmul.f32 v20, v16;
	v18 =	vadd.f32 v26, v18;
	v29 =	vmul.f32 v29, v6  }
0x196: {  	v19 =	vmul.f32 v19, v4;
	v26 =	vmul.f32 v30, v9;
	v27 =	vadd.f32 v27, v28  }
0x197: {  	v18 =	vadd.f32 v23, v18;
	v24 =	vadd.f32 v24, v29;
	v23 =	vmul.f32 v31, v8  }
0x198: {  	v25 =	vadd.f32 v25, v26;
	v22 =	vadd.f32 v22, v27;
	v26 =	vmul.f32 v32, v1  }
0x199: {  	v21 =	vadd.f32 v21, v24;
	v24 =	vmul.f32 v33, v5  }
0x19a: {  	v19 =	vadd.f32 v19, v25  }
0x19b: {  	v18 =	vadd.f32 v24, v18;
	v21 =	vadd.f32 v23, v21  }
0x19c: {  	v20 =	vadd.f32 v20, v22;
	v19 =	vadd.f32 v26, v19  }
0x19d: {  	v18 =	vadd.f32 v21, v18  }
0x19e: {  	v19 =	vadd.f32 v20, v19  }
0x19f: {  	s4 =	sadd.s32 $0xFFFFFFF0, s0  }
0x1a0: {  	s4 =	sand.u32 $0x60, s4;
	v18 =	vadd.f32 v18, v19  }
0x1a1: {  	s6 =	sand.u32 $0x380, s31;
	s4 =	sadd.s32 s4, s29  }
0x1a2: {  	[tilespmem:v17+s4+$0x0 ss:$0x1] =	vst.idx.msk $0xffff, v18;
	s4 =	sor.u32 s6, s22  }
.Ltmp2:
0x1a3: {  	v20 =	vld [tilespmem:s4+$0x0];
	(pc) =	sbr.rel @p0 .LBB2_3-.Ltmp2, $4  }
0x1a4: {  	v22 =	vld [tilespmem:s4+$0x10]  }
0x1a5: {  	v21 =	vld [tilespmem:s4+$0x20]  }
0x1a6: {  	v18 =	vld [tilespmem:s4+$0x470]  }
0x1a7: {  	s18 =	sadd.s32 $0x200, s18;
	v19 =	vld [tilespmem:s4+$0x430]  }
0x1a8: {  	v23 =	vld [tilespmem:s4+$0x450]  }
0x1a9: {  	v24 =	vld [tilespmem:s4+$0x70]  }
0x1aa: {  	v25 =	vld [tilespmem:s4+$0x50]  }
0x1ab: {  	v26 =	vld [tilespmem:s4+$0x410]  }
0x1ac: {  	v27 =	vld [tilespmem:s4+$0x40]  }
0x1ad: {  	v28 =	vld [tilespmem:s4+$0x30]  }
0x1ae: {  	v29 =	vld [tilespmem:s4+$0x60];
	v9 =	vmul.f32 v20, v9  }
0x1af: {  	v13 =	vmul.f32 v22, v13;
	v14 =	vmul.f32 v21, v14;
	v21 =	vld [tilespmem:s4+$0x400]  }
0x1b0: {  	v20 =	vld [tilespmem:s4+$0x420];
	v7 =	vmul.f32 v19, v7;
	v15 =	vmul.f32 v25, v15  }
0x1b1: {  	v22 =	vld [tilespmem:s4+$0x440];
	v16 =	vmul.f32 v23, v16;
	v12 =	vmul.f32 v27, v12  }
0x1b2: {  	v6 =	vmul.f32 v28, v6;
	v10 =	vmul.f32 v24, v10;
	v13 =	vadd.f32 v15, v13;
	v15 =	vld [tilespmem:s4+$0x460]  }
0x1b3: {  	v11 =	vmul.f32 v26, v11;
	v3 =	vmul.f32 v29, v3  }
0x1b4: {  	v9 =	vadd.f32 v12, v9;
	v6 =	vadd.f32 v10, v6;
	v4 =	vmul.f32 v21, v4  }
0x1b5: {  	v2 =	vmul.f32 v20, v2;
	v3 =	vadd.f32 v3, v14;
	v10 =	vadd.f32 v11, v13  }
0x1b6: {  	v1 =	vmul.f32 v22, v1;
	v4 =	vadd.f32 v4, v9;
	v6 =	vadd.f32 v7, v6  }
0x1b7: {  	v2 =	vadd.f32 v2, v3;
	v3 =	vmul.f32 v15, v5;
	v5 =	vmul.f32 v18, v8  }
0x1b8: {  	v7 =	vadd.f32 v16, v10;
	v1 =	vadd.f32 v1, v4  }
0x1b9: {  	v2 =	vadd.f32 v3, v2;
	v3 =	vadd.f32 v5, v6  }
0x1ba: {  	p0 =	seq.s32 s24, $0x9  }
0x1bb: {  	s0 =	smul.u32 @!p0 $0x7000, s24;
	v1 =	vadd.f32 v7, v1;
	v2 =	vadd.f32 v3, v2;
	_ =	sdelay $0x1  }
0x1bc: {  	s1 =	sand.u32 $0x70, s30;
	s0 =	sadd.s32 @!p0 s0, s7;
	v1 =	vadd.f32 v2, v1  }
0x1bd: {  	s1 =	sadd.s32 s1, s29;
	s0 =	sshrl.u32 @!p0 s0, $0x3  }
0x1be: {  	s0 =	sadd.s32 @!p0 s3, s0;
	s4 =	simm.s32 @!p0 $0x1800;
	[tilespmem:v17+s1+$0x0 ss:$0x1] =	vst.idx.msk $0xffff, v1;
	s1 =	simm.s32 @!p0 $0x0  }
0x1bf: {  	[tilespmem:s4], [sflag:$0x1] =	stream.linear.gather @!p0 [hbm4b:s0+s1], $0x3800, $0x38;
	[tilespmem:$0xE800] =	vst v63  }
0x1c0: {  	_ =	swait.ge [sflag:s21], $0x3800  }
0x1c1: {  	s30 =	sor.u32 $0x80, s28;
	[sflag:s21] =	ssyncset.done $0x0  }
0x1c2: {  	s31 =	sadd.s32 s30, s26;
	[sflag:s21] =	ssyncadd.s32 $0xFFFFC800  }
0x1c3: {  	v9 =	vld [tilespmem:s31+$0x0]  }
0x1c4: {  	v13 =	vld [tilespmem:s31+$0x10]  }
0x1c5: {  	v14 =	vld [tilespmem:s31+$0x20]  }
0x1c6: {  	v6 =	vld [tilespmem:s31+$0x30]  }
0x1c7: {  	v12 =	vld [tilespmem:s31+$0x40]  }
0x1c8: {  	v15 =	vld [tilespmem:s31+$0x50]  }
0x1c9: {  	v3 =	vld [tilespmem:s31+$0x60]  }
0x1ca: {  	v10 =	vld [tilespmem:s31+$0x70]  }
0x1cb: {  	v4 =	vld [tilespmem:s31+$0x400]  }
0x1cc: {  	v11 =	vld [tilespmem:s31+$0x410]  }
0x1cd: {  	v2 =	vld [tilespmem:s31+$0x420]  }
0x1ce: {  	v7 =	vld [tilespmem:s31+$0x430]  }
0x1cf: {  	s6 =	simm.s32 $0x0;
	v1 =	vld [tilespmem:s31+$0x440]  }
0x1d0: {  	s4 =	sand.u32 $0x3800, s6;
	s6 =	simm.s32 $0x0;
	v16 =	vld [tilespmem:s31+$0x450]  }
0x1d1: {  	s9 =	sand.u32 $0x300, s6;
	s4 =	sadd.s32 $0x5000, s4;
	v5 =	vld [tilespmem:s31+$0x460]  }
0x1d2: {  	s9 =	sor.u32 s9, s4;
	v8 =	vld [tilespmem:s31+$0x470]  }
0x1d3: {  	v17 =	vld [tilespmem:s9+$0x20]  }
0x1d4: {  	v18 =	vld [tilespmem:s9+$0x400]  }
0x1d5: {  	v19 =	vld [tilespmem:s9+$0x430]  }
0x1d6: {  	v20 =	vld [tilespmem:s9+$0x410]  }
0x1d7: {  	v21 =	vld [tilespmem:s9+$0x420]  }
0x1d8: {  	v22 =	vld [tilespmem:s9+$0x70]  }
0x1d9: {  	v23 =	vld [tilespmem:s9+$0x40]  }
0x1da: {  	v55 =	vld [tilespmem:s9+$0x60]  }
0x1db: {  	v56 =	vld [tilespmem:s9+$0x50]  }
0x1dc: {  	v57 =	vld [tilespmem:s9+$0x10]  }
0x1dd: {  	v58 =	vld [tilespmem:s9+$0x30]  }
0x1de: {  	v59 =	vld [tilespmem:s9+$0x0];
	v21 =	vmul.f32 v21, v2  }
0x1df: {  	v60 =	vld [tilespmem:s9+$0x450];
	v22 =	vmul.f32 v22, v10;
	v23 =	vmul.f32 v23, v12  }
0x1e0: {  	v30 =	vld [tilespmem:s9+$0x470];
	v17 =	vmul.f32 v17, v14;
	v20 =	vmul.f32 v20, v11  }
0x1e1: {  	v31 =	vld [tilespmem:s9+$0x460];
	v25 =	vmul.f32 v56, v15;
	v24 =	vmul.f32 v55, v3  }
0x1e2: {  	v32 =	vld [tilespmem:s9+$0x440];
	v26 =	vmul.f32 v57, v13;
	v27 =	vmul.f32 v58, v6  }
0x1e3: {  	v19 =	vmul.f32 v19, v7;
	v61 =	vmul.f32 v59, v9;
	v17 =	vadd.f32 v24, v17  }
0x1e4: {  	v62 =	vmul.f32 v60, v16;
	v25 =	vadd.f32 v25, v26;
	v22 =	vadd.f32 v22, v27  }
0x1e5: {  	v18 =	vmul.f32 v18, v4;
	v17 =	vadd.f32 v21, v17;
	v21 =	vadd.f32 v23, v61  }
0x1e6: {  	v23 =	vmul.f32 v30, v8;
	v19 =	vadd.f32 v19, v22;
	v22 =	vmul.f32 v31, v5  }
0x1e7: {  	v63 =	vmul.f32 v32, v1;
	v20 =	vadd.f32 v20, v25;
	v18 =	vadd.f32 v18, v21  }
0x1e8: {  	v21 =	vadd.f32 v22, v17;
	v19 =	vadd.f32 v23, v19  }
0x1e9: {  	v20 =	vadd.f32 v62, v20;
	v18 =	vadd.f32 v63, v18  }
0x1ea: {  	v17 =	vmov s30  }
0x1eb: {  	v19 =	vadd.f32 v19, v21;
	v18 =	vadd.f32 v20, v18  }
0x1ec: {  	s22 =	simm.s32 $0x0;
	s18 =	sand.u32 $0x1C00, s6  }
0x1ed: {  	s29 =	simm.s32 $0x80;
	s26 =	sadd.s32 s18, s25;
	s30 =	sand.u32 $0x60, s22;
	v18 =	vadd.f32 v19, v18  }
0x1ee: {  	s31 =	sand.u32 $0x380, s29;
	s0 =	sadd.s32 s30, s26  }
0x1ef: {  	s4 =	sor.u32 s31, s4;
	[tilespmem:v17+s0+$0x0 ss:$0x1] =	vst.idx.msk $0xffff, v18  }
0x1f0: {  	v20 =	vld [tilespmem:s4+$0x0]  }
0x1f1: {  	v22 =	vld [tilespmem:s4+$0x10]  }
0x1f2: {  	v21 =	vld [tilespmem:s4+$0x20]  }
0x1f3: {  	s28 =	simm.s32 $0x10;
	v18 =	vld [tilespmem:s4+$0x470]  }
0x1f4: {  	s1 =	simm.s32 $0x0;
	s18 =	simm.s32 $0x200;
	s0 =	simm.s32 $0x10;
	v19 =	vld [tilespmem:s4+$0x430]  }
.LBB2_5:
0x1f5: {  	s1 =	sadd.s32 $0x2, s1;
	v23 =	vld [tilespmem:s4+$0x450];
	s0 =	sadd.s32 $0x20, s0;
	s29 =	sadd.s32 $0x100, s29  }
0x1f6: {  	p1 =	slt.u32 s1, $0x30;
	v22 =	vmul.f32 v22, v13;
	v24 =	vld [tilespmem:s4+$0x70]  }
0x1f7: {  	v21 =	vmul.f32 v21, v14;
	v25 =	vld [tilespmem:s4+$0x50]  }
0x1f8: {  	v26 =	vld [tilespmem:s4+$0x410]  }
0x1f9: {  	v27 =	vld [tilespmem:s4+$0x40]  }
0x1fa: {  	v28 =	vld [tilespmem:s4+$0x30]  }
0x1fb: {  	v29 =	vld [tilespmem:s4+$0x60]  }
0x1fc: {  	v25 =	vmul.f32 v25, v15;
	v30 =	vld [tilespmem:s4+$0x400]  }
0x1fd: {  	v20 =	vmul.f32 v20, v9;
	v23 =	vmul.f32 v23, v16;
	v31 =	vld [tilespmem:s4+$0x420]  }
0x1fe: {  	v27 =	vmul.f32 v27, v12;
	v22 =	vadd.f32 v25, v22;
	v25 =	vmul.f32 v26, v11;
	v26 =	vld [tilespmem:s4+$0x440]  }
0x1ff: {  	v24 =	vmul.f32 v24, v10;
	v28 =	vmul.f32 v28, v6;
	v32 =	vld [tilespmem:s4+$0x460]  }
0x200: {  	v20 =	vadd.f32 v27, v20;
	v27 =	vmul.f32 v29, v3;
	v22 =	vadd.f32 v25, v22  }
0x201: {  	v19 =	vmul.f32 v19, v7;
	v24 =	vadd.f32 v24, v28;
	v25 =	vmul.f32 v30, v4  }
0x202: {  	v21 =	vadd.f32 v27, v21;
	v27 =	vmul.f32 v31, v2;
	v22 =	vadd.f32 v23, v22  }
0x203: {  	v20 =	vadd.f32 v25, v20;
	v19 =	vadd.f32 v19, v24;
	v23 =	vmul.f32 v26, v1  }
0x204: {  	v18 =	vmul.f32 v18, v8;
	v21 =	vadd.f32 v27, v21;
	v24 =	vmul.f32 v32, v5  }
0x205: {  	v20 =	vadd.f32 v23, v20  }
0x206: {  	v18 =	vadd.f32 v18, v19;
	v21 =	vadd.f32 v24, v21;
	_ =	sdelay $0x1  }
0x207: {  	v19 =	vadd.f32 v22, v20;
	v18 =	vadd.f32 v18, v21  }
0x208: {  	s4 =	sand.u32 $0x70, s28;
	s28 =	smov.u32 s0  }
0x209: {  	s6 =	sand.u32 $0x3800, s18;
	s9 =	sadd.s32 $0xFFFFFF80, s29;
	s4 =	sadd.s32 s4, s26;
	v18 =	vadd.f32 v18, v19  }
0x20a: {  	s22 =	sadd.s32 $0x5000, s6;
	s6 =	sand.u32 $0x1C00, s9;
	s26 =	sand.u32 $0x300, s9  }
0x20b: {  	s9 =	sor.u32 s26, s22;
	s26 =	sadd.s32 s6, s25;
	[tilespmem:v17+s4+$0x0 ss:$0x1] =	vst.idx.msk $0xffff, v18  }
0x20c: {  	v18 =	vld [tilespmem:s9+$0x20]  }
0x20d: {  	v19 =	vld [tilespmem:s9+$0x400]  }
0x20e: {  	v20 =	vld [tilespmem:s9+$0x450]  }
0x20f: {  	v21 =	vld [tilespmem:s9+$0x430]  }
0x210: {  	v22 =	vld [tilespmem:s9+$0x410]  }
0x211: {  	v23 =	vld [tilespmem:s9+$0x420]  }
0x212: {  	v24 =	vld [tilespmem:s9+$0x70]  }
0x213: {  	v25 =	vld [tilespmem:s9+$0x40]  }
0x214: {  	v26 =	vld [tilespmem:s9+$0x60]  }
0x215: {  	v27 =	vld [tilespmem:s9+$0x50]  }
0x216: {  	v28 =	vld [tilespmem:s9+$0x10];
	v23 =	vmul.f32 v23, v2  }
0x217: {  	v29 =	vld [tilespmem:s9+$0x30];
	v24 =	vmul.f32 v24, v10  }
0x218: {  	v30 =	vld [tilespmem:s9+$0x0];
	v25 =	vmul.f32 v25, v12  }
0x219: {  	v18 =	vmul.f32 v18, v14;
	v22 =	vmul.f32 v22, v11;
	v31 =	vld [tilespmem:s9+$0x470]  }
0x21a: {  	v26 =	vmul.f32 v26, v3;
	v27 =	vmul.f32 v27, v15;
	v32 =	vld [tilespmem:s9+$0x440]  }
0x21b: {  	v21 =	vmul.f32 v21, v7;
	v28 =	vmul.f32 v28, v13;
	v33 =	vld [tilespmem:s9+$0x460]  }
0x21c: {  	v20 =	vmul.f32 v20, v16;
	v18 =	vadd.f32 v26, v18;
	v29 =	vmul.f32 v29, v6  }
0x21d: {  	v19 =	vmul.f32 v19, v4;
	v26 =	vmul.f32 v30, v9;
	v27 =	vadd.f32 v27, v28  }
0x21e: {  	v18 =	vadd.f32 v23, v18;
	v24 =	vadd.f32 v24, v29;
	v23 =	vmul.f32 v31, v8  }
0x21f: {  	v25 =	vadd.f32 v25, v26;
	v22 =	vadd.f32 v22, v27;
	v26 =	vmul.f32 v32, v1  }
0x220: {  	v21 =	vadd.f32 v21, v24;
	v24 =	vmul.f32 v33, v5  }
0x221: {  	v19 =	vadd.f32 v19, v25  }
0x222: {  	v18 =	vadd.f32 v24, v18;
	v21 =	vadd.f32 v23, v21  }
0x223: {  	v20 =	vadd.f32 v20, v22;
	v19 =	vadd.f32 v26, v19  }
0x224: {  	v18 =	vadd.f32 v21, v18  }
0x225: {  	v19 =	vadd.f32 v20, v19  }
0x226: {  	s4 =	sadd.s32 $0xFFFFFFF0, s0  }
0x227: {  	s4 =	sand.u32 $0x60, s4;
	v18 =	vadd.f32 v18, v19  }
0x228: {  	s6 =	sand.u32 $0x380, s29;
	s4 =	sadd.s32 s4, s26  }
0x229: {  	[tilespmem:v17+s4+$0x0 ss:$0x1] =	vst.idx.msk $0xffff, v18;
	s4 =	sor.u32 s6, s22  }
.Ltmp3:
0x22a: {  	v20 =	vld [tilespmem:s4+$0x0];
	(pc) =	sbr.rel @p1 .LBB2_5-.Ltmp3, $4  }
0x22b: {  	v22 =	vld [tilespmem:s4+$0x10]  }
0x22c: {  	v21 =	vld [tilespmem:s4+$0x20]  }
0x22d: {  	v18 =	vld [tilespmem:s4+$0x470]  }
0x22e: {  	s18 =	sadd.s32 $0x200, s18;
	v19 =	vld [tilespmem:s4+$0x430]  }
0x22f: {  	v23 =	vld [tilespmem:s4+$0x450]  }
0x230: {  	v24 =	vld [tilespmem:s4+$0x70]  }
0x231: {  	v25 =	vld [tilespmem:s4+$0x50]  }
0x232: {  	v26 =	vld [tilespmem:s4+$0x410]  }
0x233: {  	v27 =	vld [tilespmem:s4+$0x40]  }
0x234: {  	v28 =	vld [tilespmem:s4+$0x30]  }
0x235: {  	v29 =	vld [tilespmem:s4+$0x60];
	v9 =	vmul.f32 v20, v9;
	v13 =	vmul.f32 v22, v13  }
0x236: {  	v57 =	vld [tilespmem:s4+$0x400];
	v14 =	vmul.f32 v21, v14;
	v62 =	vmul.f32 v18, v8  }
0x237: {  	v58 =	vld [tilespmem:s4+$0x420];
	v7 =	vmul.f32 v19, v7;
	v15 =	vmul.f32 v25, v15  }
0x238: {  	v59 =	vld [tilespmem:s4+$0x440];
	v16 =	vmul.f32 v23, v16;
	v12 =	vmul.f32 v27, v12  }
0x239: {  	v60 =	vld [tilespmem:s4+$0x460];
	v6 =	vmul.f32 v28, v6;
	v10 =	vmul.f32 v24, v10  }
0x23a: {  	v11 =	vmul.f32 v26, v11;
	v3 =	vmul.f32 v29, v3  }
0x23b: {  	v4 =	vmul.f32 v57, v4;
	v13 =	vadd.f32 v15, v13;
	v9 =	vadd.f32 v12, v9  }
0x23c: {  	v2 =	vmul.f32 v58, v2;
	v6 =	vadd.f32 v10, v6;
	v3 =	vadd.f32 v3, v14  }
0x23d: {  	v1 =	vmul.f32 v59, v1;
	v61 =	vadd.f32 v11, v13;
	v4 =	vadd.f32 v4, v9  }
0x23e: {  	v6 =	vadd.f32 v7, v6;
	v2 =	vadd.f32 v2, v3;
	v3 =	vmul.f32 v60, v5  }
0x23f: {  	v63 =	vadd.f32 v16, v61;
	v1 =	vadd.f32 v1, v4  }
0x240: {  	v2 =	vadd.f32 v3, v2;
	v3 =	vadd.f32 v62, v6;
	_ =	sdelay $0x1  }
.Ltmp4:
0x241: {  	v1 =	vadd.f32 v63, v1;
	v2 =	vadd.f32 v3, v2;
	(pc) =	sbr.rel @p0 .LBB2_8-.Ltmp4, $4  }
0x242: {  	_ = 	snop  }
0x243: {  	s0 =	sand.u32 $0x70, s28;
	v1 =	vadd.f32 v2, v1  }
0x244: {  	s0 =	sadd.s32 s0, s26  }
0x245: {  	[tilespmem:v17+s0+$0x0 ss:$0x1] =	vst.idx.msk $0xffff, v1  }
0x246: {  	s0 =	smul.u32 $0x7000, s24  }
.Ltmp5:
0x247: {  	_ = 	snop;
	(pc) =	sbr.rel .LBB2_2-.Ltmp5, $4  }
0x248: {  	s0 =	sadd.s32 s0, s8  }
0x249: {  	s0 =	sshrl.u32 s0, $0x3  }
0x24a: {  	s24 =	sadd.s32 $0x1, s24;
	s0 =	sadd.s32 s3, s0  }
0x24b: {  	[tilespmem:s19], [sflag:$0x2] =	stream.linear.gather [hbm4b:s0+s2], $0x3800, $0x38;
	[tilespmem:$0xE800] =	vst v63  }
.LBB2_8:
0x24c: {  	s24 =	simm.s32 $0x0;
	s0 =	rddreg [dreg:$0x5]  }
0x24d: {  	[hbm4b:s0+s24] =	stream.linear.scatter [tilespmem:s10], [sflag:$0x3], $0x6000, $0x38;
	[tilespmem:$0xE800] =	vst v63  }
0x24e: {  	_ =	swait.ge [sflag:s17], $0x6000  }
0x24f: {  	[sflag:s17] =	ssyncset.done $0x0  }
0x250: {  	s30 =	rddreg [dreg:$0x6];
	[sflag:s17] =	ssyncadd.s32 $0xFFFFA000  }
0x251: {  	[tilespmem:s24], [sflag:$0x3] =	stream.linear.gather [hbm4b:s30+s24], $0x1800, $0x38;
	[tilespmem:$0xE800] =	vst v63  }
0x252: {  	_ =	swait.ge [sflag:s17], $0x1800  }
0x253: {  	[sflag:s17] =	ssyncset.done $0x0  }
0x254: {  	s31 =	simm.s32 $0x1800;
	[sflag:s17] =	ssyncadd.s32 $0xFFFFE800  }
0x255: {  	[tilespmem:s31], [sflag:$0x1] =	stream.linear.gather [hbm4b:s11+s24], $0x3800, $0x38;
	[tilespmem:$0xE800] =	vst v63  }
0x256: {  	s25 =	simm.s32 $0x0  }
0x257: {  	[tilespmem:s19], [sflag:$0x2] =	stream.linear.gather [hbm4b:s12+s24], $0x3800, $0x38;
	[tilespmem:$0xE800] =	vst v63  }
.LBB2_9:
0x258: {  	s0 =	sshll.u32 s25, $0xB  }
0x259: {  	_ =	swait.ge [sflag:s20], $0x3800;
	s1 =	sshll.u32 s25, $0x8;
	s4 =	sshra.s32 s0, $0x2  }
0x25a: {  	[sflag:s20] =	ssyncset.done $0x0;
	s29 =	sand.u32 $0x300, s1;
	s28 =	sand.u32 $0xFFFFF800, s4  }
0x25b: {  	[sflag:s20] =	ssyncadd.s32 $0xFFFFC800;
	s1 =	sor.u32 s29, s28  }
0x25c: {  	v9 =	vld [tilespmem:s1+$0x0]  }
0x25d: {  	v13 =	vld [tilespmem:s1+$0x10]  }
0x25e: {  	v14 =	vld [tilespmem:s1+$0x20]  }
0x25f: {  	v7 =	vld [tilespmem:s1+$0x30]  }
0x260: {  	v12 =	vld [tilespmem:s1+$0x40]  }
0x261: {  	v15 =	vld [tilespmem:s1+$0x50]  }
0x262: {  	v4 =	vld [tilespmem:s1+$0x60]  }
0x263: {  	v10 =	vld [tilespmem:s1+$0x70]  }
0x264: {  	v5 =	vld [tilespmem:s1+$0x400]  }
0x265: {  	v11 =	vld [tilespmem:s1+$0x410]  }
0x266: {  	v2 =	vld [tilespmem:s1+$0x420]  }
0x267: {  	v8 =	vld [tilespmem:s1+$0x430]  }
0x268: {  	v1 =	vld [tilespmem:s1+$0x440]  }
0x269: {  	s22 =	sand.u32 $0x3800, s24;
	s6 =	simm.s32 $0x0;
	v16 =	vld [tilespmem:s1+$0x450]  }
0x26a: {  	s9 =	sand.u32 $0x300, s6;
	s4 =	sadd.s32 $0x1800, s22;
	v3 =	vld [tilespmem:s1+$0x460]  }
0x26b: {  	s26 =	sor.u32 s9, s4;
	v6 =	vld [tilespmem:s1+$0x470]  }
0x26c: {  	v17 =	vld [tilespmem:s26+$0x20]  }
0x26d: {  	v18 =	vld [tilespmem:s26+$0x400]  }
0x26e: {  	v19 =	vld [tilespmem:s26+$0x430]  }
0x26f: {  	v20 =	vld [tilespmem:s26+$0x410]  }
0x270: {  	v21 =	vld [tilespmem:s26+$0x420]  }
0x271: {  	v22 =	vld [tilespmem:s26+$0x70]  }
0x272: {  	v23 =	vld [tilespmem:s26+$0x40]  }
0x273: {  	v24 =	vld [tilespmem:s26+$0x60]  }
0x274: {  	v25 =	vld [tilespmem:s26+$0x50]  }
0x275: {  	v26 =	vld [tilespmem:s26+$0x10]  }
0x276: {  	v27 =	vld [tilespmem:s26+$0x30]  }
0x277: {  	v28 =	vld [tilespmem:s26+$0x0];
	v21 =	vmul.f32 v21, v2  }
0x278: {  	v29 =	vld [tilespmem:s26+$0x450];
	v22 =	vmul.f32 v22, v10;
	v23 =	vmul.f32 v23, v12  }
0x279: {  	v30 =	vld [tilespmem:s26+$0x470];
	v17 =	vmul.f32 v17, v14;
	v20 =	vmul.f32 v20, v11  }
0x27a: {  	v31 =	vld [tilespmem:s26+$0x460];
	v25 =	vmul.f32 v25, v15;
	v24 =	vmul.f32 v24, v4  }
0x27b: {  	v32 =	vld [tilespmem:s26+$0x440];
	v26 =	vmul.f32 v26, v13;
	v27 =	vmul.f32 v27, v7  }
0x27c: {  	v19 =	vmul.f32 v19, v8;
	v61 =	vmul.f32 v28, v9;
	v17 =	vadd.f32 v24, v17  }
0x27d: {  	v62 =	vmul.f32 v29, v16;
	v25 =	vadd.f32 v25, v26;
	v22 =	vadd.f32 v22, v27  }
0x27e: {  	v18 =	vmul.f32 v18, v5;
	v17 =	vadd.f32 v21, v17;
	v21 =	vadd.f32 v23, v61  }
0x27f: {  	v23 =	vmul.f32 v30, v6;
	v19 =	vadd.f32 v19, v22;
	v22 =	vmul.f32 v31, v3  }
0x280: {  	v63 =	vmul.f32 v32, v1;
	v20 =	vadd.f32 v20, v25;
	v18 =	vadd.f32 v18, v21  }
0x281: {  	v21 =	vadd.f32 v22, v17;
	v19 =	vadd.f32 v23, v19  }
0x282: {  	v20 =	vadd.f32 v62, v20;
	v18 =	vadd.f32 v63, v18  }
0x283: {  	v17 =	vmov s29  }
0x284: {  	s0 =	sand.u32 $0x3FFFE000, s0;
	v19 =	vadd.f32 v19, v21;
	v18 =	vadd.f32 v20, v18  }
0x285: {  	s10 =	simm.s32 $0x0;
	s9 =	sand.u32 $0x1C00, s6;
	s26 =	sadd.s32 $0x8800, s0  }
0x286: {  	s18 =	sand.u32 $0x60, s10;
	s0 =	simm.s32 $0x80;
	s30 =	sadd.s32 s9, s26;
	v18 =	vadd.f32 v19, v18  }
0x287: {  	s22 =	sand.u32 $0x380, s0;
	s1 =	sadd.s32 s18, s30  }
0x288: {  	s4 =	sor.u32 s22, s4;
	[tilespmem:v17+s1+$0x0 ss:$0x1] =	vst.idx.msk $0xffff, v18  }
0x289: {  	v20 =	vld [tilespmem:s4+$0x0]  }
0x28a: {  	v22 =	vld [tilespmem:s4+$0x10]  }
0x28b: {  	v21 =	vld [tilespmem:s4+$0x20]  }
0x28c: {  	s31 =	simm.s32 $0x10;
	v18 =	vld [tilespmem:s4+$0x470]  }
0x28d: {  	s18 =	simm.s32 $0x0;
	s22 =	simm.s32 $0x200;
	s1 =	simm.s32 $0x10;
	v19 =	vld [tilespmem:s4+$0x430]  }
.LBB2_10:
0x28e: {  	s18 =	sadd.s32 $0x2, s18;
	v23 =	vld [tilespmem:s4+$0x450];
	s1 =	sadd.s32 $0x20, s1;
	s0 =	sadd.s32 $0x100, s0  }
0x28f: {  	p0 =	slt.u32 s18, $0x30;
	v22 =	vmul.f32 v22, v13;
	v24 =	vld [tilespmem:s4+$0x70]  }
0x290: {  	v21 =	vmul.f32 v21, v14;
	v25 =	vld [tilespmem:s4+$0x50]  }
0x291: {  	v26 =	vld [tilespmem:s4+$0x410]  }
0x292: {  	v27 =	vld [tilespmem:s4+$0x40]  }
0x293: {  	v28 =	vld [tilespmem:s4+$0x30]  }
0x294: {  	v29 =	vld [tilespmem:s4+$0x60]  }
0x295: {  	v25 =	vmul.f32 v25, v15;
	v30 =	vld [tilespmem:s4+$0x400]  }
0x296: {  	v20 =	vmul.f32 v20, v9;
	v23 =	vmul.f32 v23, v16;
	v31 =	vld [tilespmem:s4+$0x420]  }
0x297: {  	v27 =	vmul.f32 v27, v12;
	v22 =	vadd.f32 v25, v22;
	v25 =	vmul.f32 v26, v11;
	v26 =	vld [tilespmem:s4+$0x440]  }
0x298: {  	v24 =	vmul.f32 v24, v10;
	v28 =	vmul.f32 v28, v7;
	v32 =	vld [tilespmem:s4+$0x460]  }
0x299: {  	v20 =	vadd.f32 v27, v20;
	v27 =	vmul.f32 v29, v4;
	v22 =	vadd.f32 v25, v22  }
0x29a: {  	v19 =	vmul.f32 v19, v8;
	v24 =	vadd.f32 v24, v28;
	v25 =	vmul.f32 v30, v5  }
0x29b: {  	v21 =	vadd.f32 v27, v21;
	v27 =	vmul.f32 v31, v2;
	v22 =	vadd.f32 v23, v22  }
0x29c: {  	v20 =	vadd.f32 v25, v20;
	v19 =	vadd.f32 v19, v24;
	v23 =	vmul.f32 v26, v1  }
0x29d: {  	v18 =	vmul.f32 v18, v6;
	v21 =	vadd.f32 v27, v21;
	v24 =	vmul.f32 v32, v3  }
0x29e: {  	v20 =	vadd.f32 v23, v20  }
0x29f: {  	v18 =	vadd.f32 v18, v19;
	v21 =	vadd.f32 v24, v21;
	_ =	sdelay $0x1  }
0x2a0: {  	v19 =	vadd.f32 v22, v20;
	v18 =	vadd.f32 v18, v21  }
0x2a1: {  	s4 =	sand.u32 $0x70, s31;
	s31 =	smov.u32 s1  }
0x2a2: {  	s6 =	sand.u32 $0x3800, s22;
	s9 =	sadd.s32 $0xFFFFFF80, s0;
	s10 =	sadd.s32 s4, s30;
	v18 =	vadd.f32 v18, v19  }
0x2a3: {  	s30 =	sand.u32 $0x300, s9;
	s4 =	sadd.s32 $0x1800, s6;
	s6 =	sand.u32 $0x1C00, s9  }
0x2a4: {  	s9 =	sor.u32 s30, s4;
	s30 =	sadd.s32 s6, s26;
	[tilespmem:v17+s10+$0x0 ss:$0x1] =	vst.idx.msk $0xffff, v18  }
0x2a5: {  	v18 =	vld [tilespmem:s9+$0x20]  }
0x2a6: {  	v19 =	vld [tilespmem:s9+$0x400]  }
0x2a7: {  	v20 =	vld [tilespmem:s9+$0x450]  }
0x2a8: {  	v21 =	vld [tilespmem:s9+$0x430]  }
0x2a9: {  	v22 =	vld [tilespmem:s9+$0x410]  }
0x2aa: {  	v23 =	vld [tilespmem:s9+$0x420]  }
0x2ab: {  	v24 =	vld [tilespmem:s9+$0x70]  }
0x2ac: {  	v25 =	vld [tilespmem:s9+$0x40]  }
0x2ad: {  	v26 =	vld [tilespmem:s9+$0x60]  }
0x2ae: {  	v27 =	vld [tilespmem:s9+$0x50]  }
0x2af: {  	v28 =	vld [tilespmem:s9+$0x10];
	v23 =	vmul.f32 v23, v2  }
0x2b0: {  	v29 =	vld [tilespmem:s9+$0x30];
	v24 =	vmul.f32 v24, v10  }
0x2b1: {  	v30 =	vld [tilespmem:s9+$0x0];
	v25 =	vmul.f32 v25, v12  }
0x2b2: {  	v18 =	vmul.f32 v18, v14;
	v22 =	vmul.f32 v22, v11;
	v31 =	vld [tilespmem:s9+$0x470]  }
0x2b3: {  	v26 =	vmul.f32 v26, v4;
	v27 =	vmul.f32 v27, v15;
	v32 =	vld [tilespmem:s9+$0x440]  }
0x2b4: {  	v21 =	vmul.f32 v21, v8;
	v28 =	vmul.f32 v28, v13;
	v33 =	vld [tilespmem:s9+$0x460]  }
0x2b5: {  	v20 =	vmul.f32 v20, v16;
	v18 =	vadd.f32 v26, v18;
	v29 =	vmul.f32 v29, v7  }
0x2b6: {  	v19 =	vmul.f32 v19, v5;
	v26 =	vmul.f32 v30, v9;
	v27 =	vadd.f32 v27, v28  }
0x2b7: {  	v18 =	vadd.f32 v23, v18;
	v24 =	vadd.f32 v24, v29;
	v23 =	vmul.f32 v31, v6  }
0x2b8: {  	v25 =	vadd.f32 v25, v26;
	v22 =	vadd.f32 v22, v27;
	v26 =	vmul.f32 v32, v1  }
0x2b9: {  	v21 =	vadd.f32 v21, v24;
	v24 =	vmul.f32 v33, v3  }
0x2ba: {  	v19 =	vadd.f32 v19, v25  }
0x2bb: {  	v18 =	vadd.f32 v24, v18;
	v21 =	vadd.f32 v23, v21  }
0x2bc: {  	v20 =	vadd.f32 v20, v22;
	v19 =	vadd.f32 v26, v19  }
0x2bd: {  	v18 =	vadd.f32 v21, v18  }
0x2be: {  	v19 =	vadd.f32 v20, v19  }
0x2bf: {  	s6 =	sadd.s32 $0xFFFFFFF0, s1  }
0x2c0: {  	s6 =	sand.u32 $0x60, s6;
	v18 =	vadd.f32 v18, v19  }
0x2c1: {  	s6 =	sadd.s32 s6, s30;
	s9 =	sand.u32 $0x380, s0  }
0x2c2: {  	s4 =	sor.u32 s9, s4;
	[tilespmem:v17+s6+$0x0 ss:$0x1] =	vst.idx.msk $0xffff, v18  }
.Ltmp6:
0x2c3: {  	v20 =	vld [tilespmem:s4+$0x0];
	(pc) =	sbr.rel @p0 .LBB2_10-.Ltmp6, $4  }
0x2c4: {  	v22 =	vld [tilespmem:s4+$0x10]  }
0x2c5: {  	v21 =	vld [tilespmem:s4+$0x20]  }
0x2c6: {  	v18 =	vld [tilespmem:s4+$0x470]  }
0x2c7: {  	s22 =	sadd.s32 $0x200, s22;
	v19 =	vld [tilespmem:s4+$0x430]  }
0x2c8: {  	v23 =	vld [tilespmem:s4+$0x450]  }
0x2c9: {  	v24 =	vld [tilespmem:s4+$0x70]  }
0x2ca: {  	v25 =	vld [tilespmem:s4+$0x50]  }
0x2cb: {  	v26 =	vld [tilespmem:s4+$0x410]  }
0x2cc: {  	v27 =	vld [tilespmem:s4+$0x40]  }
0x2cd: {  	v28 =	vld [tilespmem:s4+$0x30]  }
0x2ce: {  	v29 =	vld [tilespmem:s4+$0x60];
	v9 =	vmul.f32 v20, v9  }
0x2cf: {  	v13 =	vmul.f32 v22, v13;
	v14 =	vmul.f32 v21, v14;
	v21 =	vld [tilespmem:s4+$0x400]  }
0x2d0: {  	v20 =	vld [tilespmem:s4+$0x420];
	v8 =	vmul.f32 v19, v8;
	v15 =	vmul.f32 v25, v15  }
0x2d1: {  	v22 =	vld [tilespmem:s4+$0x440];
	v16 =	vmul.f32 v23, v16;
	v12 =	vmul.f32 v27, v12  }
0x2d2: {  	v7 =	vmul.f32 v28, v7;
	v10 =	vmul.f32 v24, v10;
	v13 =	vadd.f32 v15, v13;
	v15 =	vld [tilespmem:s4+$0x460]  }
0x2d3: {  	v11 =	vmul.f32 v26, v11;
	v4 =	vmul.f32 v29, v4  }
0x2d4: {  	v9 =	vadd.f32 v12, v9;
	v7 =	vadd.f32 v10, v7;
	v5 =	vmul.f32 v21, v5  }
0x2d5: {  	v2 =	vmul.f32 v20, v2;
	v4 =	vadd.f32 v4, v14;
	v10 =	vadd.f32 v11, v13  }
0x2d6: {  	v1 =	vmul.f32 v22, v1;
	v5 =	vadd.f32 v5, v9;
	v7 =	vadd.f32 v8, v7  }
0x2d7: {  	v2 =	vadd.f32 v2, v4;
	v4 =	vmul.f32 v18, v6;
	v3 =	vmul.f32 v15, v3  }
0x2d8: {  	v6 =	vadd.f32 v16, v10;
	v1 =	vadd.f32 v1, v5  }
0x2d9: {  	v2 =	vadd.f32 v3, v2;
	v3 =	vadd.f32 v4, v7  }
0x2da: {  	p0 =	seq.s32 s25, $0x9  }
0x2db: {  	s0 =	smul.u32 @!p0 $0x7000, s25;
	v1 =	vadd.f32 v6, v1;
	v2 =	vadd.f32 v3, v2;
	_ =	sdelay $0x1  }
0x2dc: {  	s1 =	sand.u32 $0x70, s31;
	s0 =	sadd.s32 @!p0 s0, s13;
	v1 =	vadd.f32 v2, v1  }
0x2dd: {  	s1 =	sadd.s32 s1, s30;
	s0 =	sshrl.u32 @!p0 s0, $0x3  }
0x2de: {  	s0 =	sadd.s32 @!p0 s3, s0;
	s4 =	simm.s32 @!p0 $0x1800;
	[tilespmem:v17+s1+$0x0 ss:$0x1] =	vst.idx.msk $0xffff, v1;
	s1 =	simm.s32 @!p0 $0x0  }
0x2df: {  	[tilespmem:s4], [sflag:$0x1] =	stream.linear.gather @!p0 [hbm4b:s0+s1], $0x3800, $0x38;
	[tilespmem:$0xE800] =	vst v63  }
0x2e0: {  	_ =	swait.ge [sflag:s21], $0x3800  }
0x2e1: {  	s30 =	sor.u32 $0x80, s29;
	[sflag:s21] =	ssyncset.done $0x0  }
0x2e2: {  	s31 =	sadd.s32 s30, s28;
	[sflag:s21] =	ssyncadd.s32 $0xFFFFC800  }
0x2e3: {  	v9 =	vld [tilespmem:s31+$0x0]  }
0x2e4: {  	v13 =	vld [tilespmem:s31+$0x10]  }
0x2e5: {  	v14 =	vld [tilespmem:s31+$0x20]  }
0x2e6: {  	v6 =	vld [tilespmem:s31+$0x30]  }
0x2e7: {  	v12 =	vld [tilespmem:s31+$0x40]  }
0x2e8: {  	v15 =	vld [tilespmem:s31+$0x50]  }
0x2e9: {  	v3 =	vld [tilespmem:s31+$0x60]  }
0x2ea: {  	v10 =	vld [tilespmem:s31+$0x70]  }
0x2eb: {  	v4 =	vld [tilespmem:s31+$0x400]  }
0x2ec: {  	v11 =	vld [tilespmem:s31+$0x410]  }
0x2ed: {  	v2 =	vld [tilespmem:s31+$0x420]  }
0x2ee: {  	v7 =	vld [tilespmem:s31+$0x430]  }
0x2ef: {  	s9 =	simm.s32 $0x0;
	v1 =	vld [tilespmem:s31+$0x440]  }
0x2f0: {  	s6 =	simm.s32 $0x0;
	s4 =	sand.u32 $0x3800, s9;
	v16 =	vld [tilespmem:s31+$0x450]  }
0x2f1: {  	s9 =	sand.u32 $0x300, s6;
	s4 =	sadd.s32 $0x5000, s4;
	v5 =	vld [tilespmem:s31+$0x460]  }
0x2f2: {  	s10 =	sor.u32 s9, s4;
	v8 =	vld [tilespmem:s31+$0x470]  }
0x2f3: {  	v17 =	vld [tilespmem:s10+$0x20]  }
0x2f4: {  	v18 =	vld [tilespmem:s10+$0x400]  }
0x2f5: {  	v19 =	vld [tilespmem:s10+$0x430]  }
0x2f6: {  	v20 =	vld [tilespmem:s10+$0x410]  }
0x2f7: {  	v21 =	vld [tilespmem:s10+$0x420]  }
0x2f8: {  	v22 =	vld [tilespmem:s10+$0x70]  }
0x2f9: {  	v23 =	vld [tilespmem:s10+$0x40]  }
0x2fa: {  	v55 =	vld [tilespmem:s10+$0x60]  }
0x2fb: {  	v56 =	vld [tilespmem:s10+$0x50]  }
0x2fc: {  	v57 =	vld [tilespmem:s10+$0x10]  }
0x2fd: {  	v58 =	vld [tilespmem:s10+$0x30]  }
0x2fe: {  	v59 =	vld [tilespmem:s10+$0x0];
	v21 =	vmul.f32 v21, v2  }
0x2ff: {  	v60 =	vld [tilespmem:s10+$0x450];
	v22 =	vmul.f32 v22, v10;
	v23 =	vmul.f32 v23, v12  }
0x300: {  	v30 =	vld [tilespmem:s10+$0x470];
	v17 =	vmul.f32 v17, v14;
	v20 =	vmul.f32 v20, v11  }
0x301: {  	v31 =	vld [tilespmem:s10+$0x460];
	v25 =	vmul.f32 v56, v15;
	v24 =	vmul.f32 v55, v3  }
0x302: {  	v32 =	vld [tilespmem:s10+$0x440];
	v26 =	vmul.f32 v57, v13;
	v27 =	vmul.f32 v58, v6  }
0x303: {  	v19 =	vmul.f32 v19, v7;
	v61 =	vmul.f32 v59, v9;
	v17 =	vadd.f32 v24, v17  }
0x304: {  	v62 =	vmul.f32 v60, v16;
	v25 =	vadd.f32 v25, v26;
	v22 =	vadd.f32 v22, v27  }
0x305: {  	v18 =	vmul.f32 v18, v4;
	v17 =	vadd.f32 v21, v17;
	v21 =	vadd.f32 v23, v61  }
0x306: {  	v23 =	vmul.f32 v30, v8;
	v19 =	vadd.f32 v19, v22;
	v22 =	vmul.f32 v31, v5  }
0x307: {  	v63 =	vmul.f32 v32, v1;
	v20 =	vadd.f32 v20, v25;
	v18 =	vadd.f32 v18, v21  }
0x308: {  	v21 =	vadd.f32 v22, v17;
	v19 =	vadd.f32 v23, v19  }
0x309: {  	v20 =	vadd.f32 v62, v20;
	v18 =	vadd.f32 v63, v18  }
0x30a: {  	v17 =	vmov s30  }
0x30b: {  	v19 =	vadd.f32 v19, v21;
	v18 =	vadd.f32 v20, v18  }
0x30c: {  	s22 =	simm.s32 $0x0;
	s18 =	sand.u32 $0x1C00, s6  }
0x30d: {  	s28 =	sadd.s32 s18, s26;
	s0 =	simm.s32 $0x80;
	s30 =	sand.u32 $0x60, s22;
	v18 =	vadd.f32 v19, v18  }
0x30e: {  	s31 =	sand.u32 $0x380, s0;
	s1 =	sadd.s32 s30, s28  }
0x30f: {  	s4 =	sor.u32 s31, s4;
	[tilespmem:v17+s1+$0x0 ss:$0x1] =	vst.idx.msk $0xffff, v18  }
0x310: {  	v20 =	vld [tilespmem:s4+$0x0]  }
0x311: {  	v22 =	vld [tilespmem:s4+$0x10]  }
0x312: {  	v21 =	vld [tilespmem:s4+$0x20]  }
0x313: {  	s29 =	simm.s32 $0x10;
	v18 =	vld [tilespmem:s4+$0x470]  }
0x314: {  	s18 =	simm.s32 $0x0;
	s22 =	simm.s32 $0x200;
	s1 =	simm.s32 $0x10;
	v19 =	vld [tilespmem:s4+$0x430]  }
.LBB2_12:
0x315: {  	s18 =	sadd.s32 $0x2, s18;
	v23 =	vld [tilespmem:s4+$0x450];
	s1 =	sadd.s32 $0x20, s1;
	s0 =	sadd.s32 $0x100, s0  }
0x316: {  	p1 =	slt.u32 s18, $0x30;
	v22 =	vmul.f32 v22, v13;
	v24 =	vld [tilespmem:s4+$0x70]  }
0x317: {  	v21 =	vmul.f32 v21, v14;
	v25 =	vld [tilespmem:s4+$0x50]  }
0x318: {  	v26 =	vld [tilespmem:s4+$0x410]  }
0x319: {  	v27 =	vld [tilespmem:s4+$0x40]  }
0x31a: {  	v28 =	vld [tilespmem:s4+$0x30]  }
0x31b: {  	v29 =	vld [tilespmem:s4+$0x60]  }
0x31c: {  	v25 =	vmul.f32 v25, v15;
	v30 =	vld [tilespmem:s4+$0x400]  }
0x31d: {  	v20 =	vmul.f32 v20, v9;
	v23 =	vmul.f32 v23, v16;
	v31 =	vld [tilespmem:s4+$0x420]  }
0x31e: {  	v27 =	vmul.f32 v27, v12;
	v22 =	vadd.f32 v25, v22;
	v25 =	vmul.f32 v26, v11;
	v26 =	vld [tilespmem:s4+$0x440]  }
0x31f: {  	v24 =	vmul.f32 v24, v10;
	v28 =	vmul.f32 v28, v6;
	v32 =	vld [tilespmem:s4+$0x460]  }
0x320: {  	v20 =	vadd.f32 v27, v20;
	v27 =	vmul.f32 v29, v3;
	v22 =	vadd.f32 v25, v22  }
0x321: {  	v19 =	vmul.f32 v19, v7;
	v24 =	vadd.f32 v24, v28;
	v25 =	vmul.f32 v30, v4  }
0x322: {  	v21 =	vadd.f32 v27, v21;
	v27 =	vmul.f32 v31, v2;
	v22 =	vadd.f32 v23, v22  }
0x323: {  	v20 =	vadd.f32 v25, v20;
	v19 =	vadd.f32 v19, v24;
	v23 =	vmul.f32 v26, v1  }
0x324: {  	v18 =	vmul.f32 v18, v8;
	v21 =	vadd.f32 v27, v21;
	v24 =	vmul.f32 v32, v5  }
0x325: {  	v20 =	vadd.f32 v23, v20  }
0x326: {  	v18 =	vadd.f32 v18, v19;
	v21 =	vadd.f32 v24, v21;
	_ =	sdelay $0x1  }
0x327: {  	v19 =	vadd.f32 v22, v20;
	v18 =	vadd.f32 v18, v21  }
0x328: {  	s4 =	sand.u32 $0x70, s29;
	s29 =	smov.u32 s1  }
0x329: {  	s6 =	sand.u32 $0x3800, s22;
	s9 =	sadd.s32 $0xFFFFFF80, s0;
	s10 =	sadd.s32 s4, s28;
	v18 =	vadd.f32 v18, v19  }
0x32a: {  	s28 =	sand.u32 $0x300, s9;
	s4 =	sadd.s32 $0x5000, s6;
	s6 =	sand.u32 $0x1C00, s9  }
0x32b: {  	s9 =	sor.u32 s28, s4;
	s28 =	sadd.s32 s6, s26;
	[tilespmem:v17+s10+$0x0 ss:$0x1] =	vst.idx.msk $0xffff, v18  }
0x32c: {  	v18 =	vld [tilespmem:s9+$0x20]  }
0x32d: {  	v19 =	vld [tilespmem:s9+$0x400]  }
0x32e: {  	v20 =	vld [tilespmem:s9+$0x450]  }
0x32f: {  	v21 =	vld [tilespmem:s9+$0x430]  }
0x330: {  	v22 =	vld [tilespmem:s9+$0x410]  }
0x331: {  	v23 =	vld [tilespmem:s9+$0x420]  }
0x332: {  	v24 =	vld [tilespmem:s9+$0x70]  }
0x333: {  	v25 =	vld [tilespmem:s9+$0x40]  }
0x334: {  	v26 =	vld [tilespmem:s9+$0x60]  }
0x335: {  	v27 =	vld [tilespmem:s9+$0x50]  }
0x336: {  	v28 =	vld [tilespmem:s9+$0x10];
	v23 =	vmul.f32 v23, v2  }
0x337: {  	v29 =	vld [tilespmem:s9+$0x30];
	v24 =	vmul.f32 v24, v10  }
0x338: {  	v30 =	vld [tilespmem:s9+$0x0];
	v25 =	vmul.f32 v25, v12  }
0x339: {  	v18 =	vmul.f32 v18, v14;
	v22 =	vmul.f32 v22, v11;
	v31 =	vld [tilespmem:s9+$0x470]  }
0x33a: {  	v26 =	vmul.f32 v26, v3;
	v27 =	vmul.f32 v27, v15;
	v32 =	vld [tilespmem:s9+$0x440]  }
0x33b: {  	v21 =	vmul.f32 v21, v7;
	v28 =	vmul.f32 v28, v13;
	v33 =	vld [tilespmem:s9+$0x460]  }
0x33c: {  	v20 =	vmul.f32 v20, v16;
	v18 =	vadd.f32 v26, v18;
	v29 =	vmul.f32 v29, v6  }
0x33d: {  	v19 =	vmul.f32 v19, v4;
	v26 =	vmul.f32 v30, v9;
	v27 =	vadd.f32 v27, v28  }
0x33e: {  	v18 =	vadd.f32 v23, v18;
	v24 =	vadd.f32 v24, v29;
	v23 =	vmul.f32 v31, v8  }
0x33f: {  	v25 =	vadd.f32 v25, v26;
	v22 =	vadd.f32 v22, v27;
	v26 =	vmul.f32 v32, v1  }
0x340: {  	v21 =	vadd.f32 v21, v24;
	v24 =	vmul.f32 v33, v5  }
0x341: {  	v19 =	vadd.f32 v19, v25  }
0x342: {  	v18 =	vadd.f32 v24, v18;
	v21 =	vadd.f32 v23, v21  }
0x343: {  	v20 =	vadd.f32 v20, v22;
	v19 =	vadd.f32 v26, v19  }
0x344: {  	v18 =	vadd.f32 v21, v18  }
0x345: {  	v19 =	vadd.f32 v20, v19  }
0x346: {  	s6 =	sadd.s32 $0xFFFFFFF0, s1  }
0x347: {  	s6 =	sand.u32 $0x60, s6;
	v18 =	vadd.f32 v18, v19  }
0x348: {  	s6 =	sadd.s32 s6, s28;
	s9 =	sand.u32 $0x380, s0  }
0x349: {  	s4 =	sor.u32 s9, s4;
	[tilespmem:v17+s6+$0x0 ss:$0x1] =	vst.idx.msk $0xffff, v18  }
.Ltmp7:
0x34a: {  	v20 =	vld [tilespmem:s4+$0x0];
	(pc) =	sbr.rel @p1 .LBB2_12-.Ltmp7, $4  }
0x34b: {  	v22 =	vld [tilespmem:s4+$0x10]  }
0x34c: {  	v21 =	vld [tilespmem:s4+$0x20]  }
0x34d: {  	v18 =	vld [tilespmem:s4+$0x470]  }
0x34e: {  	s22 =	sadd.s32 $0x200, s22;
	v19 =	vld [tilespmem:s4+$0x430]  }
0x34f: {  	v23 =	vld [tilespmem:s4+$0x450]  }
0x350: {  	v24 =	vld [tilespmem:s4+$0x70]  }
0x351: {  	v25 =	vld [tilespmem:s4+$0x50]  }
0x352: {  	v26 =	vld [tilespmem:s4+$0x410]  }
0x353: {  	v27 =	vld [tilespmem:s4+$0x40]  }
0x354: {  	v28 =	vld [tilespmem:s4+$0x30]  }
0x355: {  	v29 =	vld [tilespmem:s4+$0x60];
	v9 =	vmul.f32 v20, v9;
	v13 =	vmul.f32 v22, v13  }
0x356: {  	v57 =	vld [tilespmem:s4+$0x400];
	v14 =	vmul.f32 v21, v14;
	v62 =	vmul.f32 v18, v8  }
0x357: {  	v58 =	vld [tilespmem:s4+$0x420];
	v7 =	vmul.f32 v19, v7;
	v15 =	vmul.f32 v25, v15  }
0x358: {  	v59 =	vld [tilespmem:s4+$0x440];
	v16 =	vmul.f32 v23, v16;
	v12 =	vmul.f32 v27, v12  }
0x359: {  	v60 =	vld [tilespmem:s4+$0x460];
	v6 =	vmul.f32 v28, v6;
	v10 =	vmul.f32 v24, v10  }
0x35a: {  	v11 =	vmul.f32 v26, v11;
	v3 =	vmul.f32 v29, v3  }
0x35b: {  	v4 =	vmul.f32 v57, v4;
	v13 =	vadd.f32 v15, v13;
	v9 =	vadd.f32 v12, v9  }
0x35c: {  	v2 =	vmul.f32 v58, v2;
	v6 =	vadd.f32 v10, v6;
	v3 =	vadd.f32 v3, v14  }
0x35d: {  	v1 =	vmul.f32 v59, v1;
	v61 =	vadd.f32 v11, v13;
	v4 =	vadd.f32 v4, v9  }
0x35e: {  	v6 =	vadd.f32 v7, v6;
	v2 =	vadd.f32 v2, v3;
	v3 =	vmul.f32 v60, v5  }
0x35f: {  	v63 =	vadd.f32 v16, v61;
	v1 =	vadd.f32 v1, v4  }
0x360: {  	v2 =	vadd.f32 v3, v2;
	v3 =	vadd.f32 v62, v6;
	_ =	sdelay $0x1  }
.Ltmp8:
0x361: {  	v1 =	vadd.f32 v63, v1;
	v2 =	vadd.f32 v3, v2;
	(pc) =	sbr.rel @p0 .LBB2_15-.Ltmp8, $4  }
0x362: {  	_ = 	snop  }
0x363: {  	s0 =	sand.u32 $0x70, s29;
	v1 =	vadd.f32 v2, v1  }
0x364: {  	s0 =	sadd.s32 s0, s28  }
0x365: {  	[tilespmem:v17+s0+$0x0 ss:$0x1] =	vst.idx.msk $0xffff, v1  }
0x366: {  	s0 =	smul.u32 $0x7000, s25  }
.Ltmp9:
0x367: {  	_ = 	snop;
	(pc) =	sbr.rel .LBB2_9-.Ltmp9, $4  }
0x368: {  	s0 =	sadd.s32 s0, s14  }
0x369: {  	s0 =	sshrl.u32 s0, $0x3  }
0x36a: {  	s25 =	sadd.s32 $0x1, s25;
	s0 =	sadd.s32 s3, s0  }
0x36b: {  	[tilespmem:s19], [sflag:$0x2] =	stream.linear.gather [hbm4b:s0+s2], $0x3800, $0x38;
	[tilespmem:$0xE800] =	vst v63  }
.LBB2_16:
0x36c: {  	_ =	sfence.sel $0x180000  }
0x36d: {  	[bflag:$0x0] =	sbarrier.arrive $0xFFFF  }
0x36e: {  	_ =	strace $0x90000047  }
0x36f: {  	s0 =	stileid.u32;
	[bflag:$0x2] =	sbarrier.arrive $0xFFFF  }
0x370: {  	p0 =	sne.s32 s0, $0x0;
	s0 =	rddreg [dreg:$0x2]  }
0x371: {  	s0 =	sadd.s32 @!p0 $0x100000, s0  }
0x372: {  	[sflag:s0] =	ssyncadd.tile.s32 @!p0 $0x1;
	_ =	shalt  }
.Lfunc_end2:
_tile_overlayer_lowered:
.L_overlay_start_2:
0x373: {  	(tag) =	ssettag $0x2  }
0x374: {  	s0 =	rddreg [dreg:$0x0];
	s2 =	stileid.u32  }
0x375: {  	s1 =	rddreg [dreg:$0x1];
	p0 =	sne.s32 s2, $0x0  }
0x376: {  	s3 =	rddreg [dreg:$0x2];
	[bflag:$0x3] =	sbarrier.arrive $0xFFFF;
	s2 =	simm.s32 @!p0 $0x1C03  }
0x377: {  	[timem:s3], [sflag:s2] =	dma.local @!p0 [hbm:s0], s1  }
0x378: {  	s0 =	simm.s32 @!p0 $0x3  }
0x379: {  	_ =	swait.ge @!p0 [sflag:s0], s1  }
0x37a: {  	s1 =	ssub.s32 @!p0 $0x0, s1;
	[sflag:s0] =	ssyncset.done @!p0 $0x0  }
0x37b: {  	[sflag:s0] =	ssyncadd.s32 @!p0 s1  }
0x37c: {  	[bflag:$0x3] =	sbarrier.arrive $0xFFFF  }
0x37d: {  	_ =	shalt  }

</sc_bundles>
